<compile_context>
chip_gen: v7x
topology: tpu7x:2x2x1
jax: 0.10.2.dev20260603
libtpu: 0.0.44.dev20260713+nightly
codegen_flags: <defaults>
</compile_context>

<pallas_src>
import functools

import jax
import jax.numpy as jnp
from jax import lax
from jax.experimental import pallas as pl
from jax.experimental.pallas import tpu as pltpu
from jax.experimental.pallas import tpu_sc as plsc

N = 10000
D = 128
E = 320000

NC = 2
NS = 16
NW = NC * NS

QH = 80
NP = QH * 128
CH = 128
NCH = 80
BI = 16
EPW = NCH * CH
TOTCH = NW * NCH
NCHW = TOTCH // NS
NBLKW = NCHW // BI
EP = EPW * NW
RPT = NP // NS
COLS = D // 2

_f32 = jnp.float32
_i32 = jnp.int32

_MESH = plsc.VectorSubcoreMesh(
    core_axis_name="c", subcore_axis_name="s", num_cores=NC, num_subcores=NS)


def _h_body(dst_hbm, deg_hbm, hist_v, idxd_v, ident_v, hist_sh):
    c = lax.axis_index("c")
    s = lax.axis_index("s")
    w = c * NS + s
    zero16 = jnp.zeros((16,), _i32)
    one16 = jnp.ones((16,), _i32)

    @pl.loop(0, 5)
    def _(k):
        ident_v[0, pl.ds(k * 16, 16)] = (
            lax.broadcasted_iota(_i32, (16,), 0) + k * 16)

    for i in range(3):
        @pl.loop(0, QH)
        def _(q):
            @pl.loop(0, 8)
            def _(l):
                hist_v[q, pl.ds(l * 16, 16)] = zero16

        @pl.when(s == 0)
        def _():
            pltpu.sync_copy(hist_v, hist_sh)

        plsc.subcore_barrier()

        pltpu.sync_copy(dst_hbm.at[i, w], idxd_v)

        @pl.loop(0, NCH)
        def _(q):
            @pl.loop(0, 8)
            def _(l):
                v = idxd_v[q, pl.ds(l * 16, 16)]
                plsc.addupdate_scatter(hist_v, [v >> 7, v & 127], one16)

        pltpu.sync_copy(hist_v, hist_sh.at[ident_v.at[0]], add=True)
        plsc.subcore_barrier()

        @pl.when(s == 0)
        def _():
            pltpu.sync_copy(hist_sh, deg_hbm.at[i, c])

        plsc.subcore_barrier()


_h_call = functools.partial(
    pl.kernel,
    out_type=jax.ShapeDtypeStruct((3, NC, QH, 128), _i32),
    compiler_params=pltpu.CompilerParams(needs_layout_passes=False),
    mesh=_MESH,
    scratch_types=[
        pltpu.VMEM((QH, 128), _i32),
        pltpu.VMEM((NCH, 128), _i32),
        pltpu.VMEM((1, QH), _i32),
        pltpu.VMEM_SHARED((QH, 128), _i32),
    ],
)(_h_body)


def _a_body(x0b, x1b, x2b, w1, w2, w3, degb, yab, ybb, disb):
    d = (degb[:, 0, :] + degb[:, 1, :] + 1).astype(_f32)
    dis = lax.rsqrt(d)
    disb[...] = dis
    for xb, wb, i in ((x0b, w1, 0), (x1b, w2, 1), (x2b, w3, 2)):
        xw = jnp.dot(xb[...], wb[...], preferred_element_type=_f32)
        y = xw * dis[i][:, None]
        yab[i] = y[:, :COLS]
        ybb[i] = y[:, COLS:]


def _a_call(xp, ws, deg_flat):
    RA = NP // 8
    grid = 8
    return pl.pallas_call(
        _a_body,
        grid=(grid,),
        in_specs=[
            pl.BlockSpec((RA, D), lambda r: (r, 0)),
            pl.BlockSpec((RA, D), lambda r: (r, 0)),
            pl.BlockSpec((RA, D), lambda r: (r, 0)),
            pl.BlockSpec((D, D), lambda r: (0, 0)),
            pl.BlockSpec((D, D), lambda r: (0, 0)),
            pl.BlockSpec((D, D), lambda r: (0, 0)),
            pl.BlockSpec((3, NC, RA), lambda r: (0, 0, r)),
        ],
        out_specs=[
            pl.BlockSpec((3, RA, COLS), lambda r: (0, r, 0)),
            pl.BlockSpec((3, RA, COLS), lambda r: (0, r, 0)),
            pl.BlockSpec((3, RA), lambda r: (0, r)),
        ],
        out_shape=[
            jax.ShapeDtypeStruct((3, NP, COLS), _f32),
            jax.ShapeDtypeStruct((3, NP, COLS), _f32),
            jax.ShapeDtypeStruct((3, NP), _f32),
        ],
    )(xp[0], xp[1], xp[2], ws[0], ws[1], ws[2], deg_flat)


def _b_body(ya, yb, src_hbm, dst_hbm, out_hbm,
            idxs_v, idxd_v, buf_v, bufb_v, y_sp, z_sh, sem, semb, semi):
    c = lax.axis_index("c")
    s = lax.axis_index("s")
    zero16 = jnp.zeros((16,), _f32)
    base_ch = s * NCHW

    def zero_my_rows():
        @pl.loop(0, CH)
        def _(q):
            @pl.loop(0, COLS // 16)
            def _(l):
                buf_v[q, pl.ds(l * 16, 16)] = zero16

        @pl.loop(0, RPT // CH)
        def _(q):
            pltpu.sync_copy(buf_v, z_sh.at[pl.ds(s * RPT + q * CH, CH)])

    zero_my_rows()
    plsc.subcore_barrier()

    for i in range(3):
        def stage(b, pb, sync):
            blk = pl.ds(base_ch + b * BI, BI)
            if sync:
                pltpu.sync_copy(src_hbm.at[i, blk], idxs_v.at[pb])
                pltpu.sync_copy(dst_hbm.at[i, blk], idxd_v.at[pb])
            else:
                pltpu.async_copy(src_hbm.at[i, blk], idxs_v.at[pb], semi)
                pltpu.async_copy(dst_hbm.at[i, blk], idxd_v.at[pb], semi)

        def wait_stage(pb):
            pltpu.make_async_copy(
                src_hbm.at[i, pl.ds(0, BI)], idxs_v.at[pb], semi).wait()
            pltpu.make_async_copy(
                dst_hbm.at[i, pl.ds(0, BI)], idxd_v.at[pb], semi).wait()

        def run_edges(table):
            def fire(pb, j, buf, sm):
                pltpu.async_copy(table.at[idxs_v.at[pb, j]], buf, sm)

            def wait_g(buf, sm):
                pltpu.make_async_copy(
                    table.at[idxs_v.at[0, 0]], buf, sm).wait()

            def scat(pb, j, buf):
                pltpu.sync_copy(buf, z_sh.at[idxd_v.at[pb, j]], add=True)

            stage(0, 0, True)

            @pl.loop(0, NBLKW)
            def _(b):
                pb = b & 1

                @pl.when(b + 1 < NBLKW)
                def _():
                    stage(b + 1, 1 - pb, False)

                fire(pb, 0, buf_v, sem)

                @pl.loop(0, BI // 2)
                def _(t):
                    j = 2 * t
                    fire(pb, j + 1, bufb_v, semb)
                    wait_g(buf_v, sem)
                    scat(pb, j, buf_v)

                    @pl.when(j + 2 < BI)
                    def _():
                        fire(pb, j + 2, buf_v, sem)

                    wait_g(bufb_v, semb)
                    scat(pb, j + 1, bufb_v)

                @pl.when(b + 1 < NBLKW)
                def _():
                    wait_stage(1 - pb)

        @pl.when(c == 1)
        def _():
            pltpu.sync_copy(yb.at[i, pl.ds(s * RPT, RPT)],
                            y_sp.at[pl.ds(s * RPT, RPT)])

        plsc.subcore_barrier()

        @pl.when(c == 0)
        def _():
            run_edges(ya.at[i])

        @pl.when(c == 1)
        def _():
            run_edges(y_sp)

        plsc.subcore_barrier()

        for cc in range(NC):
            @pl.when(c == cc)
            def _():
                pltpu.sync_copy(z_sh.at[pl.ds(s * RPT, RPT)],
                                out_hbm.at[i, cc, pl.ds(s * RPT, RPT)])

        if i < 2:
            zero_my_rows()

        plsc.subcore_barrier()


_b_call = functools.partial(
    pl.kernel,
    out_type=jax.ShapeDtypeStruct((3, NC, NP, COLS), _f32),
    compiler_params=pltpu.CompilerParams(needs_layout_passes=False,
                                         use_tc_tiling_on_sc=False),
    mesh=_MESH,
    scratch_types=[
        pltpu.VMEM((2, BI, 128), _i32),
        pltpu.VMEM((2, BI, 128), _i32),
        pltpu.VMEM((CH, COLS), _f32),
        pltpu.VMEM((CH, COLS), _f32),
        pltpu.VMEM_SHARED((NP, COLS), _f32),
        pltpu.VMEM_SHARED((NP, COLS), _f32),
        pltpu.SemaphoreType.DMA,
        pltpu.SemaphoreType.DMA,
        pltpu.SemaphoreType.DMA,
    ],
)(_b_body)


_RC = NP // 16


def _c_body(zb, yab, ybb, disb, cb1, cb2, cb3,
            fw1t, fb1, fw2t, fb2, fw3t, fb3, g1t, gb1, g2t, gb2,
            gamma_o, beta_o, hacc0, hacc1):
    r = pl.program_id(0)

    @pl.when(r == 0)
    def _():
        hacc0[...] = jnp.zeros((3, COLS), _f32)
        hacc1[...] = jnp.zeros((3, COLS), _f32)

    rows = lax.broadcasted_iota(_i32, (_RC, 1), 0) + r * _RC
    mask = rows < N
    for i, cb in enumerate((cb1, cb2, cb3)):
        d = disb[i][:, None]
        t0 = (zb[i, 0] + yab[i]) * d + cb[:, :COLS]
        t1 = (zb[i, 1] + ybb[i]) * d + cb[:, COLS:]
        t0 = jnp.where(mask, jnp.maximum(t0, 0.0), 0.0)
        t1 = jnp.where(mask, jnp.maximum(t1, 0.0), 0.0)
        hacc0[pl.ds(i, 1), :] += jnp.sum(t0, axis=0, keepdims=True)
        hacc1[pl.ds(i, 1), :] += jnp.sum(t1, axis=0, keepdims=True)

    @pl.when(r == 15)
    def _():
        def h(i):
            return jnp.concatenate(
                [hacc0[pl.ds(i, 1), :], hacc1[pl.ds(i, 1), :]], axis=1)

        h0, h1, h2 = h(0), h(1), h(2)
        x_in = jnp.concatenate([h0, h1, h2], axis=1)
        a = jnp.dot(x_in, fw1t[...], preferred_element_type=_f32)
        a = jnp.maximum(a + fb1[...], 0.0)
        a = jnp.dot(a, fw2t[...], preferred_element_type=_f32) + fb2[...]
        a = jnp.maximum(a, 0.0)
        a = jnp.dot(a, fw3t[...], preferred_element_type=_f32) + fb3[...]
        m = jnp.max(a, axis=-1, keepdims=True)
        e = jnp.exp(a - m)
        p = e / jnp.sum(e, axis=-1, keepdims=True)
        hrows = jnp.concatenate([h0, h1, h2], axis=0)
        x = jnp.dot(p, hrows, preferred_element_type=_f32)
        gamma_o[...] = jnp.tanh(
            jnp.dot(x, g1t[...], preferred_element_type=_f32) + gb1[...])
        beta_o[...] = jnp.tanh(
            jnp.dot(x, g2t[...], preferred_element_type=_f32) + gb2[...])


def _c_call(z, ya, yb, dis, cbs, att):
    full = lambda shape: pl.BlockSpec(shape, lambda r: tuple(0 for _ in shape))
    return pl.pallas_call(
        _c_body,
        grid=(16,),
        in_specs=[
            pl.BlockSpec((3, NC, _RC, COLS), lambda r: (0, 0, r, 0)),
            pl.BlockSpec((3, _RC, COLS), lambda r: (0, r, 0)),
            pl.BlockSpec((3, _RC, COLS), lambda r: (0, r, 0)),
            pl.BlockSpec((3, _RC), lambda r: (0, r)),
        ] + [full(a.shape) for a in cbs] + [full(a.shape) for a in att],
        out_specs=[full((1, D)), full((1, D))],
        out_shape=[jax.ShapeDtypeStruct((1, D), _f32),
                   jax.ShapeDtypeStruct((1, D), _f32)],
        scratch_shapes=[pltpu.VMEM((3, COLS), _f32),
                        pltpu.VMEM((3, COLS), _f32)],
    )(z, ya, yb, dis, *cbs, *att)


def kernel(x0, x1, x2, edge_index0, edge_index1, edge_index2,
           conv1_w, conv1_b, conv2_w, conv2_b, conv3_w, conv3_b,
           fc1_w, fc1_b, fc2_w, fc2_b,
           sa_fc1_w, sa_fc1_b, sa_fc2_w, sa_fc2_b, sa_fc3_w, sa_fc3_b):
    xp = [jnp.pad(x, ((0, NP - N), (0, 0))) for x in (x0, x1, x2)]

    pad = jnp.full((EP - E,), N, dtype=_i32)

    def edges(ei):
        return (jnp.concatenate([ei[0], pad]).reshape(NW, NCH, CH),
                jnp.concatenate([ei[1], pad]).reshape(NW, NCH, CH))

    s0, d0 = edges(edge_index0)
    s1, d1 = edges(edge_index1)
    s2, d2 = edges(edge_index2)
    src = jnp.stack([s0, s1, s2])
    dst = jnp.stack([d0, d1, d2])

    deg = _h_call(dst)
    deg_flat = deg.reshape(3, NC, NP)

    ya, yb, dis = _a_call(xp, (conv1_w, conv2_w, conv3_w), deg_flat)

    z = _b_call(ya, yb, src.reshape(3, TOTCH, CH),
                dst.reshape(3, TOTCH, CH))

    cbs = [conv1_b.reshape(1, D), conv2_b.reshape(1, D),
           conv3_b.reshape(1, D)]
    att = [sa_fc1_w.T, sa_fc1_b.reshape(1, D),
           sa_fc2_w.T, sa_fc2_b.reshape(1, D),
           sa_fc3_w.T, sa_fc3_b.reshape(1, 3),
           fc1_w.T, fc1_b.reshape(1, D),
           fc2_w.T, fc2_b.reshape(1, D)]
    gamma, beta = _c_call(z, ya, yb, dis, cbs, att)
    return gamma.reshape(D), beta.reshape(D)

# --- scband reference (transcript-rebuilt; emitter-appended) ---
"""Pipeline reference for scband-lamp-graph-signature-new-33861522161706 (READ-ONLY COPY).

The authoritative reference and input builder live on the scoring server;
editing this copy changes nothing except your own understanding.
"""

import jax, jax.numpy as jnp
import numpy as np

N = 10000
E = 320000
D = 128

def setup_inputs(seed: int = 0):
    key = jax.random.key(seed)
    ks = jax.random.split(key, 20)
    s = 0.05
    inp = {}
    inp["x0"] = jax.random.normal(ks[0], (N, D), dtype=jnp.float32)
    inp["x1"] = jax.random.normal(ks[1], (N, D), dtype=jnp.float32)
    inp["x2"] = jax.random.normal(ks[2], (N, D), dtype=jnp.float32)
    inp["edge_index0"] = jax.random.randint(ks[3], (2, E), 0, N, dtype=jnp.int32)
    inp["edge_index1"] = jax.random.randint(ks[4], (2, E), 0, N, dtype=jnp.int32)
    inp["edge_index2"] = jax.random.randint(ks[5], (2, E), 0, N, dtype=jnp.int32)
    inp["conv1_w"] = jax.random.normal(ks[6], (D, D), dtype=jnp.float32) * s
    inp["conv1_b"] = jnp.zeros((D,), dtype=jnp.float32)
    inp["conv2_w"] = jax.random.normal(ks[7], (D, D), dtype=jnp.float32) * s
    inp["conv2_b"] = jnp.zeros((D,), dtype=jnp.float32)
    inp["conv3_w"] = jax.random.normal(ks[8], (D, D), dtype=jnp.float32) * s
    inp["conv3_b"] = jnp.zeros((D,), dtype=jnp.float32)
    inp["fc1_w"] = jax.random.normal(ks[9], (D, D), dtype=jnp.float32) * s
    inp["fc1_b"] = jnp.zeros((D,), dtype=jnp.float32)
    inp["fc2_w"] = jax.random.normal(ks[10], (D, D), dtype=jnp.float32) * s
    inp["fc2_b"] = jnp.zeros((D,), dtype=jnp.float32)
    inp["sa_fc1_w"] = jax.random.normal(ks[11], (D, 3 * D), dtype=jnp.float32) * s
    inp["sa_fc1_b"] = jnp.zeros((D,), dtype=jnp.float32)
    inp["sa_fc2_w"] = jax.random.normal(ks[12], (D, D), dtype=jnp.float32) * s
    inp["sa_fc2_b"] = jnp.zeros((D,), dtype=jnp.float32)
    inp["sa_fc3_w"] = jax.random.normal(ks[13], (3, D), dtype=jnp.float32) * s
    inp["sa_fc3_b"] = jnp.zeros((3,), dtype=jnp.float32)
    return inp

def _gcn_conv(x, ei, W, b):
    # MetaGCNConv: symmetric-normalized GCN with self loops, weight/bias passed in
    n = x.shape[0]
    xw = x @ W
    loop = jnp.arange(n, dtype=ei.dtype)
    src = jnp.concatenate([ei[0], loop])
    dst = jnp.concatenate([ei[1], loop])
    deg = jnp.zeros((n,), dtype=xw.dtype).at[dst].add(1.0)
    dis = jnp.where(deg > 0, 1.0 / jnp.sqrt(jnp.maximum(deg, 1e-12)), 0.0)
    norm = dis[src] * dis[dst]
    msg = xw[src] * norm[:, None]
    out = jnp.zeros((n, xw.shape[1]), dtype=xw.dtype).at[dst].add(msg)
    return out + b

def reference(x0, x1, x2, edge_index0, edge_index1, edge_index2,
              conv1_w, conv1_b, conv2_w, conv2_b, conv3_w, conv3_b,
              fc1_w, fc1_b, fc2_w, fc2_b,
              sa_fc1_w, sa_fc1_b, sa_fc2_w, sa_fc2_b, sa_fc3_w, sa_fc3_b):
    h1 = jax.nn.relu(_gcn_conv(x0, edge_index0, conv1_w, conv1_b)).sum(0)
    h2 = jax.nn.relu(_gcn_conv(x1, edge_index1, conv2_w, conv2_b)).sum(0)
    h3 = jax.nn.relu(_gcn_conv(x2, edge_index2, conv3_w, conv3_b)).sum(0)
    # signature_attention
    x_in = jnp.concatenate([h1, h2, h3])
    a = jax.nn.relu(x_in @ sa_fc1_w.T + sa_fc1_b)
    a = a @ sa_fc2_w.T + sa_fc2_b
    a = jax.nn.relu(a) @ sa_fc3_w.T + sa_fc3_b
    a = jax.nn.softmax(a, axis=-1)
    x = a @ x_in.reshape(3, D)
    x_gamma = jnp.tanh(x @ fc1_w.T + fc1_b)
    x_beta = jnp.tanh(x @ fc2_w.T + fc2_b)
    return (x_gamma, x_beta)

if __name__ == "__main__":
    import jax
    _d = setup_inputs()
    print(jax.jit(kernel)(*tuple(_d.values())))

</pallas_src>

<mosaic_0001>
#map = affine_map<(d0, d1) -> (0, 0, 0, 0)>
module attributes {stable_mosaic.version = 14 : i64} {
  func.func @_h_body(%arg0: i32, %arg1: i32, %arg2: memref<3x32x80x128xi32, #tpu.memory_space<hbm>>, %arg3: memref<3x2x80x128xi32, #tpu.memory_space<hbm>>, %arg4: memref<80x128xi32, #tpu.memory_space<vmem>>, %arg5: memref<80x128xi32, #tpu.memory_space<vmem>>, %arg6: memref<1x80xi32, #tpu.memory_space<vmem>>, %arg7: memref<80x128xi32, #tpu.memory_space<vmem_shared>>) attributes {dimension_semantics = [#tpu.dimension_semantics<core_parallel>, #tpu.dimension_semantics<subcore_parallel>], iteration_bounds = array<i64: 2, 16>, scalar_prefetch = 0 : i64, scratch_operands = 4 : i64, tpu.core_type = #tpu.core_type<sc_vector_subcore>, window_params = [{transform_indices = #map}, {transform_indices = #map}]} {
    %mul3A = arith.constant 16 : i32
    %mul3A_0 = arith.muli %arg0, %mul3A : i32
    %add3A = arith.addi %mul3A_0, %arg1 : i32
    %broadcast_in_dim3A = arith.constant 0 : i32
    %broadcast_in_dim3A_1 = vector.broadcast %broadcast_in_dim3A : i32 to vector<16xi32>
    %broadcast_in_dim3A_2 = arith.constant 1 : i32
    %broadcast_in_dim3A_3 = vector.broadcast %broadcast_in_dim3A_2 : i32 to vector<16xi32>
    %scan3A = arith.constant 0 : i32
    %scan3A_4 = arith.constant 5 : i32
    %scan3A_5 = arith.addi %scan3A, %scan3A_4 : i32
    %scan3A_6 = arith.constant 1 : i32
    scf.for %scan3A_78 = %scan3A to %scan3A_5 step %scan3A_6  : i32 {
      %mul3A_79 = arith.constant 1 : i32
      %mul3A_80 = arith.muli %scan3A_78, %mul3A_79 : i32
      %add3A_81 = arith.constant 0 : i32
      %add3A_82 = arith.addi %add3A_81, %mul3A_80 : i32
      %iota3A = tpu.iota {dimensions = array<i32: 0>} : vector<16xi32>
      %mul3A_83 = arith.constant 16 : i32
      %mul3A_84 = arith.muli %add3A_82, %mul3A_83 : i32
      %add3A_85 = vector.broadcast %mul3A_84 : i32 to vector<16xi32>
      %add3A_86 = arith.addi %iota3A, %add3A_85 : vector<16xi32>
      %mul3A_87 = arith.constant 16 : i32
      %mul3A_88 = arith.muli %add3A_82, %mul3A_87 : i32
      %swap3A = arith.constant 0 : i32
      %swap3A_89 = arith.index_cast %swap3A : i32 to index
      %swap3A_90 = arith.index_cast %mul3A_88 : i32 to index
      %swap3A_91 = tpu.vector_load %arg6[%swap3A_89, %swap3A_90] {strides = array<i32>} : memref<1x80xi32, #tpu.memory_space<vmem>>, vector<16xi32>,
      tpu.vector_store %arg6[%swap3A_89, %swap3A_90], %add3A_86 {strides = array<i32>} : memref<1x80xi32, #tpu.memory_space<vmem>>, vector<16xi32>,
    }
    %scan3A_7 = arith.constant 5 : i32
    %scan3A_8 = arith.constant 0 : i32
    %scan3A_9 = arith.constant 80 : i32
    %scan3A_10 = arith.addi %scan3A_8, %scan3A_9 : i32
    %scan3A_11 = arith.constant 1 : i32
    scf.for %scan3A_78 = %scan3A_8 to %scan3A_10 step %scan3A_11  : i32 {
      %mul3A_79 = arith.constant 1 : i32
      %mul3A_80 = arith.muli %scan3A_78, %mul3A_79 : i32
      %add3A_81 = arith.constant 0 : i32
      %add3A_82 = arith.addi %add3A_81, %mul3A_80 : i32
      %scan3A_83 = arith.constant 0 : i32
      %scan3A_84 = arith.constant 8 : i32
      %scan3A_85 = arith.addi %scan3A_83, %scan3A_84 : i32
      %scan3A_86 = arith.constant 1 : i32
      scf.for %scan3A_88 = %scan3A_83 to %scan3A_85 step %scan3A_86  : i32 {
        %mul3A_89 = arith.constant 1 : i32
        %mul3A_90 = arith.muli %scan3A_88, %mul3A_89 : i32
        %add3A_91 = arith.constant 0 : i32
        %add3A_92 = arith.addi %add3A_91, %mul3A_90 : i32
        %mul3A_93 = arith.constant 16 : i32
        %mul3A_94 = arith.muli %add3A_92, %mul3A_93 : i32
        %swap3A = arith.index_cast %add3A_82 : i32 to index
        %swap3A_95 = arith.index_cast %mul3A_94 : i32 to index
        %swap3A_96 = tpu.vector_load %arg4[%swap3A, %swap3A_95] {strides = array<i32>} : memref<80x128xi32, #tpu.memory_space<vmem>>, vector<16xi32>,
        tpu.vector_store %arg4[%swap3A, %swap3A_95], %broadcast_in_dim3A_1 {strides = array<i32>} : memref<80x128xi32, #tpu.memory_space<vmem>>, vector<16xi32>,
      }
      %scan3A_87 = arith.constant 8 : i32
    }
    %scan3A_12 = arith.constant 80 : i32
    %eq3A = arith.constant 0 : i32
    %eq3A_13 = arith.cmpi eq, %arg1, %eq3A : i32
    %convert_element_type3A = arith.extui %eq3A_13 : i1 to i32
    %cond3A = arith.constant 0 : i32
    %cond3A_14 = arith.cmpi ne, %convert_element_type3A, %cond3A : i32
    scf.if %cond3A_14 {
      "tpu.region"() ({
        %run_scoped3A_78 = tpu.sem_alloc : memref<!tpu.dma_semaphore, #tpu.memory_space<semaphore_mem>>
        tpu.enqueue_dma source(%arg4 : memref<80x128xi32, #tpu.memory_space<vmem>>) target(%arg7 : memref<80x128xi32, #tpu.memory_space<vmem_shared>>) target_semaphore(%run_scoped3A_78 : memref<!tpu.dma_semaphore, #tpu.memory_space<semaphore_mem>>)
        tpu.wait_dma2 semaphore(%run_scoped3A_78 : memref<!tpu.dma_semaphore, #tpu.memory_space<semaphore_mem>>) src(%arg4 : memref<80x128xi32, #tpu.memory_space<vmem>>) dst(%arg7 : memref<80x128xi32, #tpu.memory_space<vmem_shared>>)
        tpu.yield
      }) : () -> ()
    } else {
    }
    %barrier3A = arith.constant 0 : index
    tpu.barrier barrier_id(%barrier3A)
    %run_scoped3A = arith.constant 0 : i32
    "tpu.region"() ({
      %run_scoped3A_78 = tpu.sem_alloc : memref<!tpu.dma_semaphore, #tpu.memory_space<semaphore_mem>>
      %dma_start3A = arith.constant 0 : i32
      %dma_start3A_79 = arith.constant 0 : i32
      %dma_start3A_80 = tpu.memref_slice %arg2[%run_scoped3A, %add3A, %dma_start3A, %dma_start3A_79] : memref<3x32x80x128xi32, #tpu.memory_space<hbm>> -> memref<1x1x80x128xi32, #tpu.memory_space<hbm>>
      %dma_start3A_81 = tpu.memref_squeeze %dma_start3A_80 : memref<1x1x80x128xi32, #tpu.memory_space<hbm>> -> memref<80x128xi32, #tpu.memory_space<hbm>>
      %dma_start3A_82 = arith.constant 0 : i32
      %dma_start3A_83 = arith.constant 0 : i32
      %dma_start3A_84 = tpu.memref_slice %arg2[%run_scoped3A, %add3A, %dma_start3A_82, %dma_start3A_83] : memref<3x32x80x128xi32, #tpu.memory_space<hbm>> -> memref<1x1x80x128xi32, #tpu.memory_space<hbm>>
      %dma_start3A_85 = tpu.memref_squeeze %dma_start3A_84 : memref<1x1x80x128xi32, #tpu.memory_space<hbm>> -> memref<80x128xi32, #tpu.memory_space<hbm>>
      tpu.enqueue_dma source(%dma_start3A_85 : memref<80x128xi32, #tpu.memory_space<hbm>>) target(%arg5 : memref<80x128xi32, #tpu.memory_space<vmem>>) target_semaphore(%run_scoped3A_78 : memref<!tpu.dma_semaphore, #tpu.memory_space<semaphore_mem>>)
      %dma_wait3A = arith.constant 0 : i32
      %dma_wait3A_86 = arith.constant 0 : i32
      %dma_wait3A_87 = tpu.memref_slice %arg2[%run_scoped3A, %add3A, %dma_wait3A, %dma_wait3A_86] : memref<3x32x80x128xi32, #tpu.memory_space<hbm>> -> memref<1x1x80x128xi32, #tpu.memory_space<hbm>>
      %dma_wait3A_88 = tpu.memref_squeeze %dma_wait3A_87 : memref<1x1x80x128xi32, #tpu.memory_space<hbm>> -> memref<80x128xi32, #tpu.memory_space<hbm>>
      %dma_wait3A_89 = arith.constant 0 : i32
      %dma_wait3A_90 = arith.constant 0 : i32
      %dma_wait3A_91 = tpu.memref_slice %arg2[%run_scoped3A, %add3A, %dma_wait3A_89, %dma_wait3A_90] : memref<3x32x80x128xi32, #tpu.memory_space<hbm>> -> memref<1x1x80x128xi32, #tpu.memory_space<hbm>>
      %dma_wait3A_92 = tpu.memref_squeeze %dma_wait3A_91 : memref<1x1x80x128xi32, #tpu.memory_space<hbm>> -> memref<80x128xi32, #tpu.memory_space<hbm>>
      tpu.wait_dma2 semaphore(%run_scoped3A_78 : memref<!tpu.dma_semaphore, #tpu.memory_space<semaphore_mem>>) src(%dma_wait3A_92 : memref<80x128xi32, #tpu.memory_space<hbm>>) dst(%arg5 : memref<80x128xi32, #tpu.memory_space<vmem>>)
      tpu.yield
    }) : () -> ()
    %scan3A_15 = arith.constant 0 : i32
    %scan3A_16 = arith.constant 80 : i32
    %scan3A_17 = arith.addi %scan3A_15, %scan3A_16 : i32
    %scan3A_18 = arith.constant 1 : i32
    scf.for %scan3A_78 = %scan3A_15 to %scan3A_17 step %scan3A_18  : i32 {
      %mul3A_79 = arith.constant 1 : i32
      %mul3A_80 = arith.muli %scan3A_78, %mul3A_79 : i32
      %add3A_81 = arith.constant 0 : i32
      %add3A_82 = arith.addi %add3A_81, %mul3A_80 : i32
      %scan3A_83 = arith.constant 0 : i32
      %scan3A_84 = arith.constant 8 : i32
      %scan3A_85 = arith.addi %scan3A_83, %scan3A_84 : i32
      %scan3A_86 = arith.constant 1 : i32
      scf.for %scan3A_88 = %scan3A_83 to %scan3A_85 step %scan3A_86  : i32 {
        %mul3A_89 = arith.constant 1 : i32
        %mul3A_90 = arith.muli %scan3A_88, %mul3A_89 : i32
        %add3A_91 = arith.constant 0 : i32
        %add3A_92 = arith.addi %add3A_91, %mul3A_90 : i32
        %mul3A_93 = arith.constant 16 : i32
        %mul3A_94 = arith.muli %add3A_92, %mul3A_93 : i32
        %get3A = arith.index_cast %add3A_82 : i32 to index
        %get3A_95 = arith.index_cast %mul3A_94 : i32 to index
        %get3A_96 = tpu.vector_load %arg5[%get3A, %get3A_95] {strides = array<i32>} : memref<80x128xi32, #tpu.memory_space<vmem>>, vector<16xi32>,
        %shift_right_arithmetic3A = arith.constant 7 : i32
        %shift_right_arithmetic3A_97 = vector.broadcast %shift_right_arithmetic3A : i32 to vector<16xi32>
        %shift_right_arithmetic3A_98 = arith.shrsi %get3A_96, %shift_right_arithmetic3A_97 : vector<16xi32>
        %and3A = arith.constant 127 : i32
        %and3A_99 = vector.broadcast %and3A : i32 to vector<16xi32>
        %and3A_100 = arith.andi %get3A_96, %and3A_99 : vector<16xi32>
        tpu.vector_store_idx %arg4[%shift_right_arithmetic3A_98, %and3A_100], %broadcast_in_dim3A_3 {add = true} : memref<80x128xi32, #tpu.memory_space<vmem>>[vector<16xi32>, vector<16xi32>], vector<16xi32>,
      }
      %scan3A_87 = arith.constant 8 : i32
    }
    %scan3A_19 = arith.constant 80 : i32
    %run_scoped3A_20 = arith.constant 0 : i32
    "tpu.region"() ({
      %run_scoped3A_78 = tpu.sem_alloc : memref<!tpu.dma_semaphore, #tpu.memory_space<semaphore_mem>>
      %dma_start3A = arith.constant 0 : i32
      %dma_start3A_79 = tpu.memref_slice %arg6[%run_scoped3A_20, %dma_start3A] : memref<1x80xi32, #tpu.memory_space<vmem>> -> memref<1x80xi32, #tpu.memory_space<vmem>>
      %dma_start3A_80 = tpu.memref_squeeze %dma_start3A_79 : memref<1x80xi32, #tpu.memory_space<vmem>> -> memref<80xi32, #tpu.memory_space<vmem>>
      %dma_start3A_81 = arith.constant 0 : i32
      %dma_start3A_82 = arith.constant 0 : i32
      %dma_start3A_83 = tpu.memref_slice %arg7[%dma_start3A_81, %dma_start3A_82] : memref<80x128xi32, #tpu.memory_space<vmem_shared>> -> memref<80x128xi32, #tpu.memory_space<vmem_shared>>
      tpu.enqueue_indirect_dma source(%arg4 : memref<80x128xi32, #tpu.memory_space<vmem>>) target(%dma_start3A_83 : memref<80x128xi32, #tpu.memory_space<vmem_shared>>) offsets(%dma_start3A_80 : memref<80xi32, #tpu.memory_space<vmem>>) semaphore(%run_scoped3A_78 : memref<!tpu.dma_semaphore, #tpu.memory_space<semaphore_mem>>) {add = true}
      %dma_wait3A = arith.constant 0 : i32
      %dma_wait3A_84 = tpu.memref_slice %arg6[%run_scoped3A_20, %dma_wait3A] : memref<1x80xi32, #tpu.memory_space<vmem>> -> memref<1x80xi32, #tpu.memory_space<vmem>>
      %dma_wait3A_85 = tpu.memref_squeeze %dma_wait3A_84 : memref<1x80xi32, #tpu.memory_space<vmem>> -> memref<80xi32, #tpu.memory_space<vmem>>
      %dma_wait3A_86 = arith.constant 0 : i32
      %dma_wait3A_87 = arith.constant 0 : i32
      %dma_wait3A_88 = tpu.memref_slice %arg7[%dma_wait3A_86, %dma_wait3A_87] : memref<80x128xi32, #tpu.memory_space<vmem_shared>> -> memref<80x128xi32, #tpu.memory_space<vmem_shared>>
      tpu.wait_indirect_dma semaphore(%run_scoped3A_78 : memref<!tpu.dma_semaphore, #tpu.memory_space<semaphore_mem>>) src(%arg4 : memref<80x128xi32, #tpu.memory_space<vmem>>) dst(%dma_wait3A_88 : memref<80x128xi32, #tpu.memory_space<vmem_shared>>)
      tpu.yield
    }) : () -> ()
    %barrier3A_21 = arith.constant 0 : index
    tpu.barrier barrier_id(%barrier3A_21)
    %eq3A_22 = arith.constant 0 : i32
    %eq3A_23 = arith.cmpi eq, %arg1, %eq3A_22 : i32
    %convert_element_type3A_24 = arith.extui %eq3A_23 : i1 to i32
    %cond3A_25 = arith.constant 0 : i32
    %cond3A_26 = arith.cmpi ne, %convert_element_type3A_24, %cond3A_25 : i32
    scf.if %cond3A_26 {
      %run_scoped3A_78 = arith.constant 0 : i32
      "tpu.region"() ({
        %run_scoped3A_79 = tpu.sem_alloc : memref<!tpu.dma_semaphore, #tpu.memory_space<semaphore_mem>>
        %dma_start3A = arith.constant 0 : i32
        %dma_start3A_80 = arith.constant 0 : i32
        %dma_start3A_81 = tpu.memref_slice %arg3[%run_scoped3A_78, %arg0, %dma_start3A, %dma_start3A_80] : memref<3x2x80x128xi32, #tpu.memory_space<hbm>> -> memref<1x1x80x128xi32, #tpu.memory_space<hbm>>
        %dma_start3A_82 = tpu.memref_squeeze %dma_start3A_81 : memref<1x1x80x128xi32, #tpu.memory_space<hbm>> -> memref<80x128xi32, #tpu.memory_space<hbm>>
        tpu.enqueue_dma source(%arg7 : memref<80x128xi32, #tpu.memory_space<vmem_shared>>) target(%dma_start3A_82 : memref<80x128xi32, #tpu.memory_space<hbm>>) target_semaphore(%run_scoped3A_79 : memref<!tpu.dma_semaphore, #tpu.memory_space<semaphore_mem>>)
        %dma_wait3A = arith.constant 0 : i32
        %dma_wait3A_83 = arith.constant 0 : i32
        %dma_wait3A_84 = tpu.memref_slice %arg3[%run_scoped3A_78, %arg0, %dma_wait3A, %dma_wait3A_83] : memref<3x2x80x128xi32, #tpu.memory_space<hbm>> -> memref<1x1x80x128xi32, #tpu.memory_space<hbm>>
        %dma_wait3A_85 = tpu.memref_squeeze %dma_wait3A_84 : memref<1x1x80x128xi32, #tpu.memory_space<hbm>> -> memref<80x128xi32, #tpu.memory_space<hbm>>
        tpu.wait_dma2 semaphore(%run_scoped3A_79 : memref<!tpu.dma_semaphore, #tpu.memory_space<semaphore_mem>>) src(%arg7 : memref<80x128xi32, #tpu.memory_space<vmem_shared>>) dst(%dma_wait3A_85 : memref<80x128xi32, #tpu.memory_space<hbm>>)
        tpu.yield
      }) : () -> ()
    } else {
    }
    %barrier3A_27 = arith.constant 0 : index
    tpu.barrier barrier_id(%barrier3A_27)
    %scan3A_28 = arith.constant 0 : i32
    %scan3A_29 = arith.constant 80 : i32
    %scan3A_30 = arith.addi %scan3A_28, %scan3A_29 : i32
    %scan3A_31 = arith.constant 1 : i32
    scf.for %scan3A_78 = %scan3A_28 to %scan3A_30 step %scan3A_31  : i32 {
      %mul3A_79 = arith.constant 1 : i32
      %mul3A_80 = arith.muli %scan3A_78, %mul3A_79 : i32
      %add3A_81 = arith.constant 0 : i32
      %add3A_82 = arith.addi %add3A_81, %mul3A_80 : i32
      %scan3A_83 = arith.constant 0 : i32
      %scan3A_84 = arith.constant 8 : i32
      %scan3A_85 = arith.addi %scan3A_83, %scan3A_84 : i32
      %scan3A_86 = arith.constant 1 : i32
      scf.for %scan3A_88 = %scan3A_83 to %scan3A_85 step %scan3A_86  : i32 {
        %mul3A_89 = arith.constant 1 : i32
        %mul3A_90 = arith.muli %scan3A_88, %mul3A_89 : i32
        %add3A_91 = arith.constant 0 : i32
        %add3A_92 = arith.addi %add3A_91, %mul3A_90 : i32
        %mul3A_93 = arith.constant 16 : i32
        %mul3A_94 = arith.muli %add3A_92, %mul3A_93 : i32
        %swap3A = arith.index_cast %add3A_82 : i32 to index
        %swap3A_95 = arith.index_cast %mul3A_94 : i32 to index
        %swap3A_96 = tpu.vector_load %arg4[%swap3A, %swap3A_95] {strides = array<i32>} : memref<80x128xi32, #tpu.memory_space<vmem>>, vector<16xi32>,
        tpu.vector_store %arg4[%swap3A, %swap3A_95], %broadcast_in_dim3A_1 {strides = array<i32>} : memref<80x128xi32, #tpu.memory_space<vmem>>, vector<16xi32>,
      }
      %scan3A_87 = arith.constant 8 : i32
    }
    %scan3A_32 = arith.constant 80 : i32
    %eq3A_33 = arith.constant 0 : i32
    %eq3A_34 = arith.cmpi eq, %arg1, %eq3A_33 : i32
    %convert_element_type3A_35 = arith.extui %eq3A_34 : i1 to i32
    %cond3A_36 = arith.constant 0 : i32
    %cond3A_37 = arith.cmpi ne, %convert_element_type3A_35, %cond3A_36 : i32
    scf.if %cond3A_37 {
      "tpu.region"() ({
        %run_scoped3A_78 = tpu.sem_alloc : memref<!tpu.dma_semaphore, #tpu.memory_space<semaphore_mem>>
        tpu.enqueue_dma source(%arg4 : memref<80x128xi32, #tpu.memory_space<vmem>>) target(%arg7 : memref<80x128xi32, #tpu.memory_space<vmem_shared>>) target_semaphore(%run_scoped3A_78 : memref<!tpu.dma_semaphore, #tpu.memory_space<semaphore_mem>>)
        tpu.wait_dma2 semaphore(%run_scoped3A_78 : memref<!tpu.dma_semaphore, #tpu.memory_space<semaphore_mem>>) src(%arg4 : memref<80x128xi32, #tpu.memory_space<vmem>>) dst(%arg7 : memref<80x128xi32, #tpu.memory_space<vmem_shared>>)
        tpu.yield
      }) : () -> ()
    } else {
    }
    %barrier3A_38 = arith.constant 0 : index
    tpu.barrier barrier_id(%barrier3A_38)
    %run_scoped3A_39 = arith.constant 1 : i32
    "tpu.region"() ({
      %run_scoped3A_78 = tpu.sem_alloc : memref<!tpu.dma_semaphore, #tpu.memory_space<semaphore_mem>>
      %dma_start3A = arith.constant 0 : i32
      %dma_start3A_79 = arith.constant 0 : i32
      %dma_start3A_80 = tpu.memref_slice %arg2[%run_scoped3A_39, %add3A, %dma_start3A, %dma_start3A_79] : memref<3x32x80x128xi32, #tpu.memory_space<hbm>> -> memref<1x1x80x128xi32, #tpu.memory_space<hbm>>
      %dma_start3A_81 = tpu.memref_squeeze %dma_start3A_80 : memref<1x1x80x128xi32, #tpu.memory_space<hbm>> -> memref<80x128xi32, #tpu.memory_space<hbm>>
      %dma_start3A_82 = arith.constant 0 : i32
      %dma_start3A_83 = arith.constant 0 : i32
      %dma_start3A_84 = tpu.memref_slice %arg2[%run_scoped3A_39, %add3A, %dma_start3A_82, %dma_start3A_83] : memref<3x32x80x128xi32, #tpu.memory_space<hbm>> -> memref<1x1x80x128xi32, #tpu.memory_space<hbm>>
      %dma_start3A_85 = tpu.memref_squeeze %dma_start3A_84 : memref<1x1x80x128xi32, #tpu.memory_space<hbm>> -> memref<80x128xi32, #tpu.memory_space<hbm>>
      tpu.enqueue_dma source(%dma_start3A_85 : memref<80x128xi32, #tpu.memory_space<hbm>>) target(%arg5 : memref<80x128xi32, #tpu.memory_space<vmem>>) target_semaphore(%run_scoped3A_78 : memref<!tpu.dma_semaphore, #tpu.memory_space<semaphore_mem>>)
      %dma_wait3A = arith.constant 0 : i32
      %dma_wait3A_86 = arith.constant 0 : i32
      %dma_wait3A_87 = tpu.memref_slice %arg2[%run_scoped3A_39, %add3A, %dma_wait3A, %dma_wait3A_86] : memref<3x32x80x128xi32, #tpu.memory_space<hbm>> -> memref<1x1x80x128xi32, #tpu.memory_space<hbm>>
      %dma_wait3A_88 = tpu.memref_squeeze %dma_wait3A_87 : memref<1x1x80x128xi32, #tpu.memory_space<hbm>> -> memref<80x128xi32, #tpu.memory_space<hbm>>
      %dma_wait3A_89 = arith.constant 0 : i32
      %dma_wait3A_90 = arith.constant 0 : i32
      %dma_wait3A_91 = tpu.memref_slice %arg2[%run_scoped3A_39, %add3A, %dma_wait3A_89, %dma_wait3A_90] : memref<3x32x80x128xi32, #tpu.memory_space<hbm>> -> memref<1x1x80x128xi32, #tpu.memory_space<hbm>>
      %dma_wait3A_92 = tpu.memref_squeeze %dma_wait3A_91 : memref<1x1x80x128xi32, #tpu.memory_space<hbm>> -> memref<80x128xi32, #tpu.memory_space<hbm>>
      tpu.wait_dma2 semaphore(%run_scoped3A_78 : memref<!tpu.dma_semaphore, #tpu.memory_space<semaphore_mem>>) src(%dma_wait3A_92 : memref<80x128xi32, #tpu.memory_space<hbm>>) dst(%arg5 : memref<80x128xi32, #tpu.memory_space<vmem>>)
      tpu.yield
    }) : () -> ()
    %scan3A_40 = arith.constant 0 : i32
    %scan3A_41 = arith.constant 80 : i32
    %scan3A_42 = arith.addi %scan3A_40, %scan3A_41 : i32
    %scan3A_43 = arith.constant 1 : i32
    scf.for %scan3A_78 = %scan3A_40 to %scan3A_42 step %scan3A_43  : i32 {
      %mul3A_79 = arith.constant 1 : i32
      %mul3A_80 = arith.muli %scan3A_78, %mul3A_79 : i32
      %add3A_81 = arith.constant 0 : i32
      %add3A_82 = arith.addi %add3A_81, %mul3A_80 : i32
      %scan3A_83 = arith.constant 0 : i32
      %scan3A_84 = arith.constant 8 : i32
      %scan3A_85 = arith.addi %scan3A_83, %scan3A_84 : i32
      %scan3A_86 = arith.constant 1 : i32
      scf.for %scan3A_88 = %scan3A_83 to %scan3A_85 step %scan3A_86  : i32 {
        %mul3A_89 = arith.constant 1 : i32
        %mul3A_90 = arith.muli %scan3A_88, %mul3A_89 : i32
        %add3A_91 = arith.constant 0 : i32
        %add3A_92 = arith.addi %add3A_91, %mul3A_90 : i32
        %mul3A_93 = arith.constant 16 : i32
        %mul3A_94 = arith.muli %add3A_92, %mul3A_93 : i32
        %get3A = arith.index_cast %add3A_82 : i32 to index
        %get3A_95 = arith.index_cast %mul3A_94 : i32 to index
        %get3A_96 = tpu.vector_load %arg5[%get3A, %get3A_95] {strides = array<i32>} : memref<80x128xi32, #tpu.memory_space<vmem>>, vector<16xi32>,
        %shift_right_arithmetic3A = arith.constant 7 : i32
        %shift_right_arithmetic3A_97 = vector.broadcast %shift_right_arithmetic3A : i32 to vector<16xi32>
        %shift_right_arithmetic3A_98 = arith.shrsi %get3A_96, %shift_right_arithmetic3A_97 : vector<16xi32>
        %and3A = arith.constant 127 : i32
        %and3A_99 = vector.broadcast %and3A : i32 to vector<16xi32>
        %and3A_100 = arith.andi %get3A_96, %and3A_99 : vector<16xi32>
        tpu.vector_store_idx %arg4[%shift_right_arithmetic3A_98, %and3A_100], %broadcast_in_dim3A_3 {add = true} : memref<80x128xi32, #tpu.memory_space<vmem>>[vector<16xi32>, vector<16xi32>], vector<16xi32>,
      }
      %scan3A_87 = arith.constant 8 : i32
    }
    %scan3A_44 = arith.constant 80 : i32
    %run_scoped3A_45 = arith.constant 0 : i32
    "tpu.region"() ({
      %run_scoped3A_78 = tpu.sem_alloc : memref<!tpu.dma_semaphore, #tpu.memory_space<semaphore_mem>>
      %dma_start3A = arith.constant 0 : i32
      %dma_start3A_79 = tpu.memref_slice %arg6[%run_scoped3A_45, %dma_start3A] : memref<1x80xi32, #tpu.memory_space<vmem>> -> memref<1x80xi32, #tpu.memory_space<vmem>>
      %dma_start3A_80 = tpu.memref_squeeze %dma_start3A_79 : memref<1x80xi32, #tpu.memory_space<vmem>> -> memref<80xi32, #tpu.memory_space<vmem>>
      %dma_start3A_81 = arith.constant 0 : i32
      %dma_start3A_82 = arith.constant 0 : i32
      %dma_start3A_83 = tpu.memref_slice %arg7[%dma_start3A_81, %dma_start3A_82] : memref<80x128xi32, #tpu.memory_space<vmem_shared>> -> memref<80x128xi32, #tpu.memory_space<vmem_shared>>
      tpu.enqueue_indirect_dma source(%arg4 : memref<80x128xi32, #tpu.memory_space<vmem>>) target(%dma_start3A_83 : memref<80x128xi32, #tpu.memory_space<vmem_shared>>) offsets(%dma_start3A_80 : memref<80xi32, #tpu.memory_space<vmem>>) semaphore(%run_scoped3A_78 : memref<!tpu.dma_semaphore, #tpu.memory_space<semaphore_mem>>) {add = true}
      %dma_wait3A = arith.constant 0 : i32
      %dma_wait3A_84 = tpu.memref_slice %arg6[%run_scoped3A_45, %dma_wait3A] : memref<1x80xi32, #tpu.memory_space<vmem>> -> memref<1x80xi32, #tpu.memory_space<vmem>>
      %dma_wait3A_85 = tpu.memref_squeeze %dma_wait3A_84 : memref<1x80xi32, #tpu.memory_space<vmem>> -> memref<80xi32, #tpu.memory_space<vmem>>
      %dma_wait3A_86 = arith.constant 0 : i32
      %dma_wait3A_87 = arith.constant 0 : i32
      %dma_wait3A_88 = tpu.memref_slice %arg7[%dma_wait3A_86, %dma_wait3A_87] : memref<80x128xi32, #tpu.memory_space<vmem_shared>> -> memref<80x128xi32, #tpu.memory_space<vmem_shared>>
      tpu.wait_indirect_dma semaphore(%run_scoped3A_78 : memref<!tpu.dma_semaphore, #tpu.memory_space<semaphore_mem>>) src(%arg4 : memref<80x128xi32, #tpu.memory_space<vmem>>) dst(%dma_wait3A_88 : memref<80x128xi32, #tpu.memory_space<vmem_shared>>)
      tpu.yield
    }) : () -> ()
    %barrier3A_46 = arith.constant 0 : index
    tpu.barrier barrier_id(%barrier3A_46)
    %eq3A_47 = arith.constant 0 : i32
    %eq3A_48 = arith.cmpi eq, %arg1, %eq3A_47 : i32
    %convert_element_type3A_49 = arith.extui %eq3A_48 : i1 to i32
    %cond3A_50 = arith.constant 0 : i32
    %cond3A_51 = arith.cmpi ne, %convert_element_type3A_49, %cond3A_50 : i32
    scf.if %cond3A_51 {
      %run_scoped3A_78 = arith.constant 1 : i32
      "tpu.region"() ({
        %run_scoped3A_79 = tpu.sem_alloc : memref<!tpu.dma_semaphore, #tpu.memory_space<semaphore_mem>>
        %dma_start3A = arith.constant 0 : i32
        %dma_start3A_80 = arith.constant 0 : i32
        %dma_start3A_81 = tpu.memref_slice %arg3[%run_scoped3A_78, %arg0, %dma_start3A, %dma_start3A_80] : memref<3x2x80x128xi32, #tpu.memory_space<hbm>> -> memref<1x1x80x128xi32, #tpu.memory_space<hbm>>
        %dma_start3A_82 = tpu.memref_squeeze %dma_start3A_81 : memref<1x1x80x128xi32, #tpu.memory_space<hbm>> -> memref<80x128xi32, #tpu.memory_space<hbm>>
        tpu.enqueue_dma source(%arg7 : memref<80x128xi32, #tpu.memory_space<vmem_shared>>) target(%dma_start3A_82 : memref<80x128xi32, #tpu.memory_space<hbm>>) target_semaphore(%run_scoped3A_79 : memref<!tpu.dma_semaphore, #tpu.memory_space<semaphore_mem>>)
        %dma_wait3A = arith.constant 0 : i32
        %dma_wait3A_83 = arith.constant 0 : i32
        %dma_wait3A_84 = tpu.memref_slice %arg3[%run_scoped3A_78, %arg0, %dma_wait3A, %dma_wait3A_83] : memref<3x2x80x128xi32, #tpu.memory_space<hbm>> -> memref<1x1x80x128xi32, #tpu.memory_space<hbm>>
        %dma_wait3A_85 = tpu.memref_squeeze %dma_wait3A_84 : memref<1x1x80x128xi32, #tpu.memory_space<hbm>> -> memref<80x128xi32, #tpu.memory_space<hbm>>
        tpu.wait_dma2 semaphore(%run_scoped3A_79 : memref<!tpu.dma_semaphore, #tpu.memory_space<semaphore_mem>>) src(%arg7 : memref<80x128xi32, #tpu.memory_space<vmem_shared>>) dst(%dma_wait3A_85 : memref<80x128xi32, #tpu.memory_space<hbm>>)
        tpu.yield
      }) : () -> ()
    } else {
    }
    %barrier3A_52 = arith.constant 0 : index
    tpu.barrier barrier_id(%barrier3A_52)
    %scan3A_53 = arith.constant 0 : i32
    %scan3A_54 = arith.constant 80 : i32
    %scan3A_55 = arith.addi %scan3A_53, %scan3A_54 : i32
    %scan3A_56 = arith.constant 1 : i32
    scf.for %scan3A_78 = %scan3A_53 to %scan3A_55 step %scan3A_56  : i32 {
      %mul3A_79 = arith.constant 1 : i32
      %mul3A_80 = arith.muli %scan3A_78, %mul3A_79 : i32
      %add3A_81 = arith.constant 0 : i32
      %add3A_82 = arith.addi %add3A_81, %mul3A_80 : i32
      %scan3A_83 = arith.constant 0 : i32
      %scan3A_84 = arith.constant 8 : i32
      %scan3A_85 = arith.addi %scan3A_83, %scan3A_84 : i32
      %scan3A_86 = arith.constant 1 : i32
      scf.for %scan3A_88 = %scan3A_83 to %scan3A_85 step %scan3A_86  : i32 {
        %mul3A_89 = arith.constant 1 : i32
        %mul3A_90 = arith.muli %scan3A_88, %mul3A_89 : i32
        %add3A_91 = arith.constant 0 : i32
        %add3A_92 = arith.addi %add3A_91, %mul3A_90 : i32
        %mul3A_93 = arith.constant 16 : i32
        %mul3A_94 = arith.muli %add3A_92, %mul3A_93 : i32
        %swap3A = arith.index_cast %add3A_82 : i32 to index
        %swap3A_95 = arith.index_cast %mul3A_94 : i32 to index
        %swap3A_96 = tpu.vector_load %arg4[%swap3A, %swap3A_95] {strides = array<i32>} : memref<80x128xi32, #tpu.memory_space<vmem>>, vector<16xi32>,
        tpu.vector_store %arg4[%swap3A, %swap3A_95], %broadcast_in_dim3A_1 {strides = array<i32>} : memref<80x128xi32, #tpu.memory_space<vmem>>, vector<16xi32>,
      }
      %scan3A_87 = arith.constant 8 : i32
    }
    %scan3A_57 = arith.constant 80 : i32
    %eq3A_58 = arith.constant 0 : i32
    %eq3A_59 = arith.cmpi eq, %arg1, %eq3A_58 : i32
    %convert_element_type3A_60 = arith.extui %eq3A_59 : i1 to i32
    %cond3A_61 = arith.constant 0 : i32
    %cond3A_62 = arith.cmpi ne, %convert_element_type3A_60, %cond3A_61 : i32
    scf.if %cond3A_62 {
      "tpu.region"() ({
        %run_scoped3A_78 = tpu.sem_alloc : memref<!tpu.dma_semaphore, #tpu.memory_space<semaphore_mem>>
        tpu.enqueue_dma source(%arg4 : memref<80x128xi32, #tpu.memory_space<vmem>>) target(%arg7 : memref<80x128xi32, #tpu.memory_space<vmem_shared>>) target_semaphore(%run_scoped3A_78 : memref<!tpu.dma_semaphore, #tpu.memory_space<semaphore_mem>>)
        tpu.wait_dma2 semaphore(%run_scoped3A_78 : memref<!tpu.dma_semaphore, #tpu.memory_space<semaphore_mem>>) src(%arg4 : memref<80x128xi32, #tpu.memory_space<vmem>>) dst(%arg7 : memref<80x128xi32, #tpu.memory_space<vmem_shared>>)
        tpu.yield
      }) : () -> ()
    } else {
    }
    %barrier3A_63 = arith.constant 0 : index
    tpu.barrier barrier_id(%barrier3A_63)
    %run_scoped3A_64 = arith.constant 2 : i32
    "tpu.region"() ({
      %run_scoped3A_78 = tpu.sem_alloc : memref<!tpu.dma_semaphore, #tpu.memory_space<semaphore_mem>>
      %dma_start3A = arith.constant 0 : i32
      %dma_start3A_79 = arith.constant 0 : i32
      %dma_start3A_80 = tpu.memref_slice %arg2[%run_scoped3A_64, %add3A, %dma_start3A, %dma_start3A_79] : memref<3x32x80x128xi32, #tpu.memory_space<hbm>> -> memref<1x1x80x128xi32, #tpu.memory_space<hbm>>
      %dma_start3A_81 = tpu.memref_squeeze %dma_start3A_80 : memref<1x1x80x128xi32, #tpu.memory_space<hbm>> -> memref<80x128xi32, #tpu.memory_space<hbm>>
      %dma_start3A_82 = arith.constant 0 : i32
      %dma_start3A_83 = arith.constant 0 : i32
      %dma_start3A_84 = tpu.memref_slice %arg2[%run_scoped3A_64, %add3A, %dma_start3A_82, %dma_start3A_83] : memref<3x32x80x128xi32, #tpu.memory_space<hbm>> -> memref<1x1x80x128xi32, #tpu.memory_space<hbm>>
      %dma_start3A_85 = tpu.memref_squeeze %dma_start3A_84 : memref<1x1x80x128xi32, #tpu.memory_space<hbm>> -> memref<80x128xi32, #tpu.memory_space<hbm>>
      tpu.enqueue_dma source(%dma_start3A_85 : memref<80x128xi32, #tpu.memory_space<hbm>>) target(%arg5 : memref<80x128xi32, #tpu.memory_space<vmem>>) target_semaphore(%run_scoped3A_78 : memref<!tpu.dma_semaphore, #tpu.memory_space<semaphore_mem>>)
      %dma_wait3A = arith.constant 0 : i32
      %dma_wait3A_86 = arith.constant 0 : i32
      %dma_wait3A_87 = tpu.memref_slice %arg2[%run_scoped3A_64, %add3A, %dma_wait3A, %dma_wait3A_86] : memref<3x32x80x128xi32, #tpu.memory_space<hbm>> -> memref<1x1x80x128xi32, #tpu.memory_space<hbm>>
      %dma_wait3A_88 = tpu.memref_squeeze %dma_wait3A_87 : memref<1x1x80x128xi32, #tpu.memory_space<hbm>> -> memref<80x128xi32, #tpu.memory_space<hbm>>
      %dma_wait3A_89 = arith.constant 0 : i32
      %dma_wait3A_90 = arith.constant 0 : i32
      %dma_wait3A_91 = tpu.memref_slice %arg2[%run_scoped3A_64, %add3A, %dma_wait3A_89, %dma_wait3A_90] : memref<3x32x80x128xi32, #tpu.memory_space<hbm>> -> memref<1x1x80x128xi32, #tpu.memory_space<hbm>>
      %dma_wait3A_92 = tpu.memref_squeeze %dma_wait3A_91 : memref<1x1x80x128xi32, #tpu.memory_space<hbm>> -> memref<80x128xi32, #tpu.memory_space<hbm>>
      tpu.wait_dma2 semaphore(%run_scoped3A_78 : memref<!tpu.dma_semaphore, #tpu.memory_space<semaphore_mem>>) src(%dma_wait3A_92 : memref<80x128xi32, #tpu.memory_space<hbm>>) dst(%arg5 : memref<80x128xi32, #tpu.memory_space<vmem>>)
      tpu.yield
    }) : () -> ()
    %scan3A_65 = arith.constant 0 : i32
    %scan3A_66 = arith.constant 80 : i32
    %scan3A_67 = arith.addi %scan3A_65, %scan3A_66 : i32
    %scan3A_68 = arith.constant 1 : i32
    scf.for %scan3A_78 = %scan3A_65 to %scan3A_67 step %scan3A_68  : i32 {
      %mul3A_79 = arith.constant 1 : i32
      %mul3A_80 = arith.muli %scan3A_78, %mul3A_79 : i32
      %add3A_81 = arith.constant 0 : i32
      %add3A_82 = arith.addi %add3A_81, %mul3A_80 : i32
      %scan3A_83 = arith.constant 0 : i32
      %scan3A_84 = arith.constant 8 : i32
      %scan3A_85 = arith.addi %scan3A_83, %scan3A_84 : i32
      %scan3A_86 = arith.constant 1 : i32
      scf.for %scan3A_88 = %scan3A_83 to %scan3A_85 step %scan3A_86  : i32 {
        %mul3A_89 = arith.constant 1 : i32
        %mul3A_90 = arith.muli %scan3A_88, %mul3A_89 : i32
        %add3A_91 = arith.constant 0 : i32
        %add3A_92 = arith.addi %add3A_91, %mul3A_90 : i32
        %mul3A_93 = arith.constant 16 : i32
        %mul3A_94 = arith.muli %add3A_92, %mul3A_93 : i32
        %get3A = arith.index_cast %add3A_82 : i32 to index
        %get3A_95 = arith.index_cast %mul3A_94 : i32 to index
        %get3A_96 = tpu.vector_load %arg5[%get3A, %get3A_95] {strides = array<i32>} : memref<80x128xi32, #tpu.memory_space<vmem>>, vector<16xi32>,
        %shift_right_arithmetic3A = arith.constant 7 : i32
        %shift_right_arithmetic3A_97 = vector.broadcast %shift_right_arithmetic3A : i32 to vector<16xi32>
        %shift_right_arithmetic3A_98 = arith.shrsi %get3A_96, %shift_right_arithmetic3A_97 : vector<16xi32>
        %and3A = arith.constant 127 : i32
        %and3A_99 = vector.broadcast %and3A : i32 to vector<16xi32>
        %and3A_100 = arith.andi %get3A_96, %and3A_99 : vector<16xi32>
        tpu.vector_store_idx %arg4[%shift_right_arithmetic3A_98, %and3A_100], %broadcast_in_dim3A_3 {add = true} : memref<80x128xi32, #tpu.memory_space<vmem>>[vector<16xi32>, vector<16xi32>], vector<16xi32>,
      }
      %scan3A_87 = arith.constant 8 : i32
    }
    %scan3A_69 = arith.constant 80 : i32
    %run_scoped3A_70 = arith.constant 0 : i32
    "tpu.region"() ({
      %run_scoped3A_78 = tpu.sem_alloc : memref<!tpu.dma_semaphore, #tpu.memory_space<semaphore_mem>>
      %dma_start3A = arith.constant 0 : i32
      %dma_start3A_79 = tpu.memref_slice %arg6[%run_scoped3A_70, %dma_start3A] : memref<1x80xi32, #tpu.memory_space<vmem>> -> memref<1x80xi32, #tpu.memory_space<vmem>>
      %dma_start3A_80 = tpu.memref_squeeze %dma_start3A_79 : memref<1x80xi32, #tpu.memory_space<vmem>> -> memref<80xi32, #tpu.memory_space<vmem>>
      %dma_start3A_81 = arith.constant 0 : i32
      %dma_start3A_82 = arith.constant 0 : i32
      %dma_start3A_83 = tpu.memref_slice %arg7[%dma_start3A_81, %dma_start3A_82] : memref<80x128xi32, #tpu.memory_space<vmem_shared>> -> memref<80x128xi32, #tpu.memory_space<vmem_shared>>
      tpu.enqueue_indirect_dma source(%arg4 : memref<80x128xi32, #tpu.memory_space<vmem>>) target(%dma_start3A_83 : memref<80x128xi32, #tpu.memory_space<vmem_shared>>) offsets(%dma_start3A_80 : memref<80xi32, #tpu.memory_space<vmem>>) semaphore(%run_scoped3A_78 : memref<!tpu.dma_semaphore, #tpu.memory_space<semaphore_mem>>) {add = true}
      %dma_wait3A = arith.constant 0 : i32
      %dma_wait3A_84 = tpu.memref_slice %arg6[%run_scoped3A_70, %dma_wait3A] : memref<1x80xi32, #tpu.memory_space<vmem>> -> memref<1x80xi32, #tpu.memory_space<vmem>>
      %dma_wait3A_85 = tpu.memref_squeeze %dma_wait3A_84 : memref<1x80xi32, #tpu.memory_space<vmem>> -> memref<80xi32, #tpu.memory_space<vmem>>
      %dma_wait3A_86 = arith.constant 0 : i32
      %dma_wait3A_87 = arith.constant 0 : i32
      %dma_wait3A_88 = tpu.memref_slice %arg7[%dma_wait3A_86, %dma_wait3A_87] : memref<80x128xi32, #tpu.memory_space<vmem_shared>> -> memref<80x128xi32, #tpu.memory_space<vmem_shared>>
      tpu.wait_indirect_dma semaphore(%run_scoped3A_78 : memref<!tpu.dma_semaphore, #tpu.memory_space<semaphore_mem>>) src(%arg4 : memref<80x128xi32, #tpu.memory_space<vmem>>) dst(%dma_wait3A_88 : memref<80x128xi32, #tpu.memory_space<vmem_shared>>)
      tpu.yield
    }) : () -> ()
    %barrier3A_71 = arith.constant 0 : index
    tpu.barrier barrier_id(%barrier3A_71)
    %eq3A_72 = arith.constant 0 : i32
    %eq3A_73 = arith.cmpi eq, %arg1, %eq3A_72 : i32
    %convert_element_type3A_74 = arith.extui %eq3A_73 : i1 to i32
    %cond3A_75 = arith.constant 0 : i32
    %cond3A_76 = arith.cmpi ne, %convert_element_type3A_74, %cond3A_75 : i32
    scf.if %cond3A_76 {
      %run_scoped3A_78 = arith.constant 2 : i32
      "tpu.region"() ({
        %run_scoped3A_79 = tpu.sem_alloc : memref<!tpu.dma_semaphore, #tpu.memory_space<semaphore_mem>>
        %dma_start3A = arith.constant 0 : i32
        %dma_start3A_80 = arith.constant 0 : i32
        %dma_start3A_81 = tpu.memref_slice %arg3[%run_scoped3A_78, %arg0, %dma_start3A, %dma_start3A_80] : memref<3x2x80x128xi32, #tpu.memory_space<hbm>> -> memref<1x1x80x128xi32, #tpu.memory_space<hbm>>
        %dma_start3A_82 = tpu.memref_squeeze %dma_start3A_81 : memref<1x1x80x128xi32, #tpu.memory_space<hbm>> -> memref<80x128xi32, #tpu.memory_space<hbm>>
        tpu.enqueue_dma source(%arg7 : memref<80x128xi32, #tpu.memory_space<vmem_shared>>) target(%dma_start3A_82 : memref<80x128xi32, #tpu.memory_space<hbm>>) target_semaphore(%run_scoped3A_79 : memref<!tpu.dma_semaphore, #tpu.memory_space<semaphore_mem>>)
        %dma_wait3A = arith.constant 0 : i32
        %dma_wait3A_83 = arith.constant 0 : i32
        %dma_wait3A_84 = tpu.memref_slice %arg3[%run_scoped3A_78, %arg0, %dma_wait3A, %dma_wait3A_83] : memref<3x2x80x128xi32, #tpu.memory_space<hbm>> -> memref<1x1x80x128xi32, #tpu.memory_space<hbm>>
        %dma_wait3A_85 = tpu.memref_squeeze %dma_wait3A_84 : memref<1x1x80x128xi32, #tpu.memory_space<hbm>> -> memref<80x128xi32, #tpu.memory_space<hbm>>
        tpu.wait_dma2 semaphore(%run_scoped3A_79 : memref<!tpu.dma_semaphore, #tpu.memory_space<semaphore_mem>>) src(%arg7 : memref<80x128xi32, #tpu.memory_space<vmem_shared>>) dst(%dma_wait3A_85 : memref<80x128xi32, #tpu.memory_space<hbm>>)
        tpu.yield
      }) : () -> ()
    } else {
    }
    %barrier3A_77 = arith.constant 0 : index
    tpu.barrier barrier_id(%barrier3A_77)
    return
  }
}

#map = affine_map<(d0, d1) -> (0, 0, 0)>
#map1 = affine_map<(d0, d1) -> (0, 0, 0, 0)>
module attributes {stable_mosaic.version = 14 : i64} {
  func.func @_b_body(%arg0: i32, %arg1: i32, %arg2: memref<3x10240x64xf32, #tpu.memory_space<hbm>>, %arg3: memref<3x10240x64xf32, #tpu.memory_space<hbm>>, %arg4: memref<3x2560x128xi32, #tpu.memory_space<hbm>>, %arg5: memref<3x2560x128xi32, #tpu.memory_space<hbm>>, %arg6: memref<3x2x10240x64xf32, #tpu.memory_space<hbm>>, %arg7: memref<2x16x128xi32, #tpu.memory_space<vmem>>, %arg8: memref<2x16x128xi32, #tpu.memory_space<vmem>>, %arg9: memref<128x64xf32, #tpu.memory_space<vmem>>, %arg10: memref<128x64xf32, #tpu.memory_space<vmem>>, %arg11: memref<10240x64xf32, #tpu.memory_space<vmem_shared>>, %arg12: memref<10240x64xf32, #tpu.memory_space<vmem_shared>>, %arg13: memref<!tpu.dma_semaphore, #tpu.memory_space<semaphore_mem>>, %arg14: memref<!tpu.dma_semaphore, #tpu.memory_space<semaphore_mem>>, %arg15: memref<!tpu.dma_semaphore, #tpu.memory_space<semaphore_mem>>) attributes {dimension_semantics = [#tpu.dimension_semantics<core_parallel>, #tpu.dimension_semantics<subcore_parallel>], iteration_bounds = array<i64: 2, 16>, scalar_prefetch = 0 : i64, scratch_operands = 9 : i64, tpu.core_type = #tpu.core_type<sc_vector_subcore>, window_params = [{transform_indices = #map}, {transform_indices = #map}, {transform_indices = #map}, {transform_indices = #map}, {transform_indices = #map1}]} {
    %broadcast_in_dim3A = arith.constant 0.000000e+00 : f32
    %broadcast_in_dim3A_0 = vector.broadcast %broadcast_in_dim3A : f32 to vector<16xf32>
    %mul3A = arith.constant 160 : i32
    %mul3A_1 = arith.muli %arg1, %mul3A : i32
    %scan3A = arith.constant 0 : i32
    %scan3A_2 = arith.constant 128 : i32
    %scan3A_3 = arith.addi %scan3A, %scan3A_2 : i32
    %scan3A_4 = arith.constant 1 : i32
    scf.for %scan3A_112 = %scan3A to %scan3A_3 step %scan3A_4  : i32 {
      %mul3A_113 = arith.constant 1 : i32
      %mul3A_114 = arith.muli %scan3A_112, %mul3A_113 : i32
      %add3A = arith.constant 0 : i32
      %add3A_115 = arith.addi %add3A, %mul3A_114 : i32
      %scan3A_116 = arith.constant 0 : i32
      %scan3A_117 = arith.constant 4 : i32
      %scan3A_118 = arith.addi %scan3A_116, %scan3A_117 : i32
      %scan3A_119 = arith.constant 1 : i32
      scf.for %scan3A_121 = %scan3A_116 to %scan3A_118 step %scan3A_119  : i32 {
        %mul3A_122 = arith.constant 1 : i32
        %mul3A_123 = arith.muli %scan3A_121, %mul3A_122 : i32
        %add3A_124 = arith.constant 0 : i32
        %add3A_125 = arith.addi %add3A_124, %mul3A_123 : i32
        %mul3A_126 = arith.constant 16 : i32
        %mul3A_127 = arith.muli %add3A_125, %mul3A_126 : i32
        %swap3A = arith.index_cast %add3A_115 : i32 to index
        %swap3A_128 = arith.index_cast %mul3A_127 : i32 to index
        %swap3A_129 = tpu.vector_load %arg9[%swap3A, %swap3A_128] {strides = array<i32>} : memref<128x64xf32, #tpu.memory_space<vmem>>, vector<16xf32>,
        tpu.vector_store %arg9[%swap3A, %swap3A_128], %broadcast_in_dim3A_0 {strides = array<i32>} : memref<128x64xf32, #tpu.memory_space<vmem>>, vector<16xf32>,
      }
      %scan3A_120 = arith.constant 4 : i32
    }
    %scan3A_5 = arith.constant 128 : i32
    %scan3A_6 = arith.constant 0 : i32
    %scan3A_7 = arith.constant 5 : i32
    %scan3A_8 = arith.addi %scan3A_6, %scan3A_7 : i32
    %scan3A_9 = arith.constant 1 : i32
    scf.for %scan3A_112 = %scan3A_6 to %scan3A_8 step %scan3A_9  : i32 {
      %mul3A_113 = arith.constant 1 : i32
      %mul3A_114 = arith.muli %scan3A_112, %mul3A_113 : i32
      %add3A = arith.constant 0 : i32
      %add3A_115 = arith.addi %add3A, %mul3A_114 : i32
      %mul3A_116 = arith.constant 640 : i32
      %mul3A_117 = arith.muli %arg1, %mul3A_116 : i32
      %mul3A_118 = arith.constant 128 : i32
      %mul3A_119 = arith.muli %add3A_115, %mul3A_118 : i32
      %add3A_120 = arith.addi %mul3A_117, %mul3A_119 : i32
      "tpu.region"() ({
        %run_scoped3A = tpu.sem_alloc : memref<!tpu.dma_semaphore, #tpu.memory_space<semaphore_mem>>
        %dma_start3A = arith.constant 0 : i32
        %dma_start3A_121 = tpu.memref_slice %arg12[%add3A_120, %dma_start3A] : memref<10240x64xf32, #tpu.memory_space<vmem_shared>> -> memref<128x64xf32, #tpu.memory_space<vmem_shared>>
        %dma_start3A_122 = arith.constant 0 : i32
        %dma_start3A_123 = tpu.memref_slice %arg12[%add3A_120, %dma_start3A_122] : memref<10240x64xf32, #tpu.memory_space<vmem_shared>> -> memref<128x64xf32, #tpu.memory_space<vmem_shared>>
        tpu.enqueue_dma source(%arg9 : memref<128x64xf32, #tpu.memory_space<vmem>>) target(%dma_start3A_123 : memref<128x64xf32, #tpu.memory_space<vmem_shared>>) target_semaphore(%run_scoped3A : memref<!tpu.dma_semaphore, #tpu.memory_space<semaphore_mem>>)
        %dma_wait3A = arith.constant 0 : i32
        %dma_wait3A_124 = tpu.memref_slice %arg12[%add3A_120, %dma_wait3A] : memref<10240x64xf32, #tpu.memory_space<vmem_shared>> -> memref<128x64xf32, #tpu.memory_space<vmem_shared>>
        %dma_wait3A_125 = arith.constant 0 : i32
        %dma_wait3A_126 = tpu.memref_slice %arg12[%add3A_120, %dma_wait3A_125] : memref<10240x64xf32, #tpu.memory_space<vmem_shared>> -> memref<128x64xf32, #tpu.memory_space<vmem_shared>>
        tpu.wait_dma2 semaphore(%run_scoped3A : memref<!tpu.dma_semaphore, #tpu.memory_space<semaphore_mem>>) src(%arg9 : memref<128x64xf32, #tpu.memory_space<vmem>>) dst(%dma_wait3A_126 : memref<128x64xf32, #tpu.memory_space<vmem_shared>>)
        tpu.yield
      }) : () -> ()
    }
    %scan3A_10 = arith.constant 5 : i32
    %barrier3A = arith.constant 0 : index
    tpu.barrier barrier_id(%barrier3A)
    %eq3A = arith.constant 1 : i32
    %eq3A_11 = arith.cmpi eq, %arg0, %eq3A : i32
    %convert_element_type3A = arith.extui %eq3A_11 : i1 to i32
    %cond3A = arith.constant 0 : i32
    %cond3A_12 = arith.cmpi ne, %convert_element_type3A, %cond3A : i32
    scf.if %cond3A_12 {
      %mul3A_112 = arith.constant 640 : i32
      %mul3A_113 = arith.muli %arg1, %mul3A_112 : i32
      %mul3A_114 = arith.constant 640 : i32
      %mul3A_115 = arith.muli %arg1, %mul3A_114 : i32
      %run_scoped3A = arith.constant 0 : i32
      "tpu.region"() ({
        %run_scoped3A_116 = tpu.sem_alloc : memref<!tpu.dma_semaphore, #tpu.memory_space<semaphore_mem>>
        %dma_start3A = arith.constant 0 : i32
        %dma_start3A_117 = tpu.memref_slice %arg11[%mul3A_115, %dma_start3A] : memref<10240x64xf32, #tpu.memory_space<vmem_shared>> -> memref<640x64xf32, #tpu.memory_space<vmem_shared>>
        %dma_start3A_118 = arith.constant 0 : i32
        %dma_start3A_119 = tpu.memref_slice %arg3[%run_scoped3A, %mul3A_113, %dma_start3A_118] : memref<3x10240x64xf32, #tpu.memory_space<hbm>> -> memref<1x640x64xf32, #tpu.memory_space<hbm>>
        %dma_start3A_120 = tpu.memref_squeeze %dma_start3A_119 : memref<1x640x64xf32, #tpu.memory_space<hbm>> -> memref<640x64xf32, #tpu.memory_space<hbm>>
        tpu.enqueue_dma source(%dma_start3A_120 : memref<640x64xf32, #tpu.memory_space<hbm>>) target(%dma_start3A_117 : memref<640x64xf32, #tpu.memory_space<vmem_shared>>) target_semaphore(%run_scoped3A_116 : memref<!tpu.dma_semaphore, #tpu.memory_space<semaphore_mem>>)
        %dma_wait3A = arith.constant 0 : i32
        %dma_wait3A_121 = tpu.memref_slice %arg11[%mul3A_115, %dma_wait3A] : memref<10240x64xf32, #tpu.memory_space<vmem_shared>> -> memref<640x64xf32, #tpu.memory_space<vmem_shared>>
        %dma_wait3A_122 = arith.constant 0 : i32
        %dma_wait3A_123 = tpu.memref_slice %arg3[%run_scoped3A, %mul3A_113, %dma_wait3A_122] : memref<3x10240x64xf32, #tpu.memory_space<hbm>> -> memref<1x640x64xf32, #tpu.memory_space<hbm>>
        %dma_wait3A_124 = tpu.memref_squeeze %dma_wait3A_123 : memref<1x640x64xf32, #tpu.memory_space<hbm>> -> memref<640x64xf32, #tpu.memory_space<hbm>>
        tpu.wait_dma2 semaphore(%run_scoped3A_116 : memref<!tpu.dma_semaphore, #tpu.memory_space<semaphore_mem>>) src(%dma_wait3A_124 : memref<640x64xf32, #tpu.memory_space<hbm>>) dst(%dma_wait3A_121 : memref<640x64xf32, #tpu.memory_space<vmem_shared>>)
        tpu.yield
      }) : () -> ()
    } else {
    }
    %barrier3A_13 = arith.constant 0 : index
    tpu.barrier barrier_id(%barrier3A_13)
    %eq3A_14 = arith.constant 0 : i32
    %eq3A_15 = arith.cmpi eq, %arg0, %eq3A_14 : i32
    %convert_element_type3A_16 = arith.extui %eq3A_15 : i1 to i32
    %cond3A_17 = arith.constant 0 : i32
    %cond3A_18 = arith.cmpi ne, %convert_element_type3A_16, %cond3A_17 : i32
    scf.if %cond3A_18 {
      %add3A = arith.constant 0 : i32
      %add3A_112 = arith.addi %mul3A_1, %add3A : i32
      %run_scoped3A = arith.constant 0 : i32
      %run_scoped3A_113 = arith.constant 0 : i32
      "tpu.region"() ({
        %run_scoped3A_122 = tpu.sem_alloc : memref<!tpu.dma_semaphore, #tpu.memory_space<semaphore_mem>>
        %dma_start3A = arith.constant 0 : i32
        %dma_start3A_123 = arith.constant 0 : i32
        %dma_start3A_124 = tpu.memref_slice %arg7[%run_scoped3A_113, %dma_start3A, %dma_start3A_123] : memref<2x16x128xi32, #tpu.memory_space<vmem>> -> memref<1x16x128xi32, #tpu.memory_space<vmem>>
        %dma_start3A_125 = tpu.memref_squeeze %dma_start3A_124 : memref<1x16x128xi32, #tpu.memory_space<vmem>> -> memref<16x128xi32, #tpu.memory_space<vmem>>
        %dma_start3A_126 = arith.constant 0 : i32
        %dma_start3A_127 = tpu.memref_slice %arg4[%run_scoped3A, %add3A_112, %dma_start3A_126] : memref<3x2560x128xi32, #tpu.memory_space<hbm>> -> memref<1x16x128xi32, #tpu.memory_space<hbm>>
        %dma_start3A_128 = tpu.memref_squeeze %dma_start3A_127 : memref<1x16x128xi32, #tpu.memory_space<hbm>> -> memref<16x128xi32, #tpu.memory_space<hbm>>
        %dma_start3A_129 = arith.constant 0 : i32
        %dma_start3A_130 = arith.constant 0 : i32
        %dma_start3A_131 = tpu.memref_slice %arg7[%run_scoped3A_113, %dma_start3A_129, %dma_start3A_130] : memref<2x16x128xi32, #tpu.memory_space<vmem>> -> memref<1x16x128xi32, #tpu.memory_space<vmem>>
        %dma_start3A_132 = tpu.memref_squeeze %dma_start3A_131 : memref<1x16x128xi32, #tpu.memory_space<vmem>> -> memref<16x128xi32, #tpu.memory_space<vmem>>
        %dma_start3A_133 = arith.constant 0 : i32
        %dma_start3A_134 = tpu.memref_slice %arg4[%run_scoped3A, %add3A_112, %dma_start3A_133] : memref<3x2560x128xi32, #tpu.memory_space<hbm>> -> memref<1x16x128xi32, #tpu.memory_space<hbm>>
        %dma_start3A_135 = tpu.memref_squeeze %dma_start3A_134 : memref<1x16x128xi32, #tpu.memory_space<hbm>> -> memref<16x128xi32, #tpu.memory_space<hbm>>
        tpu.enqueue_dma source(%dma_start3A_135 : memref<16x128xi32, #tpu.memory_space<hbm>>) target(%dma_start3A_132 : memref<16x128xi32, #tpu.memory_space<vmem>>) target_semaphore(%run_scoped3A_122 : memref<!tpu.dma_semaphore, #tpu.memory_space<semaphore_mem>>)
        %dma_wait3A = arith.constant 0 : i32
        %dma_wait3A_136 = arith.constant 0 : i32
        %dma_wait3A_137 = tpu.memref_slice %arg7[%run_scoped3A_113, %dma_wait3A, %dma_wait3A_136] : memref<2x16x128xi32, #tpu.memory_space<vmem>> -> memref<1x16x128xi32, #tpu.memory_space<vmem>>
        %dma_wait3A_138 = tpu.memref_squeeze %dma_wait3A_137 : memref<1x16x128xi32, #tpu.memory_space<vmem>> -> memref<16x128xi32, #tpu.memory_space<vmem>>
        %dma_wait3A_139 = arith.constant 0 : i32
        %dma_wait3A_140 = tpu.memref_slice %arg4[%run_scoped3A, %add3A_112, %dma_wait3A_139] : memref<3x2560x128xi32, #tpu.memory_space<hbm>> -> memref<1x16x128xi32, #tpu.memory_space<hbm>>
        %dma_wait3A_141 = tpu.memref_squeeze %dma_wait3A_140 : memref<1x16x128xi32, #tpu.memory_space<hbm>> -> memref<16x128xi32, #tpu.memory_space<hbm>>
        %dma_wait3A_142 = arith.constant 0 : i32
        %dma_wait3A_143 = arith.constant 0 : i32
        %dma_wait3A_144 = tpu.memref_slice %arg7[%run_scoped3A_113, %dma_wait3A_142, %dma_wait3A_143] : memref<2x16x128xi32, #tpu.memory_space<vmem>> -> memref<1x16x128xi32, #tpu.memory_space<vmem>>
        %dma_wait3A_145 = tpu.memref_squeeze %dma_wait3A_144 : memref<1x16x128xi32, #tpu.memory_space<vmem>> -> memref<16x128xi32, #tpu.memory_space<vmem>>
        %dma_wait3A_146 = arith.constant 0 : i32
        %dma_wait3A_147 = tpu.memref_slice %arg4[%run_scoped3A, %add3A_112, %dma_wait3A_146] : memref<3x2560x128xi32, #tpu.memory_space<hbm>> -> memref<1x16x128xi32, #tpu.memory_space<hbm>>
        %dma_wait3A_148 = tpu.memref_squeeze %dma_wait3A_147 : memref<1x16x128xi32, #tpu.memory_space<hbm>> -> memref<16x128xi32, #tpu.memory_space<hbm>>
        tpu.wait_dma2 semaphore(%run_scoped3A_122 : memref<!tpu.dma_semaphore, #tpu.memory_space<semaphore_mem>>) src(%dma_wait3A_148 : memref<16x128xi32, #tpu.memory_space<hbm>>) dst(%dma_wait3A_145 : memref<16x128xi32, #tpu.memory_space<vmem>>)
        tpu.yield
      }) : () -> ()
      %run_scoped3A_114 = arith.constant 0 : i32
      %run_scoped3A_115 = arith.constant 0 : i32
      "tpu.region"() ({
        %run_scoped3A_122 = tpu.sem_alloc : memref<!tpu.dma_semaphore, #tpu.memory_space<semaphore_mem>>
        %dma_start3A = arith.constant 0 : i32
        %dma_start3A_123 = arith.constant 0 : i32
        %dma_start3A_124 = tpu.memref_slice %arg8[%run_scoped3A_115, %dma_start3A, %dma_start3A_123] : memref<2x16x128xi32, #tpu.memory_space<vmem>> -> memref<1x16x128xi32, #tpu.memory_space<vmem>>
        %dma_start3A_125 = tpu.memref_squeeze %dma_start3A_124 : memref<1x16x128xi32, #tpu.memory_space<vmem>> -> memref<16x128xi32, #tpu.memory_space<vmem>>
        %dma_start3A_126 = arith.constant 0 : i32
        %dma_start3A_127 = tpu.memref_slice %arg5[%run_scoped3A_114, %add3A_112, %dma_start3A_126] : memref<3x2560x128xi32, #tpu.memory_space<hbm>> -> memref<1x16x128xi32, #tpu.memory_space<hbm>>
        %dma_start3A_128 = tpu.memref_squeeze %dma_start3A_127 : memref<1x16x128xi32, #tpu.memory_space<hbm>> -> memref<16x128xi32, #tpu.memory_space<hbm>>
        %dma_start3A_129 = arith.constant 0 : i32
        %dma_start3A_130 = arith.constant 0 : i32
        %dma_start3A_131 = tpu.memref_slice %arg8[%run_scoped3A_115, %dma_start3A_129, %dma_start3A_130] : memref<2x16x128xi32, #tpu.memory_space<vmem>> -> memref<1x16x128xi32, #tpu.memory_space<vmem>>
        %dma_start3A_132 = tpu.memref_squeeze %dma_start3A_131 : memref<1x16x128xi32, #tpu.memory_space<vmem>> -> memref<16x128xi32, #tpu.memory_space<vmem>>
        %dma_start3A_133 = arith.constant 0 : i32
        %dma_start3A_134 = tpu.memref_slice %arg5[%run_scoped3A_114, %add3A_112, %dma_start3A_133] : memref<3x2560x128xi32, #tpu.memory_space<hbm>> -> memref<1x16x128xi32, #tpu.memory_space<hbm>>
        %dma_start3A_135 = tpu.memref_squeeze %dma_start3A_134 : memref<1x16x128xi32, #tpu.memory_space<hbm>> -> memref<16x128xi32, #tpu.memory_space<hbm>>
        tpu.enqueue_dma source(%dma_start3A_135 : memref<16x128xi32, #tpu.memory_space<hbm>>) target(%dma_start3A_132 : memref<16x128xi32, #tpu.memory_space<vmem>>) target_semaphore(%run_scoped3A_122 : memref<!tpu.dma_semaphore, #tpu.memory_space<semaphore_mem>>)
        %dma_wait3A = arith.constant 0 : i32
        %dma_wait3A_136 = arith.constant 0 : i32
        %dma_wait3A_137 = tpu.memref_slice %arg8[%run_scoped3A_115, %dma_wait3A, %dma_wait3A_136] : memref<2x16x128xi32, #tpu.memory_space<vmem>> -> memref<1x16x128xi32, #tpu.memory_space<vmem>>
        %dma_wait3A_138 = tpu.memref_squeeze %dma_wait3A_137 : memref<1x16x128xi32, #tpu.memory_space<vmem>> -> memref<16x128xi32, #tpu.memory_space<vmem>>
        %dma_wait3A_139 = arith.constant 0 : i32
        %dma_wait3A_140 = tpu.memref_slice %arg5[%run_scoped3A_114, %add3A_112, %dma_wait3A_139] : memref<3x2560x128xi32, #tpu.memory_space<hbm>> -> memref<1x16x128xi32, #tpu.memory_space<hbm>>
        %dma_wait3A_141 = tpu.memref_squeeze %dma_wait3A_140 : memref<1x16x128xi32, #tpu.memory_space<hbm>> -> memref<16x128xi32, #tpu.memory_space<hbm>>
        %dma_wait3A_142 = arith.constant 0 : i32
        %dma_wait3A_143 = arith.constant 0 : i32
        %dma_wait3A_144 = tpu.memref_slice %arg8[%run_scoped3A_115, %dma_wait3A_142, %dma_wait3A_143] : memref<2x16x128xi32, #tpu.memory_space<vmem>> -> memref<1x16x128xi32, #tpu.memory_space<vmem>>
        %dma_wait3A_145 = tpu.memref_squeeze %dma_wait3A_144 : memref<1x16x128xi32, #tpu.memory_space<vmem>> -> memref<16x128xi32, #tpu.memory_space<vmem>>
        %dma_wait3A_146 = arith.constant 0 : i32
        %dma_wait3A_147 = tpu.memref_slice %arg5[%run_scoped3A_114, %add3A_112, %dma_wait3A_146] : memref<3x2560x128xi32, #tpu.memory_space<hbm>> -> memref<1x16x128xi32, #tpu.memory_space<hbm>>
        %dma_wait3A_148 = tpu.memref_squeeze %dma_wait3A_147 : memref<1x16x128xi32, #tpu.memory_space<hbm>> -> memref<16x128xi32, #tpu.memory_space<hbm>>
        tpu.wait_dma2 semaphore(%run_scoped3A_122 : memref<!tpu.dma_semaphore, #tpu.memory_space<semaphore_mem>>) src(%dma_wait3A_148 : memref<16x128xi32, #tpu.memory_space<hbm>>) dst(%dma_wait3A_145 : memref<16x128xi32, #tpu.memory_space<vmem>>)
        tpu.yield
      }) : () -> ()
      %scan3A_116 = arith.constant 0 : i32
      %scan3A_117 = arith.constant 0 : i32
      %scan3A_118 = arith.constant 10 : i32
      %scan3A_119 = arith.addi %scan3A_117, %scan3A_118 : i32
      %scan3A_120 = arith.constant 1 : i32
      scf.for %scan3A_122 = %scan3A_117 to %scan3A_119 step %scan3A_120  : i32 {
        %mul3A_123 = arith.constant 1 : i32
        %mul3A_124 = arith.muli %scan3A_122, %mul3A_123 : i32
        %add3A_125 = arith.constant 0 : i32
        %add3A_126 = arith.addi %add3A_125, %mul3A_124 : i32
        %and3A = arith.constant 1 : i32
        %and3A_127 = arith.andi %add3A_126, %and3A : i32
        %add3A_128 = arith.constant 1 : i32
        %add3A_129 = arith.addi %add3A_126, %add3A_128 : i32
        %lt3A = arith.constant 10 : i32
        %lt3A_130 = arith.cmpi slt, %add3A_129, %lt3A : i32
        %convert_element_type3A_131 = arith.extui %lt3A_130 : i1 to i32
        %cond3A_132 = arith.constant 0 : i32
        %cond3A_133 = arith.cmpi ne, %convert_element_type3A_131, %cond3A_132 : i32
        scf.if %cond3A_133 {
          %add3A_156 = arith.constant 1 : i32
          %add3A_157 = arith.addi %add3A_126, %add3A_156 : i32
          %sub3A = arith.constant 1 : i32
          %sub3A_158 = arith.subi %sub3A, %and3A_127 : i32
          %mul3A_159 = arith.constant 16 : i32
          %mul3A_160 = arith.muli %add3A_157, %mul3A_159 : i32
          %add3A_161 = arith.addi %mul3A_1, %mul3A_160 : i32
          %dma_start3A_162 = arith.constant 0 : i32
          %dma_start3A_163 = arith.constant 0 : i32
          %dma_start3A_164 = arith.constant 0 : i32
          %dma_start3A_165 = tpu.memref_slice %arg7[%sub3A_158, %dma_start3A_163, %dma_start3A_164] : memref<2x16x128xi32, #tpu.memory_space<vmem>> -> memref<1x16x128xi32, #tpu.memory_space<vmem>>
          %dma_start3A_166 = tpu.memref_squeeze %dma_start3A_165 : memref<1x16x128xi32, #tpu.memory_space<vmem>> -> memref<16x128xi32, #tpu.memory_space<vmem>>
          %dma_start3A_167 = arith.constant 0 : i32
          %dma_start3A_168 = tpu.memref_slice %arg4[%dma_start3A_162, %add3A_161, %dma_start3A_167] : memref<3x2560x128xi32, #tpu.memory_space<hbm>> -> memref<1x16x128xi32, #tpu.memory_space<hbm>>
          %dma_start3A_169 = tpu.memref_squeeze %dma_start3A_168 : memref<1x16x128xi32, #tpu.memory_space<hbm>> -> memref<16x128xi32, #tpu.memory_space<hbm>>
          %dma_start3A_170 = arith.constant 0 : i32
          %dma_start3A_171 = arith.constant 0 : i32
          %dma_start3A_172 = tpu.memref_slice %arg7[%sub3A_158, %dma_start3A_170, %dma_start3A_171] : memref<2x16x128xi32, #tpu.memory_space<vmem>> -> memref<1x16x128xi32, #tpu.memory_space<vmem>>
          %dma_start3A_173 = tpu.memref_squeeze %dma_start3A_172 : memref<1x16x128xi32, #tpu.memory_space<vmem>> -> memref<16x128xi32, #tpu.memory_space<vmem>>
          %dma_start3A_174 = arith.constant 0 : i32
          %dma_start3A_175 = tpu.memref_slice %arg4[%dma_start3A_162, %add3A_161, %dma_start3A_174] : memref<3x2560x128xi32, #tpu.memory_space<hbm>> -> memref<1x16x128xi32, #tpu.memory_space<hbm>>
          %dma_start3A_176 = tpu.memref_squeeze %dma_start3A_175 : memref<1x16x128xi32, #tpu.memory_space<hbm>> -> memref<16x128xi32, #tpu.memory_space<hbm>>
          tpu.enqueue_dma source(%dma_start3A_176 : memref<16x128xi32, #tpu.memory_space<hbm>>) target(%dma_start3A_173 : memref<16x128xi32, #tpu.memory_space<vmem>>) target_semaphore(%arg15 : memref<!tpu.dma_semaphore, #tpu.memory_space<semaphore_mem>>)
          %dma_start3A_177 = arith.constant 0 : i32
          %dma_start3A_178 = arith.constant 0 : i32
          %dma_start3A_179 = arith.constant 0 : i32
          %dma_start3A_180 = tpu.memref_slice %arg8[%sub3A_158, %dma_start3A_178, %dma_start3A_179] : memref<2x16x128xi32, #tpu.memory_space<vmem>> -> memref<1x16x128xi32, #tpu.memory_space<vmem>>
          %dma_start3A_181 = tpu.memref_squeeze %dma_start3A_180 : memref<1x16x128xi32, #tpu.memory_space<vmem>> -> memref<16x128xi32, #tpu.memory_space<vmem>>
          %dma_start3A_182 = arith.constant 0 : i32
          %dma_start3A_183 = tpu.memref_slice %arg5[%dma_start3A_177, %add3A_161, %dma_start3A_182] : memref<3x2560x128xi32, #tpu.memory_space<hbm>> -> memref<1x16x128xi32, #tpu.memory_space<hbm>>
          %dma_start3A_184 = tpu.memref_squeeze %dma_start3A_183 : memref<1x16x128xi32, #tpu.memory_space<hbm>> -> memref<16x128xi32, #tpu.memory_space<hbm>>
          %dma_start3A_185 = arith.constant 0 : i32
          %dma_start3A_186 = arith.constant 0 : i32
          %dma_start3A_187 = tpu.memref_slice %arg8[%sub3A_158, %dma_start3A_185, %dma_start3A_186] : memref<2x16x128xi32, #tpu.memory_space<vmem>> -> memref<1x16x128xi32, #tpu.memory_space<vmem>>
          %dma_start3A_188 = tpu.memref_squeeze %dma_start3A_187 : memref<1x16x128xi32, #tpu.memory_space<vmem>> -> memref<16x128xi32, #tpu.memory_space<vmem>>
          %dma_start3A_189 = arith.constant 0 : i32
          %dma_start3A_190 = tpu.memref_slice %arg5[%dma_start3A_177, %add3A_161, %dma_start3A_189] : memref<3x2560x128xi32, #tpu.memory_space<hbm>> -> memref<1x16x128xi32, #tpu.memory_space<hbm>>
          %dma_start3A_191 = tpu.memref_squeeze %dma_start3A_190 : memref<1x16x128xi32, #tpu.memory_space<hbm>> -> memref<16x128xi32, #tpu.memory_space<hbm>>
          tpu.enqueue_dma source(%dma_start3A_191 : memref<16x128xi32, #tpu.memory_space<hbm>>) target(%dma_start3A_188 : memref<16x128xi32, #tpu.memory_space<vmem>>) target_semaphore(%arg15 : memref<!tpu.dma_semaphore, #tpu.memory_space<semaphore_mem>>)
        } else {
        }
        %dma_start3A = arith.constant 0 : i32
        %dma_start3A_134 = arith.constant 0 : i32
        %dma_start3A_135 = tpu.memref_slice %arg7[%and3A_127, %dma_start3A, %dma_start3A_134] : memref<2x16x128xi32, #tpu.memory_space<vmem>> -> memref<1x1x128xi32, #tpu.memory_space<vmem>>
        %dma_start3A_136 = tpu.memref_squeeze %dma_start3A_135 : memref<1x1x128xi32, #tpu.memory_space<vmem>> -> memref<128xi32, #tpu.memory_space<vmem>>
        %dma_start3A_137 = arith.constant 0 : i32
        %dma_start3A_138 = arith.constant 0 : i32
        %dma_start3A_139 = tpu.memref_slice %arg2[%scan3A_116, %dma_start3A_137, %dma_start3A_138] : memref<3x10240x64xf32, #tpu.memory_space<hbm>> -> memref<1x10240x64xf32, #tpu.memory_space<hbm>>
        %dma_start3A_140 = tpu.memref_squeeze %dma_start3A_139 : memref<1x10240x64xf32, #tpu.memory_space<hbm>> -> memref<10240x64xf32, #tpu.memory_space<hbm>>
        %dma_start3A_141 = arith.constant 0 : i32
        %dma_start3A_142 = arith.constant 0 : i32
        %dma_start3A_143 = tpu.memref_slice %dma_start3A_140[%dma_start3A_141, %dma_start3A_142] : memref<10240x64xf32, #tpu.memory_space<hbm>> -> memref<10240x64xf32, #tpu.memory_space<hbm>>
        tpu.enqueue_indirect_dma source(%dma_start3A_143 : memref<10240x64xf32, #tpu.memory_space<hbm>>) target(%arg9 : memref<128x64xf32, #tpu.memory_space<vmem>>) offsets(%dma_start3A_136 : memref<128xi32, #tpu.memory_space<vmem>>) semaphore(%arg13 : memref<!tpu.dma_semaphore, #tpu.memory_space<semaphore_mem>>)
        %scan3A_144 = arith.constant 0 : i32
        %scan3A_145 = arith.constant 8 : i32
        %scan3A_146 = arith.addi %scan3A_144, %scan3A_145 : i32
        %scan3A_147 = arith.constant 1 : i32
        scf.for %scan3A_156 = %scan3A_144 to %scan3A_146 step %scan3A_147  : i32 {
          %mul3A_157 = arith.constant 1 : i32
          %mul3A_158 = arith.muli %scan3A_156, %mul3A_157 : i32
          %add3A_159 = arith.constant 0 : i32
          %add3A_160 = arith.addi %add3A_159, %mul3A_158 : i32
          %mul3A_161 = arith.constant 2 : i32
          %mul3A_162 = arith.muli %mul3A_161, %add3A_160 : i32
          %add3A_163 = arith.constant 1 : i32
          %add3A_164 = arith.addi %mul3A_162, %add3A_163 : i32
          %dma_start3A_165 = arith.constant 0 : i32
          %dma_start3A_166 = tpu.memref_slice %arg7[%and3A_127, %add3A_164, %dma_start3A_165] : memref<2x16x128xi32, #tpu.memory_space<vmem>> -> memref<1x1x128xi32, #tpu.memory_space<vmem>>
          %dma_start3A_167 = tpu.memref_squeeze %dma_start3A_166 : memref<1x1x128xi32, #tpu.memory_space<vmem>> -> memref<128xi32, #tpu.memory_space<vmem>>
          %dma_start3A_168 = arith.constant 0 : i32
          %dma_start3A_169 = arith.constant 0 : i32
          %dma_start3A_170 = tpu.memref_slice %arg2[%scan3A_116, %dma_start3A_168, %dma_start3A_169] : memref<3x10240x64xf32, #tpu.memory_space<hbm>> -> memref<1x10240x64xf32, #tpu.memory_space<hbm>>
          %dma_start3A_171 = tpu.memref_squeeze %dma_start3A_170 : memref<1x10240x64xf32, #tpu.memory_space<hbm>> -> memref<10240x64xf32, #tpu.memory_space<hbm>>
          %dma_start3A_172 = arith.constant 0 : i32
          %dma_start3A_173 = arith.constant 0 : i32
          %dma_start3A_174 = tpu.memref_slice %dma_start3A_171[%dma_start3A_172, %dma_start3A_173] : memref<10240x64xf32, #tpu.memory_space<hbm>> -> memref<10240x64xf32, #tpu.memory_space<hbm>>
          tpu.enqueue_indirect_dma source(%dma_start3A_174 : memref<10240x64xf32, #tpu.memory_space<hbm>>) target(%arg10 : memref<128x64xf32, #tpu.memory_space<vmem>>) offsets(%dma_start3A_167 : memref<128xi32, #tpu.memory_space<vmem>>) semaphore(%arg14 : memref<!tpu.dma_semaphore, #tpu.memory_space<semaphore_mem>>)
          %dma_wait3A = arith.constant 0 : i32
          %dma_wait3A_175 = arith.constant 0 : i32
          %dma_wait3A_176 = arith.constant 0 : i32
          %dma_wait3A_177 = tpu.memref_slice %arg7[%dma_wait3A, %dma_wait3A_175, %dma_wait3A_176] : memref<2x16x128xi32, #tpu.memory_space<vmem>> -> memref<1x1x128xi32, #tpu.memory_space<vmem>>
          %dma_wait3A_178 = tpu.memref_squeeze %dma_wait3A_177 : memref<1x1x128xi32, #tpu.memory_space<vmem>> -> memref<128xi32, #tpu.memory_space<vmem>>
          %dma_wait3A_179 = arith.constant 0 : i32
          %dma_wait3A_180 = arith.constant 0 : i32
          %dma_wait3A_181 = tpu.memref_slice %arg2[%scan3A_116, %dma_wait3A_179, %dma_wait3A_180] : memref<3x10240x64xf32, #tpu.memory_space<hbm>> -> memref<1x10240x64xf32, #tpu.memory_space<hbm>>
          %dma_wait3A_182 = tpu.memref_squeeze %dma_wait3A_181 : memref<1x10240x64xf32, #tpu.memory_space<hbm>> -> memref<10240x64xf32, #tpu.memory_space<hbm>>
          %dma_wait3A_183 = arith.constant 0 : i32
          %dma_wait3A_184 = arith.constant 0 : i32
          %dma_wait3A_185 = tpu.memref_slice %dma_wait3A_182[%dma_wait3A_183, %dma_wait3A_184] : memref<10240x64xf32, #tpu.memory_space<hbm>> -> memref<10240x64xf32, #tpu.memory_space<hbm>>
          tpu.wait_indirect_dma semaphore(%arg13 : memref<!tpu.dma_semaphore, #tpu.memory_space<semaphore_mem>>) src(%dma_wait3A_185 : memref<10240x64xf32, #tpu.memory_space<hbm>>) dst(%arg9 : memref<128x64xf32, #tpu.memory_space<vmem>>)
          "tpu.region"() ({
            %run_scoped3A_207 = tpu.sem_alloc : memref<!tpu.dma_semaphore, #tpu.memory_space<semaphore_mem>>
            %dma_start3A_208 = arith.constant 0 : i32
            %dma_start3A_209 = tpu.memref_slice %arg8[%and3A_127, %mul3A_162, %dma_start3A_208] : memref<2x16x128xi32, #tpu.memory_space<vmem>> -> memref<1x1x128xi32, #tpu.memory_space<vmem>>
            %dma_start3A_210 = tpu.memref_squeeze %dma_start3A_209 : memref<1x1x128xi32, #tpu.memory_space<vmem>> -> memref<128xi32, #tpu.memory_space<vmem>>
            %dma_start3A_211 = arith.constant 0 : i32
            %dma_start3A_212 = arith.constant 0 : i32
            %dma_start3A_213 = tpu.memref_slice %arg12[%dma_start3A_211, %dma_start3A_212] : memref<10240x64xf32, #tpu.memory_space<vmem_shared>> -> memref<10240x64xf32, #tpu.memory_space<vmem_shared>>
            tpu.enqueue_indirect_dma source(%arg9 : memref<128x64xf32, #tpu.memory_space<vmem>>) target(%dma_start3A_213 : memref<10240x64xf32, #tpu.memory_space<vmem_shared>>) offsets(%dma_start3A_210 : memref<128xi32, #tpu.memory_space<vmem>>) semaphore(%run_scoped3A_207 : memref<!tpu.dma_semaphore, #tpu.memory_space<semaphore_mem>>) {add = true}
            %dma_wait3A_214 = arith.constant 0 : i32
            %dma_wait3A_215 = tpu.memref_slice %arg8[%and3A_127, %mul3A_162, %dma_wait3A_214] : memref<2x16x128xi32, #tpu.memory_space<vmem>> -> memref<1x1x128xi32, #tpu.memory_space<vmem>>
            %dma_wait3A_216 = tpu.memref_squeeze %dma_wait3A_215 : memref<1x1x128xi32, #tpu.memory_space<vmem>> -> memref<128xi32, #tpu.memory_space<vmem>>
            %dma_wait3A_217 = arith.constant 0 : i32
            %dma_wait3A_218 = arith.constant 0 : i32
            %dma_wait3A_219 = tpu.memref_slice %arg12[%dma_wait3A_217, %dma_wait3A_218] : memref<10240x64xf32, #tpu.memory_space<vmem_shared>> -> memref<10240x64xf32, #tpu.memory_space<vmem_shared>>
            tpu.wait_indirect_dma semaphore(%run_scoped3A_207 : memref<!tpu.dma_semaphore, #tpu.memory_space<semaphore_mem>>) src(%arg9 : memref<128x64xf32, #tpu.memory_space<vmem>>) dst(%dma_wait3A_219 : memref<10240x64xf32, #tpu.memory_space<vmem_shared>>)
            tpu.yield
          }) : () -> ()
          %add3A_186 = arith.constant 2 : i32
          %add3A_187 = arith.addi %mul3A_162, %add3A_186 : i32
          %lt3A_188 = arith.constant 16 : i32
          %lt3A_189 = arith.cmpi slt, %add3A_187, %lt3A_188 : i32
          %convert_element_type3A_190 = arith.extui %lt3A_189 : i1 to i32
          %cond3A_191 = arith.constant 0 : i32
          %cond3A_192 = arith.cmpi ne, %convert_element_type3A_190, %cond3A_191 : i32
          scf.if %cond3A_192 {
            %add3A_207 = arith.constant 2 : i32
            %add3A_208 = arith.addi %mul3A_162, %add3A_207 : i32
            %dma_start3A_209 = arith.constant 0 : i32
            %dma_start3A_210 = tpu.memref_slice %arg7[%and3A_127, %add3A_208, %dma_start3A_209] : memref<2x16x128xi32, #tpu.memory_space<vmem>> -> memref<1x1x128xi32, #tpu.memory_space<vmem>>
            %dma_start3A_211 = tpu.memref_squeeze %dma_start3A_210 : memref<1x1x128xi32, #tpu.memory_space<vmem>> -> memref<128xi32, #tpu.memory_space<vmem>>
            %dma_start3A_212 = arith.constant 0 : i32
            %dma_start3A_213 = arith.constant 0 : i32
            %dma_start3A_214 = tpu.memref_slice %arg2[%scan3A_116, %dma_start3A_212, %dma_start3A_213] : memref<3x10240x64xf32, #tpu.memory_space<hbm>> -> memref<1x10240x64xf32, #tpu.memory_space<hbm>>
            %dma_start3A_215 = tpu.memref_squeeze %dma_start3A_214 : memref<1x10240x64xf32, #tpu.memory_space<hbm>> -> memref<10240x64xf32, #tpu.memory_space<hbm>>
            %dma_start3A_216 = arith.constant 0 : i32
            %dma_start3A_217 = arith.constant 0 : i32
            %dma_start3A_218 = tpu.memref_slice %dma_start3A_215[%dma_start3A_216, %dma_start3A_217] : memref<10240x64xf32, #tpu.memory_space<hbm>> -> memref<10240x64xf32, #tpu.memory_space<hbm>>
            tpu.enqueue_indirect_dma source(%dma_start3A_218 : memref<10240x64xf32, #tpu.memory_space<hbm>>) target(%arg9 : memref<128x64xf32, #tpu.memory_space<vmem>>) offsets(%dma_start3A_211 : memref<128xi32, #tpu.memory_space<vmem>>) semaphore(%arg13 : memref<!tpu.dma_semaphore, #tpu.memory_space<semaphore_mem>>)
          } else {
          }
          %dma_wait3A_193 = arith.constant 0 : i32
          %dma_wait3A_194 = arith.constant 0 : i32
          %dma_wait3A_195 = arith.constant 0 : i32
          %dma_wait3A_196 = tpu.memref_slice %arg7[%dma_wait3A_193, %dma_wait3A_194, %dma_wait3A_195] : memref<2x16x128xi32, #tpu.memory_space<vmem>> -> memref<1x1x128xi32, #tpu.memory_space<vmem>>
          %dma_wait3A_197 = tpu.memref_squeeze %dma_wait3A_196 : memref<1x1x128xi32, #tpu.memory_space<vmem>> -> memref<128xi32, #tpu.memory_space<vmem>>
          %dma_wait3A_198 = arith.constant 0 : i32
          %dma_wait3A_199 = arith.constant 0 : i32
          %dma_wait3A_200 = tpu.memref_slice %arg2[%scan3A_116, %dma_wait3A_198, %dma_wait3A_199] : memref<3x10240x64xf32, #tpu.memory_space<hbm>> -> memref<1x10240x64xf32, #tpu.memory_space<hbm>>
          %dma_wait3A_201 = tpu.memref_squeeze %dma_wait3A_200 : memref<1x10240x64xf32, #tpu.memory_space<hbm>> -> memref<10240x64xf32, #tpu.memory_space<hbm>>
          %dma_wait3A_202 = arith.constant 0 : i32
          %dma_wait3A_203 = arith.constant 0 : i32
          %dma_wait3A_204 = tpu.memref_slice %dma_wait3A_201[%dma_wait3A_202, %dma_wait3A_203] : memref<10240x64xf32, #tpu.memory_space<hbm>> -> memref<10240x64xf32, #tpu.memory_space<hbm>>
          tpu.wait_indirect_dma semaphore(%arg14 : memref<!tpu.dma_semaphore, #tpu.memory_space<semaphore_mem>>) src(%dma_wait3A_204 : memref<10240x64xf32, #tpu.memory_space<hbm>>) dst(%arg10 : memref<128x64xf32, #tpu.memory_space<vmem>>)
          %add3A_205 = arith.constant 1 : i32
          %add3A_206 = arith.addi %mul3A_162, %add3A_205 : i32
          "tpu.region"() ({
            %run_scoped3A_207 = tpu.sem_alloc : memref<!tpu.dma_semaphore, #tpu.memory_space<semaphore_mem>>
            %dma_start3A_208 = arith.constant 0 : i32
            %dma_start3A_209 = tpu.memref_slice %arg8[%and3A_127, %add3A_206, %dma_start3A_208] : memref<2x16x128xi32, #tpu.memory_space<vmem>> -> memref<1x1x128xi32, #tpu.memory_space<vmem>>
            %dma_start3A_210 = tpu.memref_squeeze %dma_start3A_209 : memref<1x1x128xi32, #tpu.memory_space<vmem>> -> memref<128xi32, #tpu.memory_space<vmem>>
            %dma_start3A_211 = arith.constant 0 : i32
            %dma_start3A_212 = arith.constant 0 : i32
            %dma_start3A_213 = tpu.memref_slice %arg12[%dma_start3A_211, %dma_start3A_212] : memref<10240x64xf32, #tpu.memory_space<vmem_shared>> -> memref<10240x64xf32, #tpu.memory_space<vmem_shared>>
            tpu.enqueue_indirect_dma source(%arg10 : memref<128x64xf32, #tpu.memory_space<vmem>>) target(%dma_start3A_213 : memref<10240x64xf32, #tpu.memory_space<vmem_shared>>) offsets(%dma_start3A_210 : memref<128xi32, #tpu.memory_space<vmem>>) semaphore(%run_scoped3A_207 : memref<!tpu.dma_semaphore, #tpu.memory_space<semaphore_mem>>) {add = true}
            %dma_wait3A_214 = arith.constant 0 : i32
            %dma_wait3A_215 = tpu.memref_slice %arg8[%and3A_127, %add3A_206, %dma_wait3A_214] : memref<2x16x128xi32, #tpu.memory_space<vmem>> -> memref<1x1x128xi32, #tpu.memory_space<vmem>>
            %dma_wait3A_216 = tpu.memref_squeeze %dma_wait3A_215 : memref<1x1x128xi32, #tpu.memory_space<vmem>> -> memref<128xi32, #tpu.memory_space<vmem>>
            %dma_wait3A_217 = arith.constant 0 : i32
            %dma_wait3A_218 = arith.constant 0 : i32
            %dma_wait3A_219 = tpu.memref_slice %arg12[%dma_wait3A_217, %dma_wait3A_218] : memref<10240x64xf32, #tpu.memory_space<vmem_shared>> -> memref<10240x64xf32, #tpu.memory_space<vmem_shared>>
            tpu.wait_indirect_dma semaphore(%run_scoped3A_207 : memref<!tpu.dma_semaphore, #tpu.memory_space<semaphore_mem>>) src(%arg10 : memref<128x64xf32, #tpu.memory_space<vmem>>) dst(%dma_wait3A_219 : memref<10240x64xf32, #tpu.memory_space<vmem_shared>>)
            tpu.yield
          }) : () -> ()
        }
        %scan3A_148 = arith.constant 8 : i32
        %add3A_149 = arith.constant 1 : i32
        %add3A_150 = arith.addi %add3A_126, %add3A_149 : i32
        %lt3A_151 = arith.constant 10 : i32
        %lt3A_152 = arith.cmpi slt, %add3A_150, %lt3A_151 : i32
        %convert_element_type3A_153 = arith.extui %lt3A_152 : i1 to i32
        %cond3A_154 = arith.constant 0 : i32
        %cond3A_155 = arith.cmpi ne, %convert_element_type3A_153, %cond3A_154 : i32
        scf.if %cond3A_155 {
          %sub3A = arith.constant 1 : i32
          %sub3A_156 = arith.subi %sub3A, %and3A_127 : i32
          %dma_wait3A = arith.constant 0 : i32
          %dma_wait3A_157 = arith.constant 0 : i32
          %dma_wait3A_158 = arith.constant 0 : i32
          %dma_wait3A_159 = tpu.memref_slice %arg7[%sub3A_156, %dma_wait3A_157, %dma_wait3A_158] : memref<2x16x128xi32, #tpu.memory_space<vmem>> -> memref<1x16x128xi32, #tpu.memory_space<vmem>>
          %dma_wait3A_160 = tpu.memref_squeeze %dma_wait3A_159 : memref<1x16x128xi32, #tpu.memory_space<vmem>> -> memref<16x128xi32, #tpu.memory_space<vmem>>
          %dma_wait3A_161 = arith.constant 0 : i32
          %dma_wait3A_162 = arith.constant 0 : i32
          %dma_wait3A_163 = tpu.memref_slice %arg4[%dma_wait3A, %dma_wait3A_161, %dma_wait3A_162] : memref<3x2560x128xi32, #tpu.memory_space<hbm>> -> memref<1x16x128xi32, #tpu.memory_space<hbm>>
          %dma_wait3A_164 = tpu.memref_squeeze %dma_wait3A_163 : memref<1x16x128xi32, #tpu.memory_space<hbm>> -> memref<16x128xi32, #tpu.memory_space<hbm>>
          %dma_wait3A_165 = arith.constant 0 : i32
          %dma_wait3A_166 = arith.constant 0 : i32
          %dma_wait3A_167 = tpu.memref_slice %arg7[%sub3A_156, %dma_wait3A_165, %dma_wait3A_166] : memref<2x16x128xi32, #tpu.memory_space<vmem>> -> memref<1x16x128xi32, #tpu.memory_space<vmem>>
          %dma_wait3A_168 = tpu.memref_squeeze %dma_wait3A_167 : memref<1x16x128xi32, #tpu.memory_space<vmem>> -> memref<16x128xi32, #tpu.memory_space<vmem>>
          %dma_wait3A_169 = arith.constant 0 : i32
          %dma_wait3A_170 = arith.constant 0 : i32
          %dma_wait3A_171 = tpu.memref_slice %arg4[%dma_wait3A, %dma_wait3A_169, %dma_wait3A_170] : memref<3x2560x128xi32, #tpu.memory_space<hbm>> -> memref<1x16x128xi32, #tpu.memory_space<hbm>>
          %dma_wait3A_172 = tpu.memref_squeeze %dma_wait3A_171 : memref<1x16x128xi32, #tpu.memory_space<hbm>> -> memref<16x128xi32, #tpu.memory_space<hbm>>
          tpu.wait_dma2 semaphore(%arg15 : memref<!tpu.dma_semaphore, #tpu.memory_space<semaphore_mem>>) src(%dma_wait3A_172 : memref<16x128xi32, #tpu.memory_space<hbm>>) dst(%dma_wait3A_168 : memref<16x128xi32, #tpu.memory_space<vmem>>)
          %dma_wait3A_173 = arith.constant 0 : i32
          %dma_wait3A_174 = arith.constant 0 : i32
          %dma_wait3A_175 = arith.constant 0 : i32
          %dma_wait3A_176 = tpu.memref_slice %arg8[%sub3A_156, %dma_wait3A_174, %dma_wait3A_175] : memref<2x16x128xi32, #tpu.memory_space<vmem>> -> memref<1x16x128xi32, #tpu.memory_space<vmem>>
          %dma_wait3A_177 = tpu.memref_squeeze %dma_wait3A_176 : memref<1x16x128xi32, #tpu.memory_space<vmem>> -> memref<16x128xi32, #tpu.memory_space<vmem>>
          %dma_wait3A_178 = arith.constant 0 : i32
          %dma_wait3A_179 = arith.constant 0 : i32
          %dma_wait3A_180 = tpu.memref_slice %arg5[%dma_wait3A_173, %dma_wait3A_178, %dma_wait3A_179] : memref<3x2560x128xi32, #tpu.memory_space<hbm>> -> memref<1x16x128xi32, #tpu.memory_space<hbm>>
          %dma_wait3A_181 = tpu.memref_squeeze %dma_wait3A_180 : memref<1x16x128xi32, #tpu.memory_space<hbm>> -> memref<16x128xi32, #tpu.memory_space<hbm>>
          %dma_wait3A_182 = arith.constant 0 : i32
          %dma_wait3A_183 = arith.constant 0 : i32
          %dma_wait3A_184 = tpu.memref_slice %arg8[%sub3A_156, %dma_wait3A_182, %dma_wait3A_183] : memref<2x16x128xi32, #tpu.memory_space<vmem>> -> memref<1x16x128xi32, #tpu.memory_space<vmem>>
          %dma_wait3A_185 = tpu.memref_squeeze %dma_wait3A_184 : memref<1x16x128xi32, #tpu.memory_space<vmem>> -> memref<16x128xi32, #tpu.memory_space<vmem>>
          %dma_wait3A_186 = arith.constant 0 : i32
          %dma_wait3A_187 = arith.constant 0 : i32
          %dma_wait3A_188 = tpu.memref_slice %arg5[%dma_wait3A_173, %dma_wait3A_186, %dma_wait3A_187] : memref<3x2560x128xi32, #tpu.memory_space<hbm>> -> memref<1x16x128xi32, #tpu.memory_space<hbm>>
          %dma_wait3A_189 = tpu.memref_squeeze %dma_wait3A_188 : memref<1x16x128xi32, #tpu.memory_space<hbm>> -> memref<16x128xi32, #tpu.memory_space<hbm>>
          tpu.wait_dma2 semaphore(%arg15 : memref<!tpu.dma_semaphore, #tpu.memory_space<semaphore_mem>>) src(%dma_wait3A_189 : memref<16x128xi32, #tpu.memory_space<hbm>>) dst(%dma_wait3A_185 : memref<16x128xi32, #tpu.memory_space<vmem>>)
        } else {
        }
      }
      %scan3A_121 = arith.constant 10 : i32
    } else {
    }
    %eq3A_19 = arith.constant 1 : i32
    %eq3A_20 = arith.cmpi eq, %arg0, %eq3A_19 : i32
    %convert_element_type3A_21 = arith.extui %eq3A_20 : i1 to i32
    %cond3A_22 = arith.constant 0 : i32
    %cond3A_23 = arith.cmpi ne, %convert_element_type3A_21, %cond3A_22 : i32
    scf.if %cond3A_23 {
      %add3A = arith.constant 0 : i32
      %add3A_112 = arith.addi %mul3A_1, %add3A : i32
      %run_scoped3A = arith.constant 0 : i32
      %run_scoped3A_113 = arith.constant 0 : i32
      "tpu.region"() ({
        %run_scoped3A_121 = tpu.sem_alloc : memref<!tpu.dma_semaphore, #tpu.memory_space<semaphore_mem>>
        %dma_start3A = arith.constant 0 : i32
        %dma_start3A_122 = arith.constant 0 : i32
        %dma_start3A_123 = tpu.memref_slice %arg7[%run_scoped3A_113, %dma_start3A, %dma_start3A_122] : memref<2x16x128xi32, #tpu.memory_space<vmem>> -> memref<1x16x128xi32, #tpu.memory_space<vmem>>
        %dma_start3A_124 = tpu.memref_squeeze %dma_start3A_123 : memref<1x16x128xi32, #tpu.memory_space<vmem>> -> memref<16x128xi32, #tpu.memory_space<vmem>>
        %dma_start3A_125 = arith.constant 0 : i32
        %dma_start3A_126 = tpu.memref_slice %arg4[%run_scoped3A, %add3A_112, %dma_start3A_125] : memref<3x2560x128xi32, #tpu.memory_space<hbm>> -> memref<1x16x128xi32, #tpu.memory_space<hbm>>
        %dma_start3A_127 = tpu.memref_squeeze %dma_start3A_126 : memref<1x16x128xi32, #tpu.memory_space<hbm>> -> memref<16x128xi32, #tpu.memory_space<hbm>>
        %dma_start3A_128 = arith.constant 0 : i32
        %dma_start3A_129 = arith.constant 0 : i32
        %dma_start3A_130 = tpu.memref_slice %arg7[%run_scoped3A_113, %dma_start3A_128, %dma_start3A_129] : memref<2x16x128xi32, #tpu.memory_space<vmem>> -> memref<1x16x128xi32, #tpu.memory_space<vmem>>
        %dma_start3A_131 = tpu.memref_squeeze %dma_start3A_130 : memref<1x16x128xi32, #tpu.memory_space<vmem>> -> memref<16x128xi32, #tpu.memory_space<vmem>>
        %dma_start3A_132 = arith.constant 0 : i32
        %dma_start3A_133 = tpu.memref_slice %arg4[%run_scoped3A, %add3A_112, %dma_start3A_132] : memref<3x2560x128xi32, #tpu.memory_space<hbm>> -> memref<1x16x128xi32, #tpu.memory_space<hbm>>
        %dma_start3A_134 = tpu.memref_squeeze %dma_start3A_133 : memref<1x16x128xi32, #tpu.memory_space<hbm>> -> memref<16x128xi32, #tpu.memory_space<hbm>>
        tpu.enqueue_dma source(%dma_start3A_134 : memref<16x128xi32, #tpu.memory_space<hbm>>) target(%dma_start3A_131 : memref<16x128xi32, #tpu.memory_space<vmem>>) target_semaphore(%run_scoped3A_121 : memref<!tpu.dma_semaphore, #tpu.memory_space<semaphore_mem>>)
        %dma_wait3A = arith.constant 0 : i32
        %dma_wait3A_135 = arith.constant 0 : i32
        %dma_wait3A_136 = tpu.memref_slice %arg7[%run_scoped3A_113, %dma_wait3A, %dma_wait3A_135] : memref<2x16x128xi32, #tpu.memory_space<vmem>> -> memref<1x16x128xi32, #tpu.memory_space<vmem>>
        %dma_wait3A_137 = tpu.memref_squeeze %dma_wait3A_136 : memref<1x16x128xi32, #tpu.memory_space<vmem>> -> memref<16x128xi32, #tpu.memory_space<vmem>>
        %dma_wait3A_138 = arith.constant 0 : i32
        %dma_wait3A_139 = tpu.memref_slice %arg4[%run_scoped3A, %add3A_112, %dma_wait3A_138] : memref<3x2560x128xi32, #tpu.memory_space<hbm>> -> memref<1x16x128xi32, #tpu.memory_space<hbm>>
        %dma_wait3A_140 = tpu.memref_squeeze %dma_wait3A_139 : memref<1x16x128xi32, #tpu.memory_space<hbm>> -> memref<16x128xi32, #tpu.memory_space<hbm>>
        %dma_wait3A_141 = arith.constant 0 : i32
        %dma_wait3A_142 = arith.constant 0 : i32
        %dma_wait3A_143 = tpu.memref_slice %arg7[%run_scoped3A_113, %dma_wait3A_141, %dma_wait3A_142] : memref<2x16x128xi32, #tpu.memory_space<vmem>> -> memref<1x16x128xi32, #tpu.memory_space<vmem>>
        %dma_wait3A_144 = tpu.memref_squeeze %dma_wait3A_143 : memref<1x16x128xi32, #tpu.memory_space<vmem>> -> memref<16x128xi32, #tpu.memory_space<vmem>>
        %dma_wait3A_145 = arith.constant 0 : i32
        %dma_wait3A_146 = tpu.memref_slice %arg4[%run_scoped3A, %add3A_112, %dma_wait3A_145] : memref<3x2560x128xi32, #tpu.memory_space<hbm>> -> memref<1x16x128xi32, #tpu.memory_space<hbm>>
        %dma_wait3A_147 = tpu.memref_squeeze %dma_wait3A_146 : memref<1x16x128xi32, #tpu.memory_space<hbm>> -> memref<16x128xi32, #tpu.memory_space<hbm>>
        tpu.wait_dma2 semaphore(%run_scoped3A_121 : memref<!tpu.dma_semaphore, #tpu.memory_space<semaphore_mem>>) src(%dma_wait3A_147 : memref<16x128xi32, #tpu.memory_space<hbm>>) dst(%dma_wait3A_144 : memref<16x128xi32, #tpu.memory_space<vmem>>)
        tpu.yield
      }) : () -> ()
      %run_scoped3A_114 = arith.constant 0 : i32
      %run_scoped3A_115 = arith.constant 0 : i32
      "tpu.region"() ({
        %run_scoped3A_121 = tpu.sem_alloc : memref<!tpu.dma_semaphore, #tpu.memory_space<semaphore_mem>>
        %dma_start3A = arith.constant 0 : i32
        %dma_start3A_122 = arith.constant 0 : i32
        %dma_start3A_123 = tpu.memref_slice %arg8[%run_scoped3A_115, %dma_start3A, %dma_start3A_122] : memref<2x16x128xi32, #tpu.memory_space<vmem>> -> memref<1x16x128xi32, #tpu.memory_space<vmem>>
        %dma_start3A_124 = tpu.memref_squeeze %dma_start3A_123 : memref<1x16x128xi32, #tpu.memory_space<vmem>> -> memref<16x128xi32, #tpu.memory_space<vmem>>
        %dma_start3A_125 = arith.constant 0 : i32
        %dma_start3A_126 = tpu.memref_slice %arg5[%run_scoped3A_114, %add3A_112, %dma_start3A_125] : memref<3x2560x128xi32, #tpu.memory_space<hbm>> -> memref<1x16x128xi32, #tpu.memory_space<hbm>>
        %dma_start3A_127 = tpu.memref_squeeze %dma_start3A_126 : memref<1x16x128xi32, #tpu.memory_space<hbm>> -> memref<16x128xi32, #tpu.memory_space<hbm>>
        %dma_start3A_128 = arith.constant 0 : i32
        %dma_start3A_129 = arith.constant 0 : i32
        %dma_start3A_130 = tpu.memref_slice %arg8[%run_scoped3A_115, %dma_start3A_128, %dma_start3A_129] : memref<2x16x128xi32, #tpu.memory_space<vmem>> -> memref<1x16x128xi32, #tpu.memory_space<vmem>>
        %dma_start3A_131 = tpu.memref_squeeze %dma_start3A_130 : memref<1x16x128xi32, #tpu.memory_space<vmem>> -> memref<16x128xi32, #tpu.memory_space<vmem>>
        %dma_start3A_132 = arith.constant 0 : i32
        %dma_start3A_133 = tpu.memref_slice %arg5[%run_scoped3A_114, %add3A_112, %dma_start3A_132] : memref<3x2560x128xi32, #tpu.memory_space<hbm>> -> memref<1x16x128xi32, #tpu.memory_space<hbm>>
        %dma_start3A_134 = tpu.memref_squeeze %dma_start3A_133 : memref<1x16x128xi32, #tpu.memory_space<hbm>> -> memref<16x128xi32, #tpu.memory_space<hbm>>
        tpu.enqueue_dma source(%dma_start3A_134 : memref<16x128xi32, #tpu.memory_space<hbm>>) target(%dma_start3A_131 : memref<16x128xi32, #tpu.memory_space<vmem>>) target_semaphore(%run_scoped3A_121 : memref<!tpu.dma_semaphore, #tpu.memory_space<semaphore_mem>>)
        %dma_wait3A = arith.constant 0 : i32
        %dma_wait3A_135 = arith.constant 0 : i32
        %dma_wait3A_136 = tpu.memref_slice %arg8[%run_scoped3A_115, %dma_wait3A, %dma_wait3A_135] : memref<2x16x128xi32, #tpu.memory_space<vmem>> -> memref<1x16x128xi32, #tpu.memory_space<vmem>>
        %dma_wait3A_137 = tpu.memref_squeeze %dma_wait3A_136 : memref<1x16x128xi32, #tpu.memory_space<vmem>> -> memref<16x128xi32, #tpu.memory_space<vmem>>
        %dma_wait3A_138 = arith.constant 0 : i32
        %dma_wait3A_139 = tpu.memref_slice %arg5[%run_scoped3A_114, %add3A_112, %dma_wait3A_138] : memref<3x2560x128xi32, #tpu.memory_space<hbm>> -> memref<1x16x128xi32, #tpu.memory_space<hbm>>
        %dma_wait3A_140 = tpu.memref_squeeze %dma_wait3A_139 : memref<1x16x128xi32, #tpu.memory_space<hbm>> -> memref<16x128xi32, #tpu.memory_space<hbm>>
        %dma_wait3A_141 = arith.constant 0 : i32
        %dma_wait3A_142 = arith.constant 0 : i32
        %dma_wait3A_143 = tpu.memref_slice %arg8[%run_scoped3A_115, %dma_wait3A_141, %dma_wait3A_142] : memref<2x16x128xi32, #tpu.memory_space<vmem>> -> memref<1x16x128xi32, #tpu.memory_space<vmem>>
        %dma_wait3A_144 = tpu.memref_squeeze %dma_wait3A_143 : memref<1x16x128xi32, #tpu.memory_space<vmem>> -> memref<16x128xi32, #tpu.memory_space<vmem>>
        %dma_wait3A_145 = arith.constant 0 : i32
        %dma_wait3A_146 = tpu.memref_slice %arg5[%run_scoped3A_114, %add3A_112, %dma_wait3A_145] : memref<3x2560x128xi32, #tpu.memory_space<hbm>> -> memref<1x16x128xi32, #tpu.memory_space<hbm>>
        %dma_wait3A_147 = tpu.memref_squeeze %dma_wait3A_146 : memref<1x16x128xi32, #tpu.memory_space<hbm>> -> memref<16x128xi32, #tpu.memory_space<hbm>>
        tpu.wait_dma2 semaphore(%run_scoped3A_121 : memref<!tpu.dma_semaphore, #tpu.memory_space<semaphore_mem>>) src(%dma_wait3A_147 : memref<16x128xi32, #tpu.memory_space<hbm>>) dst(%dma_wait3A_144 : memref<16x128xi32, #tpu.memory_space<vmem>>)
        tpu.yield
      }) : () -> ()
      %scan3A_116 = arith.constant 0 : i32
      %scan3A_117 = arith.constant 10 : i32
      %scan3A_118 = arith.addi %scan3A_116, %scan3A_117 : i32
      %scan3A_119 = arith.constant 1 : i32
      scf.for %scan3A_121 = %scan3A_116 to %scan3A_118 step %scan3A_119  : i32 {
        %mul3A_122 = arith.constant 1 : i32
        %mul3A_123 = arith.muli %scan3A_121, %mul3A_122 : i32
        %add3A_124 = arith.constant 0 : i32
        %add3A_125 = arith.addi %add3A_124, %mul3A_123 : i32
        %and3A = arith.constant 1 : i32
        %and3A_126 = arith.andi %add3A_125, %and3A : i32
        %add3A_127 = arith.constant 1 : i32
        %add3A_128 = arith.addi %add3A_125, %add3A_127 : i32
        %lt3A = arith.constant 10 : i32
        %lt3A_129 = arith.cmpi slt, %add3A_128, %lt3A : i32
        %convert_element_type3A_130 = arith.extui %lt3A_129 : i1 to i32
        %cond3A_131 = arith.constant 0 : i32
        %cond3A_132 = arith.cmpi ne, %convert_element_type3A_130, %cond3A_131 : i32
        scf.if %cond3A_132 {
          %add3A_151 = arith.constant 1 : i32
          %add3A_152 = arith.addi %add3A_125, %add3A_151 : i32
          %sub3A = arith.constant 1 : i32
          %sub3A_153 = arith.subi %sub3A, %and3A_126 : i32
          %mul3A_154 = arith.constant 16 : i32
          %mul3A_155 = arith.muli %add3A_152, %mul3A_154 : i32
          %add3A_156 = arith.addi %mul3A_1, %mul3A_155 : i32
          %dma_start3A_157 = arith.constant 0 : i32
          %dma_start3A_158 = arith.constant 0 : i32
          %dma_start3A_159 = arith.constant 0 : i32
          %dma_start3A_160 = tpu.memref_slice %arg7[%sub3A_153, %dma_start3A_158, %dma_start3A_159] : memref<2x16x128xi32, #tpu.memory_space<vmem>> -> memref<1x16x128xi32, #tpu.memory_space<vmem>>
          %dma_start3A_161 = tpu.memref_squeeze %dma_start3A_160 : memref<1x16x128xi32, #tpu.memory_space<vmem>> -> memref<16x128xi32, #tpu.memory_space<vmem>>
          %dma_start3A_162 = arith.constant 0 : i32
          %dma_start3A_163 = tpu.memref_slice %arg4[%dma_start3A_157, %add3A_156, %dma_start3A_162] : memref<3x2560x128xi32, #tpu.memory_space<hbm>> -> memref<1x16x128xi32, #tpu.memory_space<hbm>>
          %dma_start3A_164 = tpu.memref_squeeze %dma_start3A_163 : memref<1x16x128xi32, #tpu.memory_space<hbm>> -> memref<16x128xi32, #tpu.memory_space<hbm>>
          %dma_start3A_165 = arith.constant 0 : i32
          %dma_start3A_166 = arith.constant 0 : i32
          %dma_start3A_167 = tpu.memref_slice %arg7[%sub3A_153, %dma_start3A_165, %dma_start3A_166] : memref<2x16x128xi32, #tpu.memory_space<vmem>> -> memref<1x16x128xi32, #tpu.memory_space<vmem>>
          %dma_start3A_168 = tpu.memref_squeeze %dma_start3A_167 : memref<1x16x128xi32, #tpu.memory_space<vmem>> -> memref<16x128xi32, #tpu.memory_space<vmem>>
          %dma_start3A_169 = arith.constant 0 : i32
          %dma_start3A_170 = tpu.memref_slice %arg4[%dma_start3A_157, %add3A_156, %dma_start3A_169] : memref<3x2560x128xi32, #tpu.memory_space<hbm>> -> memref<1x16x128xi32, #tpu.memory_space<hbm>>
          %dma_start3A_171 = tpu.memref_squeeze %dma_start3A_170 : memref<1x16x128xi32, #tpu.memory_space<hbm>> -> memref<16x128xi32, #tpu.memory_space<hbm>>
          tpu.enqueue_dma source(%dma_start3A_171 : memref<16x128xi32, #tpu.memory_space<hbm>>) target(%dma_start3A_168 : memref<16x128xi32, #tpu.memory_space<vmem>>) target_semaphore(%arg15 : memref<!tpu.dma_semaphore, #tpu.memory_space<semaphore_mem>>)
          %dma_start3A_172 = arith.constant 0 : i32
          %dma_start3A_173 = arith.constant 0 : i32
          %dma_start3A_174 = arith.constant 0 : i32
          %dma_start3A_175 = tpu.memref_slice %arg8[%sub3A_153, %dma_start3A_173, %dma_start3A_174] : memref<2x16x128xi32, #tpu.memory_space<vmem>> -> memref<1x16x128xi32, #tpu.memory_space<vmem>>
          %dma_start3A_176 = tpu.memref_squeeze %dma_start3A_175 : memref<1x16x128xi32, #tpu.memory_space<vmem>> -> memref<16x128xi32, #tpu.memory_space<vmem>>
          %dma_start3A_177 = arith.constant 0 : i32
          %dma_start3A_178 = tpu.memref_slice %arg5[%dma_start3A_172, %add3A_156, %dma_start3A_177] : memref<3x2560x128xi32, #tpu.memory_space<hbm>> -> memref<1x16x128xi32, #tpu.memory_space<hbm>>
          %dma_start3A_179 = tpu.memref_squeeze %dma_start3A_178 : memref<1x16x128xi32, #tpu.memory_space<hbm>> -> memref<16x128xi32, #tpu.memory_space<hbm>>
          %dma_start3A_180 = arith.constant 0 : i32
          %dma_start3A_181 = arith.constant 0 : i32
          %dma_start3A_182 = tpu.memref_slice %arg8[%sub3A_153, %dma_start3A_180, %dma_start3A_181] : memref<2x16x128xi32, #tpu.memory_space<vmem>> -> memref<1x16x128xi32, #tpu.memory_space<vmem>>
          %dma_start3A_183 = tpu.memref_squeeze %dma_start3A_182 : memref<1x16x128xi32, #tpu.memory_space<vmem>> -> memref<16x128xi32, #tpu.memory_space<vmem>>
          %dma_start3A_184 = arith.constant 0 : i32
          %dma_start3A_185 = tpu.memref_slice %arg5[%dma_start3A_172, %add3A_156, %dma_start3A_184] : memref<3x2560x128xi32, #tpu.memory_space<hbm>> -> memref<1x16x128xi32, #tpu.memory_space<hbm>>
          %dma_start3A_186 = tpu.memref_squeeze %dma_start3A_185 : memref<1x16x128xi32, #tpu.memory_space<hbm>> -> memref<16x128xi32, #tpu.memory_space<hbm>>
          tpu.enqueue_dma source(%dma_start3A_186 : memref<16x128xi32, #tpu.memory_space<hbm>>) target(%dma_start3A_183 : memref<16x128xi32, #tpu.memory_space<vmem>>) target_semaphore(%arg15 : memref<!tpu.dma_semaphore, #tpu.memory_space<semaphore_mem>>)
        } else {
        }
        %dma_start3A = arith.constant 0 : i32
        %dma_start3A_133 = arith.constant 0 : i32
        %dma_start3A_134 = tpu.memref_slice %arg7[%and3A_126, %dma_start3A, %dma_start3A_133] : memref<2x16x128xi32, #tpu.memory_space<vmem>> -> memref<1x1x128xi32, #tpu.memory_space<vmem>>
        %dma_start3A_135 = tpu.memref_squeeze %dma_start3A_134 : memref<1x1x128xi32, #tpu.memory_space<vmem>> -> memref<128xi32, #tpu.memory_space<vmem>>
        %dma_start3A_136 = arith.constant 0 : i32
        %dma_start3A_137 = arith.constant 0 : i32
        %dma_start3A_138 = tpu.memref_slice %arg11[%dma_start3A_136, %dma_start3A_137] : memref<10240x64xf32, #tpu.memory_space<vmem_shared>> -> memref<10240x64xf32, #tpu.memory_space<vmem_shared>>
        tpu.enqueue_indirect_dma source(%dma_start3A_138 : memref<10240x64xf32, #tpu.memory_space<vmem_shared>>) target(%arg9 : memref<128x64xf32, #tpu.memory_space<vmem>>) offsets(%dma_start3A_135 : memref<128xi32, #tpu.memory_space<vmem>>) semaphore(%arg13 : memref<!tpu.dma_semaphore, #tpu.memory_space<semaphore_mem>>)
        %scan3A_139 = arith.constant 0 : i32
        %scan3A_140 = arith.constant 8 : i32
        %scan3A_141 = arith.addi %scan3A_139, %scan3A_140 : i32
        %scan3A_142 = arith.constant 1 : i32
        scf.for %scan3A_151 = %scan3A_139 to %scan3A_141 step %scan3A_142  : i32 {
          %mul3A_152 = arith.constant 1 : i32
          %mul3A_153 = arith.muli %scan3A_151, %mul3A_152 : i32
          %add3A_154 = arith.constant 0 : i32
          %add3A_155 = arith.addi %add3A_154, %mul3A_153 : i32
          %mul3A_156 = arith.constant 2 : i32
          %mul3A_157 = arith.muli %mul3A_156, %add3A_155 : i32
          %add3A_158 = arith.constant 1 : i32
          %add3A_159 = arith.addi %mul3A_157, %add3A_158 : i32
          %dma_start3A_160 = arith.constant 0 : i32
          %dma_start3A_161 = tpu.memref_slice %arg7[%and3A_126, %add3A_159, %dma_start3A_160] : memref<2x16x128xi32, #tpu.memory_space<vmem>> -> memref<1x1x128xi32, #tpu.memory_space<vmem>>
          %dma_start3A_162 = tpu.memref_squeeze %dma_start3A_161 : memref<1x1x128xi32, #tpu.memory_space<vmem>> -> memref<128xi32, #tpu.memory_space<vmem>>
          %dma_start3A_163 = arith.constant 0 : i32
          %dma_start3A_164 = arith.constant 0 : i32
          %dma_start3A_165 = tpu.memref_slice %arg11[%dma_start3A_163, %dma_start3A_164] : memref<10240x64xf32, #tpu.memory_space<vmem_shared>> -> memref<10240x64xf32, #tpu.memory_space<vmem_shared>>
          tpu.enqueue_indirect_dma source(%dma_start3A_165 : memref<10240x64xf32, #tpu.memory_space<vmem_shared>>) target(%arg10 : memref<128x64xf32, #tpu.memory_space<vmem>>) offsets(%dma_start3A_162 : memref<128xi32, #tpu.memory_space<vmem>>) semaphore(%arg14 : memref<!tpu.dma_semaphore, #tpu.memory_space<semaphore_mem>>)
          %dma_wait3A = arith.constant 0 : i32
          %dma_wait3A_166 = arith.constant 0 : i32
          %dma_wait3A_167 = arith.constant 0 : i32
          %dma_wait3A_168 = tpu.memref_slice %arg7[%dma_wait3A, %dma_wait3A_166, %dma_wait3A_167] : memref<2x16x128xi32, #tpu.memory_space<vmem>> -> memref<1x1x128xi32, #tpu.memory_space<vmem>>
          %dma_wait3A_169 = tpu.memref_squeeze %dma_wait3A_168 : memref<1x1x128xi32, #tpu.memory_space<vmem>> -> memref<128xi32, #tpu.memory_space<vmem>>
          %dma_wait3A_170 = arith.constant 0 : i32
          %dma_wait3A_171 = arith.constant 0 : i32
          %dma_wait3A_172 = tpu.memref_slice %arg11[%dma_wait3A_170, %dma_wait3A_171] : memref<10240x64xf32, #tpu.memory_space<vmem_shared>> -> memref<10240x64xf32, #tpu.memory_space<vmem_shared>>
          tpu.wait_indirect_dma semaphore(%arg13 : memref<!tpu.dma_semaphore, #tpu.memory_space<semaphore_mem>>) src(%dma_wait3A_172 : memref<10240x64xf32, #tpu.memory_space<vmem_shared>>) dst(%arg9 : memref<128x64xf32, #tpu.memory_space<vmem>>)
          "tpu.region"() ({
            %run_scoped3A_190 = tpu.sem_alloc : memref<!tpu.dma_semaphore, #tpu.memory_space<semaphore_mem>>
            %dma_start3A_191 = arith.constant 0 : i32
            %dma_start3A_192 = tpu.memref_slice %arg8[%and3A_126, %mul3A_157, %dma_start3A_191] : memref<2x16x128xi32, #tpu.memory_space<vmem>> -> memref<1x1x128xi32, #tpu.memory_space<vmem>>
            %dma_start3A_193 = tpu.memref_squeeze %dma_start3A_192 : memref<1x1x128xi32, #tpu.memory_space<vmem>> -> memref<128xi32, #tpu.memory_space<vmem>>
            %dma_start3A_194 = arith.constant 0 : i32
            %dma_start3A_195 = arith.constant 0 : i32
            %dma_start3A_196 = tpu.memref_slice %arg12[%dma_start3A_194, %dma_start3A_195] : memref<10240x64xf32, #tpu.memory_space<vmem_shared>> -> memref<10240x64xf32, #tpu.memory_space<vmem_shared>>
            tpu.enqueue_indirect_dma source(%arg9 : memref<128x64xf32, #tpu.memory_space<vmem>>) target(%dma_start3A_196 : memref<10240x64xf32, #tpu.memory_space<vmem_shared>>) offsets(%dma_start3A_193 : memref<128xi32, #tpu.memory_space<vmem>>) semaphore(%run_scoped3A_190 : memref<!tpu.dma_semaphore, #tpu.memory_space<semaphore_mem>>) {add = true}
            %dma_wait3A_197 = arith.constant 0 : i32
            %dma_wait3A_198 = tpu.memref_slice %arg8[%and3A_126, %mul3A_157, %dma_wait3A_197] : memref<2x16x128xi32, #tpu.memory_space<vmem>> -> memref<1x1x128xi32, #tpu.memory_space<vmem>>
            %dma_wait3A_199 = tpu.memref_squeeze %dma_wait3A_198 : memref<1x1x128xi32, #tpu.memory_space<vmem>> -> memref<128xi32, #tpu.memory_space<vmem>>
            %dma_wait3A_200 = arith.constant 0 : i32
            %dma_wait3A_201 = arith.constant 0 : i32
            %dma_wait3A_202 = tpu.memref_slice %arg12[%dma_wait3A_200, %dma_wait3A_201] : memref<10240x64xf32, #tpu.memory_space<vmem_shared>> -> memref<10240x64xf32, #tpu.memory_space<vmem_shared>>
            tpu.wait_indirect_dma semaphore(%run_scoped3A_190 : memref<!tpu.dma_semaphore, #tpu.memory_space<semaphore_mem>>) src(%arg9 : memref<128x64xf32, #tpu.memory_space<vmem>>) dst(%dma_wait3A_202 : memref<10240x64xf32, #tpu.memory_space<vmem_shared>>)
            tpu.yield
          }) : () -> ()
          %add3A_173 = arith.constant 2 : i32
          %add3A_174 = arith.addi %mul3A_157, %add3A_173 : i32
          %lt3A_175 = arith.constant 16 : i32
          %lt3A_176 = arith.cmpi slt, %add3A_174, %lt3A_175 : i32
          %convert_element_type3A_177 = arith.extui %lt3A_176 : i1 to i32
          %cond3A_178 = arith.constant 0 : i32
          %cond3A_179 = arith.cmpi ne, %convert_element_type3A_177, %cond3A_178 : i32
          scf.if %cond3A_179 {
            %add3A_190 = arith.constant 2 : i32
            %add3A_191 = arith.addi %mul3A_157, %add3A_190 : i32
            %dma_start3A_192 = arith.constant 0 : i32
            %dma_start3A_193 = tpu.memref_slice %arg7[%and3A_126, %add3A_191, %dma_start3A_192] : memref<2x16x128xi32, #tpu.memory_space<vmem>> -> memref<1x1x128xi32, #tpu.memory_space<vmem>>
            %dma_start3A_194 = tpu.memref_squeeze %dma_start3A_193 : memref<1x1x128xi32, #tpu.memory_space<vmem>> -> memref<128xi32, #tpu.memory_space<vmem>>
            %dma_start3A_195 = arith.constant 0 : i32
            %dma_start3A_196 = arith.constant 0 : i32
            %dma_start3A_197 = tpu.memref_slice %arg11[%dma_start3A_195, %dma_start3A_196] : memref<10240x64xf32, #tpu.memory_space<vmem_shared>> -> memref<10240x64xf32, #tpu.memory_space<vmem_shared>>
            tpu.enqueue_indirect_dma source(%dma_start3A_197 : memref<10240x64xf32, #tpu.memory_space<vmem_shared>>) target(%arg9 : memref<128x64xf32, #tpu.memory_space<vmem>>) offsets(%dma_start3A_194 : memref<128xi32, #tpu.memory_space<vmem>>) semaphore(%arg13 : memref<!tpu.dma_semaphore, #tpu.memory_space<semaphore_mem>>)
          } else {
          }
          %dma_wait3A_180 = arith.constant 0 : i32
          %dma_wait3A_181 = arith.constant 0 : i32
          %dma_wait3A_182 = arith.constant 0 : i32
          %dma_wait3A_183 = tpu.memref_slice %arg7[%dma_wait3A_180, %dma_wait3A_181, %dma_wait3A_182] : memref<2x16x128xi32, #tpu.memory_space<vmem>> -> memref<1x1x128xi32, #tpu.memory_space<vmem>>
          %dma_wait3A_184 = tpu.memref_squeeze %dma_wait3A_183 : memref<1x1x128xi32, #tpu.memory_space<vmem>> -> memref<128xi32, #tpu.memory_space<vmem>>
          %dma_wait3A_185 = arith.constant 0 : i32
          %dma_wait3A_186 = arith.constant 0 : i32
          %dma_wait3A_187 = tpu.memref_slice %arg11[%dma_wait3A_185, %dma_wait3A_186] : memref<10240x64xf32, #tpu.memory_space<vmem_shared>> -> memref<10240x64xf32, #tpu.memory_space<vmem_shared>>
          tpu.wait_indirect_dma semaphore(%arg14 : memref<!tpu.dma_semaphore, #tpu.memory_space<semaphore_mem>>) src(%dma_wait3A_187 : memref<10240x64xf32, #tpu.memory_space<vmem_shared>>) dst(%arg10 : memref<128x64xf32, #tpu.memory_space<vmem>>)
          %add3A_188 = arith.constant 1 : i32
          %add3A_189 = arith.addi %mul3A_157, %add3A_188 : i32
          "tpu.region"() ({
            %run_scoped3A_190 = tpu.sem_alloc : memref<!tpu.dma_semaphore, #tpu.memory_space<semaphore_mem>>
            %dma_start3A_191 = arith.constant 0 : i32
            %dma_start3A_192 = tpu.memref_slice %arg8[%and3A_126, %add3A_189, %dma_start3A_191] : memref<2x16x128xi32, #tpu.memory_space<vmem>> -> memref<1x1x128xi32, #tpu.memory_space<vmem>>
            %dma_start3A_193 = tpu.memref_squeeze %dma_start3A_192 : memref<1x1x128xi32, #tpu.memory_space<vmem>> -> memref<128xi32, #tpu.memory_space<vmem>>
            %dma_start3A_194 = arith.constant 0 : i32
            %dma_start3A_195 = arith.constant 0 : i32
            %dma_start3A_196 = tpu.memref_slice %arg12[%dma_start3A_194, %dma_start3A_195] : memref<10240x64xf32, #tpu.memory_space<vmem_shared>> -> memref<10240x64xf32, #tpu.memory_space<vmem_shared>>
            tpu.enqueue_indirect_dma source(%arg10 : memref<128x64xf32, #tpu.memory_space<vmem>>) target(%dma_start3A_196 : memref<10240x64xf32, #tpu.memory_space<vmem_shared>>) offsets(%dma_start3A_193 : memref<128xi32, #tpu.memory_space<vmem>>) semaphore(%run_scoped3A_190 : memref<!tpu.dma_semaphore, #tpu.memory_space<semaphore_mem>>) {add = true}
            %dma_wait3A_197 = arith.constant 0 : i32
            %dma_wait3A_198 = tpu.memref_slice %arg8[%and3A_126, %add3A_189, %dma_wait3A_197] : memref<2x16x128xi32, #tpu.memory_space<vmem>> -> memref<1x1x128xi32, #tpu.memory_space<vmem>>
            %dma_wait3A_199 = tpu.memref_squeeze %dma_wait3A_198 : memref<1x1x128xi32, #tpu.memory_space<vmem>> -> memref<128xi32, #tpu.memory_space<vmem>>
            %dma_wait3A_200 = arith.constant 0 : i32
            %dma_wait3A_201 = arith.constant 0 : i32
            %dma_wait3A_202 = tpu.memref_slice %arg12[%dma_wait3A_200, %dma_wait3A_201] : memref<10240x64xf32, #tpu.memory_space<vmem_shared>> -> memref<10240x64xf32, #tpu.memory_space<vmem_shared>>
            tpu.wait_indirect_dma semaphore(%run_scoped3A_190 : memref<!tpu.dma_semaphore, #tpu.memory_space<semaphore_mem>>) src(%arg10 : memref<128x64xf32, #tpu.memory_space<vmem>>) dst(%dma_wait3A_202 : memref<10240x64xf32, #tpu.memory_space<vmem_shared>>)
            tpu.yield
          }) : () -> ()
        }
        %scan3A_143 = arith.constant 8 : i32
        %add3A_144 = arith.constant 1 : i32
        %add3A_145 = arith.addi %add3A_125, %add3A_144 : i32
        %lt3A_146 = arith.constant 10 : i32
        %lt3A_147 = arith.cmpi slt, %add3A_145, %lt3A_146 : i32
        %convert_element_type3A_148 = arith.extui %lt3A_147 : i1 to i32
        %cond3A_149 = arith.constant 0 : i32
        %cond3A_150 = arith.cmpi ne, %convert_element_type3A_148, %cond3A_149 : i32
        scf.if %cond3A_150 {
          %sub3A = arith.constant 1 : i32
          %sub3A_151 = arith.subi %sub3A, %and3A_126 : i32
          %dma_wait3A = arith.constant 0 : i32
          %dma_wait3A_152 = arith.constant 0 : i32
          %dma_wait3A_153 = arith.constant 0 : i32
          %dma_wait3A_154 = tpu.memref_slice %arg7[%sub3A_151, %dma_wait3A_152, %dma_wait3A_153] : memref<2x16x128xi32, #tpu.memory_space<vmem>> -> memref<1x16x128xi32, #tpu.memory_space<vmem>>
          %dma_wait3A_155 = tpu.memref_squeeze %dma_wait3A_154 : memref<1x16x128xi32, #tpu.memory_space<vmem>> -> memref<16x128xi32, #tpu.memory_space<vmem>>
          %dma_wait3A_156 = arith.constant 0 : i32
          %dma_wait3A_157 = arith.constant 0 : i32
          %dma_wait3A_158 = tpu.memref_slice %arg4[%dma_wait3A, %dma_wait3A_156, %dma_wait3A_157] : memref<3x2560x128xi32, #tpu.memory_space<hbm>> -> memref<1x16x128xi32, #tpu.memory_space<hbm>>
          %dma_wait3A_159 = tpu.memref_squeeze %dma_wait3A_158 : memref<1x16x128xi32, #tpu.memory_space<hbm>> -> memref<16x128xi32, #tpu.memory_space<hbm>>
          %dma_wait3A_160 = arith.constant 0 : i32
          %dma_wait3A_161 = arith.constant 0 : i32
          %dma_wait3A_162 = tpu.memref_slice %arg7[%sub3A_151, %dma_wait3A_160, %dma_wait3A_161] : memref<2x16x128xi32, #tpu.memory_space<vmem>> -> memref<1x16x128xi32, #tpu.memory_space<vmem>>
          %dma_wait3A_163 = tpu.memref_squeeze %dma_wait3A_162 : memref<1x16x128xi32, #tpu.memory_space<vmem>> -> memref<16x128xi32, #tpu.memory_space<vmem>>
          %dma_wait3A_164 = arith.constant 0 : i32
          %dma_wait3A_165 = arith.constant 0 : i32
          %dma_wait3A_166 = tpu.memref_slice %arg4[%dma_wait3A, %dma_wait3A_164, %dma_wait3A_165] : memref<3x2560x128xi32, #tpu.memory_space<hbm>> -> memref<1x16x128xi32, #tpu.memory_space<hbm>>
          %dma_wait3A_167 = tpu.memref_squeeze %dma_wait3A_166 : memref<1x16x128xi32, #tpu.memory_space<hbm>> -> memref<16x128xi32, #tpu.memory_space<hbm>>
          tpu.wait_dma2 semaphore(%arg15 : memref<!tpu.dma_semaphore, #tpu.memory_space<semaphore_mem>>) src(%dma_wait3A_167 : memref<16x128xi32, #tpu.memory_space<hbm>>) dst(%dma_wait3A_163 : memref<16x128xi32, #tpu.memory_space<vmem>>)
          %dma_wait3A_168 = arith.constant 0 : i32
          %dma_wait3A_169 = arith.constant 0 : i32
          %dma_wait3A_170 = arith.constant 0 : i32
          %dma_wait3A_171 = tpu.memref_slice %arg8[%sub3A_151, %dma_wait3A_169, %dma_wait3A_170] : memref<2x16x128xi32, #tpu.memory_space<vmem>> -> memref<1x16x128xi32, #tpu.memory_space<vmem>>
          %dma_wait3A_172 = tpu.memref_squeeze %dma_wait3A_171 : memref<1x16x128xi32, #tpu.memory_space<vmem>> -> memref<16x128xi32, #tpu.memory_space<vmem>>
          %dma_wait3A_173 = arith.constant 0 : i32
          %dma_wait3A_174 = arith.constant 0 : i32
          %dma_wait3A_175 = tpu.memref_slice %arg5[%dma_wait3A_168, %dma_wait3A_173, %dma_wait3A_174] : memref<3x2560x128xi32, #tpu.memory_space<hbm>> -> memref<1x16x128xi32, #tpu.memory_space<hbm>>
          %dma_wait3A_176 = tpu.memref_squeeze %dma_wait3A_175 : memref<1x16x128xi32, #tpu.memory_space<hbm>> -> memref<16x128xi32, #tpu.memory_space<hbm>>
          %dma_wait3A_177 = arith.constant 0 : i32
          %dma_wait3A_178 = arith.constant 0 : i32
          %dma_wait3A_179 = tpu.memref_slice %arg8[%sub3A_151, %dma_wait3A_177, %dma_wait3A_178] : memref<2x16x128xi32, #tpu.memory_space<vmem>> -> memref<1x16x128xi32, #tpu.memory_space<vmem>>
          %dma_wait3A_180 = tpu.memref_squeeze %dma_wait3A_179 : memref<1x16x128xi32, #tpu.memory_space<vmem>> -> memref<16x128xi32, #tpu.memory_space<vmem>>
          %dma_wait3A_181 = arith.constant 0 : i32
          %dma_wait3A_182 = arith.constant 0 : i32
          %dma_wait3A_183 = tpu.memref_slice %arg5[%dma_wait3A_168, %dma_wait3A_181, %dma_wait3A_182] : memref<3x2560x128xi32, #tpu.memory_space<hbm>> -> memref<1x16x128xi32, #tpu.memory_space<hbm>>
          %dma_wait3A_184 = tpu.memref_squeeze %dma_wait3A_183 : memref<1x16x128xi32, #tpu.memory_space<hbm>> -> memref<16x128xi32, #tpu.memory_space<hbm>>
          tpu.wait_dma2 semaphore(%arg15 : memref<!tpu.dma_semaphore, #tpu.memory_space<semaphore_mem>>) src(%dma_wait3A_184 : memref<16x128xi32, #tpu.memory_space<hbm>>) dst(%dma_wait3A_180 : memref<16x128xi32, #tpu.memory_space<vmem>>)
        } else {
        }
      }
      %scan3A_120 = arith.constant 10 : i32
    } else {
    }
    %barrier3A_24 = arith.constant 0 : index
    tpu.barrier barrier_id(%barrier3A_24)
    %eq3A_25 = arith.constant 0 : i32
    %eq3A_26 = arith.cmpi eq, %arg0, %eq3A_25 : i32
    %convert_element_type3A_27 = arith.extui %eq3A_26 : i1 to i32
    %cond3A_28 = arith.constant 0 : i32
    %cond3A_29 = arith.cmpi ne, %convert_element_type3A_27, %cond3A_28 : i32
    scf.if %cond3A_29 {
      %mul3A_112 = arith.constant 640 : i32
      %mul3A_113 = arith.muli %arg1, %mul3A_112 : i32
      %mul3A_114 = arith.constant 640 : i32
      %mul3A_115 = arith.muli %arg1, %mul3A_114 : i32
      %run_scoped3A = arith.constant 0 : i32
      %run_scoped3A_116 = arith.constant 0 : i32
      "tpu.region"() ({
        %run_scoped3A_117 = tpu.sem_alloc : memref<!tpu.dma_semaphore, #tpu.memory_space<semaphore_mem>>
        %dma_start3A = arith.constant 0 : i32
        %dma_start3A_118 = tpu.memref_slice %arg6[%run_scoped3A, %run_scoped3A_116, %mul3A_115, %dma_start3A] : memref<3x2x10240x64xf32, #tpu.memory_space<hbm>> -> memref<1x1x640x64xf32, #tpu.memory_space<hbm>>
        %dma_start3A_119 = tpu.memref_squeeze %dma_start3A_118 : memref<1x1x640x64xf32, #tpu.memory_space<hbm>> -> memref<640x64xf32, #tpu.memory_space<hbm>>
        %dma_start3A_120 = arith.constant 0 : i32
        %dma_start3A_121 = tpu.memref_slice %arg12[%mul3A_113, %dma_start3A_120] : memref<10240x64xf32, #tpu.memory_space<vmem_shared>> -> memref<640x64xf32, #tpu.memory_space<vmem_shared>>
        tpu.enqueue_dma source(%dma_start3A_121 : memref<640x64xf32, #tpu.memory_space<vmem_shared>>) target(%dma_start3A_119 : memref<640x64xf32, #tpu.memory_space<hbm>>) target_semaphore(%run_scoped3A_117 : memref<!tpu.dma_semaphore, #tpu.memory_space<semaphore_mem>>)
        %dma_wait3A = arith.constant 0 : i32
        %dma_wait3A_122 = tpu.memref_slice %arg6[%run_scoped3A, %run_scoped3A_116, %mul3A_115, %dma_wait3A] : memref<3x2x10240x64xf32, #tpu.memory_space<hbm>> -> memref<1x1x640x64xf32, #tpu.memory_space<hbm>>
        %dma_wait3A_123 = tpu.memref_squeeze %dma_wait3A_122 : memref<1x1x640x64xf32, #tpu.memory_space<hbm>> -> memref<640x64xf32, #tpu.memory_space<hbm>>
        %dma_wait3A_124 = arith.constant 0 : i32
        %dma_wait3A_125 = tpu.memref_slice %arg12[%mul3A_113, %dma_wait3A_124] : memref<10240x64xf32, #tpu.memory_space<vmem_shared>> -> memref<640x64xf32, #tpu.memory_space<vmem_shared>>
        tpu.wait_dma2 semaphore(%run_scoped3A_117 : memref<!tpu.dma_semaphore, #tpu.memory_space<semaphore_mem>>) src(%dma_wait3A_125 : memref<640x64xf32, #tpu.memory_space<vmem_shared>>) dst(%dma_wait3A_123 : memref<640x64xf32, #tpu.memory_space<hbm>>)
        tpu.yield
      }) : () -> ()
    } else {
    }
    %eq3A_30 = arith.constant 1 : i32
    %eq3A_31 = arith.cmpi eq, %arg0, %eq3A_30 : i32
    %convert_element_type3A_32 = arith.extui %eq3A_31 : i1 to i32
    %cond3A_33 = arith.constant 0 : i32
    %cond3A_34 = arith.cmpi ne, %convert_element_type3A_32, %cond3A_33 : i32
    scf.if %cond3A_34 {
      %mul3A_112 = arith.constant 640 : i32
      %mul3A_113 = arith.muli %arg1, %mul3A_112 : i32
      %mul3A_114 = arith.constant 640 : i32
      %mul3A_115 = arith.muli %arg1, %mul3A_114 : i32
      %run_scoped3A = arith.constant 0 : i32
      %run_scoped3A_116 = arith.constant 1 : i32
      "tpu.region"() ({
        %run_scoped3A_117 = tpu.sem_alloc : memref<!tpu.dma_semaphore, #tpu.memory_space<semaphore_mem>>
        %dma_start3A = arith.constant 0 : i32
        %dma_start3A_118 = tpu.memref_slice %arg6[%run_scoped3A, %run_scoped3A_116, %mul3A_115, %dma_start3A] : memref<3x2x10240x64xf32, #tpu.memory_space<hbm>> -> memref<1x1x640x64xf32, #tpu.memory_space<hbm>>
        %dma_start3A_119 = tpu.memref_squeeze %dma_start3A_118 : memref<1x1x640x64xf32, #tpu.memory_space<hbm>> -> memref<640x64xf32, #tpu.memory_space<hbm>>
        %dma_start3A_120 = arith.constant 0 : i32
        %dma_start3A_121 = tpu.memref_slice %arg12[%mul3A_113, %dma_start3A_120] : memref<10240x64xf32, #tpu.memory_space<vmem_shared>> -> memref<640x64xf32, #tpu.memory_space<vmem_shared>>
        tpu.enqueue_dma source(%dma_start3A_121 : memref<640x64xf32, #tpu.memory_space<vmem_shared>>) target(%dma_start3A_119 : memref<640x64xf32, #tpu.memory_space<hbm>>) target_semaphore(%run_scoped3A_117 : memref<!tpu.dma_semaphore, #tpu.memory_space<semaphore_mem>>)
        %dma_wait3A = arith.constant 0 : i32
        %dma_wait3A_122 = tpu.memref_slice %arg6[%run_scoped3A, %run_scoped3A_116, %mul3A_115, %dma_wait3A] : memref<3x2x10240x64xf32, #tpu.memory_space<hbm>> -> memref<1x1x640x64xf32, #tpu.memory_space<hbm>>
        %dma_wait3A_123 = tpu.memref_squeeze %dma_wait3A_122 : memref<1x1x640x64xf32, #tpu.memory_space<hbm>> -> memref<640x64xf32, #tpu.memory_space<hbm>>
        %dma_wait3A_124 = arith.constant 0 : i32
        %dma_wait3A_125 = tpu.memref_slice %arg12[%mul3A_113, %dma_wait3A_124] : memref<10240x64xf32, #tpu.memory_space<vmem_shared>> -> memref<640x64xf32, #tpu.memory_space<vmem_shared>>
        tpu.wait_dma2 semaphore(%run_scoped3A_117 : memref<!tpu.dma_semaphore, #tpu.memory_space<semaphore_mem>>) src(%dma_wait3A_125 : memref<640x64xf32, #tpu.memory_space<vmem_shared>>) dst(%dma_wait3A_123 : memref<640x64xf32, #tpu.memory_space<hbm>>)
        tpu.yield
      }) : () -> ()
    } else {
    }
    %scan3A_35 = arith.constant 0 : i32
    %scan3A_36 = arith.constant 128 : i32
    %scan3A_37 = arith.addi %scan3A_35, %scan3A_36 : i32
    %scan3A_38 = arith.constant 1 : i32
    scf.for %scan3A_112 = %scan3A_35 to %scan3A_37 step %scan3A_38  : i32 {
      %mul3A_113 = arith.constant 1 : i32
      %mul3A_114 = arith.muli %scan3A_112, %mul3A_113 : i32
      %add3A = arith.constant 0 : i32
      %add3A_115 = arith.addi %add3A, %mul3A_114 : i32
      %scan3A_116 = arith.constant 0 : i32
      %scan3A_117 = arith.constant 4 : i32
      %scan3A_118 = arith.addi %scan3A_116, %scan3A_117 : i32
      %scan3A_119 = arith.constant 1 : i32
      scf.for %scan3A_121 = %scan3A_116 to %scan3A_118 step %scan3A_119  : i32 {
        %mul3A_122 = arith.constant 1 : i32
        %mul3A_123 = arith.muli %scan3A_121, %mul3A_122 : i32
        %add3A_124 = arith.constant 0 : i32
        %add3A_125 = arith.addi %add3A_124, %mul3A_123 : i32
        %mul3A_126 = arith.constant 16 : i32
        %mul3A_127 = arith.muli %add3A_125, %mul3A_126 : i32
        %swap3A = arith.index_cast %add3A_115 : i32 to index
        %swap3A_128 = arith.index_cast %mul3A_127 : i32 to index
        %swap3A_129 = tpu.vector_load %arg9[%swap3A, %swap3A_128] {strides = array<i32>} : memref<128x64xf32, #tpu.memory_space<vmem>>, vector<16xf32>,
        tpu.vector_store %arg9[%swap3A, %swap3A_128], %broadcast_in_dim3A_0 {strides = array<i32>} : memref<128x64xf32, #tpu.memory_space<vmem>>, vector<16xf32>,
      }
      %scan3A_120 = arith.constant 4 : i32
    }
    %scan3A_39 = arith.constant 128 : i32
    %scan3A_40 = arith.constant 0 : i32
    %scan3A_41 = arith.constant 5 : i32
    %scan3A_42 = arith.addi %scan3A_40, %scan3A_41 : i32
    %scan3A_43 = arith.constant 1 : i32
    scf.for %scan3A_112 = %scan3A_40 to %scan3A_42 step %scan3A_43  : i32 {
      %mul3A_113 = arith.constant 1 : i32
      %mul3A_114 = arith.muli %scan3A_112, %mul3A_113 : i32
      %add3A = arith.constant 0 : i32
      %add3A_115 = arith.addi %add3A, %mul3A_114 : i32
      %mul3A_116 = arith.constant 640 : i32
      %mul3A_117 = arith.muli %arg1, %mul3A_116 : i32
      %mul3A_118 = arith.constant 128 : i32
      %mul3A_119 = arith.muli %add3A_115, %mul3A_118 : i32
      %add3A_120 = arith.addi %mul3A_117, %mul3A_119 : i32
      "tpu.region"() ({
        %run_scoped3A = tpu.sem_alloc : memref<!tpu.dma_semaphore, #tpu.memory_space<semaphore_mem>>
        %dma_start3A = arith.constant 0 : i32
        %dma_start3A_121 = tpu.memref_slice %arg12[%add3A_120, %dma_start3A] : memref<10240x64xf32, #tpu.memory_space<vmem_shared>> -> memref<128x64xf32, #tpu.memory_space<vmem_shared>>
        %dma_start3A_122 = arith.constant 0 : i32
        %dma_start3A_123 = tpu.memref_slice %arg12[%add3A_120, %dma_start3A_122] : memref<10240x64xf32, #tpu.memory_space<vmem_shared>> -> memref<128x64xf32, #tpu.memory_space<vmem_shared>>
        tpu.enqueue_dma source(%arg9 : memref<128x64xf32, #tpu.memory_space<vmem>>) target(%dma_start3A_123 : memref<128x64xf32, #tpu.memory_space<vmem_shared>>) target_semaphore(%run_scoped3A : memref<!tpu.dma_semaphore, #tpu.memory_space<semaphore_mem>>)
        %dma_wait3A = arith.constant 0 : i32
        %dma_wait3A_124 = tpu.memref_slice %arg12[%add3A_120, %dma_wait3A] : memref<10240x64xf32, #tpu.memory_space<vmem_shared>> -> memref<128x64xf32, #tpu.memory_space<vmem_shared>>
        %dma_wait3A_125 = arith.constant 0 : i32
        %dma_wait3A_126 = tpu.memref_slice %arg12[%add3A_120, %dma_wait3A_125] : memref<10240x64xf32, #tpu.memory_space<vmem_shared>> -> memref<128x64xf32, #tpu.memory_space<vmem_shared>>
        tpu.wait_dma2 semaphore(%run_scoped3A : memref<!tpu.dma_semaphore, #tpu.memory_space<semaphore_mem>>) src(%arg9 : memref<128x64xf32, #tpu.memory_space<vmem>>) dst(%dma_wait3A_126 : memref<128x64xf32, #tpu.memory_space<vmem_shared>>)
        tpu.yield
      }) : () -> ()
    }
    %scan3A_44 = arith.constant 5 : i32
    %barrier3A_45 = arith.constant 0 : index
    tpu.barrier barrier_id(%barrier3A_45)
    %eq3A_46 = arith.constant 1 : i32
    %eq3A_47 = arith.cmpi eq, %arg0, %eq3A_46 : i32
    %convert_element_type3A_48 = arith.extui %eq3A_47 : i1 to i32
    %cond3A_49 = arith.constant 0 : i32
    %cond3A_50 = arith.cmpi ne, %convert_element_type3A_48, %cond3A_49 : i32
    scf.if %cond3A_50 {
      %mul3A_112 = arith.constant 640 : i32
      %mul3A_113 = arith.muli %arg1, %mul3A_112 : i32
      %mul3A_114 = arith.constant 640 : i32
      %mul3A_115 = arith.muli %arg1, %mul3A_114 : i32
      %run_scoped3A = arith.constant 1 : i32
      "tpu.region"() ({
        %run_scoped3A_116 = tpu.sem_alloc : memref<!tpu.dma_semaphore, #tpu.memory_space<semaphore_mem>>
        %dma_start3A = arith.constant 0 : i32
        %dma_start3A_117 = tpu.memref_slice %arg11[%mul3A_115, %dma_start3A] : memref<10240x64xf32, #tpu.memory_space<vmem_shared>> -> memref<640x64xf32, #tpu.memory_space<vmem_shared>>
        %dma_start3A_118 = arith.constant 0 : i32
        %dma_start3A_119 = tpu.memref_slice %arg3[%run_scoped3A, %mul3A_113, %dma_start3A_118] : memref<3x10240x64xf32, #tpu.memory_space<hbm>> -> memref<1x640x64xf32, #tpu.memory_space<hbm>>
        %dma_start3A_120 = tpu.memref_squeeze %dma_start3A_119 : memref<1x640x64xf32, #tpu.memory_space<hbm>> -> memref<640x64xf32, #tpu.memory_space<hbm>>
        tpu.enqueue_dma source(%dma_start3A_120 : memref<640x64xf32, #tpu.memory_space<hbm>>) target(%dma_start3A_117 : memref<640x64xf32, #tpu.memory_space<vmem_shared>>) target_semaphore(%run_scoped3A_116 : memref<!tpu.dma_semaphore, #tpu.memory_space<semaphore_mem>>)
        %dma_wait3A = arith.constant 0 : i32
        %dma_wait3A_121 = tpu.memref_slice %arg11[%mul3A_115, %dma_wait3A] : memref<10240x64xf32, #tpu.memory_space<vmem_shared>> -> memref<640x64xf32, #tpu.memory_space<vmem_shared>>
        %dma_wait3A_122 = arith.constant 0 : i32
        %dma_wait3A_123 = tpu.memref_slice %arg3[%run_scoped3A, %mul3A_113, %dma_wait3A_122] : memref<3x10240x64xf32, #tpu.memory_space<hbm>> -> memref<1x640x64xf32, #tpu.memory_space<hbm>>
        %dma_wait3A_124 = tpu.memref_squeeze %dma_wait3A_123 : memref<1x640x64xf32, #tpu.memory_space<hbm>> -> memref<640x64xf32, #tpu.memory_space<hbm>>
        tpu.wait_dma2 semaphore(%run_scoped3A_116 : memref<!tpu.dma_semaphore, #tpu.memory_space<semaphore_mem>>) src(%dma_wait3A_124 : memref<640x64xf32, #tpu.memory_space<hbm>>) dst(%dma_wait3A_121 : memref<640x64xf32, #tpu.memory_space<vmem_shared>>)
        tpu.yield
      }) : () -> ()
    } else {
    }
    %barrier3A_51 = arith.constant 0 : index
    tpu.barrier barrier_id(%barrier3A_51)
    %eq3A_52 = arith.constant 0 : i32
    %eq3A_53 = arith.cmpi eq, %arg0, %eq3A_52 : i32
    %convert_element_type3A_54 = arith.extui %eq3A_53 : i1 to i32
    %cond3A_55 = arith.constant 0 : i32
    %cond3A_56 = arith.cmpi ne, %convert_element_type3A_54, %cond3A_55 : i32
    scf.if %cond3A_56 {
      %add3A = arith.constant 0 : i32
      %add3A_112 = arith.addi %mul3A_1, %add3A : i32
      %run_scoped3A = arith.constant 1 : i32
      %run_scoped3A_113 = arith.constant 0 : i32
      "tpu.region"() ({
        %run_scoped3A_122 = tpu.sem_alloc : memref<!tpu.dma_semaphore, #tpu.memory_space<semaphore_mem>>
        %dma_start3A = arith.constant 0 : i32
        %dma_start3A_123 = arith.constant 0 : i32
        %dma_start3A_124 = tpu.memref_slice %arg7[%run_scoped3A_113, %dma_start3A, %dma_start3A_123] : memref<2x16x128xi32, #tpu.memory_space<vmem>> -> memref<1x16x128xi32, #tpu.memory_space<vmem>>
        %dma_start3A_125 = tpu.memref_squeeze %dma_start3A_124 : memref<1x16x128xi32, #tpu.memory_space<vmem>> -> memref<16x128xi32, #tpu.memory_space<vmem>>
        %dma_start3A_126 = arith.constant 0 : i32
        %dma_start3A_127 = tpu.memref_slice %arg4[%run_scoped3A, %add3A_112, %dma_start3A_126] : memref<3x2560x128xi32, #tpu.memory_space<hbm>> -> memref<1x16x128xi32, #tpu.memory_space<hbm>>
        %dma_start3A_128 = tpu.memref_squeeze %dma_start3A_127 : memref<1x16x128xi32, #tpu.memory_space<hbm>> -> memref<16x128xi32, #tpu.memory_space<hbm>>
        %dma_start3A_129 = arith.constant 0 : i32
        %dma_start3A_130 = arith.constant 0 : i32
        %dma_start3A_131 = tpu.memref_slice %arg7[%run_scoped3A_113, %dma_start3A_129, %dma_start3A_130] : memref<2x16x128xi32, #tpu.memory_space<vmem>> -> memref<1x16x128xi32, #tpu.memory_space<vmem>>
        %dma_start3A_132 = tpu.memref_squeeze %dma_start3A_131 : memref<1x16x128xi32, #tpu.memory_space<vmem>> -> memref<16x128xi32, #tpu.memory_space<vmem>>
        %dma_start3A_133 = arith.constant 0 : i32
        %dma_start3A_134 = tpu.memref_slice %arg4[%run_scoped3A, %add3A_112, %dma_start3A_133] : memref<3x2560x128xi32, #tpu.memory_space<hbm>> -> memref<1x16x128xi32, #tpu.memory_space<hbm>>
        %dma_start3A_135 = tpu.memref_squeeze %dma_start3A_134 : memref<1x16x128xi32, #tpu.memory_space<hbm>> -> memref<16x128xi32, #tpu.memory_space<hbm>>
        tpu.enqueue_dma source(%dma_start3A_135 : memref<16x128xi32, #tpu.memory_space<hbm>>) target(%dma_start3A_132 : memref<16x128xi32, #tpu.memory_space<vmem>>) target_semaphore(%run_scoped3A_122 : memref<!tpu.dma_semaphore, #tpu.memory_space<semaphore_mem>>)
        %dma_wait3A = arith.constant 0 : i32
        %dma_wait3A_136 = arith.constant 0 : i32
        %dma_wait3A_137 = tpu.memref_slice %arg7[%run_scoped3A_113, %dma_wait3A, %dma_wait3A_136] : memref<2x16x128xi32, #tpu.memory_space<vmem>> -> memref<1x16x128xi32, #tpu.memory_space<vmem>>
        %dma_wait3A_138 = tpu.memref_squeeze %dma_wait3A_137 : memref<1x16x128xi32, #tpu.memory_space<vmem>> -> memref<16x128xi32, #tpu.memory_space<vmem>>
        %dma_wait3A_139 = arith.constant 0 : i32
        %dma_wait3A_140 = tpu.memref_slice %arg4[%run_scoped3A, %add3A_112, %dma_wait3A_139] : memref<3x2560x128xi32, #tpu.memory_space<hbm>> -> memref<1x16x128xi32, #tpu.memory_space<hbm>>
        %dma_wait3A_141 = tpu.memref_squeeze %dma_wait3A_140 : memref<1x16x128xi32, #tpu.memory_space<hbm>> -> memref<16x128xi32, #tpu.memory_space<hbm>>
        %dma_wait3A_142 = arith.constant 0 : i32
        %dma_wait3A_143 = arith.constant 0 : i32
        %dma_wait3A_144 = tpu.memref_slice %arg7[%run_scoped3A_113, %dma_wait3A_142, %dma_wait3A_143] : memref<2x16x128xi32, #tpu.memory_space<vmem>> -> memref<1x16x128xi32, #tpu.memory_space<vmem>>
        %dma_wait3A_145 = tpu.memref_squeeze %dma_wait3A_144 : memref<1x16x128xi32, #tpu.memory_space<vmem>> -> memref<16x128xi32, #tpu.memory_space<vmem>>
        %dma_wait3A_146 = arith.constant 0 : i32
        %dma_wait3A_147 = tpu.memref_slice %arg4[%run_scoped3A, %add3A_112, %dma_wait3A_146] : memref<3x2560x128xi32, #tpu.memory_space<hbm>> -> memref<1x16x128xi32, #tpu.memory_space<hbm>>
        %dma_wait3A_148 = tpu.memref_squeeze %dma_wait3A_147 : memref<1x16x128xi32, #tpu.memory_space<hbm>> -> memref<16x128xi32, #tpu.memory_space<hbm>>
        tpu.wait_dma2 semaphore(%run_scoped3A_122 : memref<!tpu.dma_semaphore, #tpu.memory_space<semaphore_mem>>) src(%dma_wait3A_148 : memref<16x128xi32, #tpu.memory_space<hbm>>) dst(%dma_wait3A_145 : memref<16x128xi32, #tpu.memory_space<vmem>>)
        tpu.yield
      }) : () -> ()
      %run_scoped3A_114 = arith.constant 1 : i32
      %run_scoped3A_115 = arith.constant 0 : i32
      "tpu.region"() ({
        %run_scoped3A_122 = tpu.sem_alloc : memref<!tpu.dma_semaphore, #tpu.memory_space<semaphore_mem>>
        %dma_start3A = arith.constant 0 : i32
        %dma_start3A_123 = arith.constant 0 : i32
        %dma_start3A_124 = tpu.memref_slice %arg8[%run_scoped3A_115, %dma_start3A, %dma_start3A_123] : memref<2x16x128xi32, #tpu.memory_space<vmem>> -> memref<1x16x128xi32, #tpu.memory_space<vmem>>
        %dma_start3A_125 = tpu.memref_squeeze %dma_start3A_124 : memref<1x16x128xi32, #tpu.memory_space<vmem>> -> memref<16x128xi32, #tpu.memory_space<vmem>>
        %dma_start3A_126 = arith.constant 0 : i32
        %dma_start3A_127 = tpu.memref_slice %arg5[%run_scoped3A_114, %add3A_112, %dma_start3A_126] : memref<3x2560x128xi32, #tpu.memory_space<hbm>> -> memref<1x16x128xi32, #tpu.memory_space<hbm>>
        %dma_start3A_128 = tpu.memref_squeeze %dma_start3A_127 : memref<1x16x128xi32, #tpu.memory_space<hbm>> -> memref<16x128xi32, #tpu.memory_space<hbm>>
        %dma_start3A_129 = arith.constant 0 : i32
        %dma_start3A_130 = arith.constant 0 : i32
        %dma_start3A_131 = tpu.memref_slice %arg8[%run_scoped3A_115, %dma_start3A_129, %dma_start3A_130] : memref<2x16x128xi32, #tpu.memory_space<vmem>> -> memref<1x16x128xi32, #tpu.memory_space<vmem>>
        %dma_start3A_132 = tpu.memref_squeeze %dma_start3A_131 : memref<1x16x128xi32, #tpu.memory_space<vmem>> -> memref<16x128xi32, #tpu.memory_space<vmem>>
        %dma_start3A_133 = arith.constant 0 : i32
        %dma_start3A_134 = tpu.memref_slice %arg5[%run_scoped3A_114, %add3A_112, %dma_start3A_133] : memref<3x2560x128xi32, #tpu.memory_space<hbm>> -> memref<1x16x128xi32, #tpu.memory_space<hbm>>
        %dma_start3A_135 = tpu.memref_squeeze %dma_start3A_134 : memref<1x16x128xi32, #tpu.memory_space<hbm>> -> memref<16x128xi32, #tpu.memory_space<hbm>>
        tpu.enqueue_dma source(%dma_start3A_135 : memref<16x128xi32, #tpu.memory_space<hbm>>) target(%dma_start3A_132 : memref<16x128xi32, #tpu.memory_space<vmem>>) target_semaphore(%run_scoped3A_122 : memref<!tpu.dma_semaphore, #tpu.memory_space<semaphore_mem>>)
        %dma_wait3A = arith.constant 0 : i32
        %dma_wait3A_136 = arith.constant 0 : i32
        %dma_wait3A_137 = tpu.memref_slice %arg8[%run_scoped3A_115, %dma_wait3A, %dma_wait3A_136] : memref<2x16x128xi32, #tpu.memory_space<vmem>> -> memref<1x16x128xi32, #tpu.memory_space<vmem>>
        %dma_wait3A_138 = tpu.memref_squeeze %dma_wait3A_137 : memref<1x16x128xi32, #tpu.memory_space<vmem>> -> memref<16x128xi32, #tpu.memory_space<vmem>>
        %dma_wait3A_139 = arith.constant 0 : i32
        %dma_wait3A_140 = tpu.memref_slice %arg5[%run_scoped3A_114, %add3A_112, %dma_wait3A_139] : memref<3x2560x128xi32, #tpu.memory_space<hbm>> -> memref<1x16x128xi32, #tpu.memory_space<hbm>>
        %dma_wait3A_141 = tpu.memref_squeeze %dma_wait3A_140 : memref<1x16x128xi32, #tpu.memory_space<hbm>> -> memref<16x128xi32, #tpu.memory_space<hbm>>
        %dma_wait3A_142 = arith.constant 0 : i32
        %dma_wait3A_143 = arith.constant 0 : i32
        %dma_wait3A_144 = tpu.memref_slice %arg8[%run_scoped3A_115, %dma_wait3A_142, %dma_wait3A_143] : memref<2x16x128xi32, #tpu.memory_space<vmem>> -> memref<1x16x128xi32, #tpu.memory_space<vmem>>
        %dma_wait3A_145 = tpu.memref_squeeze %dma_wait3A_144 : memref<1x16x128xi32, #tpu.memory_space<vmem>> -> memref<16x128xi32, #tpu.memory_space<vmem>>
        %dma_wait3A_146 = arith.constant 0 : i32
        %dma_wait3A_147 = tpu.memref_slice %arg5[%run_scoped3A_114, %add3A_112, %dma_wait3A_146] : memref<3x2560x128xi32, #tpu.memory_space<hbm>> -> memref<1x16x128xi32, #tpu.memory_space<hbm>>
        %dma_wait3A_148 = tpu.memref_squeeze %dma_wait3A_147 : memref<1x16x128xi32, #tpu.memory_space<hbm>> -> memref<16x128xi32, #tpu.memory_space<hbm>>
        tpu.wait_dma2 semaphore(%run_scoped3A_122 : memref<!tpu.dma_semaphore, #tpu.memory_space<semaphore_mem>>) src(%dma_wait3A_148 : memref<16x128xi32, #tpu.memory_space<hbm>>) dst(%dma_wait3A_145 : memref<16x128xi32, #tpu.memory_space<vmem>>)
        tpu.yield
      }) : () -> ()
      %scan3A_116 = arith.constant 1 : i32
      %scan3A_117 = arith.constant 0 : i32
      %scan3A_118 = arith.constant 10 : i32
      %scan3A_119 = arith.addi %scan3A_117, %scan3A_118 : i32
      %scan3A_120 = arith.constant 1 : i32
      scf.for %scan3A_122 = %scan3A_117 to %scan3A_119 step %scan3A_120  : i32 {
        %mul3A_123 = arith.constant 1 : i32
        %mul3A_124 = arith.muli %scan3A_122, %mul3A_123 : i32
        %add3A_125 = arith.constant 0 : i32
        %add3A_126 = arith.addi %add3A_125, %mul3A_124 : i32
        %and3A = arith.constant 1 : i32
        %and3A_127 = arith.andi %add3A_126, %and3A : i32
        %add3A_128 = arith.constant 1 : i32
        %add3A_129 = arith.addi %add3A_126, %add3A_128 : i32
        %lt3A = arith.constant 10 : i32
        %lt3A_130 = arith.cmpi slt, %add3A_129, %lt3A : i32
        %convert_element_type3A_131 = arith.extui %lt3A_130 : i1 to i32
        %cond3A_132 = arith.constant 0 : i32
        %cond3A_133 = arith.cmpi ne, %convert_element_type3A_131, %cond3A_132 : i32
        scf.if %cond3A_133 {
          %add3A_156 = arith.constant 1 : i32
          %add3A_157 = arith.addi %add3A_126, %add3A_156 : i32
          %sub3A = arith.constant 1 : i32
          %sub3A_158 = arith.subi %sub3A, %and3A_127 : i32
          %mul3A_159 = arith.constant 16 : i32
          %mul3A_160 = arith.muli %add3A_157, %mul3A_159 : i32
          %add3A_161 = arith.addi %mul3A_1, %mul3A_160 : i32
          %dma_start3A_162 = arith.constant 1 : i32
          %dma_start3A_163 = arith.constant 0 : i32
          %dma_start3A_164 = arith.constant 0 : i32
          %dma_start3A_165 = tpu.memref_slice %arg7[%sub3A_158, %dma_start3A_163, %dma_start3A_164] : memref<2x16x128xi32, #tpu.memory_space<vmem>> -> memref<1x16x128xi32, #tpu.memory_space<vmem>>
          %dma_start3A_166 = tpu.memref_squeeze %dma_start3A_165 : memref<1x16x128xi32, #tpu.memory_space<vmem>> -> memref<16x128xi32, #tpu.memory_space<vmem>>
          %dma_start3A_167 = arith.constant 0 : i32
          %dma_start3A_168 = tpu.memref_slice %arg4[%dma_start3A_162, %add3A_161, %dma_start3A_167] : memref<3x2560x128xi32, #tpu.memory_space<hbm>> -> memref<1x16x128xi32, #tpu.memory_space<hbm>>
          %dma_start3A_169 = tpu.memref_squeeze %dma_start3A_168 : memref<1x16x128xi32, #tpu.memory_space<hbm>> -> memref<16x128xi32, #tpu.memory_space<hbm>>
          %dma_start3A_170 = arith.constant 0 : i32
          %dma_start3A_171 = arith.constant 0 : i32
          %dma_start3A_172 = tpu.memref_slice %arg7[%sub3A_158, %dma_start3A_170, %dma_start3A_171] : memref<2x16x128xi32, #tpu.memory_space<vmem>> -> memref<1x16x128xi32, #tpu.memory_space<vmem>>
          %dma_start3A_173 = tpu.memref_squeeze %dma_start3A_172 : memref<1x16x128xi32, #tpu.memory_space<vmem>> -> memref<16x128xi32, #tpu.memory_space<vmem>>
          %dma_start3A_174 = arith.constant 0 : i32
          %dma_start3A_175 = tpu.memref_slice %arg4[%dma_start3A_162, %add3A_161, %dma_start3A_174] : memref<3x2560x128xi32, #tpu.memory_space<hbm>> -> memref<1x16x128xi32, #tpu.memory_space<hbm>>
          %dma_start3A_176 = tpu.memref_squeeze %dma_start3A_175 : memref<1x16x128xi32, #tpu.memory_space<hbm>> -> memref<16x128xi32, #tpu.memory_space<hbm>>
          tpu.enqueue_dma source(%dma_start3A_176 : memref<16x128xi32, #tpu.memory_space<hbm>>) target(%dma_start3A_173 : memref<16x128xi32, #tpu.memory_space<vmem>>) target_semaphore(%arg15 : memref<!tpu.dma_semaphore, #tpu.memory_space<semaphore_mem>>)
          %dma_start3A_177 = arith.constant 1 : i32
          %dma_start3A_178 = arith.constant 0 : i32
          %dma_start3A_179 = arith.constant 0 : i32
          %dma_start3A_180 = tpu.memref_slice %arg8[%sub3A_158, %dma_start3A_178, %dma_start3A_179] : memref<2x16x128xi32, #tpu.memory_space<vmem>> -> memref<1x16x128xi32, #tpu.memory_space<vmem>>
          %dma_start3A_181 = tpu.memref_squeeze %dma_start3A_180 : memref<1x16x128xi32, #tpu.memory_space<vmem>> -> memref<16x128xi32, #tpu.memory_space<vmem>>
          %dma_start3A_182 = arith.constant 0 : i32
          %dma_start3A_183 = tpu.memref_slice %arg5[%dma_start3A_177, %add3A_161, %dma_start3A_182] : memref<3x2560x128xi32, #tpu.memory_space<hbm>> -> memref<1x16x128xi32, #tpu.memory_space<hbm>>
          %dma_start3A_184 = tpu.memref_squeeze %dma_start3A_183 : memref<1x16x128xi32, #tpu.memory_space<hbm>> -> memref<16x128xi32, #tpu.memory_space<hbm>>
          %dma_start3A_185 = arith.constant 0 : i32
          %dma_start3A_186 = arith.constant 0 : i32
          %dma_start3A_187 = tpu.memref_slice %arg8[%sub3A_158, %dma_start3A_185, %dma_start3A_186] : memref<2x16x128xi32, #tpu.memory_space<vmem>> -> memref<1x16x128xi32, #tpu.memory_space<vmem>>
          %dma_start3A_188 = tpu.memref_squeeze %dma_start3A_187 : memref<1x16x128xi32, #tpu.memory_space<vmem>> -> memref<16x128xi32, #tpu.memory_space<vmem>>
          %dma_start3A_189 = arith.constant 0 : i32
          %dma_start3A_190 = tpu.memref_slice %arg5[%dma_start3A_177, %add3A_161, %dma_start3A_189] : memref<3x2560x128xi32, #tpu.memory_space<hbm>> -> memref<1x16x128xi32, #tpu.memory_space<hbm>>
          %dma_start3A_191 = tpu.memref_squeeze %dma_start3A_190 : memref<1x16x128xi32, #tpu.memory_space<hbm>> -> memref<16x128xi32, #tpu.memory_space<hbm>>
          tpu.enqueue_dma source(%dma_start3A_191 : memref<16x128xi32, #tpu.memory_space<hbm>>) target(%dma_start3A_188 : memref<16x128xi32, #tpu.memory_space<vmem>>) target_semaphore(%arg15 : memref<!tpu.dma_semaphore, #tpu.memory_space<semaphore_mem>>)
        } else {
        }
        %dma_start3A = arith.constant 0 : i32
        %dma_start3A_134 = arith.constant 0 : i32
        %dma_start3A_135 = tpu.memref_slice %arg7[%and3A_127, %dma_start3A, %dma_start3A_134] : memref<2x16x128xi32, #tpu.memory_space<vmem>> -> memref<1x1x128xi32, #tpu.memory_space<vmem>>
        %dma_start3A_136 = tpu.memref_squeeze %dma_start3A_135 : memref<1x1x128xi32, #tpu.memory_space<vmem>> -> memref<128xi32, #tpu.memory_space<vmem>>
        %dma_start3A_137 = arith.constant 0 : i32
        %dma_start3A_138 = arith.constant 0 : i32
        %dma_start3A_139 = tpu.memref_slice %arg2[%scan3A_116, %dma_start3A_137, %dma_start3A_138] : memref<3x10240x64xf32, #tpu.memory_space<hbm>> -> memref<1x10240x64xf32, #tpu.memory_space<hbm>>
        %dma_start3A_140 = tpu.memref_squeeze %dma_start3A_139 : memref<1x10240x64xf32, #tpu.memory_space<hbm>> -> memref<10240x64xf32, #tpu.memory_space<hbm>>
        %dma_start3A_141 = arith.constant 0 : i32
        %dma_start3A_142 = arith.constant 0 : i32
        %dma_start3A_143 = tpu.memref_slice %dma_start3A_140[%dma_start3A_141, %dma_start3A_142] : memref<10240x64xf32, #tpu.memory_space<hbm>> -> memref<10240x64xf32, #tpu.memory_space<hbm>>
        tpu.enqueue_indirect_dma source(%dma_start3A_143 : memref<10240x64xf32, #tpu.memory_space<hbm>>) target(%arg9 : memref<128x64xf32, #tpu.memory_space<vmem>>) offsets(%dma_start3A_136 : memref<128xi32, #tpu.memory_space<vmem>>) semaphore(%arg13 : memref<!tpu.dma_semaphore, #tpu.memory_space<semaphore_mem>>)
        %scan3A_144 = arith.constant 0 : i32
        %scan3A_145 = arith.constant 8 : i32
        %scan3A_146 = arith.addi %scan3A_144, %scan3A_145 : i32
        %scan3A_147 = arith.constant 1 : i32
        scf.for %scan3A_156 = %scan3A_144 to %scan3A_146 step %scan3A_147  : i32 {
          %mul3A_157 = arith.constant 1 : i32
          %mul3A_158 = arith.muli %scan3A_156, %mul3A_157 : i32
          %add3A_159 = arith.constant 0 : i32
          %add3A_160 = arith.addi %add3A_159, %mul3A_158 : i32
          %mul3A_161 = arith.constant 2 : i32
          %mul3A_162 = arith.muli %mul3A_161, %add3A_160 : i32
          %add3A_163 = arith.constant 1 : i32
          %add3A_164 = arith.addi %mul3A_162, %add3A_163 : i32
          %dma_start3A_165 = arith.constant 0 : i32
          %dma_start3A_166 = tpu.memref_slice %arg7[%and3A_127, %add3A_164, %dma_start3A_165] : memref<2x16x128xi32, #tpu.memory_space<vmem>> -> memref<1x1x128xi32, #tpu.memory_space<vmem>>
          %dma_start3A_167 = tpu.memref_squeeze %dma_start3A_166 : memref<1x1x128xi32, #tpu.memory_space<vmem>> -> memref<128xi32, #tpu.memory_space<vmem>>
          %dma_start3A_168 = arith.constant 0 : i32
          %dma_start3A_169 = arith.constant 0 : i32
          %dma_start3A_170 = tpu.memref_slice %arg2[%scan3A_116, %dma_start3A_168, %dma_start3A_169] : memref<3x10240x64xf32, #tpu.memory_space<hbm>> -> memref<1x10240x64xf32, #tpu.memory_space<hbm>>
          %dma_start3A_171 = tpu.memref_squeeze %dma_start3A_170 : memref<1x10240x64xf32, #tpu.memory_space<hbm>> -> memref<10240x64xf32, #tpu.memory_space<hbm>>
          %dma_start3A_172 = arith.constant 0 : i32
          %dma_start3A_173 = arith.constant 0 : i32
          %dma_start3A_174 = tpu.memref_slice %dma_start3A_171[%dma_start3A_172, %dma_start3A_173] : memref<10240x64xf32, #tpu.memory_space<hbm>> -> memref<10240x64xf32, #tpu.memory_space<hbm>>
          tpu.enqueue_indirect_dma source(%dma_start3A_174 : memref<10240x64xf32, #tpu.memory_space<hbm>>) target(%arg10 : memref<128x64xf32, #tpu.memory_space<vmem>>) offsets(%dma_start3A_167 : memref<128xi32, #tpu.memory_space<vmem>>) semaphore(%arg14 : memref<!tpu.dma_semaphore, #tpu.memory_space<semaphore_mem>>)
          %dma_wait3A = arith.constant 0 : i32
          %dma_wait3A_175 = arith.constant 0 : i32
          %dma_wait3A_176 = arith.constant 0 : i32
          %dma_wait3A_177 = tpu.memref_slice %arg7[%dma_wait3A, %dma_wait3A_175, %dma_wait3A_176] : memref<2x16x128xi32, #tpu.memory_space<vmem>> -> memref<1x1x128xi32, #tpu.memory_space<vmem>>
          %dma_wait3A_178 = tpu.memref_squeeze %dma_wait3A_177 : memref<1x1x128xi32, #tpu.memory_space<vmem>> -> memref<128xi32, #tpu.memory_space<vmem>>
          %dma_wait3A_179 = arith.constant 0 : i32
          %dma_wait3A_180 = arith.constant 0 : i32
          %dma_wait3A_181 = tpu.memref_slice %arg2[%scan3A_116, %dma_wait3A_179, %dma_wait3A_180] : memref<3x10240x64xf32, #tpu.memory_space<hbm>> -> memref<1x10240x64xf32, #tpu.memory_space<hbm>>
          %dma_wait3A_182 = tpu.memref_squeeze %dma_wait3A_181 : memref<1x10240x64xf32, #tpu.memory_space<hbm>> -> memref<10240x64xf32, #tpu.memory_space<hbm>>
          %dma_wait3A_183 = arith.constant 0 : i32
          %dma_wait3A_184 = arith.constant 0 : i32
          %dma_wait3A_185 = tpu.memref_slice %dma_wait3A_182[%dma_wait3A_183, %dma_wait3A_184] : memref<10240x64xf32, #tpu.memory_space<hbm>> -> memref<10240x64xf32, #tpu.memory_space<hbm>>
          tpu.wait_indirect_dma semaphore(%arg13 : memref<!tpu.dma_semaphore, #tpu.memory_space<semaphore_mem>>) src(%dma_wait3A_185 : memref<10240x64xf32, #tpu.memory_space<hbm>>) dst(%arg9 : memref<128x64xf32, #tpu.memory_space<vmem>>)
          "tpu.region"() ({
            %run_scoped3A_207 = tpu.sem_alloc : memref<!tpu.dma_semaphore, #tpu.memory_space<semaphore_mem>>
            %dma_start3A_208 = arith.constant 0 : i32
            %dma_start3A_209 = tpu.memref_slice %arg8[%and3A_127, %mul3A_162, %dma_start3A_208] : memref<2x16x128xi32, #tpu.memory_space<vmem>> -> memref<1x1x128xi32, #tpu.memory_space<vmem>>
            %dma_start3A_210 = tpu.memref_squeeze %dma_start3A_209 : memref<1x1x128xi32, #tpu.memory_space<vmem>> -> memref<128xi32, #tpu.memory_space<vmem>>
            %dma_start3A_211 = arith.constant 0 : i32
            %dma_start3A_212 = arith.constant 0 : i32
            %dma_start3A_213 = tpu.memref_slice %arg12[%dma_start3A_211, %dma_start3A_212] : memref<10240x64xf32, #tpu.memory_space<vmem_shared>> -> memref<10240x64xf32, #tpu.memory_space<vmem_shared>>
            tpu.enqueue_indirect_dma source(%arg9 : memref<128x64xf32, #tpu.memory_space<vmem>>) target(%dma_start3A_213 : memref<10240x64xf32, #tpu.memory_space<vmem_shared>>) offsets(%dma_start3A_210 : memref<128xi32, #tpu.memory_space<vmem>>) semaphore(%run_scoped3A_207 : memref<!tpu.dma_semaphore, #tpu.memory_space<semaphore_mem>>) {add = true}
            %dma_wait3A_214 = arith.constant 0 : i32
            %dma_wait3A_215 = tpu.memref_slice %arg8[%and3A_127, %mul3A_162, %dma_wait3A_214] : memref<2x16x128xi32, #tpu.memory_space<vmem>> -> memref<1x1x128xi32, #tpu.memory_space<vmem>>
            %dma_wait3A_216 = tpu.memref_squeeze %dma_wait3A_215 : memref<1x1x128xi32, #tpu.memory_space<vmem>> -> memref<128xi32, #tpu.memory_space<vmem>>
            %dma_wait3A_217 = arith.constant 0 : i32
            %dma_wait3A_218 = arith.constant 0 : i32
            %dma_wait3A_219 = tpu.memref_slice %arg12[%dma_wait3A_217, %dma_wait3A_218] : memref<10240x64xf32, #tpu.memory_space<vmem_shared>> -> memref<10240x64xf32, #tpu.memory_space<vmem_shared>>
            tpu.wait_indirect_dma semaphore(%run_scoped3A_207 : memref<!tpu.dma_semaphore, #tpu.memory_space<semaphore_mem>>) src(%arg9 : memref<128x64xf32, #tpu.memory_space<vmem>>) dst(%dma_wait3A_219 : memref<10240x64xf32, #tpu.memory_space<vmem_shared>>)
            tpu.yield
          }) : () -> ()
          %add3A_186 = arith.constant 2 : i32
          %add3A_187 = arith.addi %mul3A_162, %add3A_186 : i32
          %lt3A_188 = arith.constant 16 : i32
          %lt3A_189 = arith.cmpi slt, %add3A_187, %lt3A_188 : i32
          %convert_element_type3A_190 = arith.extui %lt3A_189 : i1 to i32
          %cond3A_191 = arith.constant 0 : i32
          %cond3A_192 = arith.cmpi ne, %convert_element_type3A_190, %cond3A_191 : i32
          scf.if %cond3A_192 {
            %add3A_207 = arith.constant 2 : i32
            %add3A_208 = arith.addi %mul3A_162, %add3A_207 : i32
            %dma_start3A_209 = arith.constant 0 : i32
            %dma_start3A_210 = tpu.memref_slice %arg7[%and3A_127, %add3A_208, %dma_start3A_209] : memref<2x16x128xi32, #tpu.memory_space<vmem>> -> memref<1x1x128xi32, #tpu.memory_space<vmem>>
            %dma_start3A_211 = tpu.memref_squeeze %dma_start3A_210 : memref<1x1x128xi32, #tpu.memory_space<vmem>> -> memref<128xi32, #tpu.memory_space<vmem>>
            %dma_start3A_212 = arith.constant 0 : i32
            %dma_start3A_213 = arith.constant 0 : i32
            %dma_start3A_214 = tpu.memref_slice %arg2[%scan3A_116, %dma_start3A_212, %dma_start3A_213] : memref<3x10240x64xf32, #tpu.memory_space<hbm>> -> memref<1x10240x64xf32, #tpu.memory_space<hbm>>
            %dma_start3A_215 = tpu.memref_squeeze %dma_start3A_214 : memref<1x10240x64xf32, #tpu.memory_space<hbm>> -> memref<10240x64xf32, #tpu.memory_space<hbm>>
            %dma_start3A_216 = arith.constant 0 : i32
            %dma_start3A_217 = arith.constant 0 : i32
            %dma_start3A_218 = tpu.memref_slice %dma_start3A_215[%dma_start3A_216, %dma_start3A_217] : memref<10240x64xf32, #tpu.memory_space<hbm>> -> memref<10240x64xf32, #tpu.memory_space<hbm>>
            tpu.enqueue_indirect_dma source(%dma_start3A_218 : memref<10240x64xf32, #tpu.memory_space<hbm>>) target(%arg9 : memref<128x64xf32, #tpu.memory_space<vmem>>) offsets(%dma_start3A_211 : memref<128xi32, #tpu.memory_space<vmem>>) semaphore(%arg13 : memref<!tpu.dma_semaphore, #tpu.memory_space<semaphore_mem>>)
          } else {
          }
          %dma_wait3A_193 = arith.constant 0 : i32
          %dma_wait3A_194 = arith.constant 0 : i32
          %dma_wait3A_195 = arith.constant 0 : i32
          %dma_wait3A_196 = tpu.memref_slice %arg7[%dma_wait3A_193, %dma_wait3A_194, %dma_wait3A_195] : memref<2x16x128xi32, #tpu.memory_space<vmem>> -> memref<1x1x128xi32, #tpu.memory_space<vmem>>
          %dma_wait3A_197 = tpu.memref_squeeze %dma_wait3A_196 : memref<1x1x128xi32, #tpu.memory_space<vmem>> -> memref<128xi32, #tpu.memory_space<vmem>>
          %dma_wait3A_198 = arith.constant 0 : i32
          %dma_wait3A_199 = arith.constant 0 : i32
          %dma_wait3A_200 = tpu.memref_slice %arg2[%scan3A_116, %dma_wait3A_198, %dma_wait3A_199] : memref<3x10240x64xf32, #tpu.memory_space<hbm>> -> memref<1x10240x64xf32, #tpu.memory_space<hbm>>
          %dma_wait3A_201 = tpu.memref_squeeze %dma_wait3A_200 : memref<1x10240x64xf32, #tpu.memory_space<hbm>> -> memref<10240x64xf32, #tpu.memory_space<hbm>>
          %dma_wait3A_202 = arith.constant 0 : i32
          %dma_wait3A_203 = arith.constant 0 : i32
          %dma_wait3A_204 = tpu.memref_slice %dma_wait3A_201[%dma_wait3A_202, %dma_wait3A_203] : memref<10240x64xf32, #tpu.memory_space<hbm>> -> memref<10240x64xf32, #tpu.memory_space<hbm>>
          tpu.wait_indirect_dma semaphore(%arg14 : memref<!tpu.dma_semaphore, #tpu.memory_space<semaphore_mem>>) src(%dma_wait3A_204 : memref<10240x64xf32, #tpu.memory_space<hbm>>) dst(%arg10 : memref<128x64xf32, #tpu.memory_space<vmem>>)
          %add3A_205 = arith.constant 1 : i32
          %add3A_206 = arith.addi %mul3A_162, %add3A_205 : i32
          "tpu.region"() ({
            %run_scoped3A_207 = tpu.sem_alloc : memref<!tpu.dma_semaphore, #tpu.memory_space<semaphore_mem>>
            %dma_start3A_208 = arith.constant 0 : i32
            %dma_start3A_209 = tpu.memref_slice %arg8[%and3A_127, %add3A_206, %dma_start3A_208] : memref<2x16x128xi32, #tpu.memory_space<vmem>> -> memref<1x1x128xi32, #tpu.memory_space<vmem>>
            %dma_start3A_210 = tpu.memref_squeeze %dma_start3A_209 : memref<1x1x128xi32, #tpu.memory_space<vmem>> -> memref<128xi32, #tpu.memory_space<vmem>>
            %dma_start3A_211 = arith.constant 0 : i32
            %dma_start3A_212 = arith.constant 0 : i32
            %dma_start3A_213 = tpu.memref_slice %arg12[%dma_start3A_211, %dma_start3A_212] : memref<10240x64xf32, #tpu.memory_space<vmem_shared>> -> memref<10240x64xf32, #tpu.memory_space<vmem_shared>>
            tpu.enqueue_indirect_dma source(%arg10 : memref<128x64xf32, #tpu.memory_space<vmem>>) target(%dma_start3A_213 : memref<10240x64xf32, #tpu.memory_space<vmem_shared>>) offsets(%dma_start3A_210 : memref<128xi32, #tpu.memory_space<vmem>>) semaphore(%run_scoped3A_207 : memref<!tpu.dma_semaphore, #tpu.memory_space<semaphore_mem>>) {add = true}
            %dma_wait3A_214 = arith.constant 0 : i32
            %dma_wait3A_215 = tpu.memref_slice %arg8[%and3A_127, %add3A_206, %dma_wait3A_214] : memref<2x16x128xi32, #tpu.memory_space<vmem>> -> memref<1x1x128xi32, #tpu.memory_space<vmem>>
            %dma_wait3A_216 = tpu.memref_squeeze %dma_wait3A_215 : memref<1x1x128xi32, #tpu.memory_space<vmem>> -> memref<128xi32, #tpu.memory_space<vmem>>
            %dma_wait3A_217 = arith.constant 0 : i32
            %dma_wait3A_218 = arith.constant 0 : i32
            %dma_wait3A_219 = tpu.memref_slice %arg12[%dma_wait3A_217, %dma_wait3A_218] : memref<10240x64xf32, #tpu.memory_space<vmem_shared>> -> memref<10240x64xf32, #tpu.memory_space<vmem_shared>>
            tpu.wait_indirect_dma semaphore(%run_scoped3A_207 : memref<!tpu.dma_semaphore, #tpu.memory_space<semaphore_mem>>) src(%arg10 : memref<128x64xf32, #tpu.memory_space<vmem>>) dst(%dma_wait3A_219 : memref<10240x64xf32, #tpu.memory_space<vmem_shared>>)
            tpu.yield
          }) : () -> ()
        }
        %scan3A_148 = arith.constant 8 : i32
        %add3A_149 = arith.constant 1 : i32
        %add3A_150 = arith.addi %add3A_126, %add3A_149 : i32
        %lt3A_151 = arith.constant 10 : i32
        %lt3A_152 = arith.cmpi slt, %add3A_150, %lt3A_151 : i32
        %convert_element_type3A_153 = arith.extui %lt3A_152 : i1 to i32
        %cond3A_154 = arith.constant 0 : i32
        %cond3A_155 = arith.cmpi ne, %convert_element_type3A_153, %cond3A_154 : i32
        scf.if %cond3A_155 {
          %sub3A = arith.constant 1 : i32
          %sub3A_156 = arith.subi %sub3A, %and3A_127 : i32
          %dma_wait3A = arith.constant 1 : i32
          %dma_wait3A_157 = arith.constant 0 : i32
          %dma_wait3A_158 = arith.constant 0 : i32
          %dma_wait3A_159 = tpu.memref_slice %arg7[%sub3A_156, %dma_wait3A_157, %dma_wait3A_158] : memref<2x16x128xi32, #tpu.memory_space<vmem>> -> memref<1x16x128xi32, #tpu.memory_space<vmem>>
          %dma_wait3A_160 = tpu.memref_squeeze %dma_wait3A_159 : memref<1x16x128xi32, #tpu.memory_space<vmem>> -> memref<16x128xi32, #tpu.memory_space<vmem>>
          %dma_wait3A_161 = arith.constant 0 : i32
          %dma_wait3A_162 = arith.constant 0 : i32
          %dma_wait3A_163 = tpu.memref_slice %arg4[%dma_wait3A, %dma_wait3A_161, %dma_wait3A_162] : memref<3x2560x128xi32, #tpu.memory_space<hbm>> -> memref<1x16x128xi32, #tpu.memory_space<hbm>>
          %dma_wait3A_164 = tpu.memref_squeeze %dma_wait3A_163 : memref<1x16x128xi32, #tpu.memory_space<hbm>> -> memref<16x128xi32, #tpu.memory_space<hbm>>
          %dma_wait3A_165 = arith.constant 0 : i32
          %dma_wait3A_166 = arith.constant 0 : i32
          %dma_wait3A_167 = tpu.memref_slice %arg7[%sub3A_156, %dma_wait3A_165, %dma_wait3A_166] : memref<2x16x128xi32, #tpu.memory_space<vmem>> -> memref<1x16x128xi32, #tpu.memory_space<vmem>>
          %dma_wait3A_168 = tpu.memref_squeeze %dma_wait3A_167 : memref<1x16x128xi32, #tpu.memory_space<vmem>> -> memref<16x128xi32, #tpu.memory_space<vmem>>
          %dma_wait3A_169 = arith.constant 0 : i32
          %dma_wait3A_170 = arith.constant 0 : i32
          %dma_wait3A_171 = tpu.memref_slice %arg4[%dma_wait3A, %dma_wait3A_169, %dma_wait3A_170] : memref<3x2560x128xi32, #tpu.memory_space<hbm>> -> memref<1x16x128xi32, #tpu.memory_space<hbm>>
          %dma_wait3A_172 = tpu.memref_squeeze %dma_wait3A_171 : memref<1x16x128xi32, #tpu.memory_space<hbm>> -> memref<16x128xi32, #tpu.memory_space<hbm>>
          tpu.wait_dma2 semaphore(%arg15 : memref<!tpu.dma_semaphore, #tpu.memory_space<semaphore_mem>>) src(%dma_wait3A_172 : memref<16x128xi32, #tpu.memory_space<hbm>>) dst(%dma_wait3A_168 : memref<16x128xi32, #tpu.memory_space<vmem>>)
          %dma_wait3A_173 = arith.constant 1 : i32
          %dma_wait3A_174 = arith.constant 0 : i32
          %dma_wait3A_175 = arith.constant 0 : i32
          %dma_wait3A_176 = tpu.memref_slice %arg8[%sub3A_156, %dma_wait3A_174, %dma_wait3A_175] : memref<2x16x128xi32, #tpu.memory_space<vmem>> -> memref<1x16x128xi32, #tpu.memory_space<vmem>>
          %dma_wait3A_177 = tpu.memref_squeeze %dma_wait3A_176 : memref<1x16x128xi32, #tpu.memory_space<vmem>> -> memref<16x128xi32, #tpu.memory_space<vmem>>
          %dma_wait3A_178 = arith.constant 0 : i32
          %dma_wait3A_179 = arith.constant 0 : i32
          %dma_wait3A_180 = tpu.memref_slice %arg5[%dma_wait3A_173, %dma_wait3A_178, %dma_wait3A_179] : memref<3x2560x128xi32, #tpu.memory_space<hbm>> -> memref<1x16x128xi32, #tpu.memory_space<hbm>>
          %dma_wait3A_181 = tpu.memref_squeeze %dma_wait3A_180 : memref<1x16x128xi32, #tpu.memory_space<hbm>> -> memref<16x128xi32, #tpu.memory_space<hbm>>
          %dma_wait3A_182 = arith.constant 0 : i32
          %dma_wait3A_183 = arith.constant 0 : i32
          %dma_wait3A_184 = tpu.memref_slice %arg8[%sub3A_156, %dma_wait3A_182, %dma_wait3A_183] : memref<2x16x128xi32, #tpu.memory_space<vmem>> -> memref<1x16x128xi32, #tpu.memory_space<vmem>>
          %dma_wait3A_185 = tpu.memref_squeeze %dma_wait3A_184 : memref<1x16x128xi32, #tpu.memory_space<vmem>> -> memref<16x128xi32, #tpu.memory_space<vmem>>
          %dma_wait3A_186 = arith.constant 0 : i32
          %dma_wait3A_187 = arith.constant 0 : i32
          %dma_wait3A_188 = tpu.memref_slice %arg5[%dma_wait3A_173, %dma_wait3A_186, %dma_wait3A_187] : memref<3x2560x128xi32, #tpu.memory_space<hbm>> -> memref<1x16x128xi32, #tpu.memory_space<hbm>>
          %dma_wait3A_189 = tpu.memref_squeeze %dma_wait3A_188 : memref<1x16x128xi32, #tpu.memory_space<hbm>> -> memref<16x128xi32, #tpu.memory_space<hbm>>
          tpu.wait_dma2 semaphore(%arg15 : memref<!tpu.dma_semaphore, #tpu.memory_space<semaphore_mem>>) src(%dma_wait3A_189 : memref<16x128xi32, #tpu.memory_space<hbm>>) dst(%dma_wait3A_185 : memref<16x128xi32, #tpu.memory_space<vmem>>)
        } else {
        }
      }
      %scan3A_121 = arith.constant 10 : i32
    } else {
    }
    %eq3A_57 = arith.constant 1 : i32
    %eq3A_58 = arith.cmpi eq, %arg0, %eq3A_57 : i32
    %convert_element_type3A_59 = arith.extui %eq3A_58 : i1 to i32
    %cond3A_60 = arith.constant 0 : i32
    %cond3A_61 = arith.cmpi ne, %convert_element_type3A_59, %cond3A_60 : i32
    scf.if %cond3A_61 {
      %add3A = arith.constant 0 : i32
      %add3A_112 = arith.addi %mul3A_1, %add3A : i32
      %run_scoped3A = arith.constant 1 : i32
      %run_scoped3A_113 = arith.constant 0 : i32
      "tpu.region"() ({
        %run_scoped3A_121 = tpu.sem_alloc : memref<!tpu.dma_semaphore, #tpu.memory_space<semaphore_mem>>
        %dma_start3A = arith.constant 0 : i32
        %dma_start3A_122 = arith.constant 0 : i32
        %dma_start3A_123 = tpu.memref_slice %arg7[%run_scoped3A_113, %dma_start3A, %dma_start3A_122] : memref<2x16x128xi32, #tpu.memory_space<vmem>> -> memref<1x16x128xi32, #tpu.memory_space<vmem>>
        %dma_start3A_124 = tpu.memref_squeeze %dma_start3A_123 : memref<1x16x128xi32, #tpu.memory_space<vmem>> -> memref<16x128xi32, #tpu.memory_space<vmem>>
        %dma_start3A_125 = arith.constant 0 : i32
        %dma_start3A_126 = tpu.memref_slice %arg4[%run_scoped3A, %add3A_112, %dma_start3A_125] : memref<3x2560x128xi32, #tpu.memory_space<hbm>> -> memref<1x16x128xi32, #tpu.memory_space<hbm>>
        %dma_start3A_127 = tpu.memref_squeeze %dma_start3A_126 : memref<1x16x128xi32, #tpu.memory_space<hbm>> -> memref<16x128xi32, #tpu.memory_space<hbm>>
        %dma_start3A_128 = arith.constant 0 : i32
        %dma_start3A_129 = arith.constant 0 : i32
        %dma_start3A_130 = tpu.memref_slice %arg7[%run_scoped3A_113, %dma_start3A_128, %dma_start3A_129] : memref<2x16x128xi32, #tpu.memory_space<vmem>> -> memref<1x16x128xi32, #tpu.memory_space<vmem>>
        %dma_start3A_131 = tpu.memref_squeeze %dma_start3A_130 : memref<1x16x128xi32, #tpu.memory_space<vmem>> -> memref<16x128xi32, #tpu.memory_space<vmem>>
        %dma_start3A_132 = arith.constant 0 : i32
        %dma_start3A_133 = tpu.memref_slice %arg4[%run_scoped3A, %add3A_112, %dma_start3A_132] : memref<3x2560x128xi32, #tpu.memory_space<hbm>> -> memref<1x16x128xi32, #tpu.memory_space<hbm>>
        %dma_start3A_134 = tpu.memref_squeeze %dma_start3A_133 : memref<1x16x128xi32, #tpu.memory_space<hbm>> -> memref<16x128xi32, #tpu.memory_space<hbm>>
        tpu.enqueue_dma source(%dma_start3A_134 : memref<16x128xi32, #tpu.memory_space<hbm>>) target(%dma_start3A_131 : memref<16x128xi32, #tpu.memory_space<vmem>>) target_semaphore(%run_scoped3A_121 : memref<!tpu.dma_semaphore, #tpu.memory_space<semaphore_mem>>)
        %dma_wait3A = arith.constant 0 : i32
        %dma_wait3A_135 = arith.constant 0 : i32
        %dma_wait3A_136 = tpu.memref_slice %arg7[%run_scoped3A_113, %dma_wait3A, %dma_wait3A_135] : memref<2x16x128xi32, #tpu.memory_space<vmem>> -> memref<1x16x128xi32, #tpu.memory_space<vmem>>
        %dma_wait3A_137 = tpu.memref_squeeze %dma_wait3A_136 : memref<1x16x128xi32, #tpu.memory_space<vmem>> -> memref<16x128xi32, #tpu.memory_space<vmem>>
        %dma_wait3A_138 = arith.constant 0 : i32
        %dma_wait3A_139 = tpu.memref_slice %arg4[%run_scoped3A, %add3A_112, %dma_wait3A_138] : memref<3x2560x128xi32, #tpu.memory_space<hbm>> -> memref<1x16x128xi32, #tpu.memory_space<hbm>>
        %dma_wait3A_140 = tpu.memref_squeeze %dma_wait3A_139 : memref<1x16x128xi32, #tpu.memory_space<hbm>> -> memref<16x128xi32, #tpu.memory_space<hbm>>
        %dma_wait3A_141 = arith.constant 0 : i32
        %dma_wait3A_142 = arith.constant 0 : i32
        %dma_wait3A_143 = tpu.memref_slice %arg7[%run_scoped3A_113, %dma_wait3A_141, %dma_wait3A_142] : memref<2x16x128xi32, #tpu.memory_space<vmem>> -> memref<1x16x128xi32, #tpu.memory_space<vmem>>
        %dma_wait3A_144 = tpu.memref_squeeze %dma_wait3A_143 : memref<1x16x128xi32, #tpu.memory_space<vmem>> -> memref<16x128xi32, #tpu.memory_space<vmem>>
        %dma_wait3A_145 = arith.constant 0 : i32
        %dma_wait3A_146 = tpu.memref_slice %arg4[%run_scoped3A, %add3A_112, %dma_wait3A_145] : memref<3x2560x128xi32, #tpu.memory_space<hbm>> -> memref<1x16x128xi32, #tpu.memory_space<hbm>>
        %dma_wait3A_147 = tpu.memref_squeeze %dma_wait3A_146 : memref<1x16x128xi32, #tpu.memory_space<hbm>> -> memref<16x128xi32, #tpu.memory_space<hbm>>
        tpu.wait_dma2 semaphore(%run_scoped3A_121 : memref<!tpu.dma_semaphore, #tpu.memory_space<semaphore_mem>>) src(%dma_wait3A_147 : memref<16x128xi32, #tpu.memory_space<hbm>>) dst(%dma_wait3A_144 : memref<16x128xi32, #tpu.memory_space<vmem>>)
        tpu.yield
      }) : () -> ()
      %run_scoped3A_114 = arith.constant 1 : i32
      %run_scoped3A_115 = arith.constant 0 : i32
      "tpu.region"() ({
        %run_scoped3A_121 = tpu.sem_alloc : memref<!tpu.dma_semaphore, #tpu.memory_space<semaphore_mem>>
        %dma_start3A = arith.constant 0 : i32
        %dma_start3A_122 = arith.constant 0 : i32
        %dma_start3A_123 = tpu.memref_slice %arg8[%run_scoped3A_115, %dma_start3A, %dma_start3A_122] : memref<2x16x128xi32, #tpu.memory_space<vmem>> -> memref<1x16x128xi32, #tpu.memory_space<vmem>>
        %dma_start3A_124 = tpu.memref_squeeze %dma_start3A_123 : memref<1x16x128xi32, #tpu.memory_space<vmem>> -> memref<16x128xi32, #tpu.memory_space<vmem>>
        %dma_start3A_125 = arith.constant 0 : i32
        %dma_start3A_126 = tpu.memref_slice %arg5[%run_scoped3A_114, %add3A_112, %dma_start3A_125] : memref<3x2560x128xi32, #tpu.memory_space<hbm>> -> memref<1x16x128xi32, #tpu.memory_space<hbm>>
        %dma_start3A_127 = tpu.memref_squeeze %dma_start3A_126 : memref<1x16x128xi32, #tpu.memory_space<hbm>> -> memref<16x128xi32, #tpu.memory_space<hbm>>
        %dma_start3A_128 = arith.constant 0 : i32
        %dma_start3A_129 = arith.constant 0 : i32
        %dma_start3A_130 = tpu.memref_slice %arg8[%run_scoped3A_115, %dma_start3A_128, %dma_start3A_129] : memref<2x16x128xi32, #tpu.memory_space<vmem>> -> memref<1x16x128xi32, #tpu.memory_space<vmem>>
        %dma_start3A_131 = tpu.memref_squeeze %dma_start3A_130 : memref<1x16x128xi32, #tpu.memory_space<vmem>> -> memref<16x128xi32, #tpu.memory_space<vmem>>
        %dma_start3A_132 = arith.constant 0 : i32
        %dma_start3A_133 = tpu.memref_slice %arg5[%run_scoped3A_114, %add3A_112, %dma_start3A_132] : memref<3x2560x128xi32, #tpu.memory_space<hbm>> -> memref<1x16x128xi32, #tpu.memory_space<hbm>>
        %dma_start3A_134 = tpu.memref_squeeze %dma_start3A_133 : memref<1x16x128xi32, #tpu.memory_space<hbm>> -> memref<16x128xi32, #tpu.memory_space<hbm>>
        tpu.enqueue_dma source(%dma_start3A_134 : memref<16x128xi32, #tpu.memory_space<hbm>>) target(%dma_start3A_131 : memref<16x128xi32, #tpu.memory_space<vmem>>) target_semaphore(%run_scoped3A_121 : memref<!tpu.dma_semaphore, #tpu.memory_space<semaphore_mem>>)
        %dma_wait3A = arith.constant 0 : i32
        %dma_wait3A_135 = arith.constant 0 : i32
        %dma_wait3A_136 = tpu.memref_slice %arg8[%run_scoped3A_115, %dma_wait3A, %dma_wait3A_135] : memref<2x16x128xi32, #tpu.memory_space<vmem>> -> memref<1x16x128xi32, #tpu.memory_space<vmem>>
        %dma_wait3A_137 = tpu.memref_squeeze %dma_wait3A_136 : memref<1x16x128xi32, #tpu.memory_space<vmem>> -> memref<16x128xi32, #tpu.memory_space<vmem>>
        %dma_wait3A_138 = arith.constant 0 : i32
        %dma_wait3A_139 = tpu.memref_slice %arg5[%run_scoped3A_114, %add3A_112, %dma_wait3A_138] : memref<3x2560x128xi32, #tpu.memory_space<hbm>> -> memref<1x16x128xi32, #tpu.memory_space<hbm>>
        %dma_wait3A_140 = tpu.memref_squeeze %dma_wait3A_139 : memref<1x16x128xi32, #tpu.memory_space<hbm>> -> memref<16x128xi32, #tpu.memory_space<hbm>>
        %dma_wait3A_141 = arith.constant 0 : i32
        %dma_wait3A_142 = arith.constant 0 : i32
        %dma_wait3A_143 = tpu.memref_slice %arg8[%run_scoped3A_115, %dma_wait3A_141, %dma_wait3A_142] : memref<2x16x128xi32, #tpu.memory_space<vmem>> -> memref<1x16x128xi32, #tpu.memory_space<vmem>>
        %dma_wait3A_144 = tpu.memref_squeeze %dma_wait3A_143 : memref<1x16x128xi32, #tpu.memory_space<vmem>> -> memref<16x128xi32, #tpu.memory_space<vmem>>
        %dma_wait3A_145 = arith.constant 0 : i32
        %dma_wait3A_146 = tpu.memref_slice %arg5[%run_scoped3A_114, %add3A_112, %dma_wait3A_145] : memref<3x2560x128xi32, #tpu.memory_space<hbm>> -> memref<1x16x128xi32, #tpu.memory_space<hbm>>
        %dma_wait3A_147 = tpu.memref_squeeze %dma_wait3A_146 : memref<1x16x128xi32, #tpu.memory_space<hbm>> -> memref<16x128xi32, #tpu.memory_space<hbm>>
        tpu.wait_dma2 semaphore(%run_scoped3A_121 : memref<!tpu.dma_semaphore, #tpu.memory_space<semaphore_mem>>) src(%dma_wait3A_147 : memref<16x128xi32, #tpu.memory_space<hbm>>) dst(%dma_wait3A_144 : memref<16x128xi32, #tpu.memory_space<vmem>>)
        tpu.yield
      }) : () -> ()
      %scan3A_116 = arith.constant 0 : i32
      %scan3A_117 = arith.constant 10 : i32
      %scan3A_118 = arith.addi %scan3A_116, %scan3A_117 : i32
      %scan3A_119 = arith.constant 1 : i32
      scf.for %scan3A_121 = %scan3A_116 to %scan3A_118 step %scan3A_119  : i32 {
        %mul3A_122 = arith.constant 1 : i32
        %mul3A_123 = arith.muli %scan3A_121, %mul3A_122 : i32
        %add3A_124 = arith.constant 0 : i32
        %add3A_125 = arith.addi %add3A_124, %mul3A_123 : i32
        %and3A = arith.constant 1 : i32
        %and3A_126 = arith.andi %add3A_125, %and3A : i32
        %add3A_127 = arith.constant 1 : i32
        %add3A_128 = arith.addi %add3A_125, %add3A_127 : i32
        %lt3A = arith.constant 10 : i32
        %lt3A_129 = arith.cmpi slt, %add3A_128, %lt3A : i32
        %convert_element_type3A_130 = arith.extui %lt3A_129 : i1 to i32
        %cond3A_131 = arith.constant 0 : i32
        %cond3A_132 = arith.cmpi ne, %convert_element_type3A_130, %cond3A_131 : i32
        scf.if %cond3A_132 {
          %add3A_151 = arith.constant 1 : i32
          %add3A_152 = arith.addi %add3A_125, %add3A_151 : i32
          %sub3A = arith.constant 1 : i32
          %sub3A_153 = arith.subi %sub3A, %and3A_126 : i32
          %mul3A_154 = arith.constant 16 : i32
          %mul3A_155 = arith.muli %add3A_152, %mul3A_154 : i32
          %add3A_156 = arith.addi %mul3A_1, %mul3A_155 : i32
          %dma_start3A_157 = arith.constant 1 : i32
          %dma_start3A_158 = arith.constant 0 : i32
          %dma_start3A_159 = arith.constant 0 : i32
          %dma_start3A_160 = tpu.memref_slice %arg7[%sub3A_153, %dma_start3A_158, %dma_start3A_159] : memref<2x16x128xi32, #tpu.memory_space<vmem>> -> memref<1x16x128xi32, #tpu.memory_space<vmem>>
          %dma_start3A_161 = tpu.memref_squeeze %dma_start3A_160 : memref<1x16x128xi32, #tpu.memory_space<vmem>> -> memref<16x128xi32, #tpu.memory_space<vmem>>
          %dma_start3A_162 = arith.constant 0 : i32
          %dma_start3A_163 = tpu.memref_slice %arg4[%dma_start3A_157, %add3A_156, %dma_start3A_162] : memref<3x2560x128xi32, #tpu.memory_space<hbm>> -> memref<1x16x128xi32, #tpu.memory_space<hbm>>
          %dma_start3A_164 = tpu.memref_squeeze %dma_start3A_163 : memref<1x16x128xi32, #tpu.memory_space<hbm>> -> memref<16x128xi32, #tpu.memory_space<hbm>>
          %dma_start3A_165 = arith.constant 0 : i32
          %dma_start3A_166 = arith.constant 0 : i32
          %dma_start3A_167 = tpu.memref_slice %arg7[%sub3A_153, %dma_start3A_165, %dma_start3A_166] : memref<2x16x128xi32, #tpu.memory_space<vmem>> -> memref<1x16x128xi32, #tpu.memory_space<vmem>>
          %dma_start3A_168 = tpu.memref_squeeze %dma_start3A_167 : memref<1x16x128xi32, #tpu.memory_space<vmem>> -> memref<16x128xi32, #tpu.memory_space<vmem>>
          %dma_start3A_169 = arith.constant 0 : i32
          %dma_start3A_170 = tpu.memref_slice %arg4[%dma_start3A_157, %add3A_156, %dma_start3A_169] : memref<3x2560x128xi32, #tpu.memory_space<hbm>> -> memref<1x16x128xi32, #tpu.memory_space<hbm>>
          %dma_start3A_171 = tpu.memref_squeeze %dma_start3A_170 : memref<1x16x128xi32, #tpu.memory_space<hbm>> -> memref<16x128xi32, #tpu.memory_space<hbm>>
          tpu.enqueue_dma source(%dma_start3A_171 : memref<16x128xi32, #tpu.memory_space<hbm>>) target(%dma_start3A_168 : memref<16x128xi32, #tpu.memory_space<vmem>>) target_semaphore(%arg15 : memref<!tpu.dma_semaphore, #tpu.memory_space<semaphore_mem>>)
          %dma_start3A_172 = arith.constant 1 : i32
          %dma_start3A_173 = arith.constant 0 : i32
          %dma_start3A_174 = arith.constant 0 : i32
          %dma_start3A_175 = tpu.memref_slice %arg8[%sub3A_153, %dma_start3A_173, %dma_start3A_174] : memref<2x16x128xi32, #tpu.memory_space<vmem>> -> memref<1x16x128xi32, #tpu.memory_space<vmem>>
          %dma_start3A_176 = tpu.memref_squeeze %dma_start3A_175 : memref<1x16x128xi32, #tpu.memory_space<vmem>> -> memref<16x128xi32, #tpu.memory_space<vmem>>
          %dma_start3A_177 = arith.constant 0 : i32
          %dma_start3A_178 = tpu.memref_slice %arg5[%dma_start3A_172, %add3A_156, %dma_start3A_177] : memref<3x2560x128xi32, #tpu.memory_space<hbm>> -> memref<1x16x128xi32, #tpu.memory_space<hbm>>
          %dma_start3A_179 = tpu.memref_squeeze %dma_start3A_178 : memref<1x16x128xi32, #tpu.memory_space<hbm>> -> memref<16x128xi32, #tpu.memory_space<hbm>>
          %dma_start3A_180 = arith.constant 0 : i32
          %dma_start3A_181 = arith.constant 0 : i32
          %dma_start3A_182 = tpu.memref_slice %arg8[%sub3A_153, %dma_start3A_180, %dma_start3A_181] : memref<2x16x128xi32, #tpu.memory_space<vmem>> -> memref<1x16x128xi32, #tpu.memory_space<vmem>>
          %dma_start3A_183 = tpu.memref_squeeze %dma_start3A_182 : memref<1x16x128xi32, #tpu.memory_space<vmem>> -> memref<16x128xi32, #tpu.memory_space<vmem>>
          %dma_start3A_184 = arith.constant 0 : i32
          %dma_start3A_185 = tpu.memref_slice %arg5[%dma_start3A_172, %add3A_156, %dma_start3A_184] : memref<3x2560x128xi32, #tpu.memory_space<hbm>> -> memref<1x16x128xi32, #tpu.memory_space<hbm>>
          %dma_start3A_186 = tpu.memref_squeeze %dma_start3A_185 : memref<1x16x128xi32, #tpu.memory_space<hbm>> -> memref<16x128xi32, #tpu.memory_space<hbm>>
          tpu.enqueue_dma source(%dma_start3A_186 : memref<16x128xi32, #tpu.memory_space<hbm>>) target(%dma_start3A_183 : memref<16x128xi32, #tpu.memory_space<vmem>>) target_semaphore(%arg15 : memref<!tpu.dma_semaphore, #tpu.memory_space<semaphore_mem>>)
        } else {
        }
        %dma_start3A = arith.constant 0 : i32
        %dma_start3A_133 = arith.constant 0 : i32
        %dma_start3A_134 = tpu.memref_slice %arg7[%and3A_126, %dma_start3A, %dma_start3A_133] : memref<2x16x128xi32, #tpu.memory_space<vmem>> -> memref<1x1x128xi32, #tpu.memory_space<vmem>>
        %dma_start3A_135 = tpu.memref_squeeze %dma_start3A_134 : memref<1x1x128xi32, #tpu.memory_space<vmem>> -> memref<128xi32, #tpu.memory_space<vmem>>
        %dma_start3A_136 = arith.constant 0 : i32
        %dma_start3A_137 = arith.constant 0 : i32
        %dma_start3A_138 = tpu.memref_slice %arg11[%dma_start3A_136, %dma_start3A_137] : memref<10240x64xf32, #tpu.memory_space<vmem_shared>> -> memref<10240x64xf32, #tpu.memory_space<vmem_shared>>
        tpu.enqueue_indirect_dma source(%dma_start3A_138 : memref<10240x64xf32, #tpu.memory_space<vmem_shared>>) target(%arg9 : memref<128x64xf32, #tpu.memory_space<vmem>>) offsets(%dma_start3A_135 : memref<128xi32, #tpu.memory_space<vmem>>) semaphore(%arg13 : memref<!tpu.dma_semaphore, #tpu.memory_space<semaphore_mem>>)
        %scan3A_139 = arith.constant 0 : i32
        %scan3A_140 = arith.constant 8 : i32
        %scan3A_141 = arith.addi %scan3A_139, %scan3A_140 : i32
        %scan3A_142 = arith.constant 1 : i32
        scf.for %scan3A_151 = %scan3A_139 to %scan3A_141 step %scan3A_142  : i32 {
          %mul3A_152 = arith.constant 1 : i32
          %mul3A_153 = arith.muli %scan3A_151, %mul3A_152 : i32
          %add3A_154 = arith.constant 0 : i32
          %add3A_155 = arith.addi %add3A_154, %mul3A_153 : i32
          %mul3A_156 = arith.constant 2 : i32
          %mul3A_157 = arith.muli %mul3A_156, %add3A_155 : i32
          %add3A_158 = arith.constant 1 : i32
          %add3A_159 = arith.addi %mul3A_157, %add3A_158 : i32
          %dma_start3A_160 = arith.constant 0 : i32
          %dma_start3A_161 = tpu.memref_slice %arg7[%and3A_126, %add3A_159, %dma_start3A_160] : memref<2x16x128xi32, #tpu.memory_space<vmem>> -> memref<1x1x128xi32, #tpu.memory_space<vmem>>
          %dma_start3A_162 = tpu.memref_squeeze %dma_start3A_161 : memref<1x1x128xi32, #tpu.memory_space<vmem>> -> memref<128xi32, #tpu.memory_space<vmem>>
          %dma_start3A_163 = arith.constant 0 : i32
          %dma_start3A_164 = arith.constant 0 : i32
          %dma_start3A_165 = tpu.memref_slice %arg11[%dma_start3A_163, %dma_start3A_164] : memref<10240x64xf32, #tpu.memory_space<vmem_shared>> -> memref<10240x64xf32, #tpu.memory_space<vmem_shared>>
          tpu.enqueue_indirect_dma source(%dma_start3A_165 : memref<10240x64xf32, #tpu.memory_space<vmem_shared>>) target(%arg10 : memref<128x64xf32, #tpu.memory_space<vmem>>) offsets(%dma_start3A_162 : memref<128xi32, #tpu.memory_space<vmem>>) semaphore(%arg14 : memref<!tpu.dma_semaphore, #tpu.memory_space<semaphore_mem>>)
          %dma_wait3A = arith.constant 0 : i32
          %dma_wait3A_166 = arith.constant 0 : i32
          %dma_wait3A_167 = arith.constant 0 : i32
          %dma_wait3A_168 = tpu.memref_slice %arg7[%dma_wait3A, %dma_wait3A_166, %dma_wait3A_167] : memref<2x16x128xi32, #tpu.memory_space<vmem>> -> memref<1x1x128xi32, #tpu.memory_space<vmem>>
          %dma_wait3A_169 = tpu.memref_squeeze %dma_wait3A_168 : memref<1x1x128xi32, #tpu.memory_space<vmem>> -> memref<128xi32, #tpu.memory_space<vmem>>
          %dma_wait3A_170 = arith.constant 0 : i32
          %dma_wait3A_171 = arith.constant 0 : i32
          %dma_wait3A_172 = tpu.memref_slice %arg11[%dma_wait3A_170, %dma_wait3A_171] : memref<10240x64xf32, #tpu.memory_space<vmem_shared>> -> memref<10240x64xf32, #tpu.memory_space<vmem_shared>>
          tpu.wait_indirect_dma semaphore(%arg13 : memref<!tpu.dma_semaphore, #tpu.memory_space<semaphore_mem>>) src(%dma_wait3A_172 : memref<10240x64xf32, #tpu.memory_space<vmem_shared>>) dst(%arg9 : memref<128x64xf32, #tpu.memory_space<vmem>>)
          "tpu.region"() ({
            %run_scoped3A_190 = tpu.sem_alloc : memref<!tpu.dma_semaphore, #tpu.memory_space<semaphore_mem>>
            %dma_start3A_191 = arith.constant 0 : i32
            %dma_start3A_192 = tpu.memref_slice %arg8[%and3A_126, %mul3A_157, %dma_start3A_191] : memref<2x16x128xi32, #tpu.memory_space<vmem>> -> memref<1x1x128xi32, #tpu.memory_space<vmem>>
            %dma_start3A_193 = tpu.memref_squeeze %dma_start3A_192 : memref<1x1x128xi32, #tpu.memory_space<vmem>> -> memref<128xi32, #tpu.memory_space<vmem>>
            %dma_start3A_194 = arith.constant 0 : i32
            %dma_start3A_195 = arith.constant 0 : i32
            %dma_start3A_196 = tpu.memref_slice %arg12[%dma_start3A_194, %dma_start3A_195] : memref<10240x64xf32, #tpu.memory_space<vmem_shared>> -> memref<10240x64xf32, #tpu.memory_space<vmem_shared>>
            tpu.enqueue_indirect_dma source(%arg9 : memref<128x64xf32, #tpu.memory_space<vmem>>) target(%dma_start3A_196 : memref<10240x64xf32, #tpu.memory_space<vmem_shared>>) offsets(%dma_start3A_193 : memref<128xi32, #tpu.memory_space<vmem>>) semaphore(%run_scoped3A_190 : memref<!tpu.dma_semaphore, #tpu.memory_space<semaphore_mem>>) {add = true}
            %dma_wait3A_197 = arith.constant 0 : i32
            %dma_wait3A_198 = tpu.memref_slice %arg8[%and3A_126, %mul3A_157, %dma_wait3A_197] : memref<2x16x128xi32, #tpu.memory_space<vmem>> -> memref<1x1x128xi32, #tpu.memory_space<vmem>>
            %dma_wait3A_199 = tpu.memref_squeeze %dma_wait3A_198 : memref<1x1x128xi32, #tpu.memory_space<vmem>> -> memref<128xi32, #tpu.memory_space<vmem>>
            %dma_wait3A_200 = arith.constant 0 : i32
            %dma_wait3A_201 = arith.constant 0 : i32
            %dma_wait3A_202 = tpu.memref_slice %arg12[%dma_wait3A_200, %dma_wait3A_201] : memref<10240x64xf32, #tpu.memory_space<vmem_shared>> -> memref<10240x64xf32, #tpu.memory_space<vmem_shared>>
            tpu.wait_indirect_dma semaphore(%run_scoped3A_190 : memref<!tpu.dma_semaphore, #tpu.memory_space<semaphore_mem>>) src(%arg9 : memref<128x64xf32, #tpu.memory_space<vmem>>) dst(%dma_wait3A_202 : memref<10240x64xf32, #tpu.memory_space<vmem_shared>>)
            tpu.yield
          }) : () -> ()
          %add3A_173 = arith.constant 2 : i32
          %add3A_174 = arith.addi %mul3A_157, %add3A_173 : i32
          %lt3A_175 = arith.constant 16 : i32
          %lt3A_176 = arith.cmpi slt, %add3A_174, %lt3A_175 : i32
          %convert_element_type3A_177 = arith.extui %lt3A_176 : i1 to i32
          %cond3A_178 = arith.constant 0 : i32
          %cond3A_179 = arith.cmpi ne, %convert_element_type3A_177, %cond3A_178 : i32
          scf.if %cond3A_179 {
            %add3A_190 = arith.constant 2 : i32
            %add3A_191 = arith.addi %mul3A_157, %add3A_190 : i32
            %dma_start3A_192 = arith.constant 0 : i32
            %dma_start3A_193 = tpu.memref_slice %arg7[%and3A_126, %add3A_191, %dma_start3A_192] : memref<2x16x128xi32, #tpu.memory_space<vmem>> -> memref<1x1x128xi32, #tpu.memory_space<vmem>>
            %dma_start3A_194 = tpu.memref_squeeze %dma_start3A_193 : memref<1x1x128xi32, #tpu.memory_space<vmem>> -> memref<128xi32, #tpu.memory_space<vmem>>
            %dma_start3A_195 = arith.constant 0 : i32
            %dma_start3A_196 = arith.constant 0 : i32
            %dma_start3A_197 = tpu.memref_slice %arg11[%dma_start3A_195, %dma_start3A_196] : memref<10240x64xf32, #tpu.memory_space<vmem_shared>> -> memref<10240x64xf32, #tpu.memory_space<vmem_shared>>
            tpu.enqueue_indirect_dma source(%dma_start3A_197 : memref<10240x64xf32, #tpu.memory_space<vmem_shared>>) target(%arg9 : memref<128x64xf32, #tpu.memory_space<vmem>>) offsets(%dma_start3A_194 : memref<128xi32, #tpu.memory_space<vmem>>) semaphore(%arg13 : memref<!tpu.dma_semaphore, #tpu.memory_space<semaphore_mem>>)
          } else {
          }
          %dma_wait3A_180 = arith.constant 0 : i32
          %dma_wait3A_181 = arith.constant 0 : i32
          %dma_wait3A_182 = arith.constant 0 : i32
          %dma_wait3A_183 = tpu.memref_slice %arg7[%dma_wait3A_180, %dma_wait3A_181, %dma_wait3A_182] : memref<2x16x128xi32, #tpu.memory_space<vmem>> -> memref<1x1x128xi32, #tpu.memory_space<vmem>>
          %dma_wait3A_184 = tpu.memref_squeeze %dma_wait3A_183 : memref<1x1x128xi32, #tpu.memory_space<vmem>> -> memref<128xi32, #tpu.memory_space<vmem>>
          %dma_wait3A_185 = arith.constant 0 : i32
          %dma_wait3A_186 = arith.constant 0 : i32
          %dma_wait3A_187 = tpu.memref_slice %arg11[%dma_wait3A_185, %dma_wait3A_186] : memref<10240x64xf32, #tpu.memory_space<vmem_shared>> -> memref<10240x64xf32, #tpu.memory_space<vmem_shared>>
          tpu.wait_indirect_dma semaphore(%arg14 : memref<!tpu.dma_semaphore, #tpu.memory_space<semaphore_mem>>) src(%dma_wait3A_187 : memref<10240x64xf32, #tpu.memory_space<vmem_shared>>) dst(%arg10 : memref<128x64xf32, #tpu.memory_space<vmem>>)
          %add3A_188 = arith.constant 1 : i32
          %add3A_189 = arith.addi %mul3A_157, %add3A_188 : i32
          "tpu.region"() ({
            %run_scoped3A_190 = tpu.sem_alloc : memref<!tpu.dma_semaphore, #tpu.memory_space<semaphore_mem>>
            %dma_start3A_191 = arith.constant 0 : i32
            %dma_start3A_192 = tpu.memref_slice %arg8[%and3A_126, %add3A_189, %dma_start3A_191] : memref<2x16x128xi32, #tpu.memory_space<vmem>> -> memref<1x1x128xi32, #tpu.memory_space<vmem>>
            %dma_start3A_193 = tpu.memref_squeeze %dma_start3A_192 : memref<1x1x128xi32, #tpu.memory_space<vmem>> -> memref<128xi32, #tpu.memory_space<vmem>>
            %dma_start3A_194 = arith.constant 0 : i32
            %dma_start3A_195 = arith.constant 0 : i32
            %dma_start3A_196 = tpu.memref_slice %arg12[%dma_start3A_194, %dma_start3A_195] : memref<10240x64xf32, #tpu.memory_space<vmem_shared>> -> memref<10240x64xf32, #tpu.memory_space<vmem_shared>>
            tpu.enqueue_indirect_dma source(%arg10 : memref<128x64xf32, #tpu.memory_space<vmem>>) target(%dma_start3A_196 : memref<10240x64xf32, #tpu.memory_space<vmem_shared>>) offsets(%dma_start3A_193 : memref<128xi32, #tpu.memory_space<vmem>>) semaphore(%run_scoped3A_190 : memref<!tpu.dma_semaphore, #tpu.memory_space<semaphore_mem>>) {add = true}
            %dma_wait3A_197 = arith.constant 0 : i32
            %dma_wait3A_198 = tpu.memref_slice %arg8[%and3A_126, %add3A_189, %dma_wait3A_197] : memref<2x16x128xi32, #tpu.memory_space<vmem>> -> memref<1x1x128xi32, #tpu.memory_space<vmem>>
            %dma_wait3A_199 = tpu.memref_squeeze %dma_wait3A_198 : memref<1x1x128xi32, #tpu.memory_space<vmem>> -> memref<128xi32, #tpu.memory_space<vmem>>
            %dma_wait3A_200 = arith.constant 0 : i32
            %dma_wait3A_201 = arith.constant 0 : i32
            %dma_wait3A_202 = tpu.memref_slice %arg12[%dma_wait3A_200, %dma_wait3A_201] : memref<10240x64xf32, #tpu.memory_space<vmem_shared>> -> memref<10240x64xf32, #tpu.memory_space<vmem_shared>>
            tpu.wait_indirect_dma semaphore(%run_scoped3A_190 : memref<!tpu.dma_semaphore, #tpu.memory_space<semaphore_mem>>) src(%arg10 : memref<128x64xf32, #tpu.memory_space<vmem>>) dst(%dma_wait3A_202 : memref<10240x64xf32, #tpu.memory_space<vmem_shared>>)
            tpu.yield
          }) : () -> ()
        }
        %scan3A_143 = arith.constant 8 : i32
        %add3A_144 = arith.constant 1 : i32
        %add3A_145 = arith.addi %add3A_125, %add3A_144 : i32
        %lt3A_146 = arith.constant 10 : i32
        %lt3A_147 = arith.cmpi slt, %add3A_145, %lt3A_146 : i32
        %convert_element_type3A_148 = arith.extui %lt3A_147 : i1 to i32
        %cond3A_149 = arith.constant 0 : i32
        %cond3A_150 = arith.cmpi ne, %convert_element_type3A_148, %cond3A_149 : i32
        scf.if %cond3A_150 {
          %sub3A = arith.constant 1 : i32
          %sub3A_151 = arith.subi %sub3A, %and3A_126 : i32
          %dma_wait3A = arith.constant 1 : i32
          %dma_wait3A_152 = arith.constant 0 : i32
          %dma_wait3A_153 = arith.constant 0 : i32
          %dma_wait3A_154 = tpu.memref_slice %arg7[%sub3A_151, %dma_wait3A_152, %dma_wait3A_153] : memref<2x16x128xi32, #tpu.memory_space<vmem>> -> memref<1x16x128xi32, #tpu.memory_space<vmem>>
          %dma_wait3A_155 = tpu.memref_squeeze %dma_wait3A_154 : memref<1x16x128xi32, #tpu.memory_space<vmem>> -> memref<16x128xi32, #tpu.memory_space<vmem>>
          %dma_wait3A_156 = arith.constant 0 : i32
          %dma_wait3A_157 = arith.constant 0 : i32
          %dma_wait3A_158 = tpu.memref_slice %arg4[%dma_wait3A, %dma_wait3A_156, %dma_wait3A_157] : memref<3x2560x128xi32, #tpu.memory_space<hbm>> -> memref<1x16x128xi32, #tpu.memory_space<hbm>>
          %dma_wait3A_159 = tpu.memref_squeeze %dma_wait3A_158 : memref<1x16x128xi32, #tpu.memory_space<hbm>> -> memref<16x128xi32, #tpu.memory_space<hbm>>
          %dma_wait3A_160 = arith.constant 0 : i32
          %dma_wait3A_161 = arith.constant 0 : i32
          %dma_wait3A_162 = tpu.memref_slice %arg7[%sub3A_151, %dma_wait3A_160, %dma_wait3A_161] : memref<2x16x128xi32, #tpu.memory_space<vmem>> -> memref<1x16x128xi32, #tpu.memory_space<vmem>>
          %dma_wait3A_163 = tpu.memref_squeeze %dma_wait3A_162 : memref<1x16x128xi32, #tpu.memory_space<vmem>> -> memref<16x128xi32, #tpu.memory_space<vmem>>
          %dma_wait3A_164 = arith.constant 0 : i32
          %dma_wait3A_165 = arith.constant 0 : i32
          %dma_wait3A_166 = tpu.memref_slice %arg4[%dma_wait3A, %dma_wait3A_164, %dma_wait3A_165] : memref<3x2560x128xi32, #tpu.memory_space<hbm>> -> memref<1x16x128xi32, #tpu.memory_space<hbm>>
          %dma_wait3A_167 = tpu.memref_squeeze %dma_wait3A_166 : memref<1x16x128xi32, #tpu.memory_space<hbm>> -> memref<16x128xi32, #tpu.memory_space<hbm>>
          tpu.wait_dma2 semaphore(%arg15 : memref<!tpu.dma_semaphore, #tpu.memory_space<semaphore_mem>>) src(%dma_wait3A_167 : memref<16x128xi32, #tpu.memory_space<hbm>>) dst(%dma_wait3A_163 : memref<16x128xi32, #tpu.memory_space<vmem>>)
          %dma_wait3A_168 = arith.constant 1 : i32
          %dma_wait3A_169 = arith.constant 0 : i32
          %dma_wait3A_170 = arith.constant 0 : i32
          %dma_wait3A_171 = tpu.memref_slice %arg8[%sub3A_151, %dma_wait3A_169, %dma_wait3A_170] : memref<2x16x128xi32, #tpu.memory_space<vmem>> -> memref<1x16x128xi32, #tpu.memory_space<vmem>>
          %dma_wait3A_172 = tpu.memref_squeeze %dma_wait3A_171 : memref<1x16x128xi32, #tpu.memory_space<vmem>> -> memref<16x128xi32, #tpu.memory_space<vmem>>
          %dma_wait3A_173 = arith.constant 0 : i32
          %dma_wait3A_174 = arith.constant 0 : i32
          %dma_wait3A_175 = tpu.memref_slice %arg5[%dma_wait3A_168, %dma_wait3A_173, %dma_wait3A_174] : memref<3x2560x128xi32, #tpu.memory_space<hbm>> -> memref<1x16x128xi32, #tpu.memory_space<hbm>>
          %dma_wait3A_176 = tpu.memref_squeeze %dma_wait3A_175 : memref<1x16x128xi32, #tpu.memory_space<hbm>> -> memref<16x128xi32, #tpu.memory_space<hbm>>
          %dma_wait3A_177 = arith.constant 0 : i32
          %dma_wait3A_178 = arith.constant 0 : i32
          %dma_wait3A_179 = tpu.memref_slice %arg8[%sub3A_151, %dma_wait3A_177, %dma_wait3A_178] : memref<2x16x128xi32, #tpu.memory_space<vmem>> -> memref<1x16x128xi32, #tpu.memory_space<vmem>>
          %dma_wait3A_180 = tpu.memref_squeeze %dma_wait3A_179 : memref<1x16x128xi32, #tpu.memory_space<vmem>> -> memref<16x128xi32, #tpu.memory_space<vmem>>
          %dma_wait3A_181 = arith.constant 0 : i32
          %dma_wait3A_182 = arith.constant 0 : i32
          %dma_wait3A_183 = tpu.memref_slice %arg5[%dma_wait3A_168, %dma_wait3A_181, %dma_wait3A_182] : memref<3x2560x128xi32, #tpu.memory_space<hbm>> -> memref<1x16x128xi32, #tpu.memory_space<hbm>>
          %dma_wait3A_184 = tpu.memref_squeeze %dma_wait3A_183 : memref<1x16x128xi32, #tpu.memory_space<hbm>> -> memref<16x128xi32, #tpu.memory_space<hbm>>
          tpu.wait_dma2 semaphore(%arg15 : memref<!tpu.dma_semaphore, #tpu.memory_space<semaphore_mem>>) src(%dma_wait3A_184 : memref<16x128xi32, #tpu.memory_space<hbm>>) dst(%dma_wait3A_180 : memref<16x128xi32, #tpu.memory_space<vmem>>)
        } else {
        }
      }
      %scan3A_120 = arith.constant 10 : i32
    } else {
    }
    %barrier3A_62 = arith.constant 0 : index
    tpu.barrier barrier_id(%barrier3A_62)
    %eq3A_63 = arith.constant 0 : i32
    %eq3A_64 = arith.cmpi eq, %arg0, %eq3A_63 : i32
    %convert_element_type3A_65 = arith.extui %eq3A_64 : i1 to i32
    %cond3A_66 = arith.constant 0 : i32
    %cond3A_67 = arith.cmpi ne, %convert_element_type3A_65, %cond3A_66 : i32
    scf.if %cond3A_67 {
      %mul3A_112 = arith.constant 640 : i32
      %mul3A_113 = arith.muli %arg1, %mul3A_112 : i32
      %mul3A_114 = arith.constant 640 : i32
      %mul3A_115 = arith.muli %arg1, %mul3A_114 : i32
      %run_scoped3A = arith.constant 1 : i32
      %run_scoped3A_116 = arith.constant 0 : i32
      "tpu.region"() ({
        %run_scoped3A_117 = tpu.sem_alloc : memref<!tpu.dma_semaphore, #tpu.memory_space<semaphore_mem>>
        %dma_start3A = arith.constant 0 : i32
        %dma_start3A_118 = tpu.memref_slice %arg6[%run_scoped3A, %run_scoped3A_116, %mul3A_115, %dma_start3A] : memref<3x2x10240x64xf32, #tpu.memory_space<hbm>> -> memref<1x1x640x64xf32, #tpu.memory_space<hbm>>
        %dma_start3A_119 = tpu.memref_squeeze %dma_start3A_118 : memref<1x1x640x64xf32, #tpu.memory_space<hbm>> -> memref<640x64xf32, #tpu.memory_space<hbm>>
        %dma_start3A_120 = arith.constant 0 : i32
        %dma_start3A_121 = tpu.memref_slice %arg12[%mul3A_113, %dma_start3A_120] : memref<10240x64xf32, #tpu.memory_space<vmem_shared>> -> memref<640x64xf32, #tpu.memory_space<vmem_shared>>
        tpu.enqueue_dma source(%dma_start3A_121 : memref<640x64xf32, #tpu.memory_space<vmem_shared>>) target(%dma_start3A_119 : memref<640x64xf32, #tpu.memory_space<hbm>>) target_semaphore(%run_scoped3A_117 : memref<!tpu.dma_semaphore, #tpu.memory_space<semaphore_mem>>)
        %dma_wait3A = arith.constant 0 : i32
        %dma_wait3A_122 = tpu.memref_slice %arg6[%run_scoped3A, %run_scoped3A_116, %mul3A_115, %dma_wait3A] : memref<3x2x10240x64xf32, #tpu.memory_space<hbm>> -> memref<1x1x640x64xf32, #tpu.memory_space<hbm>>
        %dma_wait3A_123 = tpu.memref_squeeze %dma_wait3A_122 : memref<1x1x640x64xf32, #tpu.memory_space<hbm>> -> memref<640x64xf32, #tpu.memory_space<hbm>>
        %dma_wait3A_124 = arith.constant 0 : i32
        %dma_wait3A_125 = tpu.memref_slice %arg12[%mul3A_113, %dma_wait3A_124] : memref<10240x64xf32, #tpu.memory_space<vmem_shared>> -> memref<640x64xf32, #tpu.memory_space<vmem_shared>>
        tpu.wait_dma2 semaphore(%run_scoped3A_117 : memref<!tpu.dma_semaphore, #tpu.memory_space<semaphore_mem>>) src(%dma_wait3A_125 : memref<640x64xf32, #tpu.memory_space<vmem_shared>>) dst(%dma_wait3A_123 : memref<640x64xf32, #tpu.memory_space<hbm>>)
        tpu.yield
      }) : () -> ()
    } else {
    }
    %eq3A_68 = arith.constant 1 : i32
    %eq3A_69 = arith.cmpi eq, %arg0, %eq3A_68 : i32
    %convert_element_type3A_70 = arith.extui %eq3A_69 : i1 to i32
    %cond3A_71 = arith.constant 0 : i32
    %cond3A_72 = arith.cmpi ne, %convert_element_type3A_70, %cond3A_71 : i32
    scf.if %cond3A_72 {
      %mul3A_112 = arith.constant 640 : i32
      %mul3A_113 = arith.muli %arg1, %mul3A_112 : i32
      %mul3A_114 = arith.constant 640 : i32
      %mul3A_115 = arith.muli %arg1, %mul3A_114 : i32
      %run_scoped3A = arith.constant 1 : i32
      %run_scoped3A_116 = arith.constant 1 : i32
      "tpu.region"() ({
        %run_scoped3A_117 = tpu.sem_alloc : memref<!tpu.dma_semaphore, #tpu.memory_space<semaphore_mem>>
        %dma_start3A = arith.constant 0 : i32
        %dma_start3A_118 = tpu.memref_slice %arg6[%run_scoped3A, %run_scoped3A_116, %mul3A_115, %dma_start3A] : memref<3x2x10240x64xf32, #tpu.memory_space<hbm>> -> memref<1x1x640x64xf32, #tpu.memory_space<hbm>>
        %dma_start3A_119 = tpu.memref_squeeze %dma_start3A_118 : memref<1x1x640x64xf32, #tpu.memory_space<hbm>> -> memref<640x64xf32, #tpu.memory_space<hbm>>
        %dma_start3A_120 = arith.constant 0 : i32
        %dma_start3A_121 = tpu.memref_slice %arg12[%mul3A_113, %dma_start3A_120] : memref<10240x64xf32, #tpu.memory_space<vmem_shared>> -> memref<640x64xf32, #tpu.memory_space<vmem_shared>>
        tpu.enqueue_dma source(%dma_start3A_121 : memref<640x64xf32, #tpu.memory_space<vmem_shared>>) target(%dma_start3A_119 : memref<640x64xf32, #tpu.memory_space<hbm>>) target_semaphore(%run_scoped3A_117 : memref<!tpu.dma_semaphore, #tpu.memory_space<semaphore_mem>>)
        %dma_wait3A = arith.constant 0 : i32
        %dma_wait3A_122 = tpu.memref_slice %arg6[%run_scoped3A, %run_scoped3A_116, %mul3A_115, %dma_wait3A] : memref<3x2x10240x64xf32, #tpu.memory_space<hbm>> -> memref<1x1x640x64xf32, #tpu.memory_space<hbm>>
        %dma_wait3A_123 = tpu.memref_squeeze %dma_wait3A_122 : memref<1x1x640x64xf32, #tpu.memory_space<hbm>> -> memref<640x64xf32, #tpu.memory_space<hbm>>
        %dma_wait3A_124 = arith.constant 0 : i32
        %dma_wait3A_125 = tpu.memref_slice %arg12[%mul3A_113, %dma_wait3A_124] : memref<10240x64xf32, #tpu.memory_space<vmem_shared>> -> memref<640x64xf32, #tpu.memory_space<vmem_shared>>
        tpu.wait_dma2 semaphore(%run_scoped3A_117 : memref<!tpu.dma_semaphore, #tpu.memory_space<semaphore_mem>>) src(%dma_wait3A_125 : memref<640x64xf32, #tpu.memory_space<vmem_shared>>) dst(%dma_wait3A_123 : memref<640x64xf32, #tpu.memory_space<hbm>>)
        tpu.yield
      }) : () -> ()
    } else {
    }
    %scan3A_73 = arith.constant 0 : i32
    %scan3A_74 = arith.constant 128 : i32
    %scan3A_75 = arith.addi %scan3A_73, %scan3A_74 : i32
    %scan3A_76 = arith.constant 1 : i32
    scf.for %scan3A_112 = %scan3A_73 to %scan3A_75 step %scan3A_76  : i32 {
      %mul3A_113 = arith.constant 1 : i32
      %mul3A_114 = arith.muli %scan3A_112, %mul3A_113 : i32
      %add3A = arith.constant 0 : i32
      %add3A_115 = arith.addi %add3A, %mul3A_114 : i32
      %scan3A_116 = arith.constant 0 : i32
      %scan3A_117 = arith.constant 4 : i32
      %scan3A_118 = arith.addi %scan3A_116, %scan3A_117 : i32
      %scan3A_119 = arith.constant 1 : i32
      scf.for %scan3A_121 = %scan3A_116 to %scan3A_118 step %scan3A_119  : i32 {
        %mul3A_122 = arith.constant 1 : i32
        %mul3A_123 = arith.muli %scan3A_121, %mul3A_122 : i32
        %add3A_124 = arith.constant 0 : i32
        %add3A_125 = arith.addi %add3A_124, %mul3A_123 : i32
        %mul3A_126 = arith.constant 16 : i32
        %mul3A_127 = arith.muli %add3A_125, %mul3A_126 : i32
        %swap3A = arith.index_cast %add3A_115 : i32 to index
        %swap3A_128 = arith.index_cast %mul3A_127 : i32 to index
        %swap3A_129 = tpu.vector_load %arg9[%swap3A, %swap3A_128] {strides = array<i32>} : memref<128x64xf32, #tpu.memory_space<vmem>>, vector<16xf32>,
        tpu.vector_store %arg9[%swap3A, %swap3A_128], %broadcast_in_dim3A_0 {strides = array<i32>} : memref<128x64xf32, #tpu.memory_space<vmem>>, vector<16xf32>,
      }
      %scan3A_120 = arith.constant 4 : i32
    }
    %scan3A_77 = arith.constant 128 : i32
    %scan3A_78 = arith.constant 0 : i32
    %scan3A_79 = arith.constant 5 : i32
    %scan3A_80 = arith.addi %scan3A_78, %scan3A_79 : i32
    %scan3A_81 = arith.constant 1 : i32
    scf.for %scan3A_112 = %scan3A_78 to %scan3A_80 step %scan3A_81  : i32 {
      %mul3A_113 = arith.constant 1 : i32
      %mul3A_114 = arith.muli %scan3A_112, %mul3A_113 : i32
      %add3A = arith.constant 0 : i32
      %add3A_115 = arith.addi %add3A, %mul3A_114 : i32
      %mul3A_116 = arith.constant 640 : i32
      %mul3A_117 = arith.muli %arg1, %mul3A_116 : i32
      %mul3A_118 = arith.constant 128 : i32
      %mul3A_119 = arith.muli %add3A_115, %mul3A_118 : i32
      %add3A_120 = arith.addi %mul3A_117, %mul3A_119 : i32
      "tpu.region"() ({
        %run_scoped3A = tpu.sem_alloc : memref<!tpu.dma_semaphore, #tpu.memory_space<semaphore_mem>>
        %dma_start3A = arith.constant 0 : i32
        %dma_start3A_121 = tpu.memref_slice %arg12[%add3A_120, %dma_start3A] : memref<10240x64xf32, #tpu.memory_space<vmem_shared>> -> memref<128x64xf32, #tpu.memory_space<vmem_shared>>
        %dma_start3A_122 = arith.constant 0 : i32
        %dma_start3A_123 = tpu.memref_slice %arg12[%add3A_120, %dma_start3A_122] : memref<10240x64xf32, #tpu.memory_space<vmem_shared>> -> memref<128x64xf32, #tpu.memory_space<vmem_shared>>
        tpu.enqueue_dma source(%arg9 : memref<128x64xf32, #tpu.memory_space<vmem>>) target(%dma_start3A_123 : memref<128x64xf32, #tpu.memory_space<vmem_shared>>) target_semaphore(%run_scoped3A : memref<!tpu.dma_semaphore, #tpu.memory_space<semaphore_mem>>)
        %dma_wait3A = arith.constant 0 : i32
        %dma_wait3A_124 = tpu.memref_slice %arg12[%add3A_120, %dma_wait3A] : memref<10240x64xf32, #tpu.memory_space<vmem_shared>> -> memref<128x64xf32, #tpu.memory_space<vmem_shared>>
        %dma_wait3A_125 = arith.constant 0 : i32
        %dma_wait3A_126 = tpu.memref_slice %arg12[%add3A_120, %dma_wait3A_125] : memref<10240x64xf32, #tpu.memory_space<vmem_shared>> -> memref<128x64xf32, #tpu.memory_space<vmem_shared>>
        tpu.wait_dma2 semaphore(%run_scoped3A : memref<!tpu.dma_semaphore, #tpu.memory_space<semaphore_mem>>) src(%arg9 : memref<128x64xf32, #tpu.memory_space<vmem>>) dst(%dma_wait3A_126 : memref<128x64xf32, #tpu.memory_space<vmem_shared>>)
        tpu.yield
      }) : () -> ()
    }
    %scan3A_82 = arith.constant 5 : i32
    %barrier3A_83 = arith.constant 0 : index
    tpu.barrier barrier_id(%barrier3A_83)
    %eq3A_84 = arith.constant 1 : i32
    %eq3A_85 = arith.cmpi eq, %arg0, %eq3A_84 : i32
    %convert_element_type3A_86 = arith.extui %eq3A_85 : i1 to i32
    %cond3A_87 = arith.constant 0 : i32
    %cond3A_88 = arith.cmpi ne, %convert_element_type3A_86, %cond3A_87 : i32
    scf.if %cond3A_88 {
      %mul3A_112 = arith.constant 640 : i32
      %mul3A_113 = arith.muli %arg1, %mul3A_112 : i32
      %mul3A_114 = arith.constant 640 : i32
      %mul3A_115 = arith.muli %arg1, %mul3A_114 : i32
      %run_scoped3A = arith.constant 2 : i32
      "tpu.region"() ({
        %run_scoped3A_116 = tpu.sem_alloc : memref<!tpu.dma_semaphore, #tpu.memory_space<semaphore_mem>>
        %dma_start3A = arith.constant 0 : i32
        %dma_start3A_117 = tpu.memref_slice %arg11[%mul3A_115, %dma_start3A] : memref<10240x64xf32, #tpu.memory_space<vmem_shared>> -> memref<640x64xf32, #tpu.memory_space<vmem_shared>>
        %dma_start3A_118 = arith.constant 0 : i32
        %dma_start3A_119 = tpu.memref_slice %arg3[%run_scoped3A, %mul3A_113, %dma_start3A_118] : memref<3x10240x64xf32, #tpu.memory_space<hbm>> -> memref<1x640x64xf32, #tpu.memory_space<hbm>>
        %dma_start3A_120 = tpu.memref_squeeze %dma_start3A_119 : memref<1x640x64xf32, #tpu.memory_space<hbm>> -> memref<640x64xf32, #tpu.memory_space<hbm>>
        tpu.enqueue_dma source(%dma_start3A_120 : memref<640x64xf32, #tpu.memory_space<hbm>>) target(%dma_start3A_117 : memref<640x64xf32, #tpu.memory_space<vmem_shared>>) target_semaphore(%run_scoped3A_116 : memref<!tpu.dma_semaphore, #tpu.memory_space<semaphore_mem>>)
        %dma_wait3A = arith.constant 0 : i32
        %dma_wait3A_121 = tpu.memref_slice %arg11[%mul3A_115, %dma_wait3A] : memref<10240x64xf32, #tpu.memory_space<vmem_shared>> -> memref<640x64xf32, #tpu.memory_space<vmem_shared>>
        %dma_wait3A_122 = arith.constant 0 : i32
        %dma_wait3A_123 = tpu.memref_slice %arg3[%run_scoped3A, %mul3A_113, %dma_wait3A_122] : memref<3x10240x64xf32, #tpu.memory_space<hbm>> -> memref<1x640x64xf32, #tpu.memory_space<hbm>>
        %dma_wait3A_124 = tpu.memref_squeeze %dma_wait3A_123 : memref<1x640x64xf32, #tpu.memory_space<hbm>> -> memref<640x64xf32, #tpu.memory_space<hbm>>
        tpu.wait_dma2 semaphore(%run_scoped3A_116 : memref<!tpu.dma_semaphore, #tpu.memory_space<semaphore_mem>>) src(%dma_wait3A_124 : memref<640x64xf32, #tpu.memory_space<hbm>>) dst(%dma_wait3A_121 : memref<640x64xf32, #tpu.memory_space<vmem_shared>>)
        tpu.yield
      }) : () -> ()
    } else {
    }
    %barrier3A_89 = arith.constant 0 : index
    tpu.barrier barrier_id(%barrier3A_89)
    %eq3A_90 = arith.constant 0 : i32
    %eq3A_91 = arith.cmpi eq, %arg0, %eq3A_90 : i32
    %convert_element_type3A_92 = arith.extui %eq3A_91 : i1 to i32
    %cond3A_93 = arith.constant 0 : i32
    %cond3A_94 = arith.cmpi ne, %convert_element_type3A_92, %cond3A_93 : i32
    scf.if %cond3A_94 {
      %add3A = arith.constant 0 : i32
      %add3A_112 = arith.addi %mul3A_1, %add3A : i32
      %run_scoped3A = arith.constant 2 : i32
      %run_scoped3A_113 = arith.constant 0 : i32
      "tpu.region"() ({
        %run_scoped3A_122 = tpu.sem_alloc : memref<!tpu.dma_semaphore, #tpu.memory_space<semaphore_mem>>
        %dma_start3A = arith.constant 0 : i32
        %dma_start3A_123 = arith.constant 0 : i32
        %dma_start3A_124 = tpu.memref_slice %arg7[%run_scoped3A_113, %dma_start3A, %dma_start3A_123] : memref<2x16x128xi32, #tpu.memory_space<vmem>> -> memref<1x16x128xi32, #tpu.memory_space<vmem>>
        %dma_start3A_125 = tpu.memref_squeeze %dma_start3A_124 : memref<1x16x128xi32, #tpu.memory_space<vmem>> -> memref<16x128xi32, #tpu.memory_space<vmem>>
        %dma_start3A_126 = arith.constant 0 : i32
        %dma_start3A_127 = tpu.memref_slice %arg4[%run_scoped3A, %add3A_112, %dma_start3A_126] : memref<3x2560x128xi32, #tpu.memory_space<hbm>> -> memref<1x16x128xi32, #tpu.memory_space<hbm>>
        %dma_start3A_128 = tpu.memref_squeeze %dma_start3A_127 : memref<1x16x128xi32, #tpu.memory_space<hbm>> -> memref<16x128xi32, #tpu.memory_space<hbm>>
        %dma_start3A_129 = arith.constant 0 : i32
        %dma_start3A_130 = arith.constant 0 : i32
        %dma_start3A_131 = tpu.memref_slice %arg7[%run_scoped3A_113, %dma_start3A_129, %dma_start3A_130] : memref<2x16x128xi32, #tpu.memory_space<vmem>> -> memref<1x16x128xi32, #tpu.memory_space<vmem>>
        %dma_start3A_132 = tpu.memref_squeeze %dma_start3A_131 : memref<1x16x128xi32, #tpu.memory_space<vmem>> -> memref<16x128xi32, #tpu.memory_space<vmem>>
        %dma_start3A_133 = arith.constant 0 : i32
        %dma_start3A_134 = tpu.memref_slice %arg4[%run_scoped3A, %add3A_112, %dma_start3A_133] : memref<3x2560x128xi32, #tpu.memory_space<hbm>> -> memref<1x16x128xi32, #tpu.memory_space<hbm>>
        %dma_start3A_135 = tpu.memref_squeeze %dma_start3A_134 : memref<1x16x128xi32, #tpu.memory_space<hbm>> -> memref<16x128xi32, #tpu.memory_space<hbm>>
        tpu.enqueue_dma source(%dma_start3A_135 : memref<16x128xi32, #tpu.memory_space<hbm>>) target(%dma_start3A_132 : memref<16x128xi32, #tpu.memory_space<vmem>>) target_semaphore(%run_scoped3A_122 : memref<!tpu.dma_semaphore, #tpu.memory_space<semaphore_mem>>)
        %dma_wait3A = arith.constant 0 : i32
        %dma_wait3A_136 = arith.constant 0 : i32
        %dma_wait3A_137 = tpu.memref_slice %arg7[%run_scoped3A_113, %dma_wait3A, %dma_wait3A_136] : memref<2x16x128xi32, #tpu.memory_space<vmem>> -> memref<1x16x128xi32, #tpu.memory_space<vmem>>
        %dma_wait3A_138 = tpu.memref_squeeze %dma_wait3A_137 : memref<1x16x128xi32, #tpu.memory_space<vmem>> -> memref<16x128xi32, #tpu.memory_space<vmem>>
        %dma_wait3A_139 = arith.constant 0 : i32
        %dma_wait3A_140 = tpu.memref_slice %arg4[%run_scoped3A, %add3A_112, %dma_wait3A_139] : memref<3x2560x128xi32, #tpu.memory_space<hbm>> -> memref<1x16x128xi32, #tpu.memory_space<hbm>>
        %dma_wait3A_141 = tpu.memref_squeeze %dma_wait3A_140 : memref<1x16x128xi32, #tpu.memory_space<hbm>> -> memref<16x128xi32, #tpu.memory_space<hbm>>
        %dma_wait3A_142 = arith.constant 0 : i32
        %dma_wait3A_143 = arith.constant 0 : i32
        %dma_wait3A_144 = tpu.memref_slice %arg7[%run_scoped3A_113, %dma_wait3A_142, %dma_wait3A_143] : memref<2x16x128xi32, #tpu.memory_space<vmem>> -> memref<1x16x128xi32, #tpu.memory_space<vmem>>
        %dma_wait3A_145 = tpu.memref_squeeze %dma_wait3A_144 : memref<1x16x128xi32, #tpu.memory_space<vmem>> -> memref<16x128xi32, #tpu.memory_space<vmem>>
        %dma_wait3A_146 = arith.constant 0 : i32
        %dma_wait3A_147 = tpu.memref_slice %arg4[%run_scoped3A, %add3A_112, %dma_wait3A_146] : memref<3x2560x128xi32, #tpu.memory_space<hbm>> -> memref<1x16x128xi32, #tpu.memory_space<hbm>>
        %dma_wait3A_148 = tpu.memref_squeeze %dma_wait3A_147 : memref<1x16x128xi32, #tpu.memory_space<hbm>> -> memref<16x128xi32, #tpu.memory_space<hbm>>
        tpu.wait_dma2 semaphore(%run_scoped3A_122 : memref<!tpu.dma_semaphore, #tpu.memory_space<semaphore_mem>>) src(%dma_wait3A_148 : memref<16x128xi32, #tpu.memory_space<hbm>>) dst(%dma_wait3A_145 : memref<16x128xi32, #tpu.memory_space<vmem>>)
        tpu.yield
      }) : () -> ()
      %run_scoped3A_114 = arith.constant 2 : i32
      %run_scoped3A_115 = arith.constant 0 : i32
      "tpu.region"() ({
        %run_scoped3A_122 = tpu.sem_alloc : memref<!tpu.dma_semaphore, #tpu.memory_space<semaphore_mem>>
        %dma_start3A = arith.constant 0 : i32
        %dma_start3A_123 = arith.constant 0 : i32
        %dma_start3A_124 = tpu.memref_slice %arg8[%run_scoped3A_115, %dma_start3A, %dma_start3A_123] : memref<2x16x128xi32, #tpu.memory_space<vmem>> -> memref<1x16x128xi32, #tpu.memory_space<vmem>>
        %dma_start3A_125 = tpu.memref_squeeze %dma_start3A_124 : memref<1x16x128xi32, #tpu.memory_space<vmem>> -> memref<16x128xi32, #tpu.memory_space<vmem>>
        %dma_start3A_126 = arith.constant 0 : i32
        %dma_start3A_127 = tpu.memref_slice %arg5[%run_scoped3A_114, %add3A_112, %dma_start3A_126] : memref<3x2560x128xi32, #tpu.memory_space<hbm>> -> memref<1x16x128xi32, #tpu.memory_space<hbm>>
        %dma_start3A_128 = tpu.memref_squeeze %dma_start3A_127 : memref<1x16x128xi32, #tpu.memory_space<hbm>> -> memref<16x128xi32, #tpu.memory_space<hbm>>
        %dma_start3A_129 = arith.constant 0 : i32
        %dma_start3A_130 = arith.constant 0 : i32
        %dma_start3A_131 = tpu.memref_slice %arg8[%run_scoped3A_115, %dma_start3A_129, %dma_start3A_130] : memref<2x16x128xi32, #tpu.memory_space<vmem>> -> memref<1x16x128xi32, #tpu.memory_space<vmem>>
        %dma_start3A_132 = tpu.memref_squeeze %dma_start3A_131 : memref<1x16x128xi32, #tpu.memory_space<vmem>> -> memref<16x128xi32, #tpu.memory_space<vmem>>
        %dma_start3A_133 = arith.constant 0 : i32
        %dma_start3A_134 = tpu.memref_slice %arg5[%run_scoped3A_114, %add3A_112, %dma_start3A_133] : memref<3x2560x128xi32, #tpu.memory_space<hbm>> -> memref<1x16x128xi32, #tpu.memory_space<hbm>>
        %dma_start3A_135 = tpu.memref_squeeze %dma_start3A_134 : memref<1x16x128xi32, #tpu.memory_space<hbm>> -> memref<16x128xi32, #tpu.memory_space<hbm>>
        tpu.enqueue_dma source(%dma_start3A_135 : memref<16x128xi32, #tpu.memory_space<hbm>>) target(%dma_start3A_132 : memref<16x128xi32, #tpu.memory_space<vmem>>) target_semaphore(%run_scoped3A_122 : memref<!tpu.dma_semaphore, #tpu.memory_space<semaphore_mem>>)
        %dma_wait3A = arith.constant 0 : i32
        %dma_wait3A_136 = arith.constant 0 : i32
        %dma_wait3A_137 = tpu.memref_slice %arg8[%run_scoped3A_115, %dma_wait3A, %dma_wait3A_136] : memref<2x16x128xi32, #tpu.memory_space<vmem>> -> memref<1x16x128xi32, #tpu.memory_space<vmem>>
        %dma_wait3A_138 = tpu.memref_squeeze %dma_wait3A_137 : memref<1x16x128xi32, #tpu.memory_space<vmem>> -> memref<16x128xi32, #tpu.memory_space<vmem>>
        %dma_wait3A_139 = arith.constant 0 : i32
        %dma_wait3A_140 = tpu.memref_slice %arg5[%run_scoped3A_114, %add3A_112, %dma_wait3A_139] : memref<3x2560x128xi32, #tpu.memory_space<hbm>> -> memref<1x16x128xi32, #tpu.memory_space<hbm>>
        %dma_wait3A_141 = tpu.memref_squeeze %dma_wait3A_140 : memref<1x16x128xi32, #tpu.memory_space<hbm>> -> memref<16x128xi32, #tpu.memory_space<hbm>>
        %dma_wait3A_142 = arith.constant 0 : i32
        %dma_wait3A_143 = arith.constant 0 : i32
        %dma_wait3A_144 = tpu.memref_slice %arg8[%run_scoped3A_115, %dma_wait3A_142, %dma_wait3A_143] : memref<2x16x128xi32, #tpu.memory_space<vmem>> -> memref<1x16x128xi32, #tpu.memory_space<vmem>>
        %dma_wait3A_145 = tpu.memref_squeeze %dma_wait3A_144 : memref<1x16x128xi32, #tpu.memory_space<vmem>> -> memref<16x128xi32, #tpu.memory_space<vmem>>
        %dma_wait3A_146 = arith.constant 0 : i32
        %dma_wait3A_147 = tpu.memref_slice %arg5[%run_scoped3A_114, %add3A_112, %dma_wait3A_146] : memref<3x2560x128xi32, #tpu.memory_space<hbm>> -> memref<1x16x128xi32, #tpu.memory_space<hbm>>
        %dma_wait3A_148 = tpu.memref_squeeze %dma_wait3A_147 : memref<1x16x128xi32, #tpu.memory_space<hbm>> -> memref<16x128xi32, #tpu.memory_space<hbm>>
        tpu.wait_dma2 semaphore(%run_scoped3A_122 : memref<!tpu.dma_semaphore, #tpu.memory_space<semaphore_mem>>) src(%dma_wait3A_148 : memref<16x128xi32, #tpu.memory_space<hbm>>) dst(%dma_wait3A_145 : memref<16x128xi32, #tpu.memory_space<vmem>>)
        tpu.yield
      }) : () -> ()
      %scan3A_116 = arith.constant 2 : i32
      %scan3A_117 = arith.constant 0 : i32
      %scan3A_118 = arith.constant 10 : i32
      %scan3A_119 = arith.addi %scan3A_117, %scan3A_118 : i32
      %scan3A_120 = arith.constant 1 : i32
      scf.for %scan3A_122 = %scan3A_117 to %scan3A_119 step %scan3A_120  : i32 {
        %mul3A_123 = arith.constant 1 : i32
        %mul3A_124 = arith.muli %scan3A_122, %mul3A_123 : i32
        %add3A_125 = arith.constant 0 : i32
        %add3A_126 = arith.addi %add3A_125, %mul3A_124 : i32
        %and3A = arith.constant 1 : i32
        %and3A_127 = arith.andi %add3A_126, %and3A : i32
        %add3A_128 = arith.constant 1 : i32
        %add3A_129 = arith.addi %add3A_126, %add3A_128 : i32
        %lt3A = arith.constant 10 : i32
        %lt3A_130 = arith.cmpi slt, %add3A_129, %lt3A : i32
        %convert_element_type3A_131 = arith.extui %lt3A_130 : i1 to i32
        %cond3A_132 = arith.constant 0 : i32
        %cond3A_133 = arith.cmpi ne, %convert_element_type3A_131, %cond3A_132 : i32
        scf.if %cond3A_133 {
          %add3A_156 = arith.constant 1 : i32
          %add3A_157 = arith.addi %add3A_126, %add3A_156 : i32
          %sub3A = arith.constant 1 : i32
          %sub3A_158 = arith.subi %sub3A, %and3A_127 : i32
          %mul3A_159 = arith.constant 16 : i32
          %mul3A_160 = arith.muli %add3A_157, %mul3A_159 : i32
          %add3A_161 = arith.addi %mul3A_1, %mul3A_160 : i32
          %dma_start3A_162 = arith.constant 2 : i32
          %dma_start3A_163 = arith.constant 0 : i32
          %dma_start3A_164 = arith.constant 0 : i32
          %dma_start3A_165 = tpu.memref_slice %arg7[%sub3A_158, %dma_start3A_163, %dma_start3A_164] : memref<2x16x128xi32, #tpu.memory_space<vmem>> -> memref<1x16x128xi32, #tpu.memory_space<vmem>>
          %dma_start3A_166 = tpu.memref_squeeze %dma_start3A_165 : memref<1x16x128xi32, #tpu.memory_space<vmem>> -> memref<16x128xi32, #tpu.memory_space<vmem>>
          %dma_start3A_167 = arith.constant 0 : i32
          %dma_start3A_168 = tpu.memref_slice %arg4[%dma_start3A_162, %add3A_161, %dma_start3A_167] : memref<3x2560x128xi32, #tpu.memory_space<hbm>> -> memref<1x16x128xi32, #tpu.memory_space<hbm>>
          %dma_start3A_169 = tpu.memref_squeeze %dma_start3A_168 : memref<1x16x128xi32, #tpu.memory_space<hbm>> -> memref<16x128xi32, #tpu.memory_space<hbm>>
          %dma_start3A_170 = arith.constant 0 : i32
          %dma_start3A_171 = arith.constant 0 : i32
          %dma_start3A_172 = tpu.memref_slice %arg7[%sub3A_158, %dma_start3A_170, %dma_start3A_171] : memref<2x16x128xi32, #tpu.memory_space<vmem>> -> memref<1x16x128xi32, #tpu.memory_space<vmem>>
          %dma_start3A_173 = tpu.memref_squeeze %dma_start3A_172 : memref<1x16x128xi32, #tpu.memory_space<vmem>> -> memref<16x128xi32, #tpu.memory_space<vmem>>
          %dma_start3A_174 = arith.constant 0 : i32
          %dma_start3A_175 = tpu.memref_slice %arg4[%dma_start3A_162, %add3A_161, %dma_start3A_174] : memref<3x2560x128xi32, #tpu.memory_space<hbm>> -> memref<1x16x128xi32, #tpu.memory_space<hbm>>
          %dma_start3A_176 = tpu.memref_squeeze %dma_start3A_175 : memref<1x16x128xi32, #tpu.memory_space<hbm>> -> memref<16x128xi32, #tpu.memory_space<hbm>>
          tpu.enqueue_dma source(%dma_start3A_176 : memref<16x128xi32, #tpu.memory_space<hbm>>) target(%dma_start3A_173 : memref<16x128xi32, #tpu.memory_space<vmem>>) target_semaphore(%arg15 : memref<!tpu.dma_semaphore, #tpu.memory_space<semaphore_mem>>)
          %dma_start3A_177 = arith.constant 2 : i32
          %dma_start3A_178 = arith.constant 0 : i32
          %dma_start3A_179 = arith.constant 0 : i32
          %dma_start3A_180 = tpu.memref_slice %arg8[%sub3A_158, %dma_start3A_178, %dma_start3A_179] : memref<2x16x128xi32, #tpu.memory_space<vmem>> -> memref<1x16x128xi32, #tpu.memory_space<vmem>>
          %dma_start3A_181 = tpu.memref_squeeze %dma_start3A_180 : memref<1x16x128xi32, #tpu.memory_space<vmem>> -> memref<16x128xi32, #tpu.memory_space<vmem>>
          %dma_start3A_182 = arith.constant 0 : i32
          %dma_start3A_183 = tpu.memref_slice %arg5[%dma_start3A_177, %add3A_161, %dma_start3A_182] : memref<3x2560x128xi32, #tpu.memory_space<hbm>> -> memref<1x16x128xi32, #tpu.memory_space<hbm>>
          %dma_start3A_184 = tpu.memref_squeeze %dma_start3A_183 : memref<1x16x128xi32, #tpu.memory_space<hbm>> -> memref<16x128xi32, #tpu.memory_space<hbm>>
          %dma_start3A_185 = arith.constant 0 : i32
          %dma_start3A_186 = arith.constant 0 : i32
          %dma_start3A_187 = tpu.memref_slice %arg8[%sub3A_158, %dma_start3A_185, %dma_start3A_186] : memref<2x16x128xi32, #tpu.memory_space<vmem>> -> memref<1x16x128xi32, #tpu.memory_space<vmem>>
          %dma_start3A_188 = tpu.memref_squeeze %dma_start3A_187 : memref<1x16x128xi32, #tpu.memory_space<vmem>> -> memref<16x128xi32, #tpu.memory_space<vmem>>
          %dma_start3A_189 = arith.constant 0 : i32
          %dma_start3A_190 = tpu.memref_slice %arg5[%dma_start3A_177, %add3A_161, %dma_start3A_189] : memref<3x2560x128xi32, #tpu.memory_space<hbm>> -> memref<1x16x128xi32, #tpu.memory_space<hbm>>
          %dma_start3A_191 = tpu.memref_squeeze %dma_start3A_190 : memref<1x16x128xi32, #tpu.memory_space<hbm>> -> memref<16x128xi32, #tpu.memory_space<hbm>>
          tpu.enqueue_dma source(%dma_start3A_191 : memref<16x128xi32, #tpu.memory_space<hbm>>) target(%dma_start3A_188 : memref<16x128xi32, #tpu.memory_space<vmem>>) target_semaphore(%arg15 : memref<!tpu.dma_semaphore, #tpu.memory_space<semaphore_mem>>)
        } else {
        }
        %dma_start3A = arith.constant 0 : i32
        %dma_start3A_134 = arith.constant 0 : i32
        %dma_start3A_135 = tpu.memref_slice %arg7[%and3A_127, %dma_start3A, %dma_start3A_134] : memref<2x16x128xi32, #tpu.memory_space<vmem>> -> memref<1x1x128xi32, #tpu.memory_space<vmem>>
        %dma_start3A_136 = tpu.memref_squeeze %dma_start3A_135 : memref<1x1x128xi32, #tpu.memory_space<vmem>> -> memref<128xi32, #tpu.memory_space<vmem>>
        %dma_start3A_137 = arith.constant 0 : i32
        %dma_start3A_138 = arith.constant 0 : i32
        %dma_start3A_139 = tpu.memref_slice %arg2[%scan3A_116, %dma_start3A_137, %dma_start3A_138] : memref<3x10240x64xf32, #tpu.memory_space<hbm>> -> memref<1x10240x64xf32, #tpu.memory_space<hbm>>
        %dma_start3A_140 = tpu.memref_squeeze %dma_start3A_139 : memref<1x10240x64xf32, #tpu.memory_space<hbm>> -> memref<10240x64xf32, #tpu.memory_space<hbm>>
        %dma_start3A_141 = arith.constant 0 : i32
        %dma_start3A_142 = arith.constant 0 : i32
        %dma_start3A_143 = tpu.memref_slice %dma_start3A_140[%dma_start3A_141, %dma_start3A_142] : memref<10240x64xf32, #tpu.memory_space<hbm>> -> memref<10240x64xf32, #tpu.memory_space<hbm>>
        tpu.enqueue_indirect_dma source(%dma_start3A_143 : memref<10240x64xf32, #tpu.memory_space<hbm>>) target(%arg9 : memref<128x64xf32, #tpu.memory_space<vmem>>) offsets(%dma_start3A_136 : memref<128xi32, #tpu.memory_space<vmem>>) semaphore(%arg13 : memref<!tpu.dma_semaphore, #tpu.memory_space<semaphore_mem>>)
        %scan3A_144 = arith.constant 0 : i32
        %scan3A_145 = arith.constant 8 : i32
        %scan3A_146 = arith.addi %scan3A_144, %scan3A_145 : i32
        %scan3A_147 = arith.constant 1 : i32
        scf.for %scan3A_156 = %scan3A_144 to %scan3A_146 step %scan3A_147  : i32 {
          %mul3A_157 = arith.constant 1 : i32
          %mul3A_158 = arith.muli %scan3A_156, %mul3A_157 : i32
          %add3A_159 = arith.constant 0 : i32
          %add3A_160 = arith.addi %add3A_159, %mul3A_158 : i32
          %mul3A_161 = arith.constant 2 : i32
          %mul3A_162 = arith.muli %mul3A_161, %add3A_160 : i32
          %add3A_163 = arith.constant 1 : i32
          %add3A_164 = arith.addi %mul3A_162, %add3A_163 : i32
          %dma_start3A_165 = arith.constant 0 : i32
          %dma_start3A_166 = tpu.memref_slice %arg7[%and3A_127, %add3A_164, %dma_start3A_165] : memref<2x16x128xi32, #tpu.memory_space<vmem>> -> memref<1x1x128xi32, #tpu.memory_space<vmem>>
          %dma_start3A_167 = tpu.memref_squeeze %dma_start3A_166 : memref<1x1x128xi32, #tpu.memory_space<vmem>> -> memref<128xi32, #tpu.memory_space<vmem>>
          %dma_start3A_168 = arith.constant 0 : i32
          %dma_start3A_169 = arith.constant 0 : i32
          %dma_start3A_170 = tpu.memref_slice %arg2[%scan3A_116, %dma_start3A_168, %dma_start3A_169] : memref<3x10240x64xf32, #tpu.memory_space<hbm>> -> memref<1x10240x64xf32, #tpu.memory_space<hbm>>
          %dma_start3A_171 = tpu.memref_squeeze %dma_start3A_170 : memref<1x10240x64xf32, #tpu.memory_space<hbm>> -> memref<10240x64xf32, #tpu.memory_space<hbm>>
          %dma_start3A_172 = arith.constant 0 : i32
          %dma_start3A_173 = arith.constant 0 : i32
          %dma_start3A_174 = tpu.memref_slice %dma_start3A_171[%dma_start3A_172, %dma_start3A_173] : memref<10240x64xf32, #tpu.memory_space<hbm>> -> memref<10240x64xf32, #tpu.memory_space<hbm>>
          tpu.enqueue_indirect_dma source(%dma_start3A_174 : memref<10240x64xf32, #tpu.memory_space<hbm>>) target(%arg10 : memref<128x64xf32, #tpu.memory_space<vmem>>) offsets(%dma_start3A_167 : memref<128xi32, #tpu.memory_space<vmem>>) semaphore(%arg14 : memref<!tpu.dma_semaphore, #tpu.memory_space<semaphore_mem>>)
          %dma_wait3A = arith.constant 0 : i32
          %dma_wait3A_175 = arith.constant 0 : i32
          %dma_wait3A_176 = arith.constant 0 : i32
          %dma_wait3A_177 = tpu.memref_slice %arg7[%dma_wait3A, %dma_wait3A_175, %dma_wait3A_176] : memref<2x16x128xi32, #tpu.memory_space<vmem>> -> memref<1x1x128xi32, #tpu.memory_space<vmem>>
          %dma_wait3A_178 = tpu.memref_squeeze %dma_wait3A_177 : memref<1x1x128xi32, #tpu.memory_space<vmem>> -> memref<128xi32, #tpu.memory_space<vmem>>
          %dma_wait3A_179 = arith.constant 0 : i32
          %dma_wait3A_180 = arith.constant 0 : i32
          %dma_wait3A_181 = tpu.memref_slice %arg2[%scan3A_116, %dma_wait3A_179, %dma_wait3A_180] : memref<3x10240x64xf32, #tpu.memory_space<hbm>> -> memref<1x10240x64xf32, #tpu.memory_space<hbm>>
          %dma_wait3A_182 = tpu.memref_squeeze %dma_wait3A_181 : memref<1x10240x64xf32, #tpu.memory_space<hbm>> -> memref<10240x64xf32, #tpu.memory_space<hbm>>
          %dma_wait3A_183 = arith.constant 0 : i32
          %dma_wait3A_184 = arith.constant 0 : i32
          %dma_wait3A_185 = tpu.memref_slice %dma_wait3A_182[%dma_wait3A_183, %dma_wait3A_184] : memref<10240x64xf32, #tpu.memory_space<hbm>> -> memref<10240x64xf32, #tpu.memory_space<hbm>>
          tpu.wait_indirect_dma semaphore(%arg13 : memref<!tpu.dma_semaphore, #tpu.memory_space<semaphore_mem>>) src(%dma_wait3A_185 : memref<10240x64xf32, #tpu.memory_space<hbm>>) dst(%arg9 : memref<128x64xf32, #tpu.memory_space<vmem>>)
          "tpu.region"() ({
            %run_scoped3A_207 = tpu.sem_alloc : memref<!tpu.dma_semaphore, #tpu.memory_space<semaphore_mem>>
            %dma_start3A_208 = arith.constant 0 : i32
            %dma_start3A_209 = tpu.memref_slice %arg8[%and3A_127, %mul3A_162, %dma_start3A_208] : memref<2x16x128xi32, #tpu.memory_space<vmem>> -> memref<1x1x128xi32, #tpu.memory_space<vmem>>
            %dma_start3A_210 = tpu.memref_squeeze %dma_start3A_209 : memref<1x1x128xi32, #tpu.memory_space<vmem>> -> memref<128xi32, #tpu.memory_space<vmem>>
            %dma_start3A_211 = arith.constant 0 : i32
            %dma_start3A_212 = arith.constant 0 : i32
            %dma_start3A_213 = tpu.memref_slice %arg12[%dma_start3A_211, %dma_start3A_212] : memref<10240x64xf32, #tpu.memory_space<vmem_shared>> -> memref<10240x64xf32, #tpu.memory_space<vmem_shared>>
            tpu.enqueue_indirect_dma source(%arg9 : memref<128x64xf32, #tpu.memory_space<vmem>>) target(%dma_start3A_213 : memref<10240x64xf32, #tpu.memory_space<vmem_shared>>) offsets(%dma_start3A_210 : memref<128xi32, #tpu.memory_space<vmem>>) semaphore(%run_scoped3A_207 : memref<!tpu.dma_semaphore, #tpu.memory_space<semaphore_mem>>) {add = true}
            %dma_wait3A_214 = arith.constant 0 : i32
            %dma_wait3A_215 = tpu.memref_slice %arg8[%and3A_127, %mul3A_162, %dma_wait3A_214] : memref<2x16x128xi32, #tpu.memory_space<vmem>> -> memref<1x1x128xi32, #tpu.memory_space<vmem>>
            %dma_wait3A_216 = tpu.memref_squeeze %dma_wait3A_215 : memref<1x1x128xi32, #tpu.memory_space<vmem>> -> memref<128xi32, #tpu.memory_space<vmem>>
            %dma_wait3A_217 = arith.constant 0 : i32
            %dma_wait3A_218 = arith.constant 0 : i32
            %dma_wait3A_219 = tpu.memref_slice %arg12[%dma_wait3A_217, %dma_wait3A_218] : memref<10240x64xf32, #tpu.memory_space<vmem_shared>> -> memref<10240x64xf32, #tpu.memory_space<vmem_shared>>
            tpu.wait_indirect_dma semaphore(%run_scoped3A_207 : memref<!tpu.dma_semaphore, #tpu.memory_space<semaphore_mem>>) src(%arg9 : memref<128x64xf32, #tpu.memory_space<vmem>>) dst(%dma_wait3A_219 : memref<10240x64xf32, #tpu.memory_space<vmem_shared>>)
            tpu.yield
          }) : () -> ()
          %add3A_186 = arith.constant 2 : i32
          %add3A_187 = arith.addi %mul3A_162, %add3A_186 : i32
          %lt3A_188 = arith.constant 16 : i32
          %lt3A_189 = arith.cmpi slt, %add3A_187, %lt3A_188 : i32
          %convert_element_type3A_190 = arith.extui %lt3A_189 : i1 to i32
          %cond3A_191 = arith.constant 0 : i32
          %cond3A_192 = arith.cmpi ne, %convert_element_type3A_190, %cond3A_191 : i32
          scf.if %cond3A_192 {
            %add3A_207 = arith.constant 2 : i32
            %add3A_208 = arith.addi %mul3A_162, %add3A_207 : i32
            %dma_start3A_209 = arith.constant 0 : i32
            %dma_start3A_210 = tpu.memref_slice %arg7[%and3A_127, %add3A_208, %dma_start3A_209] : memref<2x16x128xi32, #tpu.memory_space<vmem>> -> memref<1x1x128xi32, #tpu.memory_space<vmem>>
            %dma_start3A_211 = tpu.memref_squeeze %dma_start3A_210 : memref<1x1x128xi32, #tpu.memory_space<vmem>> -> memref<128xi32, #tpu.memory_space<vmem>>
            %dma_start3A_212 = arith.constant 0 : i32
            %dma_start3A_213 = arith.constant 0 : i32
            %dma_start3A_214 = tpu.memref_slice %arg2[%scan3A_116, %dma_start3A_212, %dma_start3A_213] : memref<3x10240x64xf32, #tpu.memory_space<hbm>> -> memref<1x10240x64xf32, #tpu.memory_space<hbm>>
            %dma_start3A_215 = tpu.memref_squeeze %dma_start3A_214 : memref<1x10240x64xf32, #tpu.memory_space<hbm>> -> memref<10240x64xf32, #tpu.memory_space<hbm>>
            %dma_start3A_216 = arith.constant 0 : i32
            %dma_start3A_217 = arith.constant 0 : i32
            %dma_start3A_218 = tpu.memref_slice %dma_start3A_215[%dma_start3A_216, %dma_start3A_217] : memref<10240x64xf32, #tpu.memory_space<hbm>> -> memref<10240x64xf32, #tpu.memory_space<hbm>>
            tpu.enqueue_indirect_dma source(%dma_start3A_218 : memref<10240x64xf32, #tpu.memory_space<hbm>>) target(%arg9 : memref<128x64xf32, #tpu.memory_space<vmem>>) offsets(%dma_start3A_211 : memref<128xi32, #tpu.memory_space<vmem>>) semaphore(%arg13 : memref<!tpu.dma_semaphore, #tpu.memory_space<semaphore_mem>>)
          } else {
          }
          %dma_wait3A_193 = arith.constant 0 : i32
          %dma_wait3A_194 = arith.constant 0 : i32
          %dma_wait3A_195 = arith.constant 0 : i32
          %dma_wait3A_196 = tpu.memref_slice %arg7[%dma_wait3A_193, %dma_wait3A_194, %dma_wait3A_195] : memref<2x16x128xi32, #tpu.memory_space<vmem>> -> memref<1x1x128xi32, #tpu.memory_space<vmem>>
          %dma_wait3A_197 = tpu.memref_squeeze %dma_wait3A_196 : memref<1x1x128xi32, #tpu.memory_space<vmem>> -> memref<128xi32, #tpu.memory_space<vmem>>
          %dma_wait3A_198 = arith.constant 0 : i32
          %dma_wait3A_199 = arith.constant 0 : i32
          %dma_wait3A_200 = tpu.memref_slice %arg2[%scan3A_116, %dma_wait3A_198, %dma_wait3A_199] : memref<3x10240x64xf32, #tpu.memory_space<hbm>> -> memref<1x10240x64xf32, #tpu.memory_space<hbm>>
          %dma_wait3A_201 = tpu.memref_squeeze %dma_wait3A_200 : memref<1x10240x64xf32, #tpu.memory_space<hbm>> -> memref<10240x64xf32, #tpu.memory_space<hbm>>
          %dma_wait3A_202 = arith.constant 0 : i32
          %dma_wait3A_203 = arith.constant 0 : i32
          %dma_wait3A_204 = tpu.memref_slice %dma_wait3A_201[%dma_wait3A_202, %dma_wait3A_203] : memref<10240x64xf32, #tpu.memory_space<hbm>> -> memref<10240x64xf32, #tpu.memory_space<hbm>>
          tpu.wait_indirect_dma semaphore(%arg14 : memref<!tpu.dma_semaphore, #tpu.memory_space<semaphore_mem>>) src(%dma_wait3A_204 : memref<10240x64xf32, #tpu.memory_space<hbm>>) dst(%arg10 : memref<128x64xf32, #tpu.memory_space<vmem>>)
          %add3A_205 = arith.constant 1 : i32
          %add3A_206 = arith.addi %mul3A_162, %add3A_205 : i32
          "tpu.region"() ({
            %run_scoped3A_207 = tpu.sem_alloc : memref<!tpu.dma_semaphore, #tpu.memory_space<semaphore_mem>>
            %dma_start3A_208 = arith.constant 0 : i32
            %dma_start3A_209 = tpu.memref_slice %arg8[%and3A_127, %add3A_206, %dma_start3A_208] : memref<2x16x128xi32, #tpu.memory_space<vmem>> -> memref<1x1x128xi32, #tpu.memory_space<vmem>>
            %dma_start3A_210 = tpu.memref_squeeze %dma_start3A_209 : memref<1x1x128xi32, #tpu.memory_space<vmem>> -> memref<128xi32, #tpu.memory_space<vmem>>
            %dma_start3A_211 = arith.constant 0 : i32
            %dma_start3A_212 = arith.constant 0 : i32
            %dma_start3A_213 = tpu.memref_slice %arg12[%dma_start3A_211, %dma_start3A_212] : memref<10240x64xf32, #tpu.memory_space<vmem_shared>> -> memref<10240x64xf32, #tpu.memory_space<vmem_shared>>
            tpu.enqueue_indirect_dma source(%arg10 : memref<128x64xf32, #tpu.memory_space<vmem>>) target(%dma_start3A_213 : memref<10240x64xf32, #tpu.memory_space<vmem_shared>>) offsets(%dma_start3A_210 : memref<128xi32, #tpu.memory_space<vmem>>) semaphore(%run_scoped3A_207 : memref<!tpu.dma_semaphore, #tpu.memory_space<semaphore_mem>>) {add = true}
            %dma_wait3A_214 = arith.constant 0 : i32
            %dma_wait3A_215 = tpu.memref_slice %arg8[%and3A_127, %add3A_206, %dma_wait3A_214] : memref<2x16x128xi32, #tpu.memory_space<vmem>> -> memref<1x1x128xi32, #tpu.memory_space<vmem>>
            %dma_wait3A_216 = tpu.memref_squeeze %dma_wait3A_215 : memref<1x1x128xi32, #tpu.memory_space<vmem>> -> memref<128xi32, #tpu.memory_space<vmem>>
            %dma_wait3A_217 = arith.constant 0 : i32
            %dma_wait3A_218 = arith.constant 0 : i32
            %dma_wait3A_219 = tpu.memref_slice %arg12[%dma_wait3A_217, %dma_wait3A_218] : memref<10240x64xf32, #tpu.memory_space<vmem_shared>> -> memref<10240x64xf32, #tpu.memory_space<vmem_shared>>
            tpu.wait_indirect_dma semaphore(%run_scoped3A_207 : memref<!tpu.dma_semaphore, #tpu.memory_space<semaphore_mem>>) src(%arg10 : memref<128x64xf32, #tpu.memory_space<vmem>>) dst(%dma_wait3A_219 : memref<10240x64xf32, #tpu.memory_space<vmem_shared>>)
            tpu.yield
          }) : () -> ()
        }
        %scan3A_148 = arith.constant 8 : i32
        %add3A_149 = arith.constant 1 : i32
        %add3A_150 = arith.addi %add3A_126, %add3A_149 : i32
        %lt3A_151 = arith.constant 10 : i32
        %lt3A_152 = arith.cmpi slt, %add3A_150, %lt3A_151 : i32
        %convert_element_type3A_153 = arith.extui %lt3A_152 : i1 to i32
        %cond3A_154 = arith.constant 0 : i32
        %cond3A_155 = arith.cmpi ne, %convert_element_type3A_153, %cond3A_154 : i32
        scf.if %cond3A_155 {
          %sub3A = arith.constant 1 : i32
          %sub3A_156 = arith.subi %sub3A, %and3A_127 : i32
          %dma_wait3A = arith.constant 2 : i32
          %dma_wait3A_157 = arith.constant 0 : i32
          %dma_wait3A_158 = arith.constant 0 : i32
          %dma_wait3A_159 = tpu.memref_slice %arg7[%sub3A_156, %dma_wait3A_157, %dma_wait3A_158] : memref<2x16x128xi32, #tpu.memory_space<vmem>> -> memref<1x16x128xi32, #tpu.memory_space<vmem>>
          %dma_wait3A_160 = tpu.memref_squeeze %dma_wait3A_159 : memref<1x16x128xi32, #tpu.memory_space<vmem>> -> memref<16x128xi32, #tpu.memory_space<vmem>>
          %dma_wait3A_161 = arith.constant 0 : i32
          %dma_wait3A_162 = arith.constant 0 : i32
          %dma_wait3A_163 = tpu.memref_slice %arg4[%dma_wait3A, %dma_wait3A_161, %dma_wait3A_162] : memref<3x2560x128xi32, #tpu.memory_space<hbm>> -> memref<1x16x128xi32, #tpu.memory_space<hbm>>
          %dma_wait3A_164 = tpu.memref_squeeze %dma_wait3A_163 : memref<1x16x128xi32, #tpu.memory_space<hbm>> -> memref<16x128xi32, #tpu.memory_space<hbm>>
          %dma_wait3A_165 = arith.constant 0 : i32
          %dma_wait3A_166 = arith.constant 0 : i32
          %dma_wait3A_167 = tpu.memref_slice %arg7[%sub3A_156, %dma_wait3A_165, %dma_wait3A_166] : memref<2x16x128xi32, #tpu.memory_space<vmem>> -> memref<1x16x128xi32, #tpu.memory_space<vmem>>
          %dma_wait3A_168 = tpu.memref_squeeze %dma_wait3A_167 : memref<1x16x128xi32, #tpu.memory_space<vmem>> -> memref<16x128xi32, #tpu.memory_space<vmem>>
          %dma_wait3A_169 = arith.constant 0 : i32
          %dma_wait3A_170 = arith.constant 0 : i32
          %dma_wait3A_171 = tpu.memref_slice %arg4[%dma_wait3A, %dma_wait3A_169, %dma_wait3A_170] : memref<3x2560x128xi32, #tpu.memory_space<hbm>> -> memref<1x16x128xi32, #tpu.memory_space<hbm>>
          %dma_wait3A_172 = tpu.memref_squeeze %dma_wait3A_171 : memref<1x16x128xi32, #tpu.memory_space<hbm>> -> memref<16x128xi32, #tpu.memory_space<hbm>>
          tpu.wait_dma2 semaphore(%arg15 : memref<!tpu.dma_semaphore, #tpu.memory_space<semaphore_mem>>) src(%dma_wait3A_172 : memref<16x128xi32, #tpu.memory_space<hbm>>) dst(%dma_wait3A_168 : memref<16x128xi32, #tpu.memory_space<vmem>>)
          %dma_wait3A_173 = arith.constant 2 : i32
          %dma_wait3A_174 = arith.constant 0 : i32
          %dma_wait3A_175 = arith.constant 0 : i32
          %dma_wait3A_176 = tpu.memref_slice %arg8[%sub3A_156, %dma_wait3A_174, %dma_wait3A_175] : memref<2x16x128xi32, #tpu.memory_space<vmem>> -> memref<1x16x128xi32, #tpu.memory_space<vmem>>
          %dma_wait3A_177 = tpu.memref_squeeze %dma_wait3A_176 : memref<1x16x128xi32, #tpu.memory_space<vmem>> -> memref<16x128xi32, #tpu.memory_space<vmem>>
          %dma_wait3A_178 = arith.constant 0 : i32
          %dma_wait3A_179 = arith.constant 0 : i32
          %dma_wait3A_180 = tpu.memref_slice %arg5[%dma_wait3A_173, %dma_wait3A_178, %dma_wait3A_179] : memref<3x2560x128xi32, #tpu.memory_space<hbm>> -> memref<1x16x128xi32, #tpu.memory_space<hbm>>
          %dma_wait3A_181 = tpu.memref_squeeze %dma_wait3A_180 : memref<1x16x128xi32, #tpu.memory_space<hbm>> -> memref<16x128xi32, #tpu.memory_space<hbm>>
          %dma_wait3A_182 = arith.constant 0 : i32
          %dma_wait3A_183 = arith.constant 0 : i32
          %dma_wait3A_184 = tpu.memref_slice %arg8[%sub3A_156, %dma_wait3A_182, %dma_wait3A_183] : memref<2x16x128xi32, #tpu.memory_space<vmem>> -> memref<1x16x128xi32, #tpu.memory_space<vmem>>
          %dma_wait3A_185 = tpu.memref_squeeze %dma_wait3A_184 : memref<1x16x128xi32, #tpu.memory_space<vmem>> -> memref<16x128xi32, #tpu.memory_space<vmem>>
          %dma_wait3A_186 = arith.constant 0 : i32
          %dma_wait3A_187 = arith.constant 0 : i32
          %dma_wait3A_188 = tpu.memref_slice %arg5[%dma_wait3A_173, %dma_wait3A_186, %dma_wait3A_187] : memref<3x2560x128xi32, #tpu.memory_space<hbm>> -> memref<1x16x128xi32, #tpu.memory_space<hbm>>
          %dma_wait3A_189 = tpu.memref_squeeze %dma_wait3A_188 : memref<1x16x128xi32, #tpu.memory_space<hbm>> -> memref<16x128xi32, #tpu.memory_space<hbm>>
          tpu.wait_dma2 semaphore(%arg15 : memref<!tpu.dma_semaphore, #tpu.memory_space<semaphore_mem>>) src(%dma_wait3A_189 : memref<16x128xi32, #tpu.memory_space<hbm>>) dst(%dma_wait3A_185 : memref<16x128xi32, #tpu.memory_space<vmem>>)
        } else {
        }
      }
      %scan3A_121 = arith.constant 10 : i32
    } else {
    }
    %eq3A_95 = arith.constant 1 : i32
    %eq3A_96 = arith.cmpi eq, %arg0, %eq3A_95 : i32
    %convert_element_type3A_97 = arith.extui %eq3A_96 : i1 to i32
    %cond3A_98 = arith.constant 0 : i32
    %cond3A_99 = arith.cmpi ne, %convert_element_type3A_97, %cond3A_98 : i32
    scf.if %cond3A_99 {
      %add3A = arith.constant 0 : i32
      %add3A_112 = arith.addi %mul3A_1, %add3A : i32
      %run_scoped3A = arith.constant 2 : i32
      %run_scoped3A_113 = arith.constant 0 : i32
      "tpu.region"() ({
        %run_scoped3A_121 = tpu.sem_alloc : memref<!tpu.dma_semaphore, #tpu.memory_space<semaphore_mem>>
        %dma_start3A = arith.constant 0 : i32
        %dma_start3A_122 = arith.constant 0 : i32
        %dma_start3A_123 = tpu.memref_slice %arg7[%run_scoped3A_113, %dma_start3A, %dma_start3A_122] : memref<2x16x128xi32, #tpu.memory_space<vmem>> -> memref<1x16x128xi32, #tpu.memory_space<vmem>>
        %dma_start3A_124 = tpu.memref_squeeze %dma_start3A_123 : memref<1x16x128xi32, #tpu.memory_space<vmem>> -> memref<16x128xi32, #tpu.memory_space<vmem>>
        %dma_start3A_125 = arith.constant 0 : i32
        %dma_start3A_126 = tpu.memref_slice %arg4[%run_scoped3A, %add3A_112, %dma_start3A_125] : memref<3x2560x128xi32, #tpu.memory_space<hbm>> -> memref<1x16x128xi32, #tpu.memory_space<hbm>>
        %dma_start3A_127 = tpu.memref_squeeze %dma_start3A_126 : memref<1x16x128xi32, #tpu.memory_space<hbm>> -> memref<16x128xi32, #tpu.memory_space<hbm>>
        %dma_start3A_128 = arith.constant 0 : i32
        %dma_start3A_129 = arith.constant 0 : i32
        %dma_start3A_130 = tpu.memref_slice %arg7[%run_scoped3A_113, %dma_start3A_128, %dma_start3A_129] : memref<2x16x128xi32, #tpu.memory_space<vmem>> -> memref<1x16x128xi32, #tpu.memory_space<vmem>>
        %dma_start3A_131 = tpu.memref_squeeze %dma_start3A_130 : memref<1x16x128xi32, #tpu.memory_space<vmem>> -> memref<16x128xi32, #tpu.memory_space<vmem>>
        %dma_start3A_132 = arith.constant 0 : i32
        %dma_start3A_133 = tpu.memref_slice %arg4[%run_scoped3A, %add3A_112, %dma_start3A_132] : memref<3x2560x128xi32, #tpu.memory_space<hbm>> -> memref<1x16x128xi32, #tpu.memory_space<hbm>>
        %dma_start3A_134 = tpu.memref_squeeze %dma_start3A_133 : memref<1x16x128xi32, #tpu.memory_space<hbm>> -> memref<16x128xi32, #tpu.memory_space<hbm>>
        tpu.enqueue_dma source(%dma_start3A_134 : memref<16x128xi32, #tpu.memory_space<hbm>>) target(%dma_start3A_131 : memref<16x128xi32, #tpu.memory_space<vmem>>) target_semaphore(%run_scoped3A_121 : memref<!tpu.dma_semaphore, #tpu.memory_space<semaphore_mem>>)
        %dma_wait3A = arith.constant 0 : i32
        %dma_wait3A_135 = arith.constant 0 : i32
        %dma_wait3A_136 = tpu.memref_slice %arg7[%run_scoped3A_113, %dma_wait3A, %dma_wait3A_135] : memref<2x16x128xi32, #tpu.memory_space<vmem>> -> memref<1x16x128xi32, #tpu.memory_space<vmem>>
        %dma_wait3A_137 = tpu.memref_squeeze %dma_wait3A_136 : memref<1x16x128xi32, #tpu.memory_space<vmem>> -> memref<16x128xi32, #tpu.memory_space<vmem>>
        %dma_wait3A_138 = arith.constant 0 : i32
        %dma_wait3A_139 = tpu.memref_slice %arg4[%run_scoped3A, %add3A_112, %dma_wait3A_138] : memref<3x2560x128xi32, #tpu.memory_space<hbm>> -> memref<1x16x128xi32, #tpu.memory_space<hbm>>
        %dma_wait3A_140 = tpu.memref_squeeze %dma_wait3A_139 : memref<1x16x128xi32, #tpu.memory_space<hbm>> -> memref<16x128xi32, #tpu.memory_space<hbm>>
        %dma_wait3A_141 = arith.constant 0 : i32
        %dma_wait3A_142 = arith.constant 0 : i32
        %dma_wait3A_143 = tpu.memref_slice %arg7[%run_scoped3A_113, %dma_wait3A_141, %dma_wait3A_142] : memref<2x16x128xi32, #tpu.memory_space<vmem>> -> memref<1x16x128xi32, #tpu.memory_space<vmem>>
        %dma_wait3A_144 = tpu.memref_squeeze %dma_wait3A_143 : memref<1x16x128xi32, #tpu.memory_space<vmem>> -> memref<16x128xi32, #tpu.memory_space<vmem>>
        %dma_wait3A_145 = arith.constant 0 : i32
        %dma_wait3A_146 = tpu.memref_slice %arg4[%run_scoped3A, %add3A_112, %dma_wait3A_145] : memref<3x2560x128xi32, #tpu.memory_space<hbm>> -> memref<1x16x128xi32, #tpu.memory_space<hbm>>
        %dma_wait3A_147 = tpu.memref_squeeze %dma_wait3A_146 : memref<1x16x128xi32, #tpu.memory_space<hbm>> -> memref<16x128xi32, #tpu.memory_space<hbm>>
        tpu.wait_dma2 semaphore(%run_scoped3A_121 : memref<!tpu.dma_semaphore, #tpu.memory_space<semaphore_mem>>) src(%dma_wait3A_147 : memref<16x128xi32, #tpu.memory_space<hbm>>) dst(%dma_wait3A_144 : memref<16x128xi32, #tpu.memory_space<vmem>>)
        tpu.yield
      }) : () -> ()
      %run_scoped3A_114 = arith.constant 2 : i32
      %run_scoped3A_115 = arith.constant 0 : i32
      "tpu.region"() ({
        %run_scoped3A_121 = tpu.sem_alloc : memref<!tpu.dma_semaphore, #tpu.memory_space<semaphore_mem>>
        %dma_start3A = arith.constant 0 : i32
        %dma_start3A_122 = arith.constant 0 : i32
        %dma_start3A_123 = tpu.memref_slice %arg8[%run_scoped3A_115, %dma_start3A, %dma_start3A_122] : memref<2x16x128xi32, #tpu.memory_space<vmem>> -> memref<1x16x128xi32, #tpu.memory_space<vmem>>
        %dma_start3A_124 = tpu.memref_squeeze %dma_start3A_123 : memref<1x16x128xi32, #tpu.memory_space<vmem>> -> memref<16x128xi32, #tpu.memory_space<vmem>>
        %dma_start3A_125 = arith.constant 0 : i32
        %dma_start3A_126 = tpu.memref_slice %arg5[%run_scoped3A_114, %add3A_112, %dma_start3A_125] : memref<3x2560x128xi32, #tpu.memory_space<hbm>> -> memref<1x16x128xi32, #tpu.memory_space<hbm>>
        %dma_start3A_127 = tpu.memref_squeeze %dma_start3A_126 : memref<1x16x128xi32, #tpu.memory_space<hbm>> -> memref<16x128xi32, #tpu.memory_space<hbm>>
        %dma_start3A_128 = arith.constant 0 : i32
        %dma_start3A_129 = arith.constant 0 : i32
        %dma_start3A_130 = tpu.memref_slice %arg8[%run_scoped3A_115, %dma_start3A_128, %dma_start3A_129] : memref<2x16x128xi32, #tpu.memory_space<vmem>> -> memref<1x16x128xi32, #tpu.memory_space<vmem>>
        %dma_start3A_131 = tpu.memref_squeeze %dma_start3A_130 : memref<1x16x128xi32, #tpu.memory_space<vmem>> -> memref<16x128xi32, #tpu.memory_space<vmem>>
        %dma_start3A_132 = arith.constant 0 : i32
        %dma_start3A_133 = tpu.memref_slice %arg5[%run_scoped3A_114, %add3A_112, %dma_start3A_132] : memref<3x2560x128xi32, #tpu.memory_space<hbm>> -> memref<1x16x128xi32, #tpu.memory_space<hbm>>
        %dma_start3A_134 = tpu.memref_squeeze %dma_start3A_133 : memref<1x16x128xi32, #tpu.memory_space<hbm>> -> memref<16x128xi32, #tpu.memory_space<hbm>>
        tpu.enqueue_dma source(%dma_start3A_134 : memref<16x128xi32, #tpu.memory_space<hbm>>) target(%dma_start3A_131 : memref<16x128xi32, #tpu.memory_space<vmem>>) target_semaphore(%run_scoped3A_121 : memref<!tpu.dma_semaphore, #tpu.memory_space<semaphore_mem>>)
        %dma_wait3A = arith.constant 0 : i32
        %dma_wait3A_135 = arith.constant 0 : i32
        %dma_wait3A_136 = tpu.memref_slice %arg8[%run_scoped3A_115, %dma_wait3A, %dma_wait3A_135] : memref<2x16x128xi32, #tpu.memory_space<vmem>> -> memref<1x16x128xi32, #tpu.memory_space<vmem>>
        %dma_wait3A_137 = tpu.memref_squeeze %dma_wait3A_136 : memref<1x16x128xi32, #tpu.memory_space<vmem>> -> memref<16x128xi32, #tpu.memory_space<vmem>>
        %dma_wait3A_138 = arith.constant 0 : i32
        %dma_wait3A_139 = tpu.memref_slice %arg5[%run_scoped3A_114, %add3A_112, %dma_wait3A_138] : memref<3x2560x128xi32, #tpu.memory_space<hbm>> -> memref<1x16x128xi32, #tpu.memory_space<hbm>>
        %dma_wait3A_140 = tpu.memref_squeeze %dma_wait3A_139 : memref<1x16x128xi32, #tpu.memory_space<hbm>> -> memref<16x128xi32, #tpu.memory_space<hbm>>
        %dma_wait3A_141 = arith.constant 0 : i32
        %dma_wait3A_142 = arith.constant 0 : i32
        %dma_wait3A_143 = tpu.memref_slice %arg8[%run_scoped3A_115, %dma_wait3A_141, %dma_wait3A_142] : memref<2x16x128xi32, #tpu.memory_space<vmem>> -> memref<1x16x128xi32, #tpu.memory_space<vmem>>
        %dma_wait3A_144 = tpu.memref_squeeze %dma_wait3A_143 : memref<1x16x128xi32, #tpu.memory_space<vmem>> -> memref<16x128xi32, #tpu.memory_space<vmem>>
        %dma_wait3A_145 = arith.constant 0 : i32
        %dma_wait3A_146 = tpu.memref_slice %arg5[%run_scoped3A_114, %add3A_112, %dma_wait3A_145] : memref<3x2560x128xi32, #tpu.memory_space<hbm>> -> memref<1x16x128xi32, #tpu.memory_space<hbm>>
        %dma_wait3A_147 = tpu.memref_squeeze %dma_wait3A_146 : memref<1x16x128xi32, #tpu.memory_space<hbm>> -> memref<16x128xi32, #tpu.memory_space<hbm>>
        tpu.wait_dma2 semaphore(%run_scoped3A_121 : memref<!tpu.dma_semaphore, #tpu.memory_space<semaphore_mem>>) src(%dma_wait3A_147 : memref<16x128xi32, #tpu.memory_space<hbm>>) dst(%dma_wait3A_144 : memref<16x128xi32, #tpu.memory_space<vmem>>)
        tpu.yield
      }) : () -> ()
      %scan3A_116 = arith.constant 0 : i32
      %scan3A_117 = arith.constant 10 : i32
      %scan3A_118 = arith.addi %scan3A_116, %scan3A_117 : i32
      %scan3A_119 = arith.constant 1 : i32
      scf.for %scan3A_121 = %scan3A_116 to %scan3A_118 step %scan3A_119  : i32 {
        %mul3A_122 = arith.constant 1 : i32
        %mul3A_123 = arith.muli %scan3A_121, %mul3A_122 : i32
        %add3A_124 = arith.constant 0 : i32
        %add3A_125 = arith.addi %add3A_124, %mul3A_123 : i32
        %and3A = arith.constant 1 : i32
        %and3A_126 = arith.andi %add3A_125, %and3A : i32
        %add3A_127 = arith.constant 1 : i32
        %add3A_128 = arith.addi %add3A_125, %add3A_127 : i32
        %lt3A = arith.constant 10 : i32
        %lt3A_129 = arith.cmpi slt, %add3A_128, %lt3A : i32
        %convert_element_type3A_130 = arith.extui %lt3A_129 : i1 to i32
        %cond3A_131 = arith.constant 0 : i32
        %cond3A_132 = arith.cmpi ne, %convert_element_type3A_130, %cond3A_131 : i32
        scf.if %cond3A_132 {
          %add3A_151 = arith.constant 1 : i32
          %add3A_152 = arith.addi %add3A_125, %add3A_151 : i32
          %sub3A = arith.constant 1 : i32
          %sub3A_153 = arith.subi %sub3A, %and3A_126 : i32
          %mul3A_154 = arith.constant 16 : i32
          %mul3A_155 = arith.muli %add3A_152, %mul3A_154 : i32
          %add3A_156 = arith.addi %mul3A_1, %mul3A_155 : i32
          %dma_start3A_157 = arith.constant 2 : i32
          %dma_start3A_158 = arith.constant 0 : i32
          %dma_start3A_159 = arith.constant 0 : i32
          %dma_start3A_160 = tpu.memref_slice %arg7[%sub3A_153, %dma_start3A_158, %dma_start3A_159] : memref<2x16x128xi32, #tpu.memory_space<vmem>> -> memref<1x16x128xi32, #tpu.memory_space<vmem>>
          %dma_start3A_161 = tpu.memref_squeeze %dma_start3A_160 : memref<1x16x128xi32, #tpu.memory_space<vmem>> -> memref<16x128xi32, #tpu.memory_space<vmem>>
          %dma_start3A_162 = arith.constant 0 : i32
          %dma_start3A_163 = tpu.memref_slice %arg4[%dma_start3A_157, %add3A_156, %dma_start3A_162] : memref<3x2560x128xi32, #tpu.memory_space<hbm>> -> memref<1x16x128xi32, #tpu.memory_space<hbm>>
          %dma_start3A_164 = tpu.memref_squeeze %dma_start3A_163 : memref<1x16x128xi32, #tpu.memory_space<hbm>> -> memref<16x128xi32, #tpu.memory_space<hbm>>
          %dma_start3A_165 = arith.constant 0 : i32
          %dma_start3A_166 = arith.constant 0 : i32
          %dma_start3A_167 = tpu.memref_slice %arg7[%sub3A_153, %dma_start3A_165, %dma_start3A_166] : memref<2x16x128xi32, #tpu.memory_space<vmem>> -> memref<1x16x128xi32, #tpu.memory_space<vmem>>
          %dma_start3A_168 = tpu.memref_squeeze %dma_start3A_167 : memref<1x16x128xi32, #tpu.memory_space<vmem>> -> memref<16x128xi32, #tpu.memory_space<vmem>>
          %dma_start3A_169 = arith.constant 0 : i32
          %dma_start3A_170 = tpu.memref_slice %arg4[%dma_start3A_157, %add3A_156, %dma_start3A_169] : memref<3x2560x128xi32, #tpu.memory_space<hbm>> -> memref<1x16x128xi32, #tpu.memory_space<hbm>>
          %dma_start3A_171 = tpu.memref_squeeze %dma_start3A_170 : memref<1x16x128xi32, #tpu.memory_space<hbm>> -> memref<16x128xi32, #tpu.memory_space<hbm>>
          tpu.enqueue_dma source(%dma_start3A_171 : memref<16x128xi32, #tpu.memory_space<hbm>>) target(%dma_start3A_168 : memref<16x128xi32, #tpu.memory_space<vmem>>) target_semaphore(%arg15 : memref<!tpu.dma_semaphore, #tpu.memory_space<semaphore_mem>>)
          %dma_start3A_172 = arith.constant 2 : i32
          %dma_start3A_173 = arith.constant 0 : i32
          %dma_start3A_174 = arith.constant 0 : i32
          %dma_start3A_175 = tpu.memref_slice %arg8[%sub3A_153, %dma_start3A_173, %dma_start3A_174] : memref<2x16x128xi32, #tpu.memory_space<vmem>> -> memref<1x16x128xi32, #tpu.memory_space<vmem>>
          %dma_start3A_176 = tpu.memref_squeeze %dma_start3A_175 : memref<1x16x128xi32, #tpu.memory_space<vmem>> -> memref<16x128xi32, #tpu.memory_space<vmem>>
          %dma_start3A_177 = arith.constant 0 : i32
          %dma_start3A_178 = tpu.memref_slice %arg5[%dma_start3A_172, %add3A_156, %dma_start3A_177] : memref<3x2560x128xi32, #tpu.memory_space<hbm>> -> memref<1x16x128xi32, #tpu.memory_space<hbm>>
          %dma_start3A_179 = tpu.memref_squeeze %dma_start3A_178 : memref<1x16x128xi32, #tpu.memory_space<hbm>> -> memref<16x128xi32, #tpu.memory_space<hbm>>
          %dma_start3A_180 = arith.constant 0 : i32
          %dma_start3A_181 = arith.constant 0 : i32
          %dma_start3A_182 = tpu.memref_slice %arg8[%sub3A_153, %dma_start3A_180, %dma_start3A_181] : memref<2x16x128xi32, #tpu.memory_space<vmem>> -> memref<1x16x128xi32, #tpu.memory_space<vmem>>
          %dma_start3A_183 = tpu.memref_squeeze %dma_start3A_182 : memref<1x16x128xi32, #tpu.memory_space<vmem>> -> memref<16x128xi32, #tpu.memory_space<vmem>>
          %dma_start3A_184 = arith.constant 0 : i32
          %dma_start3A_185 = tpu.memref_slice %arg5[%dma_start3A_172, %add3A_156, %dma_start3A_184] : memref<3x2560x128xi32, #tpu.memory_space<hbm>> -> memref<1x16x128xi32, #tpu.memory_space<hbm>>
          %dma_start3A_186 = tpu.memref_squeeze %dma_start3A_185 : memref<1x16x128xi32, #tpu.memory_space<hbm>> -> memref<16x128xi32, #tpu.memory_space<hbm>>
          tpu.enqueue_dma source(%dma_start3A_186 : memref<16x128xi32, #tpu.memory_space<hbm>>) target(%dma_start3A_183 : memref<16x128xi32, #tpu.memory_space<vmem>>) target_semaphore(%arg15 : memref<!tpu.dma_semaphore, #tpu.memory_space<semaphore_mem>>)
        } else {
        }
        %dma_start3A = arith.constant 0 : i32
        %dma_start3A_133 = arith.constant 0 : i32
        %dma_start3A_134 = tpu.memref_slice %arg7[%and3A_126, %dma_start3A, %dma_start3A_133] : memref<2x16x128xi32, #tpu.memory_space<vmem>> -> memref<1x1x128xi32, #tpu.memory_space<vmem>>
        %dma_start3A_135 = tpu.memref_squeeze %dma_start3A_134 : memref<1x1x128xi32, #tpu.memory_space<vmem>> -> memref<128xi32, #tpu.memory_space<vmem>>
        %dma_start3A_136 = arith.constant 0 : i32
        %dma_start3A_137 = arith.constant 0 : i32
        %dma_start3A_138 = tpu.memref_slice %arg11[%dma_start3A_136, %dma_start3A_137] : memref<10240x64xf32, #tpu.memory_space<vmem_shared>> -> memref<10240x64xf32, #tpu.memory_space<vmem_shared>>
        tpu.enqueue_indirect_dma source(%dma_start3A_138 : memref<10240x64xf32, #tpu.memory_space<vmem_shared>>) target(%arg9 : memref<128x64xf32, #tpu.memory_space<vmem>>) offsets(%dma_start3A_135 : memref<128xi32, #tpu.memory_space<vmem>>) semaphore(%arg13 : memref<!tpu.dma_semaphore, #tpu.memory_space<semaphore_mem>>)
        %scan3A_139 = arith.constant 0 : i32
        %scan3A_140 = arith.constant 8 : i32
        %scan3A_141 = arith.addi %scan3A_139, %scan3A_140 : i32
        %scan3A_142 = arith.constant 1 : i32
        scf.for %scan3A_151 = %scan3A_139 to %scan3A_141 step %scan3A_142  : i32 {
          %mul3A_152 = arith.constant 1 : i32
          %mul3A_153 = arith.muli %scan3A_151, %mul3A_152 : i32
          %add3A_154 = arith.constant 0 : i32
          %add3A_155 = arith.addi %add3A_154, %mul3A_153 : i32
          %mul3A_156 = arith.constant 2 : i32
          %mul3A_157 = arith.muli %mul3A_156, %add3A_155 : i32
          %add3A_158 = arith.constant 1 : i32
          %add3A_159 = arith.addi %mul3A_157, %add3A_158 : i32
          %dma_start3A_160 = arith.constant 0 : i32
          %dma_start3A_161 = tpu.memref_slice %arg7[%and3A_126, %add3A_159, %dma_start3A_160] : memref<2x16x128xi32, #tpu.memory_space<vmem>> -> memref<1x1x128xi32, #tpu.memory_space<vmem>>
          %dma_start3A_162 = tpu.memref_squeeze %dma_start3A_161 : memref<1x1x128xi32, #tpu.memory_space<vmem>> -> memref<128xi32, #tpu.memory_space<vmem>>
          %dma_start3A_163 = arith.constant 0 : i32
          %dma_start3A_164 = arith.constant 0 : i32
          %dma_start3A_165 = tpu.memref_slice %arg11[%dma_start3A_163, %dma_start3A_164] : memref<10240x64xf32, #tpu.memory_space<vmem_shared>> -> memref<10240x64xf32, #tpu.memory_space<vmem_shared>>
          tpu.enqueue_indirect_dma source(%dma_start3A_165 : memref<10240x64xf32, #tpu.memory_space<vmem_shared>>) target(%arg10 : memref<128x64xf32, #tpu.memory_space<vmem>>) offsets(%dma_start3A_162 : memref<128xi32, #tpu.memory_space<vmem>>) semaphore(%arg14 : memref<!tpu.dma_semaphore, #tpu.memory_space<semaphore_mem>>)
          %dma_wait3A = arith.constant 0 : i32
          %dma_wait3A_166 = arith.constant 0 : i32
          %dma_wait3A_167 = arith.constant 0 : i32
          %dma_wait3A_168 = tpu.memref_slice %arg7[%dma_wait3A, %dma_wait3A_166, %dma_wait3A_167] : memref<2x16x128xi32, #tpu.memory_space<vmem>> -> memref<1x1x128xi32, #tpu.memory_space<vmem>>
          %dma_wait3A_169 = tpu.memref_squeeze %dma_wait3A_168 : memref<1x1x128xi32, #tpu.memory_space<vmem>> -> memref<128xi32, #tpu.memory_space<vmem>>
          %dma_wait3A_170 = arith.constant 0 : i32
          %dma_wait3A_171 = arith.constant 0 : i32
          %dma_wait3A_172 = tpu.memref_slice %arg11[%dma_wait3A_170, %dma_wait3A_171] : memref<10240x64xf32, #tpu.memory_space<vmem_shared>> -> memref<10240x64xf32, #tpu.memory_space<vmem_shared>>
          tpu.wait_indirect_dma semaphore(%arg13 : memref<!tpu.dma_semaphore, #tpu.memory_space<semaphore_mem>>) src(%dma_wait3A_172 : memref<10240x64xf32, #tpu.memory_space<vmem_shared>>) dst(%arg9 : memref<128x64xf32, #tpu.memory_space<vmem>>)
          "tpu.region"() ({
            %run_scoped3A_190 = tpu.sem_alloc : memref<!tpu.dma_semaphore, #tpu.memory_space<semaphore_mem>>
            %dma_start3A_191 = arith.constant 0 : i32
            %dma_start3A_192 = tpu.memref_slice %arg8[%and3A_126, %mul3A_157, %dma_start3A_191] : memref<2x16x128xi32, #tpu.memory_space<vmem>> -> memref<1x1x128xi32, #tpu.memory_space<vmem>>
            %dma_start3A_193 = tpu.memref_squeeze %dma_start3A_192 : memref<1x1x128xi32, #tpu.memory_space<vmem>> -> memref<128xi32, #tpu.memory_space<vmem>>
            %dma_start3A_194 = arith.constant 0 : i32
            %dma_start3A_195 = arith.constant 0 : i32
            %dma_start3A_196 = tpu.memref_slice %arg12[%dma_start3A_194, %dma_start3A_195] : memref<10240x64xf32, #tpu.memory_space<vmem_shared>> -> memref<10240x64xf32, #tpu.memory_space<vmem_shared>>
            tpu.enqueue_indirect_dma source(%arg9 : memref<128x64xf32, #tpu.memory_space<vmem>>) target(%dma_start3A_196 : memref<10240x64xf32, #tpu.memory_space<vmem_shared>>) offsets(%dma_start3A_193 : memref<128xi32, #tpu.memory_space<vmem>>) semaphore(%run_scoped3A_190 : memref<!tpu.dma_semaphore, #tpu.memory_space<semaphore_mem>>) {add = true}
            %dma_wait3A_197 = arith.constant 0 : i32
            %dma_wait3A_198 = tpu.memref_slice %arg8[%and3A_126, %mul3A_157, %dma_wait3A_197] : memref<2x16x128xi32, #tpu.memory_space<vmem>> -> memref<1x1x128xi32, #tpu.memory_space<vmem>>
            %dma_wait3A_199 = tpu.memref_squeeze %dma_wait3A_198 : memref<1x1x128xi32, #tpu.memory_space<vmem>> -> memref<128xi32, #tpu.memory_space<vmem>>
            %dma_wait3A_200 = arith.constant 0 : i32
            %dma_wait3A_201 = arith.constant 0 : i32
            %dma_wait3A_202 = tpu.memref_slice %arg12[%dma_wait3A_200, %dma_wait3A_201] : memref<10240x64xf32, #tpu.memory_space<vmem_shared>> -> memref<10240x64xf32, #tpu.memory_space<vmem_shared>>
            tpu.wait_indirect_dma semaphore(%run_scoped3A_190 : memref<!tpu.dma_semaphore, #tpu.memory_space<semaphore_mem>>) src(%arg9 : memref<128x64xf32, #tpu.memory_space<vmem>>) dst(%dma_wait3A_202 : memref<10240x64xf32, #tpu.memory_space<vmem_shared>>)
            tpu.yield
          }) : () -> ()
          %add3A_173 = arith.constant 2 : i32
          %add3A_174 = arith.addi %mul3A_157, %add3A_173 : i32
          %lt3A_175 = arith.constant 16 : i32
          %lt3A_176 = arith.cmpi slt, %add3A_174, %lt3A_175 : i32
          %convert_element_type3A_177 = arith.extui %lt3A_176 : i1 to i32
          %cond3A_178 = arith.constant 0 : i32
          %cond3A_179 = arith.cmpi ne, %convert_element_type3A_177, %cond3A_178 : i32
          scf.if %cond3A_179 {
            %add3A_190 = arith.constant 2 : i32
            %add3A_191 = arith.addi %mul3A_157, %add3A_190 : i32
            %dma_start3A_192 = arith.constant 0 : i32
            %dma_start3A_193 = tpu.memref_slice %arg7[%and3A_126, %add3A_191, %dma_start3A_192] : memref<2x16x128xi32, #tpu.memory_space<vmem>> -> memref<1x1x128xi32, #tpu.memory_space<vmem>>
            %dma_start3A_194 = tpu.memref_squeeze %dma_start3A_193 : memref<1x1x128xi32, #tpu.memory_space<vmem>> -> memref<128xi32, #tpu.memory_space<vmem>>
            %dma_start3A_195 = arith.constant 0 : i32
            %dma_start3A_196 = arith.constant 0 : i32
            %dma_start3A_197 = tpu.memref_slice %arg11[%dma_start3A_195, %dma_start3A_196] : memref<10240x64xf32, #tpu.memory_space<vmem_shared>> -> memref<10240x64xf32, #tpu.memory_space<vmem_shared>>
            tpu.enqueue_indirect_dma source(%dma_start3A_197 : memref<10240x64xf32, #tpu.memory_space<vmem_shared>>) target(%arg9 : memref<128x64xf32, #tpu.memory_space<vmem>>) offsets(%dma_start3A_194 : memref<128xi32, #tpu.memory_space<vmem>>) semaphore(%arg13 : memref<!tpu.dma_semaphore, #tpu.memory_space<semaphore_mem>>)
          } else {
          }
          %dma_wait3A_180 = arith.constant 0 : i32
          %dma_wait3A_181 = arith.constant 0 : i32
          %dma_wait3A_182 = arith.constant 0 : i32
          %dma_wait3A_183 = tpu.memref_slice %arg7[%dma_wait3A_180, %dma_wait3A_181, %dma_wait3A_182] : memref<2x16x128xi32, #tpu.memory_space<vmem>> -> memref<1x1x128xi32, #tpu.memory_space<vmem>>
          %dma_wait3A_184 = tpu.memref_squeeze %dma_wait3A_183 : memref<1x1x128xi32, #tpu.memory_space<vmem>> -> memref<128xi32, #tpu.memory_space<vmem>>
          %dma_wait3A_185 = arith.constant 0 : i32
          %dma_wait3A_186 = arith.constant 0 : i32
          %dma_wait3A_187 = tpu.memref_slice %arg11[%dma_wait3A_185, %dma_wait3A_186] : memref<10240x64xf32, #tpu.memory_space<vmem_shared>> -> memref<10240x64xf32, #tpu.memory_space<vmem_shared>>
          tpu.wait_indirect_dma semaphore(%arg14 : memref<!tpu.dma_semaphore, #tpu.memory_space<semaphore_mem>>) src(%dma_wait3A_187 : memref<10240x64xf32, #tpu.memory_space<vmem_shared>>) dst(%arg10 : memref<128x64xf32, #tpu.memory_space<vmem>>)
          %add3A_188 = arith.constant 1 : i32
          %add3A_189 = arith.addi %mul3A_157, %add3A_188 : i32
          "tpu.region"() ({
            %run_scoped3A_190 = tpu.sem_alloc : memref<!tpu.dma_semaphore, #tpu.memory_space<semaphore_mem>>
            %dma_start3A_191 = arith.constant 0 : i32
            %dma_start3A_192 = tpu.memref_slice %arg8[%and3A_126, %add3A_189, %dma_start3A_191] : memref<2x16x128xi32, #tpu.memory_space<vmem>> -> memref<1x1x128xi32, #tpu.memory_space<vmem>>
            %dma_start3A_193 = tpu.memref_squeeze %dma_start3A_192 : memref<1x1x128xi32, #tpu.memory_space<vmem>> -> memref<128xi32, #tpu.memory_space<vmem>>
            %dma_start3A_194 = arith.constant 0 : i32
            %dma_start3A_195 = arith.constant 0 : i32
            %dma_start3A_196 = tpu.memref_slice %arg12[%dma_start3A_194, %dma_start3A_195] : memref<10240x64xf32, #tpu.memory_space<vmem_shared>> -> memref<10240x64xf32, #tpu.memory_space<vmem_shared>>
            tpu.enqueue_indirect_dma source(%arg10 : memref<128x64xf32, #tpu.memory_space<vmem>>) target(%dma_start3A_196 : memref<10240x64xf32, #tpu.memory_space<vmem_shared>>) offsets(%dma_start3A_193 : memref<128xi32, #tpu.memory_space<vmem>>) semaphore(%run_scoped3A_190 : memref<!tpu.dma_semaphore, #tpu.memory_space<semaphore_mem>>) {add = true}
            %dma_wait3A_197 = arith.constant 0 : i32
            %dma_wait3A_198 = tpu.memref_slice %arg8[%and3A_126, %add3A_189, %dma_wait3A_197] : memref<2x16x128xi32, #tpu.memory_space<vmem>> -> memref<1x1x128xi32, #tpu.memory_space<vmem>>
            %dma_wait3A_199 = tpu.memref_squeeze %dma_wait3A_198 : memref<1x1x128xi32, #tpu.memory_space<vmem>> -> memref<128xi32, #tpu.memory_space<vmem>>
            %dma_wait3A_200 = arith.constant 0 : i32
            %dma_wait3A_201 = arith.constant 0 : i32
            %dma_wait3A_202 = tpu.memref_slice %arg12[%dma_wait3A_200, %dma_wait3A_201] : memref<10240x64xf32, #tpu.memory_space<vmem_shared>> -> memref<10240x64xf32, #tpu.memory_space<vmem_shared>>
            tpu.wait_indirect_dma semaphore(%run_scoped3A_190 : memref<!tpu.dma_semaphore, #tpu.memory_space<semaphore_mem>>) src(%arg10 : memref<128x64xf32, #tpu.memory_space<vmem>>) dst(%dma_wait3A_202 : memref<10240x64xf32, #tpu.memory_space<vmem_shared>>)
            tpu.yield
          }) : () -> ()
        }
        %scan3A_143 = arith.constant 8 : i32
        %add3A_144 = arith.constant 1 : i32
        %add3A_145 = arith.addi %add3A_125, %add3A_144 : i32
        %lt3A_146 = arith.constant 10 : i32
        %lt3A_147 = arith.cmpi slt, %add3A_145, %lt3A_146 : i32
        %convert_element_type3A_148 = arith.extui %lt3A_147 : i1 to i32
        %cond3A_149 = arith.constant 0 : i32
        %cond3A_150 = arith.cmpi ne, %convert_element_type3A_148, %cond3A_149 : i32
        scf.if %cond3A_150 {
          %sub3A = arith.constant 1 : i32
          %sub3A_151 = arith.subi %sub3A, %and3A_126 : i32
          %dma_wait3A = arith.constant 2 : i32
          %dma_wait3A_152 = arith.constant 0 : i32
          %dma_wait3A_153 = arith.constant 0 : i32
          %dma_wait3A_154 = tpu.memref_slice %arg7[%sub3A_151, %dma_wait3A_152, %dma_wait3A_153] : memref<2x16x128xi32, #tpu.memory_space<vmem>> -> memref<1x16x128xi32, #tpu.memory_space<vmem>>
          %dma_wait3A_155 = tpu.memref_squeeze %dma_wait3A_154 : memref<1x16x128xi32, #tpu.memory_space<vmem>> -> memref<16x128xi32, #tpu.memory_space<vmem>>
          %dma_wait3A_156 = arith.constant 0 : i32
          %dma_wait3A_157 = arith.constant 0 : i32
          %dma_wait3A_158 = tpu.memref_slice %arg4[%dma_wait3A, %dma_wait3A_156, %dma_wait3A_157] : memref<3x2560x128xi32, #tpu.memory_space<hbm>> -> memref<1x16x128xi32, #tpu.memory_space<hbm>>
          %dma_wait3A_159 = tpu.memref_squeeze %dma_wait3A_158 : memref<1x16x128xi32, #tpu.memory_space<hbm>> -> memref<16x128xi32, #tpu.memory_space<hbm>>
          %dma_wait3A_160 = arith.constant 0 : i32
          %dma_wait3A_161 = arith.constant 0 : i32
          %dma_wait3A_162 = tpu.memref_slice %arg7[%sub3A_151, %dma_wait3A_160, %dma_wait3A_161] : memref<2x16x128xi32, #tpu.memory_space<vmem>> -> memref<1x16x128xi32, #tpu.memory_space<vmem>>
          %dma_wait3A_163 = tpu.memref_squeeze %dma_wait3A_162 : memref<1x16x128xi32, #tpu.memory_space<vmem>> -> memref<16x128xi32, #tpu.memory_space<vmem>>
          %dma_wait3A_164 = arith.constant 0 : i32
          %dma_wait3A_165 = arith.constant 0 : i32
          %dma_wait3A_166 = tpu.memref_slice %arg4[%dma_wait3A, %dma_wait3A_164, %dma_wait3A_165] : memref<3x2560x128xi32, #tpu.memory_space<hbm>> -> memref<1x16x128xi32, #tpu.memory_space<hbm>>
          %dma_wait3A_167 = tpu.memref_squeeze %dma_wait3A_166 : memref<1x16x128xi32, #tpu.memory_space<hbm>> -> memref<16x128xi32, #tpu.memory_space<hbm>>
          tpu.wait_dma2 semaphore(%arg15 : memref<!tpu.dma_semaphore, #tpu.memory_space<semaphore_mem>>) src(%dma_wait3A_167 : memref<16x128xi32, #tpu.memory_space<hbm>>) dst(%dma_wait3A_163 : memref<16x128xi32, #tpu.memory_space<vmem>>)
          %dma_wait3A_168 = arith.constant 2 : i32
          %dma_wait3A_169 = arith.constant 0 : i32
          %dma_wait3A_170 = arith.constant 0 : i32
          %dma_wait3A_171 = tpu.memref_slice %arg8[%sub3A_151, %dma_wait3A_169, %dma_wait3A_170] : memref<2x16x128xi32, #tpu.memory_space<vmem>> -> memref<1x16x128xi32, #tpu.memory_space<vmem>>
          %dma_wait3A_172 = tpu.memref_squeeze %dma_wait3A_171 : memref<1x16x128xi32, #tpu.memory_space<vmem>> -> memref<16x128xi32, #tpu.memory_space<vmem>>
          %dma_wait3A_173 = arith.constant 0 : i32
          %dma_wait3A_174 = arith.constant 0 : i32
          %dma_wait3A_175 = tpu.memref_slice %arg5[%dma_wait3A_168, %dma_wait3A_173, %dma_wait3A_174] : memref<3x2560x128xi32, #tpu.memory_space<hbm>> -> memref<1x16x128xi32, #tpu.memory_space<hbm>>
          %dma_wait3A_176 = tpu.memref_squeeze %dma_wait3A_175 : memref<1x16x128xi32, #tpu.memory_space<hbm>> -> memref<16x128xi32, #tpu.memory_space<hbm>>
          %dma_wait3A_177 = arith.constant 0 : i32
          %dma_wait3A_178 = arith.constant 0 : i32
          %dma_wait3A_179 = tpu.memref_slice %arg8[%sub3A_151, %dma_wait3A_177, %dma_wait3A_178] : memref<2x16x128xi32, #tpu.memory_space<vmem>> -> memref<1x16x128xi32, #tpu.memory_space<vmem>>
          %dma_wait3A_180 = tpu.memref_squeeze %dma_wait3A_179 : memref<1x16x128xi32, #tpu.memory_space<vmem>> -> memref<16x128xi32, #tpu.memory_space<vmem>>
          %dma_wait3A_181 = arith.constant 0 : i32
          %dma_wait3A_182 = arith.constant 0 : i32
          %dma_wait3A_183 = tpu.memref_slice %arg5[%dma_wait3A_168, %dma_wait3A_181, %dma_wait3A_182] : memref<3x2560x128xi32, #tpu.memory_space<hbm>> -> memref<1x16x128xi32, #tpu.memory_space<hbm>>
          %dma_wait3A_184 = tpu.memref_squeeze %dma_wait3A_183 : memref<1x16x128xi32, #tpu.memory_space<hbm>> -> memref<16x128xi32, #tpu.memory_space<hbm>>
          tpu.wait_dma2 semaphore(%arg15 : memref<!tpu.dma_semaphore, #tpu.memory_space<semaphore_mem>>) src(%dma_wait3A_184 : memref<16x128xi32, #tpu.memory_space<hbm>>) dst(%dma_wait3A_180 : memref<16x128xi32, #tpu.memory_space<vmem>>)
        } else {
        }
      }
      %scan3A_120 = arith.constant 10 : i32
    } else {
    }
    %barrier3A_100 = arith.constant 0 : index
    tpu.barrier barrier_id(%barrier3A_100)
    %eq3A_101 = arith.constant 0 : i32
    %eq3A_102 = arith.cmpi eq, %arg0, %eq3A_101 : i32
    %convert_element_type3A_103 = arith.extui %eq3A_102 : i1 to i32
    %cond3A_104 = arith.constant 0 : i32
    %cond3A_105 = arith.cmpi ne, %convert_element_type3A_103, %cond3A_104 : i32
    scf.if %cond3A_105 {
      %mul3A_112 = arith.constant 640 : i32
      %mul3A_113 = arith.muli %arg1, %mul3A_112 : i32
      %mul3A_114 = arith.constant 640 : i32
      %mul3A_115 = arith.muli %arg1, %mul3A_114 : i32
      %run_scoped3A = arith.constant 2 : i32
      %run_scoped3A_116 = arith.constant 0 : i32
      "tpu.region"() ({
        %run_scoped3A_117 = tpu.sem_alloc : memref<!tpu.dma_semaphore, #tpu.memory_space<semaphore_mem>>
        %dma_start3A = arith.constant 0 : i32
        %dma_start3A_118 = tpu.memref_slice %arg6[%run_scoped3A, %run_scoped3A_116, %mul3A_115, %dma_start3A] : memref<3x2x10240x64xf32, #tpu.memory_space<hbm>> -> memref<1x1x640x64xf32, #tpu.memory_space<hbm>>
        %dma_start3A_119 = tpu.memref_squeeze %dma_start3A_118 : memref<1x1x640x64xf32, #tpu.memory_space<hbm>> -> memref<640x64xf32, #tpu.memory_space<hbm>>
        %dma_start3A_120 = arith.constant 0 : i32
        %dma_start3A_121 = tpu.memref_slice %arg12[%mul3A_113, %dma_start3A_120] : memref<10240x64xf32, #tpu.memory_space<vmem_shared>> -> memref<640x64xf32, #tpu.memory_space<vmem_shared>>
        tpu.enqueue_dma source(%dma_start3A_121 : memref<640x64xf32, #tpu.memory_space<vmem_shared>>) target(%dma_start3A_119 : memref<640x64xf32, #tpu.memory_space<hbm>>) target_semaphore(%run_scoped3A_117 : memref<!tpu.dma_semaphore, #tpu.memory_space<semaphore_mem>>)
        %dma_wait3A = arith.constant 0 : i32
        %dma_wait3A_122 = tpu.memref_slice %arg6[%run_scoped3A, %run_scoped3A_116, %mul3A_115, %dma_wait3A] : memref<3x2x10240x64xf32, #tpu.memory_space<hbm>> -> memref<1x1x640x64xf32, #tpu.memory_space<hbm>>
        %dma_wait3A_123 = tpu.memref_squeeze %dma_wait3A_122 : memref<1x1x640x64xf32, #tpu.memory_space<hbm>> -> memref<640x64xf32, #tpu.memory_space<hbm>>
        %dma_wait3A_124 = arith.constant 0 : i32
        %dma_wait3A_125 = tpu.memref_slice %arg12[%mul3A_113, %dma_wait3A_124] : memref<10240x64xf32, #tpu.memory_space<vmem_shared>> -> memref<640x64xf32, #tpu.memory_space<vmem_shared>>
        tpu.wait_dma2 semaphore(%run_scoped3A_117 : memref<!tpu.dma_semaphore, #tpu.memory_space<semaphore_mem>>) src(%dma_wait3A_125 : memref<640x64xf32, #tpu.memory_space<vmem_shared>>) dst(%dma_wait3A_123 : memref<640x64xf32, #tpu.memory_space<hbm>>)
        tpu.yield
      }) : () -> ()
    } else {
    }
    %eq3A_106 = arith.constant 1 : i32
    %eq3A_107 = arith.cmpi eq, %arg0, %eq3A_106 : i32
    %convert_element_type3A_108 = arith.extui %eq3A_107 : i1 to i32
    %cond3A_109 = arith.constant 0 : i32
    %cond3A_110 = arith.cmpi ne, %convert_element_type3A_108, %cond3A_109 : i32
    scf.if %cond3A_110 {
      %mul3A_112 = arith.constant 640 : i32
      %mul3A_113 = arith.muli %arg1, %mul3A_112 : i32
      %mul3A_114 = arith.constant 640 : i32
      %mul3A_115 = arith.muli %arg1, %mul3A_114 : i32
      %run_scoped3A = arith.constant 2 : i32
      %run_scoped3A_116 = arith.constant 1 : i32
      "tpu.region"() ({
        %run_scoped3A_117 = tpu.sem_alloc : memref<!tpu.dma_semaphore, #tpu.memory_space<semaphore_mem>>
        %dma_start3A = arith.constant 0 : i32
        %dma_start3A_118 = tpu.memref_slice %arg6[%run_scoped3A, %run_scoped3A_116, %mul3A_115, %dma_start3A] : memref<3x2x10240x64xf32, #tpu.memory_space<hbm>> -> memref<1x1x640x64xf32, #tpu.memory_space<hbm>>
        %dma_start3A_119 = tpu.memref_squeeze %dma_start3A_118 : memref<1x1x640x64xf32, #tpu.memory_space<hbm>> -> memref<640x64xf32, #tpu.memory_space<hbm>>
        %dma_start3A_120 = arith.constant 0 : i32
        %dma_start3A_121 = tpu.memref_slice %arg12[%mul3A_113, %dma_start3A_120] : memref<10240x64xf32, #tpu.memory_space<vmem_shared>> -> memref<640x64xf32, #tpu.memory_space<vmem_shared>>
        tpu.enqueue_dma source(%dma_start3A_121 : memref<640x64xf32, #tpu.memory_space<vmem_shared>>) target(%dma_start3A_119 : memref<640x64xf32, #tpu.memory_space<hbm>>) target_semaphore(%run_scoped3A_117 : memref<!tpu.dma_semaphore, #tpu.memory_space<semaphore_mem>>)
        %dma_wait3A = arith.constant 0 : i32
        %dma_wait3A_122 = tpu.memref_slice %arg6[%run_scoped3A, %run_scoped3A_116, %mul3A_115, %dma_wait3A] : memref<3x2x10240x64xf32, #tpu.memory_space<hbm>> -> memref<1x1x640x64xf32, #tpu.memory_space<hbm>>
        %dma_wait3A_123 = tpu.memref_squeeze %dma_wait3A_122 : memref<1x1x640x64xf32, #tpu.memory_space<hbm>> -> memref<640x64xf32, #tpu.memory_space<hbm>>
        %dma_wait3A_124 = arith.constant 0 : i32
        %dma_wait3A_125 = tpu.memref_slice %arg12[%mul3A_113, %dma_wait3A_124] : memref<10240x64xf32, #tpu.memory_space<vmem_shared>> -> memref<640x64xf32, #tpu.memory_space<vmem_shared>>
        tpu.wait_dma2 semaphore(%run_scoped3A_117 : memref<!tpu.dma_semaphore, #tpu.memory_space<semaphore_mem>>) src(%dma_wait3A_125 : memref<640x64xf32, #tpu.memory_space<vmem_shared>>) dst(%dma_wait3A_123 : memref<640x64xf32, #tpu.memory_space<hbm>>)
        tpu.yield
      }) : () -> ()
    } else {
    }
    %barrier3A_111 = arith.constant 0 : index
    tpu.barrier barrier_id(%barrier3A_111)
    return
  }
}

module attributes {stable_mosaic.version = 14 : i64} {
  func.func @_a_body(%arg0: i32, %arg1: memref<1280x128xf32, #tpu.memory_space<vmem>>, %arg2: memref<1280x128xf32, #tpu.memory_space<vmem>>, %arg3: memref<1280x128xf32, #tpu.memory_space<vmem>>, %arg4: memref<128x128xf32, #tpu.memory_space<vmem>>, %arg5: memref<128x128xf32, #tpu.memory_space<vmem>>, %arg6: memref<128x128xf32, #tpu.memory_space<vmem>>, %arg7: memref<3x2x1280xi32, #tpu.memory_space<vmem>>, %arg8: memref<3x1280x64xf32, #tpu.memory_space<vmem>>, %arg9: memref<3x1280x64xf32, #tpu.memory_space<vmem>>, %arg10: memref<3x1280xf32, #tpu.memory_space<vmem>>) attributes {dimension_semantics = [#tpu.dimension_semantics<arbitrary>], iteration_bounds = array<i64: 8>, scalar_prefetch = 0 : i64, scratch_operands = 0 : i64, tpu.core_type = #tpu.core_type<tc>, window_params = [{transform_indices = @transform_0, window_bounds = array<i64: 1280, 128>}, {transform_indices = @transform_1, window_bounds = array<i64: 1280, 128>}, {transform_indices = @transform_2, window_bounds = array<i64: 1280, 128>}, {pipeline_mode = #tpu.pipeline_mode<synchronous>, transform_indices = @transform_3, window_bounds = array<i64: 128, 128>}, {pipeline_mode = #tpu.pipeline_mode<synchronous>, transform_indices = @transform_4, window_bounds = array<i64: 128, 128>}, {pipeline_mode = #tpu.pipeline_mode<synchronous>, transform_indices = @transform_5, window_bounds = array<i64: 128, 128>}, {transform_indices = @transform_6, window_bounds = array<i64: 3, 2, 1280>}, {transform_indices = @transform_7, window_bounds = array<i64: 3, 1280, 64>}, {transform_indices = @transform_8, window_bounds = array<i64: 3, 1280, 64>}, {transform_indices = @transform_9, window_bounds = array<i64: 3, 1280>}]} {
    %get3A = arith.constant 0 : index
    %get3A_0 = arith.constant 0 : index
    %get3A_1 = arith.constant 0 : index
    %get3A_2 = vector.load %arg7[%get3A, %get3A_0, %get3A_1] : memref<3x2x1280xi32, #tpu.memory_space<vmem>>, vector<3x1x1280xi32>
    %get3A_3 = vector.shape_cast %get3A_2 : vector<3x1x1280xi32> to vector<3x1280xi32>
    %get3A_4 = arith.constant 0 : index
    %get3A_5 = arith.constant 1 : index
    %get3A_6 = arith.constant 0 : index
    %get3A_7 = vector.load %arg7[%get3A_4, %get3A_5, %get3A_6] : memref<3x2x1280xi32, #tpu.memory_space<vmem>>, vector<3x1x1280xi32>
    %get3A_8 = vector.shape_cast %get3A_7 : vector<3x1x1280xi32> to vector<3x1280xi32>
    %add3A = arith.addi %get3A_3, %get3A_8 : vector<3x1280xi32>
    %add3A_9 = arith.constant 1 : i32
    %add3A_10 = vector.broadcast %add3A_9 : i32 to vector<3x1280xi32>
    %add3A_11 = arith.addi %add3A, %add3A_10 : vector<3x1280xi32>
    %convert_element_type3A = arith.sitofp %add3A_11 : vector<3x1280xi32> to vector<3x1280xf32>
    %rsqrt3A = math.rsqrt %convert_element_type3A : vector<3x1280xf32>
    %swap3A = arith.constant 0 : index
    %swap3A_12 = arith.constant 0 : index
    %swap3A_13 = vector.load %arg10[%swap3A, %swap3A_12] : memref<3x1280xf32, #tpu.memory_space<vmem>>, vector<3x1280xf32>
    tpu.vector_store %arg10[%swap3A, %swap3A_12], %rsqrt3A {strides = array<i32>} : memref<3x1280xf32, #tpu.memory_space<vmem>>, vector<3x1280xf32>,
    %get3A_14 = arith.constant 0 : index
    %get3A_15 = arith.constant 0 : index
    %get3A_16 = vector.load %arg1[%get3A_14, %get3A_15] : memref<1280x128xf32, #tpu.memory_space<vmem>>, vector<1280x128xf32>
    %get3A_17 = arith.constant 0 : index
    %get3A_18 = arith.constant 0 : index
    %get3A_19 = vector.load %arg4[%get3A_17, %get3A_18] : memref<128x128xf32, #tpu.memory_space<vmem>>, vector<128x128xf32>
    %dot_general3A = arith.constant dense<0.000000e+00> : vector<1280x128xf32>
    %dot_general3A_20 = tpu.matmul %get3A_16, %get3A_19, %dot_general3A {dimension_numbers = #tpu.dot_dimension_numbers<[1], [0], [0], [1], [0, 0, 1, 1], [], []>, transpose_lhs_hint = false} : vector<1280x128xf32>, vector<128x128xf32>, vector<1280x128xf32> -> vector<1280x128xf32>
    %slice3A = vector.extract_strided_slice %rsqrt3A {offsets = [0, 0], sizes = [1, 1280], strides = [1, 1]} : vector<3x1280xf32> to vector<1x1280xf32>
    %squeeze3A = vector.shape_cast %slice3A : vector<1x1280xf32> to vector<1280xf32>
    %broadcast_in_dim3A = vector.shape_cast %squeeze3A : vector<1280xf32> to vector<1280x1xf32>
    %mul3A = vector.broadcast %broadcast_in_dim3A : vector<1280x1xf32> to vector<1280x128xf32>
    %mul3A_21 = arith.mulf %dot_general3A_20, %mul3A : vector<1280x128xf32>
    %slice3A_22 = vector.extract_strided_slice %mul3A_21 {offsets = [0, 0], sizes = [1280, 64], strides = [1, 1]} : vector<1280x128xf32> to vector<1280x64xf32>
    %swap3A_23 = arith.constant 0 : index
    %swap3A_24 = arith.constant 0 : index
    %swap3A_25 = arith.constant 0 : index
    %swap3A_26 = vector.load %arg8[%swap3A_23, %swap3A_24, %swap3A_25] : memref<3x1280x64xf32, #tpu.memory_space<vmem>>, vector<1x1280x64xf32>
    %swap3A_27 = vector.shape_cast %swap3A_26 : vector<1x1280x64xf32> to vector<1280x64xf32>
    %swap3A_28 = vector.shape_cast %slice3A_22 : vector<1280x64xf32> to vector<1x1280x64xf32>
    tpu.vector_store %arg8[%swap3A_23, %swap3A_24, %swap3A_25], %swap3A_28 {strides = array<i32>} : memref<3x1280x64xf32, #tpu.memory_space<vmem>>, vector<1x1280x64xf32>,
    %slice3A_29 = vector.extract_strided_slice %mul3A_21 {offsets = [0, 64], sizes = [1280, 64], strides = [1, 1]} : vector<1280x128xf32> to vector<1280x64xf32>
    %swap3A_30 = arith.constant 0 : index
    %swap3A_31 = arith.constant 0 : index
    %swap3A_32 = arith.constant 0 : index
    %swap3A_33 = vector.load %arg9[%swap3A_30, %swap3A_31, %swap3A_32] : memref<3x1280x64xf32, #tpu.memory_space<vmem>>, vector<1x1280x64xf32>
    %swap3A_34 = vector.shape_cast %swap3A_33 : vector<1x1280x64xf32> to vector<1280x64xf32>
    %swap3A_35 = vector.shape_cast %slice3A_29 : vector<1280x64xf32> to vector<1x1280x64xf32>
    tpu.vector_store %arg9[%swap3A_30, %swap3A_31, %swap3A_32], %swap3A_35 {strides = array<i32>} : memref<3x1280x64xf32, #tpu.memory_space<vmem>>, vector<1x1280x64xf32>,
    %get3A_36 = arith.constant 0 : index
    %get3A_37 = arith.constant 0 : index
    %get3A_38 = vector.load %arg2[%get3A_36, %get3A_37] : memref<1280x128xf32, #tpu.memory_space<vmem>>, vector<1280x128xf32>
    %get3A_39 = arith.constant 0 : index
    %get3A_40 = arith.constant 0 : index
    %get3A_41 = vector.load %arg5[%get3A_39, %get3A_40] : memref<128x128xf32, #tpu.memory_space<vmem>>, vector<128x128xf32>
    %dot_general3A_42 = arith.constant dense<0.000000e+00> : vector<1280x128xf32>
    %dot_general3A_43 = tpu.matmul %get3A_38, %get3A_41, %dot_general3A_42 {dimension_numbers = #tpu.dot_dimension_numbers<[1], [0], [0], [1], [0, 0, 1, 1], [], []>, transpose_lhs_hint = false} : vector<1280x128xf32>, vector<128x128xf32>, vector<1280x128xf32> -> vector<1280x128xf32>
    %slice3A_44 = vector.extract_strided_slice %rsqrt3A {offsets = [1, 0], sizes = [1, 1280], strides = [1, 1]} : vector<3x1280xf32> to vector<1x1280xf32>
    %squeeze3A_45 = vector.shape_cast %slice3A_44 : vector<1x1280xf32> to vector<1280xf32>
    %broadcast_in_dim3A_46 = vector.shape_cast %squeeze3A_45 : vector<1280xf32> to vector<1280x1xf32>
    %mul3A_47 = vector.broadcast %broadcast_in_dim3A_46 : vector<1280x1xf32> to vector<1280x128xf32>
    %mul3A_48 = arith.mulf %dot_general3A_43, %mul3A_47 : vector<1280x128xf32>
    %slice3A_49 = vector.extract_strided_slice %mul3A_48 {offsets = [0, 0], sizes = [1280, 64], strides = [1, 1]} : vector<1280x128xf32> to vector<1280x64xf32>
    %swap3A_50 = arith.constant 1 : index
    %swap3A_51 = arith.constant 0 : index
    %swap3A_52 = arith.constant 0 : index
    %swap3A_53 = vector.load %arg8[%swap3A_50, %swap3A_51, %swap3A_52] : memref<3x1280x64xf32, #tpu.memory_space<vmem>>, vector<1x1280x64xf32>
    %swap3A_54 = vector.shape_cast %swap3A_53 : vector<1x1280x64xf32> to vector<1280x64xf32>
    %swap3A_55 = vector.shape_cast %slice3A_49 : vector<1280x64xf32> to vector<1x1280x64xf32>
    tpu.vector_store %arg8[%swap3A_50, %swap3A_51, %swap3A_52], %swap3A_55 {strides = array<i32>} : memref<3x1280x64xf32, #tpu.memory_space<vmem>>, vector<1x1280x64xf32>,
    %slice3A_56 = vector.extract_strided_slice %mul3A_48 {offsets = [0, 64], sizes = [1280, 64], strides = [1, 1]} : vector<1280x128xf32> to vector<1280x64xf32>
    %swap3A_57 = arith.constant 1 : index
    %swap3A_58 = arith.constant 0 : index
    %swap3A_59 = arith.constant 0 : index
    %swap3A_60 = vector.load %arg9[%swap3A_57, %swap3A_58, %swap3A_59] : memref<3x1280x64xf32, #tpu.memory_space<vmem>>, vector<1x1280x64xf32>
    %swap3A_61 = vector.shape_cast %swap3A_60 : vector<1x1280x64xf32> to vector<1280x64xf32>
    %swap3A_62 = vector.shape_cast %slice3A_56 : vector<1280x64xf32> to vector<1x1280x64xf32>
    tpu.vector_store %arg9[%swap3A_57, %swap3A_58, %swap3A_59], %swap3A_62 {strides = array<i32>} : memref<3x1280x64xf32, #tpu.memory_space<vmem>>, vector<1x1280x64xf32>,
    %get3A_63 = arith.constant 0 : index
    %get3A_64 = arith.constant 0 : index
    %get3A_65 = vector.load %arg3[%get3A_63, %get3A_64] : memref<1280x128xf32, #tpu.memory_space<vmem>>, vector<1280x128xf32>
    %get3A_66 = arith.constant 0 : index
    %get3A_67 = arith.constant 0 : index
    %get3A_68 = vector.load %arg6[%get3A_66, %get3A_67] : memref<128x128xf32, #tpu.memory_space<vmem>>, vector<128x128xf32>
    %dot_general3A_69 = arith.constant dense<0.000000e+00> : vector<1280x128xf32>
    %dot_general3A_70 = tpu.matmul %get3A_65, %get3A_68, %dot_general3A_69 {dimension_numbers = #tpu.dot_dimension_numbers<[1], [0], [0], [1], [0, 0, 1, 1], [], []>, transpose_lhs_hint = false} : vector<1280x128xf32>, vector<128x128xf32>, vector<1280x128xf32> -> vector<1280x128xf32>
    %slice3A_71 = vector.extract_strided_slice %rsqrt3A {offsets = [2, 0], sizes = [1, 1280], strides = [1, 1]} : vector<3x1280xf32> to vector<1x1280xf32>
    %squeeze3A_72 = vector.shape_cast %slice3A_71 : vector<1x1280xf32> to vector<1280xf32>
    %broadcast_in_dim3A_73 = vector.shape_cast %squeeze3A_72 : vector<1280xf32> to vector<1280x1xf32>
    %mul3A_74 = vector.broadcast %broadcast_in_dim3A_73 : vector<1280x1xf32> to vector<1280x128xf32>
    %mul3A_75 = arith.mulf %dot_general3A_70, %mul3A_74 : vector<1280x128xf32>
    %slice3A_76 = vector.extract_strided_slice %mul3A_75 {offsets = [0, 0], sizes = [1280, 64], strides = [1, 1]} : vector<1280x128xf32> to vector<1280x64xf32>
    %swap3A_77 = arith.constant 2 : index
    %swap3A_78 = arith.constant 0 : index
    %swap3A_79 = arith.constant 0 : index
    %swap3A_80 = vector.load %arg8[%swap3A_77, %swap3A_78, %swap3A_79] : memref<3x1280x64xf32, #tpu.memory_space<vmem>>, vector<1x1280x64xf32>
    %swap3A_81 = vector.shape_cast %swap3A_80 : vector<1x1280x64xf32> to vector<1280x64xf32>
    %swap3A_82 = vector.shape_cast %slice3A_76 : vector<1280x64xf32> to vector<1x1280x64xf32>
    tpu.vector_store %arg8[%swap3A_77, %swap3A_78, %swap3A_79], %swap3A_82 {strides = array<i32>} : memref<3x1280x64xf32, #tpu.memory_space<vmem>>, vector<1x1280x64xf32>,
    %slice3A_83 = vector.extract_strided_slice %mul3A_75 {offsets = [0, 64], sizes = [1280, 64], strides = [1, 1]} : vector<1280x128xf32> to vector<1280x64xf32>
    %swap3A_84 = arith.constant 2 : index
    %swap3A_85 = arith.constant 0 : index
    %swap3A_86 = arith.constant 0 : index
    %swap3A_87 = vector.load %arg9[%swap3A_84, %swap3A_85, %swap3A_86] : memref<3x1280x64xf32, #tpu.memory_space<vmem>>, vector<1x1280x64xf32>
    %swap3A_88 = vector.shape_cast %swap3A_87 : vector<1x1280x64xf32> to vector<1280x64xf32>
    %swap3A_89 = vector.shape_cast %slice3A_83 : vector<1280x64xf32> to vector<1x1280x64xf32>
    tpu.vector_store %arg9[%swap3A_84, %swap3A_85, %swap3A_86], %swap3A_89 {strides = array<i32>} : memref<3x1280x64xf32, #tpu.memory_space<vmem>>, vector<1x1280x64xf32>,
    return
  }
  func.func @transform_0(%arg0: i32) -> (i32, i32) {
    %c0_i32 = arith.constant 0 : i32
    %c0_i32_0 = arith.constant 0 : i32
    return %arg0, %c0_i32 : i32, i32
  }
  func.func @transform_1(%arg0: i32) -> (i32, i32) {
    %c0_i32 = arith.constant 0 : i32
    %c0_i32_0 = arith.constant 0 : i32
    return %arg0, %c0_i32 : i32, i32
  }
  func.func @transform_2(%arg0: i32) -> (i32, i32) {
    %c0_i32 = arith.constant 0 : i32
    %c0_i32_0 = arith.constant 0 : i32
    return %arg0, %c0_i32 : i32, i32
  }
  func.func @transform_3(%arg0: i32) -> (i32, i32) {
    %c0_i32 = arith.constant 0 : i32
    %c0_i32_0 = arith.constant 0 : i32
    %c0_i32_1 = arith.constant 0 : i32
    return %c0_i32, %c0_i32_0 : i32, i32
  }
  func.func @transform_4(%arg0: i32) -> (i32, i32) {
    %c0_i32 = arith.constant 0 : i32
    %c0_i32_0 = arith.constant 0 : i32
    %c0_i32_1 = arith.constant 0 : i32
    return %c0_i32, %c0_i32_0 : i32, i32
  }
  func.func @transform_5(%arg0: i32) -> (i32, i32) {
    %c0_i32 = arith.constant 0 : i32
    %c0_i32_0 = arith.constant 0 : i32
    %c0_i32_1 = arith.constant 0 : i32
    return %c0_i32, %c0_i32_0 : i32, i32
  }
  func.func @transform_6(%arg0: i32) -> (i32, i32, i32) {
    %c0_i32 = arith.constant 0 : i32
    %c0_i32_0 = arith.constant 0 : i32
    %c0_i32_1 = arith.constant 0 : i32
    return %c0_i32, %c0_i32_0, %arg0 : i32, i32, i32
  }
  func.func @transform_7(%arg0: i32) -> (i32, i32, i32) {
    %c0_i32 = arith.constant 0 : i32
    %c0_i32_0 = arith.constant 0 : i32
    %c0_i32_1 = arith.constant 0 : i32
    return %c0_i32, %arg0, %c0_i32_0 : i32, i32, i32
  }
  func.func @transform_8(%arg0: i32) -> (i32, i32, i32) {
    %c0_i32 = arith.constant 0 : i32
    %c0_i32_0 = arith.constant 0 : i32
    %c0_i32_1 = arith.constant 0 : i32
    return %c0_i32, %arg0, %c0_i32_0 : i32, i32, i32
  }
  func.func @transform_9(%arg0: i32) -> (i32, i32) {
    %c0_i32 = arith.constant 0 : i32
    %c0_i32_0 = arith.constant 0 : i32
    return %c0_i32, %arg0 : i32, i32
  }
}

module attributes {stable_mosaic.version = 14 : i64} {
  func.func @_c_body(%arg0: i32, %arg1: memref<3x2x640x64xf32, #tpu.memory_space<vmem>>, %arg2: memref<3x640x64xf32, #tpu.memory_space<vmem>>, %arg3: memref<3x640x64xf32, #tpu.memory_space<vmem>>, %arg4: memref<3x640xf32, #tpu.memory_space<vmem>>, %arg5: memref<1x128xf32, #tpu.memory_space<vmem>>, %arg6: memref<1x128xf32, #tpu.memory_space<vmem>>, %arg7: memref<1x128xf32, #tpu.memory_space<vmem>>, %arg8: memref<384x128xf32, #tpu.memory_space<vmem>>, %arg9: memref<1x128xf32, #tpu.memory_space<vmem>>, %arg10: memref<128x128xf32, #tpu.memory_space<vmem>>, %arg11: memref<1x128xf32, #tpu.memory_space<vmem>>, %arg12: memref<128x3xf32, #tpu.memory_space<vmem>>, %arg13: memref<1x3xf32, #tpu.memory_space<vmem>>, %arg14: memref<128x128xf32, #tpu.memory_space<vmem>>, %arg15: memref<1x128xf32, #tpu.memory_space<vmem>>, %arg16: memref<128x128xf32, #tpu.memory_space<vmem>>, %arg17: memref<1x128xf32, #tpu.memory_space<vmem>>, %arg18: memref<1x128xf32, #tpu.memory_space<vmem>>, %arg19: memref<1x128xf32, #tpu.memory_space<vmem>>, %arg20: memref<3x64xf32, #tpu.memory_space<vmem>>, %arg21: memref<3x64xf32, #tpu.memory_space<vmem>>) attributes {dimension_semantics = [#tpu.dimension_semantics<arbitrary>], iteration_bounds = array<i64: 16>, scalar_prefetch = 0 : i64, scratch_operands = 2 : i64, tpu.core_type = #tpu.core_type<tc>, window_params = [{transform_indices = @transform_0, window_bounds = array<i64: 3, 2, 640, 64>}, {transform_indices = @transform_1, window_bounds = array<i64: 3, 640, 64>}, {transform_indices = @transform_2, window_bounds = array<i64: 3, 640, 64>}, {transform_indices = @transform_3, window_bounds = array<i64: 3, 640>}, {pipeline_mode = #tpu.pipeline_mode<synchronous>, transform_indices = @transform_4, window_bounds = array<i64: 1, 128>}, {pipeline_mode = #tpu.pipeline_mode<synchronous>, transform_indices = @transform_5, window_bounds = array<i64: 1, 128>}, {pipeline_mode = #tpu.pipeline_mode<synchronous>, transform_indices = @transform_6, window_bounds = array<i64: 1, 128>}, {pipeline_mode = #tpu.pipeline_mode<synchronous>, transform_indices = @transform_7, window_bounds = array<i64: 384, 128>}, {pipeline_mode = #tpu.pipeline_mode<synchronous>, transform_indices = @transform_8, window_bounds = array<i64: 1, 128>}, {pipeline_mode = #tpu.pipeline_mode<synchronous>, transform_indices = @transform_9, window_bounds = array<i64: 128, 128>}, {pipeline_mode = #tpu.pipeline_mode<synchronous>, transform_indices = @transform_10, window_bounds = array<i64: 1, 128>}, {pipeline_mode = #tpu.pipeline_mode<synchronous>, transform_indices = @transform_11, window_bounds = array<i64: 128, 3>}, {pipeline_mode = #tpu.pipeline_mode<synchronous>, transform_indices = @transform_12, window_bounds = array<i64: 1, 3>}, {pipeline_mode = #tpu.pipeline_mode<synchronous>, transform_indices = @transform_13, window_bounds = array<i64: 128, 128>}, {pipeline_mode = #tpu.pipeline_mode<synchronous>, transform_indices = @transform_14, window_bounds = array<i64: 1, 128>}, {pipeline_mode = #tpu.pipeline_mode<synchronous>, transform_indices = @transform_15, window_bounds = array<i64: 128, 128>}, {pipeline_mode = #tpu.pipeline_mode<synchronous>, transform_indices = @transform_16, window_bounds = array<i64: 1, 128>}, {pipeline_mode = #tpu.pipeline_mode<synchronous>, transform_indices = @transform_17, window_bounds = array<i64: 1, 128>}, {pipeline_mode = #tpu.pipeline_mode<synchronous>, transform_indices = @transform_18, window_bounds = array<i64: 1, 128>}]} {
    %eq3A = arith.constant 0 : i32
    %eq3A_0 = arith.cmpi eq, %arg0, %eq3A : i32
    %convert_element_type3A = arith.extui %eq3A_0 : i1 to i32
    %cond3A = arith.constant 0 : i32
    %cond3A_1 = arith.cmpi ne, %convert_element_type3A, %cond3A : i32
    scf.if %cond3A_1 {
      %broadcast_in_dim3A_241 = arith.constant 0.000000e+00 : f32
      %broadcast_in_dim3A_242 = vector.broadcast %broadcast_in_dim3A_241 : f32 to vector<3x64xf32>
      %swap3A_243 = arith.constant 0 : index
      %swap3A_244 = arith.constant 0 : index
      %swap3A_245 = vector.load %arg20[%swap3A_243, %swap3A_244] : memref<3x64xf32, #tpu.memory_space<vmem>>, vector<3x64xf32>
      tpu.vector_store %arg20[%swap3A_243, %swap3A_244], %broadcast_in_dim3A_242 {strides = array<i32>} : memref<3x64xf32, #tpu.memory_space<vmem>>, vector<3x64xf32>,
      %broadcast_in_dim3A_246 = arith.constant 0.000000e+00 : f32
      %broadcast_in_dim3A_247 = vector.broadcast %broadcast_in_dim3A_246 : f32 to vector<3x64xf32>
      %swap3A_248 = arith.constant 0 : index
      %swap3A_249 = arith.constant 0 : index
      %swap3A_250 = vector.load %arg21[%swap3A_248, %swap3A_249] : memref<3x64xf32, #tpu.memory_space<vmem>>, vector<3x64xf32>
      tpu.vector_store %arg21[%swap3A_248, %swap3A_249], %broadcast_in_dim3A_247 {strides = array<i32>} : memref<3x64xf32, #tpu.memory_space<vmem>>, vector<3x64xf32>,
    } else {
    }
    %iota3A = tpu.iota {dimensions = array<i32: 0>} : vector<640x1xi32>
    %mul3A = arith.constant 640 : i32
    %mul3A_2 = arith.muli %arg0, %mul3A : i32
    %add3A = vector.broadcast %mul3A_2 : i32 to vector<640x1xi32>
    %add3A_3 = arith.addi %iota3A, %add3A : vector<640x1xi32>
    %lt3A = arith.constant 10000 : i32
    %lt3A_4 = vector.broadcast %lt3A : i32 to vector<640x1xi32>
    %lt3A_5 = arith.cmpi slt, %add3A_3, %lt3A_4 : vector<640x1xi32>
    %get3A = arith.constant 0 : index
    %get3A_6 = arith.constant 0 : index
    %get3A_7 = vector.load %arg4[%get3A, %get3A_6] : memref<3x640xf32, #tpu.memory_space<vmem>>, vector<1x640xf32>
    %get3A_8 = vector.shape_cast %get3A_7 : vector<1x640xf32> to vector<640xf32>
    %broadcast_in_dim3A = vector.shape_cast %get3A_8 : vector<640xf32> to vector<640x1xf32>
    %get3A_9 = arith.constant 0 : index
    %get3A_10 = arith.constant 0 : index
    %get3A_11 = arith.constant 0 : index
    %get3A_12 = arith.constant 0 : index
    %get3A_13 = vector.load %arg1[%get3A_9, %get3A_10, %get3A_11, %get3A_12] : memref<3x2x640x64xf32, #tpu.memory_space<vmem>>, vector<1x1x640x64xf32>
    %get3A_14 = vector.shape_cast %get3A_13 : vector<1x1x640x64xf32> to vector<640x64xf32>
    %get3A_15 = arith.constant 0 : index
    %get3A_16 = arith.constant 0 : index
    %get3A_17 = arith.constant 0 : index
    %get3A_18 = vector.load %arg2[%get3A_15, %get3A_16, %get3A_17] : memref<3x640x64xf32, #tpu.memory_space<vmem>>, vector<1x640x64xf32>
    %get3A_19 = vector.shape_cast %get3A_18 : vector<1x640x64xf32> to vector<640x64xf32>
    %add3A_20 = arith.addf %get3A_14, %get3A_19 : vector<640x64xf32>
    %mul3A_21 = vector.broadcast %broadcast_in_dim3A : vector<640x1xf32> to vector<640x64xf32>
    %mul3A_22 = arith.mulf %add3A_20, %mul3A_21 : vector<640x64xf32>
    %get3A_23 = arith.constant 0 : index
    %get3A_24 = arith.constant 0 : index
    %get3A_25 = vector.load %arg5[%get3A_23, %get3A_24] : memref<1x128xf32, #tpu.memory_space<vmem>>, vector<1x64xf32>
    %add3A_26 = vector.broadcast %get3A_25 : vector<1x64xf32> to vector<640x64xf32>
    %add3A_27 = arith.addf %mul3A_22, %add3A_26 : vector<640x64xf32>
    %get3A_28 = arith.constant 0 : index
    %get3A_29 = arith.constant 1 : index
    %get3A_30 = arith.constant 0 : index
    %get3A_31 = arith.constant 0 : index
    %get3A_32 = vector.load %arg1[%get3A_28, %get3A_29, %get3A_30, %get3A_31] : memref<3x2x640x64xf32, #tpu.memory_space<vmem>>, vector<1x1x640x64xf32>
    %get3A_33 = vector.shape_cast %get3A_32 : vector<1x1x640x64xf32> to vector<640x64xf32>
    %get3A_34 = arith.constant 0 : index
    %get3A_35 = arith.constant 0 : index
    %get3A_36 = arith.constant 0 : index
    %get3A_37 = vector.load %arg3[%get3A_34, %get3A_35, %get3A_36] : memref<3x640x64xf32, #tpu.memory_space<vmem>>, vector<1x640x64xf32>
    %get3A_38 = vector.shape_cast %get3A_37 : vector<1x640x64xf32> to vector<640x64xf32>
    %add3A_39 = arith.addf %get3A_33, %get3A_38 : vector<640x64xf32>
    %mul3A_40 = vector.broadcast %broadcast_in_dim3A : vector<640x1xf32> to vector<640x64xf32>
    %mul3A_41 = arith.mulf %add3A_39, %mul3A_40 : vector<640x64xf32>
    %get3A_42 = arith.constant 0 : index
    %get3A_43 = arith.constant 64 : index
    %get3A_44 = vector.load %arg5[%get3A_42, %get3A_43] : memref<1x128xf32, #tpu.memory_space<vmem>>, vector<1x64xf32>
    %add3A_45 = vector.broadcast %get3A_44 : vector<1x64xf32> to vector<640x64xf32>
    %add3A_46 = arith.addf %mul3A_41, %add3A_45 : vector<640x64xf32>
    %max3A = arith.constant 0.000000e+00 : f32
    %max3A_47 = vector.broadcast %max3A : f32 to vector<640x64xf32>
    %max3A_48 = arith.maximumf %add3A_27, %max3A_47 : vector<640x64xf32>
    %jit3A = arith.constant 0.000000e+00 : f32
    %broadcast_in_dim3A_49 = vector.shape_cast %lt3A_5 : vector<640x1xi1> to vector<640x1xi1>
    %broadcast_in_dim3A_50 = vector.broadcast %broadcast_in_dim3A_49 : vector<640x1xi1> to vector<640x64xi1>
    %broadcast_in_dim3A_51 = vector.broadcast %jit3A : f32 to vector<640x64xf32>
    %select_n3A = arith.select %broadcast_in_dim3A_50, %max3A_48, %broadcast_in_dim3A_51 : vector<640x64xi1>, vector<640x64xf32>
    %max3A_52 = arith.constant 0.000000e+00 : f32
    %max3A_53 = vector.broadcast %max3A_52 : f32 to vector<640x64xf32>
    %max3A_54 = arith.maximumf %add3A_46, %max3A_53 : vector<640x64xf32>
    %jit3A_55 = arith.constant 0.000000e+00 : f32
    %broadcast_in_dim3A_56 = vector.shape_cast %lt3A_5 : vector<640x1xi1> to vector<640x1xi1>
    %broadcast_in_dim3A_57 = vector.broadcast %broadcast_in_dim3A_56 : vector<640x1xi1> to vector<640x64xi1>
    %broadcast_in_dim3A_58 = vector.broadcast %jit3A_55 : f32 to vector<640x64xf32>
    %select_n3A_59 = arith.select %broadcast_in_dim3A_57, %max3A_54, %broadcast_in_dim3A_58 : vector<640x64xi1>, vector<640x64xf32>
    %get3A_60 = arith.constant 0 : index
    %get3A_61 = arith.constant 0 : index
    %get3A_62 = vector.load %arg20[%get3A_60, %get3A_61] : memref<3x64xf32, #tpu.memory_space<vmem>>, vector<1x64xf32>
    %reduce_sum3A = arith.constant dense<0.000000e+00> : vector<64xf32>
    %reduce_sum3A_63 = vector.multi_reduction <add>, %select_n3A, %reduce_sum3A [0] : vector<640x64xf32> to vector<64xf32>
    %broadcast_in_dim3A_64 = vector.shape_cast %reduce_sum3A_63 : vector<64xf32> to vector<1x64xf32>
    %add3A_65 = arith.addf %get3A_62, %broadcast_in_dim3A_64 : vector<1x64xf32>
    %swap3A = arith.constant 0 : index
    %swap3A_66 = arith.constant 0 : index
    %swap3A_67 = vector.load %arg20[%swap3A, %swap3A_66] : memref<3x64xf32, #tpu.memory_space<vmem>>, vector<1x64xf32>
    tpu.vector_store %arg20[%swap3A, %swap3A_66], %add3A_65 {strides = array<i32>} : memref<3x64xf32, #tpu.memory_space<vmem>>, vector<1x64xf32>,
    %get3A_68 = arith.constant 0 : index
    %get3A_69 = arith.constant 0 : index
    %get3A_70 = vector.load %arg21[%get3A_68, %get3A_69] : memref<3x64xf32, #tpu.memory_space<vmem>>, vector<1x64xf32>
    %reduce_sum3A_71 = arith.constant dense<0.000000e+00> : vector<64xf32>
    %reduce_sum3A_72 = vector.multi_reduction <add>, %select_n3A_59, %reduce_sum3A_71 [0] : vector<640x64xf32> to vector<64xf32>
    %broadcast_in_dim3A_73 = vector.shape_cast %reduce_sum3A_72 : vector<64xf32> to vector<1x64xf32>
    %add3A_74 = arith.addf %get3A_70, %broadcast_in_dim3A_73 : vector<1x64xf32>
    %swap3A_75 = arith.constant 0 : index
    %swap3A_76 = arith.constant 0 : index
    %swap3A_77 = vector.load %arg21[%swap3A_75, %swap3A_76] : memref<3x64xf32, #tpu.memory_space<vmem>>, vector<1x64xf32>
    tpu.vector_store %arg21[%swap3A_75, %swap3A_76], %add3A_74 {strides = array<i32>} : memref<3x64xf32, #tpu.memory_space<vmem>>, vector<1x64xf32>,
    %get3A_78 = arith.constant 1 : index
    %get3A_79 = arith.constant 0 : index
    %get3A_80 = vector.load %arg4[%get3A_78, %get3A_79] : memref<3x640xf32, #tpu.memory_space<vmem>>, vector<1x640xf32>
    %get3A_81 = vector.shape_cast %get3A_80 : vector<1x640xf32> to vector<640xf32>
    %broadcast_in_dim3A_82 = vector.shape_cast %get3A_81 : vector<640xf32> to vector<640x1xf32>
    %get3A_83 = arith.constant 1 : index
    %get3A_84 = arith.constant 0 : index
    %get3A_85 = arith.constant 0 : index
    %get3A_86 = arith.constant 0 : index
    %get3A_87 = vector.load %arg1[%get3A_83, %get3A_84, %get3A_85, %get3A_86] : memref<3x2x640x64xf32, #tpu.memory_space<vmem>>, vector<1x1x640x64xf32>
    %get3A_88 = vector.shape_cast %get3A_87 : vector<1x1x640x64xf32> to vector<640x64xf32>
    %get3A_89 = arith.constant 1 : index
    %get3A_90 = arith.constant 0 : index
    %get3A_91 = arith.constant 0 : index
    %get3A_92 = vector.load %arg2[%get3A_89, %get3A_90, %get3A_91] : memref<3x640x64xf32, #tpu.memory_space<vmem>>, vector<1x640x64xf32>
    %get3A_93 = vector.shape_cast %get3A_92 : vector<1x640x64xf32> to vector<640x64xf32>
    %add3A_94 = arith.addf %get3A_88, %get3A_93 : vector<640x64xf32>
    %mul3A_95 = vector.broadcast %broadcast_in_dim3A_82 : vector<640x1xf32> to vector<640x64xf32>
    %mul3A_96 = arith.mulf %add3A_94, %mul3A_95 : vector<640x64xf32>
    %get3A_97 = arith.constant 0 : index
    %get3A_98 = arith.constant 0 : index
    %get3A_99 = vector.load %arg6[%get3A_97, %get3A_98] : memref<1x128xf32, #tpu.memory_space<vmem>>, vector<1x64xf32>
    %add3A_100 = vector.broadcast %get3A_99 : vector<1x64xf32> to vector<640x64xf32>
    %add3A_101 = arith.addf %mul3A_96, %add3A_100 : vector<640x64xf32>
    %get3A_102 = arith.constant 1 : index
    %get3A_103 = arith.constant 1 : index
    %get3A_104 = arith.constant 0 : index
    %get3A_105 = arith.constant 0 : index
    %get3A_106 = vector.load %arg1[%get3A_102, %get3A_103, %get3A_104, %get3A_105] : memref<3x2x640x64xf32, #tpu.memory_space<vmem>>, vector<1x1x640x64xf32>
    %get3A_107 = vector.shape_cast %get3A_106 : vector<1x1x640x64xf32> to vector<640x64xf32>
    %get3A_108 = arith.constant 1 : index
    %get3A_109 = arith.constant 0 : index
    %get3A_110 = arith.constant 0 : index
    %get3A_111 = vector.load %arg3[%get3A_108, %get3A_109, %get3A_110] : memref<3x640x64xf32, #tpu.memory_space<vmem>>, vector<1x640x64xf32>
    %get3A_112 = vector.shape_cast %get3A_111 : vector<1x640x64xf32> to vector<640x64xf32>
    %add3A_113 = arith.addf %get3A_107, %get3A_112 : vector<640x64xf32>
    %mul3A_114 = vector.broadcast %broadcast_in_dim3A_82 : vector<640x1xf32> to vector<640x64xf32>
    %mul3A_115 = arith.mulf %add3A_113, %mul3A_114 : vector<640x64xf32>
    %get3A_116 = arith.constant 0 : index
    %get3A_117 = arith.constant 64 : index
    %get3A_118 = vector.load %arg6[%get3A_116, %get3A_117] : memref<1x128xf32, #tpu.memory_space<vmem>>, vector<1x64xf32>
    %add3A_119 = vector.broadcast %get3A_118 : vector<1x64xf32> to vector<640x64xf32>
    %add3A_120 = arith.addf %mul3A_115, %add3A_119 : vector<640x64xf32>
    %max3A_121 = arith.constant 0.000000e+00 : f32
    %max3A_122 = vector.broadcast %max3A_121 : f32 to vector<640x64xf32>
    %max3A_123 = arith.maximumf %add3A_101, %max3A_122 : vector<640x64xf32>
    %jit3A_124 = arith.constant 0.000000e+00 : f32
    %broadcast_in_dim3A_125 = vector.shape_cast %lt3A_5 : vector<640x1xi1> to vector<640x1xi1>
    %broadcast_in_dim3A_126 = vector.broadcast %broadcast_in_dim3A_125 : vector<640x1xi1> to vector<640x64xi1>
    %broadcast_in_dim3A_127 = vector.broadcast %jit3A_124 : f32 to vector<640x64xf32>
    %select_n3A_128 = arith.select %broadcast_in_dim3A_126, %max3A_123, %broadcast_in_dim3A_127 : vector<640x64xi1>, vector<640x64xf32>
    %max3A_129 = arith.constant 0.000000e+00 : f32
    %max3A_130 = vector.broadcast %max3A_129 : f32 to vector<640x64xf32>
    %max3A_131 = arith.maximumf %add3A_120, %max3A_130 : vector<640x64xf32>
    %jit3A_132 = arith.constant 0.000000e+00 : f32
    %broadcast_in_dim3A_133 = vector.shape_cast %lt3A_5 : vector<640x1xi1> to vector<640x1xi1>
    %broadcast_in_dim3A_134 = vector.broadcast %broadcast_in_dim3A_133 : vector<640x1xi1> to vector<640x64xi1>
    %broadcast_in_dim3A_135 = vector.broadcast %jit3A_132 : f32 to vector<640x64xf32>
    %select_n3A_136 = arith.select %broadcast_in_dim3A_134, %max3A_131, %broadcast_in_dim3A_135 : vector<640x64xi1>, vector<640x64xf32>
    %get3A_137 = arith.constant 1 : index
    %get3A_138 = arith.constant 0 : index
    %get3A_139 = vector.load %arg20[%get3A_137, %get3A_138] : memref<3x64xf32, #tpu.memory_space<vmem>>, vector<1x64xf32>
    %reduce_sum3A_140 = arith.constant dense<0.000000e+00> : vector<64xf32>
    %reduce_sum3A_141 = vector.multi_reduction <add>, %select_n3A_128, %reduce_sum3A_140 [0] : vector<640x64xf32> to vector<64xf32>
    %broadcast_in_dim3A_142 = vector.shape_cast %reduce_sum3A_141 : vector<64xf32> to vector<1x64xf32>
    %add3A_143 = arith.addf %get3A_139, %broadcast_in_dim3A_142 : vector<1x64xf32>
    %swap3A_144 = arith.constant 1 : index
    %swap3A_145 = arith.constant 0 : index
    %swap3A_146 = vector.load %arg20[%swap3A_144, %swap3A_145] : memref<3x64xf32, #tpu.memory_space<vmem>>, vector<1x64xf32>
    tpu.vector_store %arg20[%swap3A_144, %swap3A_145], %add3A_143 {strides = array<i32>} : memref<3x64xf32, #tpu.memory_space<vmem>>, vector<1x64xf32>,
    %get3A_147 = arith.constant 1 : index
    %get3A_148 = arith.constant 0 : index
    %get3A_149 = vector.load %arg21[%get3A_147, %get3A_148] : memref<3x64xf32, #tpu.memory_space<vmem>>, vector<1x64xf32>
    %reduce_sum3A_150 = arith.constant dense<0.000000e+00> : vector<64xf32>
    %reduce_sum3A_151 = vector.multi_reduction <add>, %select_n3A_136, %reduce_sum3A_150 [0] : vector<640x64xf32> to vector<64xf32>
    %broadcast_in_dim3A_152 = vector.shape_cast %reduce_sum3A_151 : vector<64xf32> to vector<1x64xf32>
    %add3A_153 = arith.addf %get3A_149, %broadcast_in_dim3A_152 : vector<1x64xf32>
    %swap3A_154 = arith.constant 1 : index
    %swap3A_155 = arith.constant 0 : index
    %swap3A_156 = vector.load %arg21[%swap3A_154, %swap3A_155] : memref<3x64xf32, #tpu.memory_space<vmem>>, vector<1x64xf32>
    tpu.vector_store %arg21[%swap3A_154, %swap3A_155], %add3A_153 {strides = array<i32>} : memref<3x64xf32, #tpu.memory_space<vmem>>, vector<1x64xf32>,
    %get3A_157 = arith.constant 2 : index
    %get3A_158 = arith.constant 0 : index
    %get3A_159 = vector.load %arg4[%get3A_157, %get3A_158] : memref<3x640xf32, #tpu.memory_space<vmem>>, vector<1x640xf32>
    %get3A_160 = vector.shape_cast %get3A_159 : vector<1x640xf32> to vector<640xf32>
    %broadcast_in_dim3A_161 = vector.shape_cast %get3A_160 : vector<640xf32> to vector<640x1xf32>
    %get3A_162 = arith.constant 2 : index
    %get3A_163 = arith.constant 0 : index
    %get3A_164 = arith.constant 0 : index
    %get3A_165 = arith.constant 0 : index
    %get3A_166 = vector.load %arg1[%get3A_162, %get3A_163, %get3A_164, %get3A_165] : memref<3x2x640x64xf32, #tpu.memory_space<vmem>>, vector<1x1x640x64xf32>
    %get3A_167 = vector.shape_cast %get3A_166 : vector<1x1x640x64xf32> to vector<640x64xf32>
    %get3A_168 = arith.constant 2 : index
    %get3A_169 = arith.constant 0 : index
    %get3A_170 = arith.constant 0 : index
    %get3A_171 = vector.load %arg2[%get3A_168, %get3A_169, %get3A_170] : memref<3x640x64xf32, #tpu.memory_space<vmem>>, vector<1x640x64xf32>
    %get3A_172 = vector.shape_cast %get3A_171 : vector<1x640x64xf32> to vector<640x64xf32>
    %add3A_173 = arith.addf %get3A_167, %get3A_172 : vector<640x64xf32>
    %mul3A_174 = vector.broadcast %broadcast_in_dim3A_161 : vector<640x1xf32> to vector<640x64xf32>
    %mul3A_175 = arith.mulf %add3A_173, %mul3A_174 : vector<640x64xf32>
    %get3A_176 = arith.constant 0 : index
    %get3A_177 = arith.constant 0 : index
    %get3A_178 = vector.load %arg7[%get3A_176, %get3A_177] : memref<1x128xf32, #tpu.memory_space<vmem>>, vector<1x64xf32>
    %add3A_179 = vector.broadcast %get3A_178 : vector<1x64xf32> to vector<640x64xf32>
    %add3A_180 = arith.addf %mul3A_175, %add3A_179 : vector<640x64xf32>
    %get3A_181 = arith.constant 2 : index
    %get3A_182 = arith.constant 1 : index
    %get3A_183 = arith.constant 0 : index
    %get3A_184 = arith.constant 0 : index
    %get3A_185 = vector.load %arg1[%get3A_181, %get3A_182, %get3A_183, %get3A_184] : memref<3x2x640x64xf32, #tpu.memory_space<vmem>>, vector<1x1x640x64xf32>
    %get3A_186 = vector.shape_cast %get3A_185 : vector<1x1x640x64xf32> to vector<640x64xf32>
    %get3A_187 = arith.constant 2 : index
    %get3A_188 = arith.constant 0 : index
    %get3A_189 = arith.constant 0 : index
    %get3A_190 = vector.load %arg3[%get3A_187, %get3A_188, %get3A_189] : memref<3x640x64xf32, #tpu.memory_space<vmem>>, vector<1x640x64xf32>
    %get3A_191 = vector.shape_cast %get3A_190 : vector<1x640x64xf32> to vector<640x64xf32>
    %add3A_192 = arith.addf %get3A_186, %get3A_191 : vector<640x64xf32>
    %mul3A_193 = vector.broadcast %broadcast_in_dim3A_161 : vector<640x1xf32> to vector<640x64xf32>
    %mul3A_194 = arith.mulf %add3A_192, %mul3A_193 : vector<640x64xf32>
    %get3A_195 = arith.constant 0 : index
    %get3A_196 = arith.constant 64 : index
    %get3A_197 = vector.load %arg7[%get3A_195, %get3A_196] : memref<1x128xf32, #tpu.memory_space<vmem>>, vector<1x64xf32>
    %add3A_198 = vector.broadcast %get3A_197 : vector<1x64xf32> to vector<640x64xf32>
    %add3A_199 = arith.addf %mul3A_194, %add3A_198 : vector<640x64xf32>
    %max3A_200 = arith.constant 0.000000e+00 : f32
    %max3A_201 = vector.broadcast %max3A_200 : f32 to vector<640x64xf32>
    %max3A_202 = arith.maximumf %add3A_180, %max3A_201 : vector<640x64xf32>
    %jit3A_203 = arith.constant 0.000000e+00 : f32
    %broadcast_in_dim3A_204 = vector.shape_cast %lt3A_5 : vector<640x1xi1> to vector<640x1xi1>
    %broadcast_in_dim3A_205 = vector.broadcast %broadcast_in_dim3A_204 : vector<640x1xi1> to vector<640x64xi1>
    %broadcast_in_dim3A_206 = vector.broadcast %jit3A_203 : f32 to vector<640x64xf32>
    %select_n3A_207 = arith.select %broadcast_in_dim3A_205, %max3A_202, %broadcast_in_dim3A_206 : vector<640x64xi1>, vector<640x64xf32>
    %max3A_208 = arith.constant 0.000000e+00 : f32
    %max3A_209 = vector.broadcast %max3A_208 : f32 to vector<640x64xf32>
    %max3A_210 = arith.maximumf %add3A_199, %max3A_209 : vector<640x64xf32>
    %jit3A_211 = arith.constant 0.000000e+00 : f32
    %broadcast_in_dim3A_212 = vector.shape_cast %lt3A_5 : vector<640x1xi1> to vector<640x1xi1>
    %broadcast_in_dim3A_213 = vector.broadcast %broadcast_in_dim3A_212 : vector<640x1xi1> to vector<640x64xi1>
    %broadcast_in_dim3A_214 = vector.broadcast %jit3A_211 : f32 to vector<640x64xf32>
    %select_n3A_215 = arith.select %broadcast_in_dim3A_213, %max3A_210, %broadcast_in_dim3A_214 : vector<640x64xi1>, vector<640x64xf32>
    %get3A_216 = arith.constant 2 : index
    %get3A_217 = arith.constant 0 : index
    %get3A_218 = vector.load %arg20[%get3A_216, %get3A_217] : memref<3x64xf32, #tpu.memory_space<vmem>>, vector<1x64xf32>
    %reduce_sum3A_219 = arith.constant dense<0.000000e+00> : vector<64xf32>
    %reduce_sum3A_220 = vector.multi_reduction <add>, %select_n3A_207, %reduce_sum3A_219 [0] : vector<640x64xf32> to vector<64xf32>
    %broadcast_in_dim3A_221 = vector.shape_cast %reduce_sum3A_220 : vector<64xf32> to vector<1x64xf32>
    %add3A_222 = arith.addf %get3A_218, %broadcast_in_dim3A_221 : vector<1x64xf32>
    %swap3A_223 = arith.constant 2 : index
    %swap3A_224 = arith.constant 0 : index
    %swap3A_225 = vector.load %arg20[%swap3A_223, %swap3A_224] : memref<3x64xf32, #tpu.memory_space<vmem>>, vector<1x64xf32>
    tpu.vector_store %arg20[%swap3A_223, %swap3A_224], %add3A_222 {strides = array<i32>} : memref<3x64xf32, #tpu.memory_space<vmem>>, vector<1x64xf32>,
    %get3A_226 = arith.constant 2 : index
    %get3A_227 = arith.constant 0 : index
    %get3A_228 = vector.load %arg21[%get3A_226, %get3A_227] : memref<3x64xf32, #tpu.memory_space<vmem>>, vector<1x64xf32>
    %reduce_sum3A_229 = arith.constant dense<0.000000e+00> : vector<64xf32>
    %reduce_sum3A_230 = vector.multi_reduction <add>, %select_n3A_215, %reduce_sum3A_229 [0] : vector<640x64xf32> to vector<64xf32>
    %broadcast_in_dim3A_231 = vector.shape_cast %reduce_sum3A_230 : vector<64xf32> to vector<1x64xf32>
    %add3A_232 = arith.addf %get3A_228, %broadcast_in_dim3A_231 : vector<1x64xf32>
    %swap3A_233 = arith.constant 2 : index
    %swap3A_234 = arith.constant 0 : index
    %swap3A_235 = vector.load %arg21[%swap3A_233, %swap3A_234] : memref<3x64xf32, #tpu.memory_space<vmem>>, vector<1x64xf32>
    tpu.vector_store %arg21[%swap3A_233, %swap3A_234], %add3A_232 {strides = array<i32>} : memref<3x64xf32, #tpu.memory_space<vmem>>, vector<1x64xf32>,
    %eq3A_236 = arith.constant 15 : i32
    %eq3A_237 = arith.cmpi eq, %arg0, %eq3A_236 : i32
    %convert_element_type3A_238 = arith.extui %eq3A_237 : i1 to i32
    %cond3A_239 = arith.constant 0 : i32
    %cond3A_240 = arith.cmpi ne, %convert_element_type3A_238, %cond3A_239 : i32
    scf.if %cond3A_240 {
      %get3A_241 = arith.constant 0 : index
      %get3A_242 = arith.constant 0 : index
      %get3A_243 = vector.load %arg20[%get3A_241, %get3A_242] : memref<3x64xf32, #tpu.memory_space<vmem>>, vector<1x64xf32>
      %get3A_244 = arith.constant 0 : index
      %get3A_245 = arith.constant 0 : index
      %get3A_246 = vector.load %arg21[%get3A_244, %get3A_245] : memref<3x64xf32, #tpu.memory_space<vmem>>, vector<1x64xf32>
      %concatenate3A = tpu.concatenate %get3A_243, %get3A_246 in 1 : vector<1x64xf32>, vector<1x64xf32> -> vector<1x128xf32>
      %get3A_247 = arith.constant 1 : index
      %get3A_248 = arith.constant 0 : index
      %get3A_249 = vector.load %arg20[%get3A_247, %get3A_248] : memref<3x64xf32, #tpu.memory_space<vmem>>, vector<1x64xf32>
      %get3A_250 = arith.constant 1 : index
      %get3A_251 = arith.constant 0 : index
      %get3A_252 = vector.load %arg21[%get3A_250, %get3A_251] : memref<3x64xf32, #tpu.memory_space<vmem>>, vector<1x64xf32>
      %concatenate3A_253 = tpu.concatenate %get3A_249, %get3A_252 in 1 : vector<1x64xf32>, vector<1x64xf32> -> vector<1x128xf32>
      %get3A_254 = arith.constant 2 : index
      %get3A_255 = arith.constant 0 : index
      %get3A_256 = vector.load %arg20[%get3A_254, %get3A_255] : memref<3x64xf32, #tpu.memory_space<vmem>>, vector<1x64xf32>
      %get3A_257 = arith.constant 2 : index
      %get3A_258 = arith.constant 0 : index
      %get3A_259 = vector.load %arg21[%get3A_257, %get3A_258] : memref<3x64xf32, #tpu.memory_space<vmem>>, vector<1x64xf32>
      %concatenate3A_260 = tpu.concatenate %get3A_256, %get3A_259 in 1 : vector<1x64xf32>, vector<1x64xf32> -> vector<1x128xf32>
      %concatenate3A_261 = tpu.concatenate %concatenate3A, %concatenate3A_253, %concatenate3A_260 in 1 : vector<1x128xf32>, vector<1x128xf32>, vector<1x128xf32> -> vector<1x384xf32>
      %get3A_262 = arith.constant 0 : index
      %get3A_263 = arith.constant 0 : index
      %get3A_264 = vector.load %arg8[%get3A_262, %get3A_263] : memref<384x128xf32, #tpu.memory_space<vmem>>, vector<384x128xf32>
      %dot_general3A = arith.constant dense<0.000000e+00> : vector<1x128xf32>
      %dot_general3A_265 = tpu.matmul %concatenate3A_261, %get3A_264, %dot_general3A {dimension_numbers = #tpu.dot_dimension_numbers<[1], [0], [0], [1], [0, 0, 1, 1], [], []>, transpose_lhs_hint = false} : vector<1x384xf32>, vector<384x128xf32>, vector<1x128xf32> -> vector<1x128xf32>
      %get3A_266 = arith.constant 0 : index
      %get3A_267 = arith.constant 0 : index
      %get3A_268 = vector.load %arg9[%get3A_266, %get3A_267] : memref<1x128xf32, #tpu.memory_space<vmem>>, vector<1x128xf32>
      %add3A_269 = arith.addf %dot_general3A_265, %get3A_268 : vector<1x128xf32>
      %max3A_270 = arith.constant 0.000000e+00 : f32
      %max3A_271 = vector.broadcast %max3A_270 : f32 to vector<1x128xf32>
      %max3A_272 = arith.maximumf %add3A_269, %max3A_271 : vector<1x128xf32>
      %get3A_273 = arith.constant 0 : index
      %get3A_274 = arith.constant 0 : index
      %get3A_275 = vector.load %arg10[%get3A_273, %get3A_274] : memref<128x128xf32, #tpu.memory_space<vmem>>, vector<128x128xf32>
      %dot_general3A_276 = arith.constant dense<0.000000e+00> : vector<1x128xf32>
      %dot_general3A_277 = tpu.matmul %max3A_272, %get3A_275, %dot_general3A_276 {dimension_numbers = #tpu.dot_dimension_numbers<[1], [0], [0], [1], [0, 0, 1, 1], [], []>, transpose_lhs_hint = false} : vector<1x128xf32>, vector<128x128xf32>, vector<1x128xf32> -> vector<1x128xf32>
      %get3A_278 = arith.constant 0 : index
      %get3A_279 = arith.constant 0 : index
      %get3A_280 = vector.load %arg11[%get3A_278, %get3A_279] : memref<1x128xf32, #tpu.memory_space<vmem>>, vector<1x128xf32>
      %add3A_281 = arith.addf %dot_general3A_277, %get3A_280 : vector<1x128xf32>
      %max3A_282 = arith.constant 0.000000e+00 : f32
      %max3A_283 = vector.broadcast %max3A_282 : f32 to vector<1x128xf32>
      %max3A_284 = arith.maximumf %add3A_281, %max3A_283 : vector<1x128xf32>
      %get3A_285 = arith.constant 0 : index
      %get3A_286 = arith.constant 0 : index
      %get3A_287 = vector.load %arg12[%get3A_285, %get3A_286] : memref<128x3xf32, #tpu.memory_space<vmem>>, vector<128x3xf32>
      %dot_general3A_288 = arith.constant dense<0.000000e+00> : vector<1x3xf32>
      %dot_general3A_289 = tpu.matmul %max3A_284, %get3A_287, %dot_general3A_288 {dimension_numbers = #tpu.dot_dimension_numbers<[1], [0], [0], [1], [0, 0, 1, 1], [], []>, transpose_lhs_hint = false} : vector<1x128xf32>, vector<128x3xf32>, vector<1x3xf32> -> vector<1x3xf32>
      %get3A_290 = arith.constant 0 : index
      %get3A_291 = arith.constant 0 : index
      %get3A_292 = vector.load %arg13[%get3A_290, %get3A_291] : memref<1x3xf32, #tpu.memory_space<vmem>>, vector<1x3xf32>
      %add3A_293 = arith.addf %dot_general3A_289, %get3A_292 : vector<1x3xf32>
      %reduce_max3A = arith.constant dense<0xFF800000> : vector<1xf32>
      %reduce_max3A_294 = vector.multi_reduction <maximumf>, %add3A_293, %reduce_max3A [1] : vector<1x3xf32> to vector<1xf32>
      %broadcast_in_dim3A_295 = vector.shape_cast %reduce_max3A_294 : vector<1xf32> to vector<1x1xf32>
      %sub3A = vector.broadcast %broadcast_in_dim3A_295 : vector<1x1xf32> to vector<1x3xf32>
      %sub3A_296 = arith.subf %add3A_293, %sub3A : vector<1x3xf32>
      %exp3A = math.exp %sub3A_296 : vector<1x3xf32>
      %reduce_sum3A_297 = arith.constant dense<0.000000e+00> : vector<1xf32>
      %reduce_sum3A_298 = vector.multi_reduction <add>, %exp3A, %reduce_sum3A_297 [1] : vector<1x3xf32> to vector<1xf32>
      %broadcast_in_dim3A_299 = vector.shape_cast %reduce_sum3A_298 : vector<1xf32> to vector<1x1xf32>
      %div3A = vector.broadcast %broadcast_in_dim3A_299 : vector<1x1xf32> to vector<1x3xf32>
      %div3A_300 = arith.divf %exp3A, %div3A : vector<1x3xf32>
      %concatenate3A_301 = tpu.concatenate %concatenate3A, %concatenate3A_253, %concatenate3A_260 in 0 : vector<1x128xf32>, vector<1x128xf32>, vector<1x128xf32> -> vector<3x128xf32>
      %dot_general3A_302 = arith.constant dense<0.000000e+00> : vector<1x128xf32>
      %dot_general3A_303 = tpu.matmul %div3A_300, %concatenate3A_301, %dot_general3A_302 {dimension_numbers = #tpu.dot_dimension_numbers<[1], [0], [0], [1], [0, 0, 1, 1], [], []>, transpose_lhs_hint = false} : vector<1x3xf32>, vector<3x128xf32>, vector<1x128xf32> -> vector<1x128xf32>
      %get3A_304 = arith.constant 0 : index
      %get3A_305 = arith.constant 0 : index
      %get3A_306 = vector.load %arg14[%get3A_304, %get3A_305] : memref<128x128xf32, #tpu.memory_space<vmem>>, vector<128x128xf32>
      %dot_general3A_307 = arith.constant dense<0.000000e+00> : vector<1x128xf32>
      %dot_general3A_308 = tpu.matmul %dot_general3A_303, %get3A_306, %dot_general3A_307 {dimension_numbers = #tpu.dot_dimension_numbers<[1], [0], [0], [1], [0, 0, 1, 1], [], []>, transpose_lhs_hint = false} : vector<1x128xf32>, vector<128x128xf32>, vector<1x128xf32> -> vector<1x128xf32>
      %get3A_309 = arith.constant 0 : index
      %get3A_310 = arith.constant 0 : index
      %get3A_311 = vector.load %arg15[%get3A_309, %get3A_310] : memref<1x128xf32, #tpu.memory_space<vmem>>, vector<1x128xf32>
      %add3A_312 = arith.addf %dot_general3A_308, %get3A_311 : vector<1x128xf32>
      %tanh3A = math.tanh %add3A_312 : vector<1x128xf32>
      %swap3A_313 = arith.constant 0 : index
      %swap3A_314 = arith.constant 0 : index
      %swap3A_315 = vector.load %arg18[%swap3A_313, %swap3A_314] : memref<1x128xf32, #tpu.memory_space<vmem>>, vector<1x128xf32>
      tpu.vector_store %arg18[%swap3A_313, %swap3A_314], %tanh3A {strides = array<i32>} : memref<1x128xf32, #tpu.memory_space<vmem>>, vector<1x128xf32>,
      %get3A_316 = arith.constant 0 : index
      %get3A_317 = arith.constant 0 : index
      %get3A_318 = vector.load %arg16[%get3A_316, %get3A_317] : memref<128x128xf32, #tpu.memory_space<vmem>>, vector<128x128xf32>
      %dot_general3A_319 = arith.constant dense<0.000000e+00> : vector<1x128xf32>
      %dot_general3A_320 = tpu.matmul %dot_general3A_303, %get3A_318, %dot_general3A_319 {dimension_numbers = #tpu.dot_dimension_numbers<[1], [0], [0], [1], [0, 0, 1, 1], [], []>, transpose_lhs_hint = false} : vector<1x128xf32>, vector<128x128xf32>, vector<1x128xf32> -> vector<1x128xf32>
      %get3A_321 = arith.constant 0 : index
      %get3A_322 = arith.constant 0 : index
      %get3A_323 = vector.load %arg17[%get3A_321, %get3A_322] : memref<1x128xf32, #tpu.memory_space<vmem>>, vector<1x128xf32>
      %add3A_324 = arith.addf %dot_general3A_320, %get3A_323 : vector<1x128xf32>
      %tanh3A_325 = math.tanh %add3A_324 : vector<1x128xf32>
      %swap3A_326 = arith.constant 0 : index
      %swap3A_327 = arith.constant 0 : index
      %swap3A_328 = vector.load %arg19[%swap3A_326, %swap3A_327] : memref<1x128xf32, #tpu.memory_space<vmem>>, vector<1x128xf32>
      tpu.vector_store %arg19[%swap3A_326, %swap3A_327], %tanh3A_325 {strides = array<i32>} : memref<1x128xf32, #tpu.memory_space<vmem>>, vector<1x128xf32>,
    } else {
    }
    return
  }
  func.func @transform_0(%arg0: i32) -> (i32, i32, i32, i32) {
    %c0_i32 = arith.constant 0 : i32
    %c0_i32_0 = arith.constant 0 : i32
    %c0_i32_1 = arith.constant 0 : i32
    %c0_i32_2 = arith.constant 0 : i32
    return %c0_i32, %c0_i32_0, %arg0, %c0_i32_1 : i32, i32, i32, i32
  }
  func.func @transform_1(%arg0: i32) -> (i32, i32, i32) {
    %c0_i32 = arith.constant 0 : i32
    %c0_i32_0 = arith.constant 0 : i32
    %c0_i32_1 = arith.constant 0 : i32
    return %c0_i32, %arg0, %c0_i32_0 : i32, i32, i32
  }
  func.func @transform_2(%arg0: i32) -> (i32, i32, i32) {
    %c0_i32 = arith.constant 0 : i32
    %c0_i32_0 = arith.constant 0 : i32
    %c0_i32_1 = arith.constant 0 : i32
    return %c0_i32, %arg0, %c0_i32_0 : i32, i32, i32
  }
  func.func @transform_3(%arg0: i32) -> (i32, i32) {
    %c0_i32 = arith.constant 0 : i32
    %c0_i32_0 = arith.constant 0 : i32
    return %c0_i32, %arg0 : i32, i32
  }
  func.func @transform_4(%arg0: i32) -> (i32, i32) {
    %c0_i32 = arith.constant 0 : i32
    %c0_i32_0 = arith.constant 0 : i32
    %c0_i32_1 = arith.constant 0 : i32
    return %c0_i32, %c0_i32_0 : i32, i32
  }
  func.func @transform_5(%arg0: i32) -> (i32, i32) {
    %c0_i32 = arith.constant 0 : i32
    %c0_i32_0 = arith.constant 0 : i32
    %c0_i32_1 = arith.constant 0 : i32
    return %c0_i32, %c0_i32_0 : i32, i32
  }
  func.func @transform_6(%arg0: i32) -> (i32, i32) {
    %c0_i32 = arith.constant 0 : i32
    %c0_i32_0 = arith.constant 0 : i32
    %c0_i32_1 = arith.constant 0 : i32
    return %c0_i32, %c0_i32_0 : i32, i32
  }
  func.func @transform_7(%arg0: i32) -> (i32, i32) {
    %c0_i32 = arith.constant 0 : i32
    %c0_i32_0 = arith.constant 0 : i32
    %c0_i32_1 = arith.constant 0 : i32
    return %c0_i32, %c0_i32_0 : i32, i32
  }
  func.func @transform_8(%arg0: i32) -> (i32, i32) {
    %c0_i32 = arith.constant 0 : i32
    %c0_i32_0 = arith.constant 0 : i32
    %c0_i32_1 = arith.constant 0 : i32
    return %c0_i32, %c0_i32_0 : i32, i32
  }
  func.func @transform_9(%arg0: i32) -> (i32, i32) {
    %c0_i32 = arith.constant 0 : i32
    %c0_i32_0 = arith.constant 0 : i32
    %c0_i32_1 = arith.constant 0 : i32
    return %c0_i32, %c0_i32_0 : i32, i32
  }
  func.func @transform_10(%arg0: i32) -> (i32, i32) {
    %c0_i32 = arith.constant 0 : i32
    %c0_i32_0 = arith.constant 0 : i32
    %c0_i32_1 = arith.constant 0 : i32
    return %c0_i32, %c0_i32_0 : i32, i32
  }
  func.func @transform_11(%arg0: i32) -> (i32, i32) {
    %c0_i32 = arith.constant 0 : i32
    %c0_i32_0 = arith.constant 0 : i32
    %c0_i32_1 = arith.constant 0 : i32
    return %c0_i32, %c0_i32_0 : i32, i32
  }
  func.func @transform_12(%arg0: i32) -> (i32, i32) {
    %c0_i32 = arith.constant 0 : i32
    %c0_i32_0 = arith.constant 0 : i32
    %c0_i32_1 = arith.constant 0 : i32
    return %c0_i32, %c0_i32_0 : i32, i32
  }
  func.func @transform_13(%arg0: i32) -> (i32, i32) {
    %c0_i32 = arith.constant 0 : i32
    %c0_i32_0 = arith.constant 0 : i32
    %c0_i32_1 = arith.constant 0 : i32
    return %c0_i32, %c0_i32_0 : i32, i32
  }
  func.func @transform_14(%arg0: i32) -> (i32, i32) {
    %c0_i32 = arith.constant 0 : i32
    %c0_i32_0 = arith.constant 0 : i32
    %c0_i32_1 = arith.constant 0 : i32
    return %c0_i32, %c0_i32_0 : i32, i32
  }
  func.func @transform_15(%arg0: i32) -> (i32, i32) {
    %c0_i32 = arith.constant 0 : i32
    %c0_i32_0 = arith.constant 0 : i32
    %c0_i32_1 = arith.constant 0 : i32
    return %c0_i32, %c0_i32_0 : i32, i32
  }
  func.func @transform_16(%arg0: i32) -> (i32, i32) {
    %c0_i32 = arith.constant 0 : i32
    %c0_i32_0 = arith.constant 0 : i32
    %c0_i32_1 = arith.constant 0 : i32
    return %c0_i32, %c0_i32_0 : i32, i32
  }
  func.func @transform_17(%arg0: i32) -> (i32, i32) {
    %c0_i32 = arith.constant 0 : i32
    %c0_i32_0 = arith.constant 0 : i32
    %c0_i32_1 = arith.constant 0 : i32
    return %c0_i32, %c0_i32_0 : i32, i32
  }
  func.func @transform_18(%arg0: i32) -> (i32, i32) {
    %c0_i32 = arith.constant 0 : i32
    %c0_i32_0 = arith.constant 0 : i32
    %c0_i32_1 = arith.constant 0 : i32
    return %c0_i32, %c0_i32_0 : i32, i32
  }
}

</mosaic_0001>

<sc_bundles>
// kernel: kernel.6.cloned.1.call-start
scs
__scs_entry_jumppad:
0x0: {  	(pc) =	sbr.rel $0x88, $3  }
0x1: {  	(tag) =	ssettag $0x0;
	lr =	simm.s32 $0x1  }
0x2: {  	[smem:$0x3F8B] =	sst lr;
	_ =	strace $0xD0000000  }
0x3: {  	_ = 	snop  }
0x4: {  	_ = 	snop  }
0x5: {  	_ = 	snop  }
0x6: {  	_ = 	snop  }
0x7: {  	_ = 	snop  }
__scs_overlays_trampoline_lowered:
0x8: {  	[smem:$0x3F9A] =	sst s0  }
0x9: {  	[smem:$0x3F9B] =	sst s1  }
0xa: {  	[smem:$0x3F9C] =	sst s2  }
0xb: {  	[smem:$0x3F9D] =	sst s3  }
0xc: {  	[smem:$0x3F9E] =	sst s4  }
0xd: {  	[smem:$0x3F9F] =	sst s5  }
0xe: {  	[smem:$0x3FA0] =	sst s6  }
0xf: {  	[smem:$0x3FA1] =	sst s7  }
0x10: {  	[smem:$0x3FA2] =	sst s8  }
0x11: {  	[smem:$0x3FA3] =	sst s9;
	s0 =	simm.s32 @!p0 $0x0  }
0x12: {  	s1 =	sld [smem:$0x3F89];
	s0 =	simm.s32 @p0 $0x1  }
0x13: {  	[smem:$0x3FA4] =	sst s0;
	s0 =	simm.s32 @!p1 $0x0  }
0x14: {  	s2 =	sld [smem:$0x3F88];
	s0 =	simm.s32 @p1 $0x1  }
0x15: {  	[smem:$0x3FA5] =	sst s0;
	s0 =	simm.s32 @!p2 $0x0  }
0x16: {  	s3 =	sld [smem:$0x3FDB];
	s0 =	simm.s32 @p2 $0x1  }
0x17: {  	s4 =	simm.s32 $0x1BF5;
	[smem:$0x3FA7] =	sst s0  }
0x18: {  	s0 =	sld [smem:$0x3F8A];
	_ =	swait.ge [sflag:s4], $0x0  }
0x19: {  	s7 =	sld [smem:$0x3F8B]  }
0x1a: {  	s8 =	sadd.s32 $0xFFFFE003, lr  }
0x1b: {  	s9 =	sadd.s32 $0xFFFFFEF7, lr;
	s5 =	simm.s32 $0xFFFFFFFF;
	p2 =	slt.u32 s8, $0xFFFFF086  }
0x1c: {  	p1 =	slt.u32 s9, $0xF7A;
	s5 =	simm.s32 @!p2 $0x0  }
0x1d: {  	s5 =	simm.s32 @p1 $0x1;
	p0 =	seq.s32 s7, s2  }
0x1e: {  	s7 =	smul.u32 @!p0 $0xF7A, s2;
	p2 =	seq.s32 @!p0 s5, $0x0  }
0x1f: {  	s9 =	smul.u32 $0xF7A, s1;
	s8 =	simm.s32 @!p0 $0x1BF5;
	p2 =	por !p2, p0  }
0x20: {  	[sflag:s8] =	ssyncset.s32 @!p0 $0xFFFFF086;
	s6 =	sadd.s32 @!p0 s3, s7;
	s7 =	simm.s32 @!p0 $0x108  }
0x21: {  	s3 =	sadd.s32 s3, s9;
	s6 =	sadd.s32 @!p0 $0x88, s6;
	s7 =	simm.s32 @p2 $0x1082  }
0x22: {  	[simem:s7], [sflag:s8] =	dma.local @!p0 [hbm:s6], $0xF7A  }
0x23: {  	s9 =	sor.u32 $0xD0000000, s2;
	s6 =	simm.s32 $0x108;
	_ =	swait.ge @!p0 [sflag:s8], $0x0  }
0x24: {  	s3 =	sadd.s32 $0x88, s3;
	s6 =	simm.s32 @!p1 $0x1082;
	[sflag:s4] =	ssyncset.s32 $0xFFFFF086  }
0x25: {  	[simem:s6], [sflag:s4] =	dma.local [hbm:s3], $0xF7A  }
0x26: {  	[smem:$0x3F8B] =	sst s1;
	(tag) =	ssettag s2;
	_ =	strace s9  }
0x27: {  	s1 =	sld [smem:$0x3F9B]  }
0x28: {  	s2 =	sld [smem:$0x3F9C]  }
0x29: {  	s4 =	sld [smem:$0x3F9E]  }
0x2a: {  	p0 =	seq.s32 s5, $0x0;
	s5 =	sld [smem:$0x3F9F]  }
0x2b: {  	s6 =	sld [smem:$0x3FA0]  }
0x2c: {  	s7 =	sld [smem:$0x3FA1]  }
0x2d: {  	s3 =	simm.s32 $0x108;
	s8 =	sld [smem:$0x3FA2]  }
0x2e: {  	s3 =	simm.s32 @!p0 $0x1082;
	s9 =	sld [smem:$0x3FA3]  }
0x2f: {  	lr =	sadd.s32 s0, s3;
	s0 =	sld [smem:$0x3F9A]  }
0x30: {  	s3 =	sld [smem:$0x3F9D]  }
0x31: {  	[smem:$0x3FA6] =	sst s10  }
0x32: {  	s10 =	sld [smem:$0x3FA4];
	_ =	sdelay $0x3  }
0x33: {  	p0 =	seq.s32 s10, $0x1;
	s10 =	sld [smem:$0x3FA6];
	_ =	sdelay $0x3  }
0x34: {  	[smem:$0x3FA6] =	sst s10  }
0x35: {  	s10 =	sld [smem:$0x3FA5];
	_ =	sdelay $0x3  }
0x36: {  	p1 =	seq.s32 s10, $0x1;
	s10 =	sld [smem:$0x3FA6];
	_ =	sdelay $0x3  }
0x37: {  	[smem:$0x3FA6] =	sst s10  }
0x38: {  	s10 =	sld [smem:$0x3FA7]  }
0x39: {  	_ = 	snop;
	(pc) =	sbr.ind lr, $3  }
0x3a: {  	_ = 	snop  }
0x3b: {  	_ = 	snop  }
0x3c: {  	p2 =	seq.s32 s10, $0x1;
	s10 =	sld [smem:$0x3FA6]  }
0x3d: {  	_ =	shalt  }
0x3e: {  	_ =	shalt  }
0x3f: {  	_ =	shalt  }
0x40: {  	_ =	shalt  }
0x41: {  	_ =	shalt  }
0x42: {  	_ =	shalt  }
0x43: {  	_ =	shalt  }
0x44: {  	_ =	shalt  }
0x45: {  	_ =	shalt  }
0x46: {  	_ =	shalt  }
0x47: {  	_ =	shalt  }
0x48: {  	_ =	shalt  }
0x49: {  	_ =	shalt  }
0x4a: {  	_ =	shalt  }
0x4b: {  	_ =	shalt  }
0x4c: {  	_ =	shalt  }
0x4d: {  	_ =	shalt  }
0x4e: {  	_ =	shalt  }
0x4f: {  	_ =	shalt  }
0x50: {  	_ =	shalt  }
0x51: {  	_ =	shalt  }
0x52: {  	_ =	shalt  }
0x53: {  	_ =	shalt  }
0x54: {  	_ =	shalt  }
0x55: {  	_ =	shalt  }
0x56: {  	_ =	shalt  }
0x57: {  	_ =	shalt  }
0x58: {  	_ =	shalt  }
0x59: {  	_ =	shalt  }
0x5a: {  	_ =	shalt  }
0x5b: {  	_ =	shalt  }
0x5c: {  	_ =	shalt  }
0x5d: {  	_ =	shalt  }
0x5e: {  	_ =	shalt  }
0x5f: {  	_ =	shalt  }
0x60: {  	_ =	shalt  }
0x61: {  	_ =	shalt  }
0x62: {  	_ =	shalt  }
0x63: {  	_ =	shalt  }
0x64: {  	_ =	shalt  }
0x65: {  	_ =	shalt  }
0x66: {  	_ =	shalt  }
0x67: {  	_ =	shalt  }
0x68: {  	_ =	shalt  }
0x69: {  	_ =	shalt  }
0x6a: {  	_ =	shalt  }
0x6b: {  	_ =	shalt  }
0x6c: {  	_ =	shalt  }
0x6d: {  	_ =	shalt  }
0x6e: {  	_ =	shalt  }
0x6f: {  	_ =	shalt  }
0x70: {  	_ =	shalt  }
0x71: {  	_ =	shalt  }
0x72: {  	_ =	shalt  }
0x73: {  	_ =	shalt  }
0x74: {  	_ =	shalt  }
0x75: {  	_ =	shalt  }
0x76: {  	_ =	shalt  }
0x77: {  	_ =	shalt  }
0x78: {  	_ =	shalt  }
0x79: {  	_ =	shalt  }
0x7a: {  	_ =	shalt  }
0x7b: {  	_ =	shalt  }
0x7c: {  	_ =	shalt  }
0x7d: {  	_ =	shalt  }
0x7e: {  	_ =	shalt  }
0x7f: {  	_ =	shalt  }
0x80: {  	_ =	shalt  }
0x81: {  	_ =	shalt  }
0x82: {  	_ =	shalt  }
0x83: {  	_ =	shalt  }
0x84: {  	_ =	shalt  }
0x85: {  	_ =	shalt  }
0x86: {  	_ =	shalt  }
0x87: {  	_ =	shalt  }
.Lfunc_end0:
.L_simem_size_0:
called_computation_lowered:
.L_overlay_start_0:
0x88: {  	s2 =	sld [smem:$0x3FD9]  }
0x89: {  	s3 =	sld [smem:$0x3FFE];
	_ =	sdelay $0x1  }
0x8a: {  	s1 =	srdreg.scid  }
0x8b: {  	s0 =	sand.u32 $0x1, s1  }
0x8c: {  	s16 =	sshll.u32 s0, $0xA;
	s2 =	sadd.s32 s3, s2  }
0x8d: {  	s2 =	sadd.s32 s2, s16  }
0x8e: {  	[smem:$0x3FB2] =	sst s2  }
0x8f: {  	_ = 	snop  }
0x90: {  	(tm) =	ssettm $0x1  }
0x91: {  	s17 =	sld [smem:$0x3FFB];
	_ =	sdelay $0x3  }
0x92: {  	_ =	strace s17  }
0x93: {  	s2 =	sld [smem:$0x3FFC];
	_ =	sdelay $0x3  }
0x94: {  	_ =	strace s2  }
0x95: {  	s2 =	sld [smem:$0x3FFD];
	_ =	sdelay $0x3  }
0x96: {  	_ =	strace s2  }
0x97: {  	_ =	strace $0x8FFFFFFF  }
0x98: {  	s18 =	sld [smem:$0x3FDB];
	_ =	sdelay $0x1  }
0x99: {  	s19 =	simm.s32 $_scs_section_size  }
0x9a: {  	s4 =	simm.s32 $_size__tile_overlayer_lowered;
	s5 =	simm.s32 $_tile_overlayer_lowered  }
0x9b: {  	s22 =	simm.s32 $0x1BFF;
	s21 =	sshll.u32 s5, $0x1;
	s2 =	sadd.s32 s19, s18  }
0x9c: {  	s6 =	simm.s32 $0x0;
	s20 =	sshll.u32 s4, $0x1;
	s4 =	sadd.s32 s21, s2  }
0x9d: {  	[timem:s6], [sflag:s22] =	dma.local [hbm:s4], s20  }
0x9e: {  	_ =	swait.ge [sflag:s22], s20  }
0x9f: {  	s3 =	ssub.s32 $0x0, s20;
	[sflag:s22] =	ssyncset.done $0x0  }
0xa0: {  	[sflag:s22] =	ssyncadd.s32 s3;
	_ =	sdelay $0x1  }
0xa1: {  	s23 =	simm.s32 $0x1B8B  }
0xa2: {  	_ =	swait.ge [sflag:s23], $0x1  }
0xa3: {  	[sflag:s23] =	ssyncset.done $0x0  }
0xa4: {  	s25 =	simm.s32 $0x1B8E;
	s24 =	sld [smem:$0x3FFE];
	[sflag:s23] =	ssyncadd.s32 $0xFFFFFFFF  }
0xa5: {  	s26 =	simm.s32 $execute0_lowered;
	[smem:$0x3FD2] =	sst s25  }
0xa6: {  	s4 =	sshll.u32 s26, $0x1;
	_ =	strace $0x80000046;
	[dreg:$0x1] =	wrdreg $0xFFFFFFFF  }
0xa7: {  	s28 =	simm.s32 $_size_execute0_lowered;
	s2 =	sadd.s32 s2, s4;
	[dreg:$0x0] =	wrdreg $0x0  }
0xa8: {  	s4 =	sshll.u32 s28, $0x1;
	[dreg:$0x2] =	wrdreg s2  }
0xa9: {  	[dreg:$0x3] =	wrdreg s4  }
0xaa: {  	[dreg:$0x4] =	wrdreg $0xC0  }
0xab: {  	_ =	task [dreg:s6], $0x5FFFF  }
0xac: {  	[dreg:$0x1] =	wrdreg $0xFFFFFFFF  }
0xad: {  	[dreg:$0x0] =	wrdreg $0x60  }
0xae: {  	[dreg:$0x2] =	wrdreg s24  }
0xaf: {  	[dreg:$0x3] =	wrdreg $0x50800  }
0xb0: {  	[dreg:$0x4] =	wrdreg $0x9  }
0xb1: {  	_ =	task.clear_ibuf [dreg:s6], $0x5FFFF;
	_ =	strace $0x90000046  }
0xb2: {  	s29 =	simm.s32 $0x9;
	_ =	strace $0x80000048  }
0xb3: {  	_ =	swait.ge [sflag:s29], $0x1  }
0xb4: {  	[sflag:s29] =	ssyncadd.s32 $0xFFFFFFFF  }
0xb5: {  	_ =	strace $0x90000048  }
0xb6: {  	_ =	sfence  }
0xb7: {  	s30 =	sld [smem:$0x0];
	_ =	sdelay $0x2  }
0xb8: {  	s31 =	sshll.u32 s1, $0xD;
	s1 =	sshrl.u32 s1, $0x2  }
0xb9: {  	s3 =	sand.u32 $0x4000, s31;
	s1 =	sadd.s32 s1, s30  }
0xba: {  	s0 =	sor.u32 s3, s0;
	s1 =	sshll.u32 s1, $0x11  }
0xbb: {  	s0 =	sor.u32 s1, s0  }
0xbc: {  	s0 =	sadd.s32 $0x8F2B, s0  }
0xbd: {  	[sflag:s0] =	ssyncadd.remote.s32 $0x1  }
0xbe: {  	_ =	sfence.sel $0xFFFF  }
0xbf: {  	[dreg:$0x0] =	wrdreg $0xFFFFFFFF;
	(pc) =	sbr.abs _section_cstart, $3  }
0xc0: {  	[dreg:$0x1] =	wrdreg $0xFFFFFFFF  }
0xc1: {  	_ =	task.clear_ibuf [dreg:s6], $0x2FFFF;
	_ =	strace $0x9FFFFFFF  }
0xc2: {  	(tm) =	ssettm $0x7FFFFFFF  }
0xc3: {  	_ =	shalt  }
tec
execute0_lowered:
.L_overlay_start_1:
0x0: {  	(tag) =	ssettag $0x1  }
0x1: {  	s3 =	rddreg [dreg:$0x0]  }
0x2: {  	s0 =	srdreg.scid;
	s1 =	rddreg [dreg:$0x1]  }
0x3: {  	s10 =	stileid.u32;
	s2 =	simm.s32 $0x0;
	s12 =	simm.s32 $0x50  }
0x4: {  	s13 =	simm.s32 $0x5000;
	s4 =	sand.u32 $0x1, s0;
	s0 =	rddreg [dreg:$0x2]  }
0x5: {  	s15 =	simm.s32 $0x0;
	[smem:$0x7FF] =	sst s2;
	s9 =	sadd.s32 $0x21400, s3  }
0x6: {  	p0 =	sne.s32 s10, $0x0;
	s5 =	sshll.u32 s4, $0x4;
	s7 =	smul.u32 $0x2800, s4  }
0x7: {  	s6 =	ssub.s32 $0x2, s4;
	s4 =	smul.u32 $0x500, s4;
	s5 =	sor.u32 s10, s5  }
0x8: {  	_ =	strace $0x80000047;
	s14 =	sshrl.u32 @!p0 s1, $0x3;
	s5 =	smul.u32 $0x2800, s5  }
0x9: {  	s30 =	sshrl.u32 s6, $0x1;
	s10 =	simm.s32 $0x2800;
	s31 =	sshrl.u32 s7, $0x3  }
0xa: {  	s4 =	sadd.s32 s9, s4;
	s9 =	sadd.s32 s9, s31;
	s5 =	sshrl.u32 s5, $0x3  }
0xb: {  	v0 =	vlaneseq.u32;
	s11 =	ssub.s32 s6, s30;
	s6 =	sadd.s32 $0xA00, s9;
	s8 =	sadd.s32 s5, s3  }
0xc: {  	v5 =	vimm.s32 $0x0;
	v6 =	vimm.s32 $0x1;
	v1 =	vor.u32 $0x10, v0;
	s3 =	sadd.s32 $0x3400, s8;
	s5 =	sadd.s32 $0xD400, s8;
	s7 =	sadd.s32 $0x17400, s8  }
0xd: {  	v2 =	vor.u32 $0x20, v0;
	v3 =	vor.u32 $0x30, v0;
	v4 =	vor.u32 $0x40, v0;
	s8 =	sadd.s32 $0x1400, s9;
	s9 =	smax.u32 s11, $0x1;
	s11 =	simm.s32 $0x1  }
.LBB2_1:
0xe: {  	[tilespmem:$0x5000] =	vst v0  }
0xf: {  	[tilespmem:$0x5010] =	vst v1  }
0x10: {  	[tilespmem:$0x5020] =	vst v2  }
0x11: {  	[tilespmem:$0x5030] =	vst v3  }
0x12: {  	[tilespmem:$0x5040] =	vst v4;
	s16 =	simm.s32 $0x70;
	s17 =	simm.s32 $0x3C0  }
.LBB2_2:
0x13: {  	p1 =	sne.s32 s17, $0x9FC0;
	[tilespmem:s16+$0x0] =	vst v5  }
0x14: {  	[tilespmem:s16+$0xFFFFFF90] =	vst v5  }
0x15: {  	[tilespmem:s16+$0xFFFFFFA0] =	vst v5  }
.Ltmp0:
0x16: {  	[tilespmem:s16+$0xFFFFFFB0] =	vst v5;
	(pc) =	sbr.rel @p1 .LBB2_2-.Ltmp0, $4  }
0x17: {  	[tilespmem:s16+$0xFFFFFFC0] =	vst v5  }
0x18: {  	[tilespmem:s16+$0xFFFFFFD0] =	vst v5  }
0x19: {  	[tilespmem:s16+$0xFFFFFFE0] =	vst v5  }
0x1a: {  	[tilespmem:s16+$0xFFFFFFF0] =	vst v5;
	s16 =	sshra.s32 s17, $0x2;
	s17 =	sadd.s32 $0x200, s17  }
0x1b: {  	[tilespmem:s16+$0x0] =	vst v5  }
0x1c: {  	[tilespmem:s16+$0xFFFFFF90] =	vst v5  }
0x1d: {  	[tilespmem:s16+$0xFFFFFFA0] =	vst v5  }
0x1e: {  	[tilespmem:s16+$0xFFFFFFB0] =	vst v5  }
0x1f: {  	[tilespmem:s16+$0xFFFFFFC0] =	vst v5  }
0x20: {  	[tilespmem:s16+$0xFFFFFFD0] =	vst v5  }
0x21: {  	[tilespmem:s16+$0xFFFFFFE0] =	vst v5  }
0x22: {  	[tilespmem:s16+$0xFFFFFFF0] =	vst v5;
	s16 =	simm.s32 @!p0 $0x0  }
0x23: {  	[spmem:s1] =	stream.linear.scatter @!p0 [tilespmem:s16], [sflag:$0x1], $0x2800, $0x38;
	[tilespmem:$0x5300] =	vst v63  }
0x24: {  	s16 =	simm.s32 @!p0 $0x1  }
0x25: {  	_ =	swait.ge @!p0 [sflag:s16], $0x2800  }
0x26: {  	[sflag:s16] =	ssyncset.done @!p0 $0x0  }
0x27: {  	[sflag:s16] =	ssyncadd.s32 @!p0 $0xFFFFD800  }
0x28: {  	[bflag:$0x0] =	sbarrier.arrive $0xFFFF  }
0x29: {  	[tilespmem:s10], [sflag:$0x1] =	stream.linear.gather [hbm4b:s3+s2], $0x2800, $0x38;
	[tilespmem:$0x5300] =	vst v63  }
0x2a: {  	_ =	swait.ge [sflag:s11], $0x2800  }
0x2b: {  	[sflag:s11] =	ssyncset.done $0x0  }
0x2c: {  	s16 =	simm.s32 $0x1C0;
	[sflag:s11] =	ssyncadd.s32 $0xFFFFD800  }
.LBB2_4:
0x2d: {  	s17 =	sshra.s32 s16, $0x2  }
0x2e: {  	v7 =	vld [tilespmem:s17+$0x2790];
	_ =	sdelay $0x7  }
0x2f: {  	[tilespmem:v7+s2+$0x0] =	vst.idx.add.s32.msk $0xffff, v6  }
0x30: {  	v7 =	vld [tilespmem:s17+$0x27A0];
	_ =	sdelay $0x7  }
0x31: {  	[tilespmem:v7+s2+$0x0] =	vst.idx.add.s32.msk $0xffff, v6  }
0x32: {  	v7 =	vld [tilespmem:s17+$0x27B0];
	_ =	sdelay $0x7  }
0x33: {  	[tilespmem:v7+s2+$0x0] =	vst.idx.add.s32.msk $0xffff, v6  }
0x34: {  	v7 =	vld [tilespmem:s17+$0x27C0];
	_ =	sdelay $0x7  }
0x35: {  	[tilespmem:v7+s2+$0x0] =	vst.idx.add.s32.msk $0xffff, v6  }
0x36: {  	v7 =	vld [tilespmem:s17+$0x27D0];
	_ =	sdelay $0x7  }
0x37: {  	[tilespmem:v7+s2+$0x0] =	vst.idx.add.s32.msk $0xffff, v6  }
0x38: {  	v7 =	vld [tilespmem:s17+$0x27E0];
	_ =	sdelay $0x7  }
0x39: {  	[tilespmem:v7+s2+$0x0] =	vst.idx.add.s32.msk $0xffff, v6  }
0x3a: {  	v7 =	vld [tilespmem:s17+$0x27F0];
	_ =	sdelay $0x7  }
0x3b: {  	[tilespmem:v7+s2+$0x0] =	vst.idx.add.s32.msk $0xffff, v6  }
0x3c: {  	v7 =	vld [tilespmem:s17+$0x2800];
	_ =	sdelay $0x2  }
0x3d: {  	p1 =	sne.s32 s16, $0x9FC0  }
.Ltmp1:
0x3e: {  	_ = 	snop;
	(pc) =	sbr.rel @p1 .LBB2_4-.Ltmp1, $2  }
0x3f: {  	_ =	sdelay $0x2  }
0x40: {  	s16 =	sadd.s32 $0x200, s16;
	[tilespmem:v7+s2+$0x0] =	vst.idx.add.s32.msk $0xffff, v6  }
0x41: {  	[spmem:s1] =	stream.indirect.scatter.add.s32 [tilespmem:s2], [sflag:$0x1], $0x80, s13, s12, $0xb8;
	[tilespmem:$0x5300] =	vst v63  }
0x42: {  	_ =	swait.ge [sflag:s11], $0x2800  }
0x43: {  	[sflag:s11] =	ssyncset.done $0x0  }
0x44: {  	[sflag:s11] =	ssyncadd.s32 $0xFFFFD800  }
0x45: {  	s16 =	simm.s32 @!p0 $0x1C01;
	[bflag:$0x0] =	sbarrier.arrive $0xFFFF  }
0x46: {  	[hbm:s4], [sflag:s16] =	dma.local @!p0 [spmem:s14], $0x500  }
0x47: {  	s16 =	simm.s32 @!p0 $0x1  }
0x48: {  	_ =	swait.ge @!p0 [sflag:s16], $0x500  }
0x49: {  	[sflag:s16] =	ssyncset.done @!p0 $0x0  }
0x4a: {  	[sflag:s16] =	ssyncadd.s32 @!p0 $0xFFFFFB00  }
0x4b: {  	s17 =	simm.s32 $0x3C0;
	s16 =	simm.s32 $0x70;
	[bflag:$0x0] =	sbarrier.arrive $0xFFFF  }
.LBB2_6:
0x4c: {  	p1 =	sne.s32 s17, $0x9FC0;
	[tilespmem:s16+$0x0] =	vst v5  }
0x4d: {  	[tilespmem:s16+$0xFFFFFF90] =	vst v5  }
0x4e: {  	[tilespmem:s16+$0xFFFFFFA0] =	vst v5  }
.Ltmp2:
0x4f: {  	[tilespmem:s16+$0xFFFFFFB0] =	vst v5;
	(pc) =	sbr.rel @p1 .LBB2_6-.Ltmp2, $4  }
0x50: {  	[tilespmem:s16+$0xFFFFFFC0] =	vst v5  }
0x51: {  	[tilespmem:s16+$0xFFFFFFD0] =	vst v5  }
0x52: {  	[tilespmem:s16+$0xFFFFFFE0] =	vst v5  }
0x53: {  	[tilespmem:s16+$0xFFFFFFF0] =	vst v5;
	s16 =	sshra.s32 s17, $0x2;
	s17 =	sadd.s32 $0x200, s17  }
0x54: {  	[tilespmem:s16+$0x0] =	vst v5  }
0x55: {  	[tilespmem:s16+$0xFFFFFF90] =	vst v5  }
0x56: {  	[tilespmem:s16+$0xFFFFFFA0] =	vst v5  }
0x57: {  	[tilespmem:s16+$0xFFFFFFB0] =	vst v5  }
0x58: {  	[tilespmem:s16+$0xFFFFFFC0] =	vst v5  }
0x59: {  	[tilespmem:s16+$0xFFFFFFD0] =	vst v5  }
0x5a: {  	[tilespmem:s16+$0xFFFFFFE0] =	vst v5  }
0x5b: {  	[tilespmem:s16+$0xFFFFFFF0] =	vst v5;
	s16 =	simm.s32 @!p0 $0x0  }
0x5c: {  	[spmem:s1] =	stream.linear.scatter @!p0 [tilespmem:s16], [sflag:$0x1], $0x2800, $0x38;
	[tilespmem:$0x5300] =	vst v63  }
0x5d: {  	s16 =	simm.s32 @!p0 $0x1  }
0x5e: {  	_ =	swait.ge @!p0 [sflag:s16], $0x2800  }
0x5f: {  	[sflag:s16] =	ssyncset.done @!p0 $0x0  }
0x60: {  	[sflag:s16] =	ssyncadd.s32 @!p0 $0xFFFFD800  }
0x61: {  	[bflag:$0x0] =	sbarrier.arrive $0xFFFF  }
0x62: {  	[tilespmem:s10], [sflag:$0x1] =	stream.linear.gather [hbm4b:s5+s2], $0x2800, $0x38;
	[tilespmem:$0x5300] =	vst v63  }
0x63: {  	_ =	swait.ge [sflag:s11], $0x2800  }
0x64: {  	[sflag:s11] =	ssyncset.done $0x0  }
0x65: {  	s16 =	simm.s32 $0x1C0;
	[sflag:s11] =	ssyncadd.s32 $0xFFFFD800  }
.LBB2_8:
0x66: {  	s17 =	sshra.s32 s16, $0x2  }
0x67: {  	v7 =	vld [tilespmem:s17+$0x2790];
	_ =	sdelay $0x7  }
0x68: {  	[tilespmem:v7+s2+$0x0] =	vst.idx.add.s32.msk $0xffff, v6  }
0x69: {  	v7 =	vld [tilespmem:s17+$0x27A0];
	_ =	sdelay $0x7  }
0x6a: {  	[tilespmem:v7+s2+$0x0] =	vst.idx.add.s32.msk $0xffff, v6  }
0x6b: {  	v7 =	vld [tilespmem:s17+$0x27B0];
	_ =	sdelay $0x7  }
0x6c: {  	[tilespmem:v7+s2+$0x0] =	vst.idx.add.s32.msk $0xffff, v6  }
0x6d: {  	v7 =	vld [tilespmem:s17+$0x27C0];
	_ =	sdelay $0x7  }
0x6e: {  	[tilespmem:v7+s2+$0x0] =	vst.idx.add.s32.msk $0xffff, v6  }
0x6f: {  	v7 =	vld [tilespmem:s17+$0x27D0];
	_ =	sdelay $0x7  }
0x70: {  	[tilespmem:v7+s2+$0x0] =	vst.idx.add.s32.msk $0xffff, v6  }
0x71: {  	v7 =	vld [tilespmem:s17+$0x27E0];
	_ =	sdelay $0x7  }
0x72: {  	[tilespmem:v7+s2+$0x0] =	vst.idx.add.s32.msk $0xffff, v6  }
0x73: {  	v7 =	vld [tilespmem:s17+$0x27F0];
	_ =	sdelay $0x7  }
0x74: {  	[tilespmem:v7+s2+$0x0] =	vst.idx.add.s32.msk $0xffff, v6  }
0x75: {  	v7 =	vld [tilespmem:s17+$0x2800];
	_ =	sdelay $0x2  }
0x76: {  	p1 =	sne.s32 s16, $0x9FC0  }
.Ltmp3:
0x77: {  	_ = 	snop;
	(pc) =	sbr.rel @p1 .LBB2_8-.Ltmp3, $2  }
0x78: {  	_ =	sdelay $0x2  }
0x79: {  	s16 =	sadd.s32 $0x200, s16;
	[tilespmem:v7+s2+$0x0] =	vst.idx.add.s32.msk $0xffff, v6  }
0x7a: {  	[spmem:s1] =	stream.indirect.scatter.add.s32 [tilespmem:s2], [sflag:$0x1], $0x80, s13, s12, $0xb8;
	[tilespmem:$0x5300] =	vst v63  }
0x7b: {  	_ =	swait.ge [sflag:s11], $0x2800  }
0x7c: {  	[sflag:s11] =	ssyncset.done $0x0  }
0x7d: {  	[sflag:s11] =	ssyncadd.s32 $0xFFFFD800  }
0x7e: {  	s16 =	simm.s32 @!p0 $0x1C01;
	[bflag:$0x0] =	sbarrier.arrive $0xFFFF  }
0x7f: {  	[hbm:s6], [sflag:s16] =	dma.local @!p0 [spmem:s14], $0x500  }
0x80: {  	s16 =	simm.s32 @!p0 $0x1  }
0x81: {  	_ =	swait.ge @!p0 [sflag:s16], $0x500  }
0x82: {  	[sflag:s16] =	ssyncset.done @!p0 $0x0  }
0x83: {  	[sflag:s16] =	ssyncadd.s32 @!p0 $0xFFFFFB00  }
0x84: {  	s17 =	simm.s32 $0x3C0;
	s16 =	simm.s32 $0x70;
	[bflag:$0x0] =	sbarrier.arrive $0xFFFF  }
.LBB2_10:
0x85: {  	p1 =	sne.s32 s17, $0x9FC0;
	[tilespmem:s16+$0x0] =	vst v5  }
0x86: {  	[tilespmem:s16+$0xFFFFFF90] =	vst v5  }
0x87: {  	[tilespmem:s16+$0xFFFFFFA0] =	vst v5  }
.Ltmp4:
0x88: {  	[tilespmem:s16+$0xFFFFFFB0] =	vst v5;
	(pc) =	sbr.rel @p1 .LBB2_10-.Ltmp4, $4  }
0x89: {  	[tilespmem:s16+$0xFFFFFFC0] =	vst v5  }
0x8a: {  	[tilespmem:s16+$0xFFFFFFD0] =	vst v5  }
0x8b: {  	[tilespmem:s16+$0xFFFFFFE0] =	vst v5  }
0x8c: {  	[tilespmem:s16+$0xFFFFFFF0] =	vst v5;
	s16 =	sshra.s32 s17, $0x2;
	s17 =	sadd.s32 $0x200, s17  }
0x8d: {  	[tilespmem:s16+$0x0] =	vst v5  }
0x8e: {  	[tilespmem:s16+$0xFFFFFF90] =	vst v5  }
0x8f: {  	[tilespmem:s16+$0xFFFFFFA0] =	vst v5  }
0x90: {  	[tilespmem:s16+$0xFFFFFFB0] =	vst v5  }
0x91: {  	[tilespmem:s16+$0xFFFFFFC0] =	vst v5  }
0x92: {  	[tilespmem:s16+$0xFFFFFFD0] =	vst v5  }
0x93: {  	[tilespmem:s16+$0xFFFFFFE0] =	vst v5  }
0x94: {  	[tilespmem:s16+$0xFFFFFFF0] =	vst v5;
	s16 =	simm.s32 @!p0 $0x0  }
0x95: {  	[spmem:s1] =	stream.linear.scatter @!p0 [tilespmem:s16], [sflag:$0x1], $0x2800, $0x38;
	[tilespmem:$0x5300] =	vst v63  }
0x96: {  	s16 =	simm.s32 @!p0 $0x1  }
0x97: {  	_ =	swait.ge @!p0 [sflag:s16], $0x2800  }
0x98: {  	[sflag:s16] =	ssyncset.done @!p0 $0x0  }
0x99: {  	[sflag:s16] =	ssyncadd.s32 @!p0 $0xFFFFD800  }
0x9a: {  	[bflag:$0x0] =	sbarrier.arrive $0xFFFF  }
0x9b: {  	[tilespmem:s10], [sflag:$0x1] =	stream.linear.gather [hbm4b:s7+s2], $0x2800, $0x38;
	[tilespmem:$0x5300] =	vst v63  }
0x9c: {  	_ =	swait.ge [sflag:s11], $0x2800  }
0x9d: {  	[sflag:s11] =	ssyncset.done $0x0  }
0x9e: {  	s16 =	simm.s32 $0x1C0;
	[sflag:s11] =	ssyncadd.s32 $0xFFFFD800  }
.LBB2_12:
0x9f: {  	s17 =	sshra.s32 s16, $0x2  }
0xa0: {  	v7 =	vld [tilespmem:s17+$0x2790];
	_ =	sdelay $0x7  }
0xa1: {  	[tilespmem:v7+s2+$0x0] =	vst.idx.add.s32.msk $0xffff, v6  }
0xa2: {  	v7 =	vld [tilespmem:s17+$0x27A0];
	_ =	sdelay $0x7  }
0xa3: {  	[tilespmem:v7+s2+$0x0] =	vst.idx.add.s32.msk $0xffff, v6  }
0xa4: {  	v7 =	vld [tilespmem:s17+$0x27B0];
	_ =	sdelay $0x7  }
0xa5: {  	[tilespmem:v7+s2+$0x0] =	vst.idx.add.s32.msk $0xffff, v6  }
0xa6: {  	v7 =	vld [tilespmem:s17+$0x27C0];
	_ =	sdelay $0x7  }
0xa7: {  	[tilespmem:v7+s2+$0x0] =	vst.idx.add.s32.msk $0xffff, v6  }
0xa8: {  	v7 =	vld [tilespmem:s17+$0x27D0];
	_ =	sdelay $0x7  }
0xa9: {  	[tilespmem:v7+s2+$0x0] =	vst.idx.add.s32.msk $0xffff, v6  }
0xaa: {  	v7 =	vld [tilespmem:s17+$0x27E0];
	_ =	sdelay $0x7  }
0xab: {  	[tilespmem:v7+s2+$0x0] =	vst.idx.add.s32.msk $0xffff, v6  }
0xac: {  	v7 =	vld [tilespmem:s17+$0x27F0];
	_ =	sdelay $0x7  }
0xad: {  	[tilespmem:v7+s2+$0x0] =	vst.idx.add.s32.msk $0xffff, v6  }
0xae: {  	v7 =	vld [tilespmem:s17+$0x2800];
	_ =	sdelay $0x2  }
0xaf: {  	p1 =	sne.s32 s16, $0x9FC0  }
.Ltmp5:
0xb0: {  	_ = 	snop;
	(pc) =	sbr.rel @p1 .LBB2_12-.Ltmp5, $2  }
0xb1: {  	_ =	sdelay $0x2  }
0xb2: {  	s16 =	sadd.s32 $0x200, s16;
	[tilespmem:v7+s2+$0x0] =	vst.idx.add.s32.msk $0xffff, v6  }
0xb3: {  	[spmem:s1] =	stream.indirect.scatter.add.s32 [tilespmem:s2], [sflag:$0x1], $0x80, s13, s12, $0xb8;
	[tilespmem:$0x5300] =	vst v63  }
0xb4: {  	_ =	swait.ge [sflag:s11], $0x2800  }
0xb5: {  	[sflag:s11] =	ssyncset.done $0x0  }
0xb6: {  	[sflag:s11] =	ssyncadd.s32 $0xFFFFD800  }
0xb7: {  	s16 =	simm.s32 @!p0 $0x1C01;
	s15 =	sadd.s32 $0x1, s15;
	[bflag:$0x0] =	sbarrier.arrive $0xFFFF  }
0xb8: {  	[hbm:s8], [sflag:s16] =	dma.local @!p0 [spmem:s14], $0x500  }
0xb9: {  	p1 =	sne.s32 s15, s9;
	s16 =	simm.s32 @!p0 $0x1  }
.Ltmp6:
0xba: {  	_ =	swait.ge @!p0 [sflag:s16], $0x500;
	(pc) =	sbr.rel @p1 .LBB2_1-.Ltmp6, $3  }
0xbb: {  	[sflag:s16] =	ssyncset.done @!p0 $0x0  }
0xbc: {  	[sflag:s16] =	ssyncadd.s32 @!p0 $0xFFFFFB00  }
0xbd: {  	[bflag:$0x0] =	sbarrier.arrive $0xFFFF;
	_ =	sdelay $0x1  }
0xbe: {  	_ =	sfence.sel $0x180000  }
0xbf: {  	[bflag:$0x0] =	sbarrier.arrive $0xFFFF  }
0xc0: {  	_ =	strace $0x90000047  }
0xc1: {  	s0 =	sadd.s32 @!p0 $0x100000, s0;
	[bflag:$0x2] =	sbarrier.arrive $0xFFFF  }
0xc2: {  	[sflag:s0] =	ssyncadd.tile.s32 @!p0 $0x1;
	_ =	shalt  }
.Lfunc_end2:
_tile_overlayer_lowered:
.L_overlay_start_2:
0xc3: {  	(tag) =	ssettag $0x2  }
0xc4: {  	s0 =	rddreg [dreg:$0x0];
	s2 =	stileid.u32  }
0xc5: {  	s1 =	rddreg [dreg:$0x1];
	p0 =	sne.s32 s2, $0x0  }
0xc6: {  	s3 =	rddreg [dreg:$0x2];
	[bflag:$0x3] =	sbarrier.arrive $0xFFFF;
	s2 =	simm.s32 @!p0 $0x1C01  }
0xc7: {  	[timem:s3], [sflag:s2] =	dma.local @!p0 [hbm:s0], s1  }
0xc8: {  	s0 =	simm.s32 @!p0 $0x1  }
0xc9: {  	_ =	swait.ge @!p0 [sflag:s0], s1  }
0xca: {  	s1 =	ssub.s32 @!p0 $0x0, s1;
	[sflag:s0] =	ssyncset.done @!p0 $0x0  }
0xcb: {  	[sflag:s0] =	ssyncadd.s32 @!p0 s1  }
0xcc: {  	[bflag:$0x3] =	sbarrier.arrive $0xFFFF  }
0xcd: {  	_ =	shalt  }

// kernel: kernel.9.cloned.1.call-start
scs
__scs_entry_jumppad:
0x0: {  	(pc) =	sbr.rel $0x88, $3  }
0x1: {  	(tag) =	ssettag $0x0;
	lr =	simm.s32 $0x1  }
0x2: {  	[smem:$0x3F8B] =	sst lr;
	_ =	strace $0xD0000000  }
0x3: {  	_ = 	snop  }
0x4: {  	_ = 	snop  }
0x5: {  	_ = 	snop  }
0x6: {  	_ = 	snop  }
0x7: {  	_ = 	snop  }
__scs_overlays_trampoline_lowered:
0x8: {  	[smem:$0x3F9A] =	sst s0  }
0x9: {  	[smem:$0x3F9B] =	sst s1  }
0xa: {  	[smem:$0x3F9C] =	sst s2  }
0xb: {  	[smem:$0x3F9D] =	sst s3  }
0xc: {  	[smem:$0x3F9E] =	sst s4  }
0xd: {  	[smem:$0x3F9F] =	sst s5  }
0xe: {  	[smem:$0x3FA0] =	sst s6  }
0xf: {  	[smem:$0x3FA1] =	sst s7  }
0x10: {  	[smem:$0x3FA2] =	sst s8  }
0x11: {  	[smem:$0x3FA3] =	sst s9;
	s0 =	simm.s32 @!p0 $0x0  }
0x12: {  	s1 =	sld [smem:$0x3F89];
	s0 =	simm.s32 @p0 $0x1  }
0x13: {  	[smem:$0x3FA4] =	sst s0;
	s0 =	simm.s32 @!p1 $0x0  }
0x14: {  	s2 =	sld [smem:$0x3F88];
	s0 =	simm.s32 @p1 $0x1  }
0x15: {  	[smem:$0x3FA5] =	sst s0;
	s0 =	simm.s32 @!p2 $0x0  }
0x16: {  	s3 =	sld [smem:$0x3FDB];
	s0 =	simm.s32 @p2 $0x1  }
0x17: {  	s4 =	simm.s32 $0x1BF5;
	[smem:$0x3FA7] =	sst s0  }
0x18: {  	s0 =	sld [smem:$0x3F8A];
	_ =	swait.ge [sflag:s4], $0x0  }
0x19: {  	s7 =	sld [smem:$0x3F8B]  }
0x1a: {  	s8 =	sadd.s32 $0xFFFFE003, lr  }
0x1b: {  	s9 =	sadd.s32 $0xFFFFFEF7, lr;
	s5 =	simm.s32 $0xFFFFFFFF;
	p2 =	slt.u32 s8, $0xFFFFF086  }
0x1c: {  	p1 =	slt.u32 s9, $0xF7A;
	s5 =	simm.s32 @!p2 $0x0  }
0x1d: {  	s5 =	simm.s32 @p1 $0x1;
	p0 =	seq.s32 s7, s2  }
0x1e: {  	s7 =	smul.u32 @!p0 $0xF7A, s2;
	p2 =	seq.s32 @!p0 s5, $0x0  }
0x1f: {  	s9 =	smul.u32 $0xF7A, s1;
	s8 =	simm.s32 @!p0 $0x1BF5;
	p2 =	por !p2, p0  }
0x20: {  	[sflag:s8] =	ssyncset.s32 @!p0 $0xFFFFF086;
	s6 =	sadd.s32 @!p0 s3, s7;
	s7 =	simm.s32 @!p0 $0x108  }
0x21: {  	s3 =	sadd.s32 s3, s9;
	s6 =	sadd.s32 @!p0 $0x88, s6;
	s7 =	simm.s32 @p2 $0x1082  }
0x22: {  	[simem:s7], [sflag:s8] =	dma.local @!p0 [hbm:s6], $0xF7A  }
0x23: {  	s9 =	sor.u32 $0xD0000000, s2;
	s6 =	simm.s32 $0x108;
	_ =	swait.ge @!p0 [sflag:s8], $0x0  }
0x24: {  	s3 =	sadd.s32 $0x88, s3;
	s6 =	simm.s32 @!p1 $0x1082;
	[sflag:s4] =	ssyncset.s32 $0xFFFFF086  }
0x25: {  	[simem:s6], [sflag:s4] =	dma.local [hbm:s3], $0xF7A  }
0x26: {  	[smem:$0x3F8B] =	sst s1;
	(tag) =	ssettag s2;
	_ =	strace s9  }
0x27: {  	s1 =	sld [smem:$0x3F9B]  }
0x28: {  	s2 =	sld [smem:$0x3F9C]  }
0x29: {  	s4 =	sld [smem:$0x3F9E]  }
0x2a: {  	p0 =	seq.s32 s5, $0x0;
	s5 =	sld [smem:$0x3F9F]  }
0x2b: {  	s6 =	sld [smem:$0x3FA0]  }
0x2c: {  	s7 =	sld [smem:$0x3FA1]  }
0x2d: {  	s3 =	simm.s32 $0x108;
	s8 =	sld [smem:$0x3FA2]  }
0x2e: {  	s3 =	simm.s32 @!p0 $0x1082;
	s9 =	sld [smem:$0x3FA3]  }
0x2f: {  	lr =	sadd.s32 s0, s3;
	s0 =	sld [smem:$0x3F9A]  }
0x30: {  	s3 =	sld [smem:$0x3F9D]  }
0x31: {  	[smem:$0x3FA6] =	sst s10  }
0x32: {  	s10 =	sld [smem:$0x3FA4];
	_ =	sdelay $0x3  }
0x33: {  	p0 =	seq.s32 s10, $0x1;
	s10 =	sld [smem:$0x3FA6];
	_ =	sdelay $0x3  }
0x34: {  	[smem:$0x3FA6] =	sst s10  }
0x35: {  	s10 =	sld [smem:$0x3FA5];
	_ =	sdelay $0x3  }
0x36: {  	p1 =	seq.s32 s10, $0x1;
	s10 =	sld [smem:$0x3FA6];
	_ =	sdelay $0x3  }
0x37: {  	[smem:$0x3FA6] =	sst s10  }
0x38: {  	s10 =	sld [smem:$0x3FA7]  }
0x39: {  	_ = 	snop;
	(pc) =	sbr.ind lr, $3  }
0x3a: {  	_ = 	snop  }
0x3b: {  	_ = 	snop  }
0x3c: {  	p2 =	seq.s32 s10, $0x1;
	s10 =	sld [smem:$0x3FA6]  }
0x3d: {  	_ =	shalt  }
0x3e: {  	_ =	shalt  }
0x3f: {  	_ =	shalt  }
0x40: {  	_ =	shalt  }
0x41: {  	_ =	shalt  }
0x42: {  	_ =	shalt  }
0x43: {  	_ =	shalt  }
0x44: {  	_ =	shalt  }
0x45: {  	_ =	shalt  }
0x46: {  	_ =	shalt  }
0x47: {  	_ =	shalt  }
0x48: {  	_ =	shalt  }
0x49: {  	_ =	shalt  }
0x4a: {  	_ =	shalt  }
0x4b: {  	_ =	shalt  }
0x4c: {  	_ =	shalt  }
0x4d: {  	_ =	shalt  }
0x4e: {  	_ =	shalt  }
0x4f: {  	_ =	shalt  }
0x50: {  	_ =	shalt  }
0x51: {  	_ =	shalt  }
0x52: {  	_ =	shalt  }
0x53: {  	_ =	shalt  }
0x54: {  	_ =	shalt  }
0x55: {  	_ =	shalt  }
0x56: {  	_ =	shalt  }
0x57: {  	_ =	shalt  }
0x58: {  	_ =	shalt  }
0x59: {  	_ =	shalt  }
0x5a: {  	_ =	shalt  }
0x5b: {  	_ =	shalt  }
0x5c: {  	_ =	shalt  }
0x5d: {  	_ =	shalt  }
0x5e: {  	_ =	shalt  }
0x5f: {  	_ =	shalt  }
0x60: {  	_ =	shalt  }
0x61: {  	_ =	shalt  }
0x62: {  	_ =	shalt  }
0x63: {  	_ =	shalt  }
0x64: {  	_ =	shalt  }
0x65: {  	_ =	shalt  }
0x66: {  	_ =	shalt  }
0x67: {  	_ =	shalt  }
0x68: {  	_ =	shalt  }
0x69: {  	_ =	shalt  }
0x6a: {  	_ =	shalt  }
0x6b: {  	_ =	shalt  }
0x6c: {  	_ =	shalt  }
0x6d: {  	_ =	shalt  }
0x6e: {  	_ =	shalt  }
0x6f: {  	_ =	shalt  }
0x70: {  	_ =	shalt  }
0x71: {  	_ =	shalt  }
0x72: {  	_ =	shalt  }
0x73: {  	_ =	shalt  }
0x74: {  	_ =	shalt  }
0x75: {  	_ =	shalt  }
0x76: {  	_ =	shalt  }
0x77: {  	_ =	shalt  }
0x78: {  	_ =	shalt  }
0x79: {  	_ =	shalt  }
0x7a: {  	_ =	shalt  }
0x7b: {  	_ =	shalt  }
0x7c: {  	_ =	shalt  }
0x7d: {  	_ =	shalt  }
0x7e: {  	_ =	shalt  }
0x7f: {  	_ =	shalt  }
0x80: {  	_ =	shalt  }
0x81: {  	_ =	shalt  }
0x82: {  	_ =	shalt  }
0x83: {  	_ =	shalt  }
0x84: {  	_ =	shalt  }
0x85: {  	_ =	shalt  }
0x86: {  	_ =	shalt  }
0x87: {  	_ =	shalt  }
.Lfunc_end0:
.L_simem_size_0:
called_computation.1_lowered:
.L_overlay_start_0:
0x88: {  	s2 =	sld [smem:$0x3FD9]  }
0x89: {  	s3 =	sld [smem:$0x3FFE];
	_ =	sdelay $0x1  }
0x8a: {  	s1 =	srdreg.scid  }
0x8b: {  	s0 =	sand.u32 $0x1, s1  }
0x8c: {  	s16 =	sshll.u32 s0, $0xA;
	s2 =	sadd.s32 s3, s2  }
0x8d: {  	s2 =	sadd.s32 s2, s16  }
0x8e: {  	[smem:$0x3FB2] =	sst s2  }
0x8f: {  	_ = 	snop  }
0x90: {  	(tm) =	ssettm $0x1  }
0x91: {  	s17 =	sld [smem:$0x3FFB];
	_ =	sdelay $0x3  }
0x92: {  	_ =	strace s17  }
0x93: {  	s2 =	sld [smem:$0x3FFC];
	_ =	sdelay $0x3  }
0x94: {  	_ =	strace s2  }
0x95: {  	s2 =	sld [smem:$0x3FFD];
	_ =	sdelay $0x3  }
0x96: {  	_ =	strace s2  }
0x97: {  	_ =	strace $0x8FFFFFFF  }
0x98: {  	s18 =	sld [smem:$0x3FDB];
	_ =	sdelay $0x1  }
0x99: {  	s19 =	simm.s32 $_scs_section_size  }
0x9a: {  	s4 =	simm.s32 $_size__tile_overlayer_lowered;
	s5 =	simm.s32 $_tile_overlayer_lowered  }
0x9b: {  	s22 =	simm.s32 $0x1BFF;
	s21 =	sshll.u32 s5, $0x1;
	s2 =	sadd.s32 s19, s18  }
0x9c: {  	s6 =	simm.s32 $0x0;
	s20 =	sshll.u32 s4, $0x1;
	s4 =	sadd.s32 s21, s2  }
0x9d: {  	[timem:s6], [sflag:s22] =	dma.local [hbm:s4], s20  }
0x9e: {  	_ =	swait.ge [sflag:s22], s20  }
0x9f: {  	s3 =	ssub.s32 $0x0, s20;
	[sflag:s22] =	ssyncset.done $0x0  }
0xa0: {  	[sflag:s22] =	ssyncadd.s32 s3;
	_ =	sdelay $0x1  }
0xa1: {  	s23 =	simm.s32 $0x1B8B  }
0xa2: {  	_ =	swait.ge [sflag:s23], $0x1  }
0xa3: {  	[sflag:s23] =	ssyncset.done $0x0  }
0xa4: {  	s25 =	simm.s32 $0x1B8E;
	s24 =	sld [smem:$0x3FFE];
	[sflag:s23] =	ssyncadd.s32 $0xFFFFFFFF  }
0xa5: {  	s26 =	simm.s32 $execute0_lowered;
	[smem:$0x3FD2] =	sst s25  }
0xa6: {  	s4 =	sshll.u32 s26, $0x1;
	_ =	strace $0x80000049;
	[dreg:$0x1] =	wrdreg $0xFFFFFFFF  }
0xa7: {  	s28 =	simm.s32 $_size_execute0_lowered;
	s2 =	sadd.s32 s2, s4;
	[dreg:$0x0] =	wrdreg $0x0  }
0xa8: {  	s4 =	sshll.u32 s28, $0x1;
	[dreg:$0x2] =	wrdreg s2  }
0xa9: {  	[dreg:$0x3] =	wrdreg s4  }
0xaa: {  	[dreg:$0x4] =	wrdreg $0xC0  }
0xab: {  	_ =	task [dreg:s6], $0x5FFFF  }
0xac: {  	[dreg:$0x1] =	wrdreg $0xFFFFFFFF  }
0xad: {  	[dreg:$0x0] =	wrdreg $0x60  }
0xae: {  	[dreg:$0x2] =	wrdreg s24  }
0xaf: {  	[dreg:$0x3] =	wrdreg $0x100000  }
0xb0: {  	[dreg:$0x4] =	wrdreg $0x60000  }
0xb1: {  	[dreg:$0x5] =	wrdreg $0x9  }
0xb2: {  	_ =	task.clear_ibuf [dreg:s6], $0x6FFFF;
	_ =	strace $0x90000049  }
0xb3: {  	s29 =	simm.s32 $0x9;
	_ =	strace $0x8000004B  }
0xb4: {  	_ =	swait.ge [sflag:s29], $0x1  }
0xb5: {  	[sflag:s29] =	ssyncadd.s32 $0xFFFFFFFF  }
0xb6: {  	_ =	strace $0x9000004B  }
0xb7: {  	_ =	sfence  }
0xb8: {  	s30 =	sld [smem:$0x0];
	_ =	sdelay $0x2  }
0xb9: {  	s31 =	sshll.u32 s1, $0xD;
	s1 =	sshrl.u32 s1, $0x2  }
0xba: {  	s3 =	sand.u32 $0x4000, s31;
	s1 =	sadd.s32 s1, s30  }
0xbb: {  	s0 =	sor.u32 s3, s0;
	s1 =	sshll.u32 s1, $0x11  }
0xbc: {  	s0 =	sor.u32 s1, s0  }
0xbd: {  	s0 =	sadd.s32 $0x8F2B, s0  }
0xbe: {  	[sflag:s0] =	ssyncadd.remote.s32 $0x1  }
0xbf: {  	_ =	sfence.sel $0xFFFF  }
0xc0: {  	[dreg:$0x0] =	wrdreg $0xFFFFFFFF;
	(pc) =	sbr.abs _section_cstart, $3  }
0xc1: {  	[dreg:$0x1] =	wrdreg $0xFFFFFFFF  }
0xc2: {  	_ =	task.clear_ibuf [dreg:s6], $0x2FFFF;
	_ =	strace $0x9FFFFFFF  }
0xc3: {  	(tm) =	ssettm $0x7FFFFFFF  }
tec
execute0_lowered:
.L_overlay_start_1:
0x0: {  	(tag) =	ssettag $0x1  }
0x1: {  	s0 =	rddreg [dreg:$0x0]  }
0x2: {  	s1 =	rddreg [dreg:$0x1]  }
0x3: {  	s2 =	rddreg [dreg:$0x2]  }
0x4: {  	s3 =	simm.s32 $0x0;
	s6 =	srdreg.scid;
	s4 =	stileid.u32  }
0x5: {  	[smem:$0x7FF] =	sst s3;
	s5 =	sadd.s32 $0x5F200, s0;
	s20 =	smul.u32 $0x28000, s4  }
0x6: {  	s8 =	sadd.s32 $0x14F200, s0;
	s11 =	sadd.s32 $0x41200, s0;
	s12 =	smul.u32 $0xA000, s4  }
0x7: {  	s13 =	sand.u32 $0x1, s6;
	s15 =	sadd.s32 $0x18B200, s0;
	s10 =	smul.u32 $0xA00, s4  }
0x8: {  	s14 =	sadd.s32 $0x23200, s0;
	s18 =	smul.u32 $0x5000, s4;
	_ =	strace $0x8000004A  }
0x9: {  	s7 =	ssub.s32 $0x2, s13;
	p0 =	seq.s32 s13, $0x0;
	s13 =	simm.s32 $0x80  }
0xa: {  	s9 =	sshrl.u32 s7, $0x1;
	s6 =	sshrl.u32 s20, $0x2;
	s17 =	sshrl.u32 s12, $0x3  }
0xb: {  	s18 =	sshrl.u32 s18, $0x3;
	s16 =	ssub.s32 s7, s9;
	s6 =	sadd.s32 s6, s1  }
0xc: {  	s7 =	sadd.s32 s12, s2;
	s21 =	sadd.s32 s8, s17;
	s19 =	sadd.s32 $0x14000, s17  }
0xd: {  	s9 =	sadd.s32 s11, s10;
	[dreg:$0x4] =	wrdreg s21;
	s20 =	sadd.s32 s15, s19  }
0xe: {  	s22 =	sadd.s32 $0xA000, s18;
	s19 =	sadd.s32 s8, s19;
	[dreg:$0x5] =	wrdreg s20  }
0xf: {  	s10 =	sadd.s32 s14, s10;
	s23 =	sadd.s32 s11, s22;
	[dreg:$0x7] =	wrdreg s19  }
0x10: {  	s25 =	sadd.s32 $0x14000, s18;
	s24 =	sadd.s32 s14, s22;
	[dreg:$0x8] =	wrdreg s23  }
0x11: {  	s12 =	sadd.s32 s12, s1;
	s11 =	sadd.s32 s11, s25;
	[dreg:$0x9] =	wrdreg s24  }
0x12: {  	s21 =	sadd.s32 s15, s17;
	s18 =	smax.u32 s16, $0x1;
	[dreg:$0xd] =	wrdreg s11  }
0x13: {  	s17 =	sadd.s32 $0x28000, s17;
	s22 =	sadd.s32 $0x73200, s0;
	[dreg:$0x10] =	wrdreg s18  }
0x14: {  	s28 =	sadd.s32 $0x2000, s6;
	s15 =	sadd.s32 s15, s17;
	[dreg:$0x6] =	wrdreg s21  }
0x15: {  	s29 =	sadd.s32 $0x4000, s6;
	s8 =	sadd.s32 s8, s17;
	[dreg:$0xa] =	wrdreg s15  }
0x16: {  	s30 =	sadd.s32 $0x6000, s6;
	s26 =	sadd.s32 $0x3C000, s21;
	[dreg:$0xb] =	wrdreg s8  }
0x17: {  	s31 =	sadd.s32 $0x8000, s6;
	s17 =	sadd.s32 $0x64000, s21;
	[dreg:$0xc] =	wrdreg s26  }
0x18: {  	s16 =	simm.s32 $0x1;
	s19 =	sadd.s32 $0x50000, s21;
	[dreg:$0xf] =	wrdreg s17  }
0x19: {  	s24 =	sadd.s32 $0x87200, s0;
	s20 =	sadd.s32 $0x100, s10;
	[dreg:$0x11] =	wrdreg s19  }
0x1a: {  	s21 =	sadd.s32 $0x100, s9;
	s23 =	sadd.s32 $0xA100, s10;
	[dreg:$0x12] =	wrdreg s20  }
.Ltmp0:
0x1b: {  	s18 =	sadd.s32 $0x14100, s9;
	[dreg:$0x13] =	wrdreg s21;
	(pc) =	sbr.rel .LBB2_1-.Ltmp0, $4  }
0x1c: {  	s15 =	sadd.s32 s14, s25;
	[dreg:$0x14] =	wrdreg s23;
	s25 =	sadd.s32 $0xA100, s9  }
0x1d: {  	s26 =	sadd.s32 $0x14100, s10;
	s19 =	simm.s32 $0x2000;
	[dreg:$0xe] =	wrdreg s15  }
0x1e: {  	s23 =	simm.s32 $0x4;
	s20 =	simm.s32 $0x2;
	[dreg:$0x15] =	wrdreg s25  }
0x1f: {  	v0 =	vimm.f32 $0.0e+00;
	[dreg:$0x16] =	wrdreg s26;
	s26 =	simm.s32 $0x1000;
	s15 =	simm.s32 $0x4000  }
.LBB2_28:
0x20: {  	_ =	swait.ge [sflag:s23], $0x1400  }
0x21: {  	s3 =	sadd.s32 $0x1, s3;
	s0 =	rddreg [dreg:$0x10]  }
0x22: {  	p1 =	sne.s32 s3, s0  }
.Ltmp1:
0x23: {  	_ = 	snop;
	(pc) =	sbr.rel @!p1 .LBB2_29-.Ltmp1, $3  }
0x24: {  	[sflag:s23] =	ssyncset.done $0x0  }
0x25: {  	[sflag:s23] =	ssyncadd.s32 $0xFFFFEC00  }
0x26: {  	[bflag:$0x0] =	sbarrier.arrive $0xFFFF;
	_ =	sdelay $0x1  }
.LBB2_1:
0x27: {  	s8 =	simm.s32 $0x100;
	s0 =	simm.s32 $0x0  }
.LBB2_2:
0x28: {  	p1 =	sne.s32 s8, $0x7F00;
	[tilespmem:s0+$0x2030] =	vst v0;
	s11 =	smov.u32 s8;
	s8 =	sadd.s32 $0x100, s8  }
.Ltmp2:
0x29: {  	[tilespmem:s0+$0x2020] =	vst v0;
	(pc) =	sbr.rel @p1 .LBB2_2-.Ltmp2, $3  }
0x2a: {  	[tilespmem:s0+$0x2000] =	vst v0  }
0x2b: {  	[tilespmem:s0+$0x2010] =	vst v0;
	_ =	sdelay $0x1  }
0x2c: {  	s0 =	sshra.s32 s11, $0x2  }
0x2d: {  	[tilespmem:s0+$0x2030] =	vst v0  }
0x2e: {  	[tilespmem:s0+$0x2020] =	vst v0  }
0x2f: {  	[tilespmem:s0+$0x2000] =	vst v0  }
0x30: {  	[tilespmem:s0+$0x2010] =	vst v0  }
0x31: {  	[spmem:s6] =	stream.linear.scatter [tilespmem:s19], [sflag:$0x4], $0x2000, $0x38;
	[tilespmem:$0x1A000] =	vst v63  }
0x32: {  	_ =	swait.ge [sflag:s23], $0x2000  }
0x33: {  	[sflag:s23] =	ssyncset.done $0x0  }
0x34: {  	[sflag:s23] =	ssyncadd.s32 $0xFFFFE000  }
0x35: {  	[spmem:s28] =	stream.linear.scatter [tilespmem:s19], [sflag:$0x4], $0x2000, $0x38;
	[tilespmem:$0x1A000] =	vst v63  }
0x36: {  	_ =	swait.ge [sflag:s23], $0x2000  }
0x37: {  	[sflag:s23] =	ssyncset.done $0x0  }
0x38: {  	[sflag:s23] =	ssyncadd.s32 $0xFFFFE000  }
0x39: {  	[spmem:s29] =	stream.linear.scatter [tilespmem:s19], [sflag:$0x4], $0x2000, $0x38;
	[tilespmem:$0x1A000] =	vst v63  }
0x3a: {  	_ =	swait.ge [sflag:s23], $0x2000  }
0x3b: {  	[sflag:s23] =	ssyncset.done $0x0  }
0x3c: {  	[sflag:s23] =	ssyncadd.s32 $0xFFFFE000  }
0x3d: {  	[spmem:s30] =	stream.linear.scatter [tilespmem:s19], [sflag:$0x4], $0x2000, $0x38;
	[tilespmem:$0x1A000] =	vst v63  }
0x3e: {  	_ =	swait.ge [sflag:s23], $0x2000  }
0x3f: {  	[sflag:s23] =	ssyncset.done $0x0  }
0x40: {  	[sflag:s23] =	ssyncadd.s32 $0xFFFFE000  }
0x41: {  	[spmem:s31] =	stream.linear.scatter [tilespmem:s19], [sflag:$0x4], $0x2000, $0x38;
	[tilespmem:$0x1A000] =	vst v63  }
.Ltmp3:
0x42: {  	_ =	swait.ge [sflag:s23], $0x2000;
	(pc) =	sbr.rel @!p0 .LBB2_4-.Ltmp3, $3  }
0x43: {  	[sflag:s23] =	ssyncset.done $0x0  }
0x44: {  	[sflag:s23] =	ssyncadd.s32 $0xFFFFE000  }
0x45: {  	[bflag:$0x0] =	sbarrier.arrive $0xFFFF;
	_ =	sdelay $0x1  }
0x46: {  	[bflag:$0x0] =	sbarrier.arrive $0xFFFF;
	s21 =	simm.s32 $0x0  }
0x47: {  	[tilespmem:s21], [sflag:$0x4] =	stream.linear.gather [hbm4b:s9+s21], $0x800, $0x38;
	[tilespmem:$0x1A000] =	vst v63  }
0x48: {  	_ =	swait.ge [sflag:s23], $0x800  }
0x49: {  	[sflag:s23] =	ssyncset.done $0x0  }
0x4a: {  	[sflag:s23] =	ssyncadd.s32 $0xFFFFF800  }
0x4b: {  	[tilespmem:s26], [sflag:$0x4] =	stream.linear.gather [hbm4b:s10+s21], $0x800, $0x38;
	[tilespmem:$0x1A000] =	vst v63  }
0x4c: {  	_ =	swait.ge [sflag:s23], $0x800  }
0x4d: {  	[sflag:s23] =	ssyncset.done $0x0;
	s8 =	rddreg [dreg:$0x13]  }
0x4e: {  	s0 =	rddreg [dreg:$0x12];
	[sflag:s23] =	ssyncadd.s32 $0xFFFFF800  }
.LBB2_8:
0x4f: {  	p1 =	seq.s32 s21, $0x4800  }
0x50: {  	s25 =	sand.u32 @!p1 $0x800, s21  }
0x51: {  	s14 =	simm.s32 @!p1 $0x0;
	s11 =	sxor.u32 @!p1 $0x800, s25  }
0x52: {  	[tilespmem:s11], [sflag:$0x3] =	stream.linear.gather @!p1 [hbm4b:s8+s14], $0x800, $0x38;
	[tilespmem:$0x1A000] =	vst v63  }
0x53: {  	s11 =	sor.u32 @!p1 $0x1000, s11  }
0x54: {  	[tilespmem:s11], [sflag:$0x3] =	stream.linear.gather @!p1 [hbm4b:s0+s14], $0x800, $0x38;
	[tilespmem:$0x1A000] =	vst v63  }
0x55: {  	s25 =	simm.s32 @p1 $0x800  }
0x56: {  	[tilespmem:s19], [sflag:$0x1] =	stream.indirect.gather [hbm4b:s5+s13], $0x40, s25, s13, $0xb8;
	[tilespmem:$0x1A000] =	vst v63  }
0x57: {  	s14 =	sor.u32 $0x80, s25  }
0x58: {  	[tilespmem:s15], [sflag:$0x2] =	stream.indirect.gather [hbm4b:s5+s13], $0x40, s14, s13, $0xb8;
	[tilespmem:$0x1A000] =	vst v63  }
0x59: {  	_ =	swait.ge [sflag:s16], $0x2000  }
0x5a: {  	[sflag:s16] =	ssyncset.done $0x0  }
0x5b: {  	s17 =	sor.u32 $0x1000, s25;
	[sflag:s16] =	ssyncadd.s32 $0xFFFFE000  }
0x5c: {  	[spmem:s1] =	stream.indirect.scatter.add.f32 [tilespmem:s19], [sflag:$0x4], $0x40, s17, s13, $0xb8;
	[tilespmem:$0x1A000] =	vst v63  }
0x5d: {  	_ =	swait.ge [sflag:s23], $0x2000  }
0x5e: {  	[sflag:s23] =	ssyncset.done $0x0  }
0x5f: {  	s14 =	sadd.s32 $0x100, s25;
	[sflag:s23] =	ssyncadd.s32 $0xFFFFE000  }
0x60: {  	[tilespmem:s19], [sflag:$0x1] =	stream.indirect.gather [hbm4b:s5+s13], $0x40, s14, s13, $0xb8;
	[tilespmem:$0x1A000] =	vst v63  }
0x61: {  	_ =	swait.ge [sflag:s20], $0x2000  }
0x62: {  	[sflag:s20] =	ssyncset.done $0x0  }
0x63: {  	s17 =	sor.u32 $0x1080, s25;
	[sflag:s20] =	ssyncadd.s32 $0xFFFFE000  }
0x64: {  	[spmem:s1] =	stream.indirect.scatter.add.f32 [tilespmem:s15], [sflag:$0x4], $0x40, s17, s13, $0xb8;
	[tilespmem:$0x1A000] =	vst v63  }
0x65: {  	_ =	swait.ge [sflag:s23], $0x2000  }
0x66: {  	[sflag:s23] =	ssyncset.done $0x0  }
0x67: {  	s14 =	sor.u32 $0x180, s25;
	[sflag:s23] =	ssyncadd.s32 $0xFFFFE000  }
0x68: {  	[tilespmem:s15], [sflag:$0x2] =	stream.indirect.gather [hbm4b:s5+s13], $0x40, s14, s13, $0xb8;
	[tilespmem:$0x1A000] =	vst v63  }
0x69: {  	_ =	swait.ge [sflag:s16], $0x2000  }
0x6a: {  	[sflag:s16] =	ssyncset.done $0x0  }
0x6b: {  	s17 =	sadd.s32 $0x1100, s25;
	[sflag:s16] =	ssyncadd.s32 $0xFFFFE000  }
0x6c: {  	[spmem:s1] =	stream.indirect.scatter.add.f32 [tilespmem:s19], [sflag:$0x4], $0x40, s17, s13, $0xb8;
	[tilespmem:$0x1A000] =	vst v63  }
0x6d: {  	_ =	swait.ge [sflag:s23], $0x2000  }
0x6e: {  	[sflag:s23] =	ssyncset.done $0x0  }
0x6f: {  	s14 =	sadd.s32 $0x200, s25;
	[sflag:s23] =	ssyncadd.s32 $0xFFFFE000  }
0x70: {  	[tilespmem:s19], [sflag:$0x1] =	stream.indirect.gather [hbm4b:s5+s13], $0x40, s14, s13, $0xb8;
	[tilespmem:$0x1A000] =	vst v63  }
0x71: {  	_ =	swait.ge [sflag:s20], $0x2000  }
0x72: {  	[sflag:s20] =	ssyncset.done $0x0  }
0x73: {  	s17 =	sor.u32 $0x1180, s25;
	[sflag:s20] =	ssyncadd.s32 $0xFFFFE000  }
0x74: {  	[spmem:s1] =	stream.indirect.scatter.add.f32 [tilespmem:s15], [sflag:$0x4], $0x40, s17, s13, $0xb8;
	[tilespmem:$0x1A000] =	vst v63  }
0x75: {  	_ =	swait.ge [sflag:s23], $0x2000  }
0x76: {  	[sflag:s23] =	ssyncset.done $0x0  }
0x77: {  	s14 =	sor.u32 $0x280, s25;
	[sflag:s23] =	ssyncadd.s32 $0xFFFFE000  }
0x78: {  	[tilespmem:s15], [sflag:$0x2] =	stream.indirect.gather [hbm4b:s5+s13], $0x40, s14, s13, $0xb8;
	[tilespmem:$0x1A000] =	vst v63  }
0x79: {  	_ =	swait.ge [sflag:s16], $0x2000  }
0x7a: {  	[sflag:s16] =	ssyncset.done $0x0  }
0x7b: {  	s17 =	sadd.s32 $0x1200, s25;
	[sflag:s16] =	ssyncadd.s32 $0xFFFFE000  }
0x7c: {  	[spmem:s1] =	stream.indirect.scatter.add.f32 [tilespmem:s19], [sflag:$0x4], $0x40, s17, s13, $0xb8;
	[tilespmem:$0x1A000] =	vst v63  }
0x7d: {  	_ =	swait.ge [sflag:s23], $0x2000  }
0x7e: {  	[sflag:s23] =	ssyncset.done $0x0  }
0x7f: {  	s14 =	sadd.s32 $0x300, s25;
	[sflag:s23] =	ssyncadd.s32 $0xFFFFE000  }
0x80: {  	[tilespmem:s19], [sflag:$0x1] =	stream.indirect.gather [hbm4b:s5+s13], $0x40, s14, s13, $0xb8;
	[tilespmem:$0x1A000] =	vst v63  }
0x81: {  	_ =	swait.ge [sflag:s20], $0x2000  }
0x82: {  	[sflag:s20] =	ssyncset.done $0x0  }
0x83: {  	s17 =	sor.u32 $0x1280, s25;
	[sflag:s20] =	ssyncadd.s32 $0xFFFFE000  }
0x84: {  	[spmem:s1] =	stream.indirect.scatter.add.f32 [tilespmem:s15], [sflag:$0x4], $0x40, s17, s13, $0xb8;
	[tilespmem:$0x1A000] =	vst v63  }
0x85: {  	_ =	swait.ge [sflag:s23], $0x2000  }
0x86: {  	[sflag:s23] =	ssyncset.done $0x0  }
0x87: {  	s14 =	sor.u32 $0x380, s25;
	[sflag:s23] =	ssyncadd.s32 $0xFFFFE000  }
0x88: {  	[tilespmem:s15], [sflag:$0x2] =	stream.indirect.gather [hbm4b:s5+s13], $0x40, s14, s13, $0xb8;
	[tilespmem:$0x1A000] =	vst v63  }
0x89: {  	_ =	swait.ge [sflag:s16], $0x2000  }
0x8a: {  	[sflag:s16] =	ssyncset.done $0x0  }
0x8b: {  	s17 =	sadd.s32 $0x1300, s25;
	[sflag:s16] =	ssyncadd.s32 $0xFFFFE000  }
0x8c: {  	[spmem:s1] =	stream.indirect.scatter.add.f32 [tilespmem:s19], [sflag:$0x4], $0x40, s17, s13, $0xb8;
	[tilespmem:$0x1A000] =	vst v63  }
0x8d: {  	_ =	swait.ge [sflag:s23], $0x2000  }
0x8e: {  	[sflag:s23] =	ssyncset.done $0x0  }
0x8f: {  	s14 =	sadd.s32 $0x400, s25;
	[sflag:s23] =	ssyncadd.s32 $0xFFFFE000  }
0x90: {  	[tilespmem:s19], [sflag:$0x1] =	stream.indirect.gather [hbm4b:s5+s13], $0x40, s14, s13, $0xb8;
	[tilespmem:$0x1A000] =	vst v63  }
0x91: {  	_ =	swait.ge [sflag:s20], $0x2000  }
0x92: {  	[sflag:s20] =	ssyncset.done $0x0  }
0x93: {  	s17 =	sor.u32 $0x1380, s25;
	[sflag:s20] =	ssyncadd.s32 $0xFFFFE000  }
0x94: {  	[spmem:s1] =	stream.indirect.scatter.add.f32 [tilespmem:s15], [sflag:$0x4], $0x40, s17, s13, $0xb8;
	[tilespmem:$0x1A000] =	vst v63  }
0x95: {  	_ =	swait.ge [sflag:s23], $0x2000  }
0x96: {  	[sflag:s23] =	ssyncset.done $0x0  }
0x97: {  	s14 =	sor.u32 $0x480, s25;
	[sflag:s23] =	ssyncadd.s32 $0xFFFFE000  }
0x98: {  	[tilespmem:s15], [sflag:$0x2] =	stream.indirect.gather [hbm4b:s5+s13], $0x40, s14, s13, $0xb8;
	[tilespmem:$0x1A000] =	vst v63  }
0x99: {  	_ =	swait.ge [sflag:s16], $0x2000  }
0x9a: {  	[sflag:s16] =	ssyncset.done $0x0  }
0x9b: {  	s17 =	sadd.s32 $0x1400, s25;
	[sflag:s16] =	ssyncadd.s32 $0xFFFFE000  }
0x9c: {  	[spmem:s1] =	stream.indirect.scatter.add.f32 [tilespmem:s19], [sflag:$0x4], $0x40, s17, s13, $0xb8;
	[tilespmem:$0x1A000] =	vst v63  }
0x9d: {  	_ =	swait.ge [sflag:s23], $0x2000  }
0x9e: {  	[sflag:s23] =	ssyncset.done $0x0  }
0x9f: {  	s14 =	sadd.s32 $0x500, s25;
	[sflag:s23] =	ssyncadd.s32 $0xFFFFE000  }
0xa0: {  	[tilespmem:s19], [sflag:$0x1] =	stream.indirect.gather [hbm4b:s5+s13], $0x40, s14, s13, $0xb8;
	[tilespmem:$0x1A000] =	vst v63  }
0xa1: {  	_ =	swait.ge [sflag:s20], $0x2000  }
0xa2: {  	[sflag:s20] =	ssyncset.done $0x0  }
0xa3: {  	s17 =	sor.u32 $0x1480, s25;
	[sflag:s20] =	ssyncadd.s32 $0xFFFFE000  }
0xa4: {  	[spmem:s1] =	stream.indirect.scatter.add.f32 [tilespmem:s15], [sflag:$0x4], $0x40, s17, s13, $0xb8;
	[tilespmem:$0x1A000] =	vst v63  }
0xa5: {  	_ =	swait.ge [sflag:s23], $0x2000  }
0xa6: {  	[sflag:s23] =	ssyncset.done $0x0  }
0xa7: {  	s14 =	sor.u32 $0x580, s25;
	[sflag:s23] =	ssyncadd.s32 $0xFFFFE000  }
0xa8: {  	[tilespmem:s15], [sflag:$0x2] =	stream.indirect.gather [hbm4b:s5+s13], $0x40, s14, s13, $0xb8;
	[tilespmem:$0x1A000] =	vst v63  }
0xa9: {  	_ =	swait.ge [sflag:s16], $0x2000  }
0xaa: {  	[sflag:s16] =	ssyncset.done $0x0  }
0xab: {  	s17 =	sadd.s32 $0x1500, s25;
	[sflag:s16] =	ssyncadd.s32 $0xFFFFE000  }
0xac: {  	[spmem:s1] =	stream.indirect.scatter.add.f32 [tilespmem:s19], [sflag:$0x4], $0x40, s17, s13, $0xb8;
	[tilespmem:$0x1A000] =	vst v63  }
0xad: {  	_ =	swait.ge [sflag:s23], $0x2000  }
0xae: {  	[sflag:s23] =	ssyncset.done $0x0  }
0xaf: {  	s14 =	sadd.s32 $0x600, s25;
	[sflag:s23] =	ssyncadd.s32 $0xFFFFE000  }
0xb0: {  	[tilespmem:s19], [sflag:$0x1] =	stream.indirect.gather [hbm4b:s5+s13], $0x40, s14, s13, $0xb8;
	[tilespmem:$0x1A000] =	vst v63  }
0xb1: {  	_ =	swait.ge [sflag:s20], $0x2000  }
0xb2: {  	[sflag:s20] =	ssyncset.done $0x0  }
0xb3: {  	s17 =	sor.u32 $0x1580, s25;
	[sflag:s20] =	ssyncadd.s32 $0xFFFFE000  }
0xb4: {  	[spmem:s1] =	stream.indirect.scatter.add.f32 [tilespmem:s15], [sflag:$0x4], $0x40, s17, s13, $0xb8;
	[tilespmem:$0x1A000] =	vst v63  }
0xb5: {  	_ =	swait.ge [sflag:s23], $0x2000  }
0xb6: {  	[sflag:s23] =	ssyncset.done $0x0  }
0xb7: {  	s14 =	sor.u32 $0x680, s25;
	[sflag:s23] =	ssyncadd.s32 $0xFFFFE000  }
0xb8: {  	[tilespmem:s15], [sflag:$0x2] =	stream.indirect.gather [hbm4b:s5+s13], $0x40, s14, s13, $0xb8;
	[tilespmem:$0x1A000] =	vst v63  }
0xb9: {  	_ =	swait.ge [sflag:s16], $0x2000  }
0xba: {  	[sflag:s16] =	ssyncset.done $0x0  }
0xbb: {  	s17 =	sadd.s32 $0x1600, s25;
	[sflag:s16] =	ssyncadd.s32 $0xFFFFE000  }
0xbc: {  	[spmem:s1] =	stream.indirect.scatter.add.f32 [tilespmem:s19], [sflag:$0x4], $0x40, s17, s13, $0xb8;
	[tilespmem:$0x1A000] =	vst v63  }
0xbd: {  	_ =	swait.ge [sflag:s23], $0x2000  }
0xbe: {  	[sflag:s23] =	ssyncset.done $0x0  }
0xbf: {  	s14 =	sadd.s32 $0x700, s25;
	[sflag:s23] =	ssyncadd.s32 $0xFFFFE000  }
0xc0: {  	[tilespmem:s19], [sflag:$0x1] =	stream.indirect.gather [hbm4b:s5+s13], $0x40, s14, s13, $0xb8;
	[tilespmem:$0x1A000] =	vst v63  }
0xc1: {  	_ =	swait.ge [sflag:s20], $0x2000  }
0xc2: {  	[sflag:s20] =	ssyncset.done $0x0  }
0xc3: {  	s17 =	sor.u32 $0x1680, s25;
	[sflag:s20] =	ssyncadd.s32 $0xFFFFE000  }
0xc4: {  	[spmem:s1] =	stream.indirect.scatter.add.f32 [tilespmem:s15], [sflag:$0x4], $0x40, s17, s13, $0xb8;
	[tilespmem:$0x1A000] =	vst v63  }
0xc5: {  	_ =	swait.ge [sflag:s23], $0x2000  }
0xc6: {  	[sflag:s23] =	ssyncset.done $0x0  }
0xc7: {  	s14 =	sor.u32 $0x780, s25;
	[sflag:s23] =	ssyncadd.s32 $0xFFFFE000  }
0xc8: {  	[tilespmem:s15], [sflag:$0x2] =	stream.indirect.gather [hbm4b:s5+s13], $0x40, s14, s13, $0xb8;
	[tilespmem:$0x1A000] =	vst v63  }
0xc9: {  	_ =	swait.ge [sflag:s16], $0x2000  }
0xca: {  	[sflag:s16] =	ssyncset.done $0x0  }
0xcb: {  	s17 =	sadd.s32 $0x1700, s25;
	[sflag:s16] =	ssyncadd.s32 $0xFFFFE000  }
0xcc: {  	[spmem:s1] =	stream.indirect.scatter.add.f32 [tilespmem:s19], [sflag:$0x4], $0x40, s17, s13, $0xb8;
	[tilespmem:$0x1A000] =	vst v63  }
0xcd: {  	_ =	swait.ge [sflag:s23], $0x2000  }
0xce: {  	[sflag:s23] =	ssyncset.done $0x0  }
0xcf: {  	[sflag:s23] =	ssyncadd.s32 $0xFFFFE000  }
0xd0: {  	_ =	swait.ge [sflag:s20], $0x2000  }
0xd1: {  	[sflag:s20] =	ssyncset.done $0x0  }
0xd2: {  	s25 =	sor.u32 $0x1780, s25;
	[sflag:s20] =	ssyncadd.s32 $0xFFFFE000  }
0xd3: {  	[spmem:s1] =	stream.indirect.scatter.add.f32 [tilespmem:s15], [sflag:$0x4], $0x40, s25, s13, $0xb8;
	[tilespmem:$0x1A000] =	vst v63  }
0xd4: {  	_ =	swait.ge [sflag:s23], $0x2000  }
0xd5: {  	s21 =	sadd.s32 @!p1 $0x800, s21;
	[sflag:s23] =	ssyncset.done $0x0  }
0xd6: {  	p2 =	sne.s32 @!p1 s21, $0x5000;
	s11 =	simm.s32 @!p1 $0x3;
	[sflag:s23] =	ssyncadd.s32 $0xFFFFE000  }
0xd7: {  	p2 =	por p1, !p2;
	_ =	swait.ge @!p1 [sflag:s11], $0x800  }
.Ltmp4:
0xd8: {  	[sflag:s11] =	ssyncset.done @!p1 $0x0;
	(pc) =	sbr.rel @!p2 .LBB2_8-.Ltmp4, $4  }
0xd9: {  	[sflag:s11] =	ssyncadd.s32 @!p1 $0xFFFFF800  }
0xda: {  	_ =	swait.ge @!p1 [sflag:s11], $0x800  }
0xdb: {  	[sflag:s11] =	ssyncset.done @!p1 $0x0  }
0xdc: {  	s8 =	sadd.s32 @!p1 $0x100, s8;
	s0 =	sadd.s32 @!p1 $0x100, s0;
	[sflag:s11] =	ssyncadd.s32 @!p1 $0xFFFFF800  }
.Ltmp5:
0xdd: {  	(pc) =	sbr.rel .LBB2_10-.Ltmp5, $4  }
0xde: {  	_ = 	snop  }
0xdf: {  	s0 =	sshll.u32 s4, $0x6;
	[bflag:$0x0] =	sbarrier.arrive $0xFFFF  }
0xe0: {  	s8 =	sshrl.u32 s12, $0x3;
	s0 =	sor.u32 $0x1C04, s0;
	s11 =	rddreg [dreg:$0x6]  }
0xe1: {  	[hbm:s11], [sflag:s0] =	dma.local [spmem:s8], $0x1400  }
.LBB2_4:
0xe2: {  	s0 =	sshll.u32 s4, $0x6  }
0xe3: {  	s25 =	sshrl.u32 s7, $0x3;
	s8 =	rddreg [dreg:$0x4];
	s21 =	sor.u32 $0x1C04, s0  }
0xe4: {  	[spmem:s25], [sflag:s21] =	dma.local [hbm:s8], $0x1400  }
0xe5: {  	_ =	swait.ge [sflag:s23], $0x1400  }
0xe6: {  	[sflag:s23] =	ssyncset.done $0x0  }
0xe7: {  	[sflag:s23] =	ssyncadd.s32 $0xFFFFEC00  }
0xe8: {  	s25 =	simm.s32 $0x0;
	[bflag:$0x0] =	sbarrier.arrive $0xFFFF  }
0xe9: {  	[tilespmem:s25], [sflag:$0x4] =	stream.linear.gather [hbm4b:s9+s25], $0x800, $0x38;
	[tilespmem:$0x1A000] =	vst v63  }
0xea: {  	_ =	swait.ge [sflag:s23], $0x800  }
0xeb: {  	[sflag:s23] =	ssyncset.done $0x0  }
0xec: {  	[sflag:s23] =	ssyncadd.s32 $0xFFFFF800  }
0xed: {  	[tilespmem:s26], [sflag:$0x4] =	stream.linear.gather [hbm4b:s10+s25], $0x800, $0x38;
	[tilespmem:$0x1A000] =	vst v63  }
0xee: {  	_ =	swait.ge [sflag:s23], $0x800  }
0xef: {  	[sflag:s23] =	ssyncset.done $0x0;
	s8 =	rddreg [dreg:$0x13]  }
0xf0: {  	s0 =	rddreg [dreg:$0x12];
	[sflag:s23] =	ssyncadd.s32 $0xFFFFF800  }
.LBB2_5:
0xf1: {  	p1 =	seq.s32 s25, $0x4800  }
0xf2: {  	s11 =	sand.u32 @!p1 $0x800, s25  }
0xf3: {  	s17 =	simm.s32 @!p1 $0x0;
	s14 =	sxor.u32 @!p1 $0x800, s11  }
0xf4: {  	[tilespmem:s14], [sflag:$0x3] =	stream.linear.gather @!p1 [hbm4b:s8+s17], $0x800, $0x38;
	[tilespmem:$0x1A000] =	vst v63  }
0xf5: {  	s14 =	sor.u32 @!p1 $0x1000, s14  }
0xf6: {  	[tilespmem:s14], [sflag:$0x3] =	stream.linear.gather @!p1 [hbm4b:s0+s17], $0x800, $0x38;
	[tilespmem:$0x1A000] =	vst v63  }
0xf7: {  	s11 =	simm.s32 @p1 $0x800  }
0xf8: {  	[tilespmem:s19], [sflag:$0x1] =	stream.indirect.gather [spmem:s2], $0x40, s11, s13, $0xb8;
	[tilespmem:$0x1A000] =	vst v63  }
0xf9: {  	s17 =	sor.u32 $0x80, s11  }
0xfa: {  	[tilespmem:s15], [sflag:$0x2] =	stream.indirect.gather [spmem:s2], $0x40, s17, s13, $0xb8;
	[tilespmem:$0x1A000] =	vst v63  }
0xfb: {  	_ =	swait.ge [sflag:s16], $0x2000  }
0xfc: {  	[sflag:s16] =	ssyncset.done $0x0  }
0xfd: {  	s17 =	sor.u32 $0x1000, s11;
	[sflag:s16] =	ssyncadd.s32 $0xFFFFE000  }
0xfe: {  	[spmem:s1] =	stream.indirect.scatter.add.f32 [tilespmem:s19], [sflag:$0x4], $0x40, s17, s13, $0xb8;
	[tilespmem:$0x1A000] =	vst v63  }
0xff: {  	_ =	swait.ge [sflag:s23], $0x2000  }
0x100: {  	[sflag:s23] =	ssyncset.done $0x0  }
0x101: {  	s17 =	sadd.s32 $0x100, s11;
	[sflag:s23] =	ssyncadd.s32 $0xFFFFE000  }
0x102: {  	[tilespmem:s19], [sflag:$0x1] =	stream.indirect.gather [spmem:s2], $0x40, s17, s13, $0xb8;
	[tilespmem:$0x1A000] =	vst v63  }
0x103: {  	_ =	swait.ge [sflag:s20], $0x2000  }
0x104: {  	[sflag:s20] =	ssyncset.done $0x0  }
0x105: {  	s17 =	sor.u32 $0x1080, s11;
	[sflag:s20] =	ssyncadd.s32 $0xFFFFE000  }
0x106: {  	[spmem:s1] =	stream.indirect.scatter.add.f32 [tilespmem:s15], [sflag:$0x4], $0x40, s17, s13, $0xb8;
	[tilespmem:$0x1A000] =	vst v63  }
0x107: {  	_ =	swait.ge [sflag:s23], $0x2000  }
0x108: {  	[sflag:s23] =	ssyncset.done $0x0  }
0x109: {  	s17 =	sor.u32 $0x180, s11;
	[sflag:s23] =	ssyncadd.s32 $0xFFFFE000  }
0x10a: {  	[tilespmem:s15], [sflag:$0x2] =	stream.indirect.gather [spmem:s2], $0x40, s17, s13, $0xb8;
	[tilespmem:$0x1A000] =	vst v63  }
0x10b: {  	_ =	swait.ge [sflag:s16], $0x2000  }
0x10c: {  	[sflag:s16] =	ssyncset.done $0x0  }
0x10d: {  	s17 =	sadd.s32 $0x1100, s11;
	[sflag:s16] =	ssyncadd.s32 $0xFFFFE000  }
0x10e: {  	[spmem:s1] =	stream.indirect.scatter.add.f32 [tilespmem:s19], [sflag:$0x4], $0x40, s17, s13, $0xb8;
	[tilespmem:$0x1A000] =	vst v63  }
0x10f: {  	_ =	swait.ge [sflag:s23], $0x2000  }
0x110: {  	[sflag:s23] =	ssyncset.done $0x0  }
0x111: {  	s17 =	sadd.s32 $0x200, s11;
	[sflag:s23] =	ssyncadd.s32 $0xFFFFE000  }
0x112: {  	[tilespmem:s19], [sflag:$0x1] =	stream.indirect.gather [spmem:s2], $0x40, s17, s13, $0xb8;
	[tilespmem:$0x1A000] =	vst v63  }
0x113: {  	_ =	swait.ge [sflag:s20], $0x2000  }
0x114: {  	[sflag:s20] =	ssyncset.done $0x0  }
0x115: {  	s17 =	sor.u32 $0x1180, s11;
	[sflag:s20] =	ssyncadd.s32 $0xFFFFE000  }
0x116: {  	[spmem:s1] =	stream.indirect.scatter.add.f32 [tilespmem:s15], [sflag:$0x4], $0x40, s17, s13, $0xb8;
	[tilespmem:$0x1A000] =	vst v63  }
0x117: {  	_ =	swait.ge [sflag:s23], $0x2000  }
0x118: {  	[sflag:s23] =	ssyncset.done $0x0  }
0x119: {  	s17 =	sor.u32 $0x280, s11;
	[sflag:s23] =	ssyncadd.s32 $0xFFFFE000  }
0x11a: {  	[tilespmem:s15], [sflag:$0x2] =	stream.indirect.gather [spmem:s2], $0x40, s17, s13, $0xb8;
	[tilespmem:$0x1A000] =	vst v63  }
0x11b: {  	_ =	swait.ge [sflag:s16], $0x2000  }
0x11c: {  	[sflag:s16] =	ssyncset.done $0x0  }
0x11d: {  	s17 =	sadd.s32 $0x1200, s11;
	[sflag:s16] =	ssyncadd.s32 $0xFFFFE000  }
0x11e: {  	[spmem:s1] =	stream.indirect.scatter.add.f32 [tilespmem:s19], [sflag:$0x4], $0x40, s17, s13, $0xb8;
	[tilespmem:$0x1A000] =	vst v63  }
0x11f: {  	_ =	swait.ge [sflag:s23], $0x2000  }
0x120: {  	[sflag:s23] =	ssyncset.done $0x0  }
0x121: {  	s17 =	sadd.s32 $0x300, s11;
	[sflag:s23] =	ssyncadd.s32 $0xFFFFE000  }
0x122: {  	[tilespmem:s19], [sflag:$0x1] =	stream.indirect.gather [spmem:s2], $0x40, s17, s13, $0xb8;
	[tilespmem:$0x1A000] =	vst v63  }
0x123: {  	_ =	swait.ge [sflag:s20], $0x2000  }
0x124: {  	[sflag:s20] =	ssyncset.done $0x0  }
0x125: {  	s17 =	sor.u32 $0x1280, s11;
	[sflag:s20] =	ssyncadd.s32 $0xFFFFE000  }
0x126: {  	[spmem:s1] =	stream.indirect.scatter.add.f32 [tilespmem:s15], [sflag:$0x4], $0x40, s17, s13, $0xb8;
	[tilespmem:$0x1A000] =	vst v63  }
0x127: {  	_ =	swait.ge [sflag:s23], $0x2000  }
0x128: {  	[sflag:s23] =	ssyncset.done $0x0  }
0x129: {  	s17 =	sor.u32 $0x380, s11;
	[sflag:s23] =	ssyncadd.s32 $0xFFFFE000  }
0x12a: {  	[tilespmem:s15], [sflag:$0x2] =	stream.indirect.gather [spmem:s2], $0x40, s17, s13, $0xb8;
	[tilespmem:$0x1A000] =	vst v63  }
0x12b: {  	_ =	swait.ge [sflag:s16], $0x2000  }
0x12c: {  	[sflag:s16] =	ssyncset.done $0x0  }
0x12d: {  	s17 =	sadd.s32 $0x1300, s11;
	[sflag:s16] =	ssyncadd.s32 $0xFFFFE000  }
0x12e: {  	[spmem:s1] =	stream.indirect.scatter.add.f32 [tilespmem:s19], [sflag:$0x4], $0x40, s17, s13, $0xb8;
	[tilespmem:$0x1A000] =	vst v63  }
0x12f: {  	_ =	swait.ge [sflag:s23], $0x2000  }
0x130: {  	[sflag:s23] =	ssyncset.done $0x0  }
0x131: {  	s17 =	sadd.s32 $0x400, s11;
	[sflag:s23] =	ssyncadd.s32 $0xFFFFE000  }
0x132: {  	[tilespmem:s19], [sflag:$0x1] =	stream.indirect.gather [spmem:s2], $0x40, s17, s13, $0xb8;
	[tilespmem:$0x1A000] =	vst v63  }
0x133: {  	_ =	swait.ge [sflag:s20], $0x2000  }
0x134: {  	[sflag:s20] =	ssyncset.done $0x0  }
0x135: {  	s17 =	sor.u32 $0x1380, s11;
	[sflag:s20] =	ssyncadd.s32 $0xFFFFE000  }
0x136: {  	[spmem:s1] =	stream.indirect.scatter.add.f32 [tilespmem:s15], [sflag:$0x4], $0x40, s17, s13, $0xb8;
	[tilespmem:$0x1A000] =	vst v63  }
0x137: {  	_ =	swait.ge [sflag:s23], $0x2000  }
0x138: {  	[sflag:s23] =	ssyncset.done $0x0  }
0x139: {  	s17 =	sor.u32 $0x480, s11;
	[sflag:s23] =	ssyncadd.s32 $0xFFFFE000  }
0x13a: {  	[tilespmem:s15], [sflag:$0x2] =	stream.indirect.gather [spmem:s2], $0x40, s17, s13, $0xb8;
	[tilespmem:$0x1A000] =	vst v63  }
0x13b: {  	_ =	swait.ge [sflag:s16], $0x2000  }
0x13c: {  	[sflag:s16] =	ssyncset.done $0x0  }
0x13d: {  	s17 =	sadd.s32 $0x1400, s11;
	[sflag:s16] =	ssyncadd.s32 $0xFFFFE000  }
0x13e: {  	[spmem:s1] =	stream.indirect.scatter.add.f32 [tilespmem:s19], [sflag:$0x4], $0x40, s17, s13, $0xb8;
	[tilespmem:$0x1A000] =	vst v63  }
0x13f: {  	_ =	swait.ge [sflag:s23], $0x2000  }
0x140: {  	[sflag:s23] =	ssyncset.done $0x0  }
0x141: {  	s17 =	sadd.s32 $0x500, s11;
	[sflag:s23] =	ssyncadd.s32 $0xFFFFE000  }
0x142: {  	[tilespmem:s19], [sflag:$0x1] =	stream.indirect.gather [spmem:s2], $0x40, s17, s13, $0xb8;
	[tilespmem:$0x1A000] =	vst v63  }
0x143: {  	_ =	swait.ge [sflag:s20], $0x2000  }
0x144: {  	[sflag:s20] =	ssyncset.done $0x0  }
0x145: {  	s17 =	sor.u32 $0x1480, s11;
	[sflag:s20] =	ssyncadd.s32 $0xFFFFE000  }
0x146: {  	[spmem:s1] =	stream.indirect.scatter.add.f32 [tilespmem:s15], [sflag:$0x4], $0x40, s17, s13, $0xb8;
	[tilespmem:$0x1A000] =	vst v63  }
0x147: {  	_ =	swait.ge [sflag:s23], $0x2000  }
0x148: {  	[sflag:s23] =	ssyncset.done $0x0  }
0x149: {  	s17 =	sor.u32 $0x580, s11;
	[sflag:s23] =	ssyncadd.s32 $0xFFFFE000  }
0x14a: {  	[tilespmem:s15], [sflag:$0x2] =	stream.indirect.gather [spmem:s2], $0x40, s17, s13, $0xb8;
	[tilespmem:$0x1A000] =	vst v63  }
0x14b: {  	_ =	swait.ge [sflag:s16], $0x2000  }
0x14c: {  	[sflag:s16] =	ssyncset.done $0x0  }
0x14d: {  	s17 =	sadd.s32 $0x1500, s11;
	[sflag:s16] =	ssyncadd.s32 $0xFFFFE000  }
0x14e: {  	[spmem:s1] =	stream.indirect.scatter.add.f32 [tilespmem:s19], [sflag:$0x4], $0x40, s17, s13, $0xb8;
	[tilespmem:$0x1A000] =	vst v63  }
0x14f: {  	_ =	swait.ge [sflag:s23], $0x2000  }
0x150: {  	[sflag:s23] =	ssyncset.done $0x0  }
0x151: {  	s17 =	sadd.s32 $0x600, s11;
	[sflag:s23] =	ssyncadd.s32 $0xFFFFE000  }
0x152: {  	[tilespmem:s19], [sflag:$0x1] =	stream.indirect.gather [spmem:s2], $0x40, s17, s13, $0xb8;
	[tilespmem:$0x1A000] =	vst v63  }
0x153: {  	_ =	swait.ge [sflag:s20], $0x2000  }
0x154: {  	[sflag:s20] =	ssyncset.done $0x0  }
0x155: {  	s17 =	sor.u32 $0x1580, s11;
	[sflag:s20] =	ssyncadd.s32 $0xFFFFE000  }
0x156: {  	[spmem:s1] =	stream.indirect.scatter.add.f32 [tilespmem:s15], [sflag:$0x4], $0x40, s17, s13, $0xb8;
	[tilespmem:$0x1A000] =	vst v63  }
0x157: {  	_ =	swait.ge [sflag:s23], $0x2000  }
0x158: {  	[sflag:s23] =	ssyncset.done $0x0  }
0x159: {  	s17 =	sor.u32 $0x680, s11;
	[sflag:s23] =	ssyncadd.s32 $0xFFFFE000  }
0x15a: {  	[tilespmem:s15], [sflag:$0x2] =	stream.indirect.gather [spmem:s2], $0x40, s17, s13, $0xb8;
	[tilespmem:$0x1A000] =	vst v63  }
0x15b: {  	_ =	swait.ge [sflag:s16], $0x2000  }
0x15c: {  	[sflag:s16] =	ssyncset.done $0x0  }
0x15d: {  	s17 =	sadd.s32 $0x1600, s11;
	[sflag:s16] =	ssyncadd.s32 $0xFFFFE000  }
0x15e: {  	[spmem:s1] =	stream.indirect.scatter.add.f32 [tilespmem:s19], [sflag:$0x4], $0x40, s17, s13, $0xb8;
	[tilespmem:$0x1A000] =	vst v63  }
0x15f: {  	_ =	swait.ge [sflag:s23], $0x2000  }
0x160: {  	[sflag:s23] =	ssyncset.done $0x0  }
0x161: {  	s17 =	sadd.s32 $0x700, s11;
	[sflag:s23] =	ssyncadd.s32 $0xFFFFE000  }
0x162: {  	[tilespmem:s19], [sflag:$0x1] =	stream.indirect.gather [spmem:s2], $0x40, s17, s13, $0xb8;
	[tilespmem:$0x1A000] =	vst v63  }
0x163: {  	_ =	swait.ge [sflag:s20], $0x2000  }
0x164: {  	[sflag:s20] =	ssyncset.done $0x0  }
0x165: {  	s17 =	sor.u32 $0x1680, s11;
	[sflag:s20] =	ssyncadd.s32 $0xFFFFE000  }
0x166: {  	[spmem:s1] =	stream.indirect.scatter.add.f32 [tilespmem:s15], [sflag:$0x4], $0x40, s17, s13, $0xb8;
	[tilespmem:$0x1A000] =	vst v63  }
0x167: {  	_ =	swait.ge [sflag:s23], $0x2000  }
0x168: {  	[sflag:s23] =	ssyncset.done $0x0  }
0x169: {  	s17 =	sor.u32 $0x780, s11;
	[sflag:s23] =	ssyncadd.s32 $0xFFFFE000  }
0x16a: {  	[tilespmem:s15], [sflag:$0x2] =	stream.indirect.gather [spmem:s2], $0x40, s17, s13, $0xb8;
	[tilespmem:$0x1A000] =	vst v63  }
0x16b: {  	_ =	swait.ge [sflag:s16], $0x2000  }
0x16c: {  	[sflag:s16] =	ssyncset.done $0x0  }
0x16d: {  	s17 =	sadd.s32 $0x1700, s11;
	[sflag:s16] =	ssyncadd.s32 $0xFFFFE000  }
0x16e: {  	[spmem:s1] =	stream.indirect.scatter.add.f32 [tilespmem:s19], [sflag:$0x4], $0x40, s17, s13, $0xb8;
	[tilespmem:$0x1A000] =	vst v63  }
0x16f: {  	_ =	swait.ge [sflag:s23], $0x2000  }
0x170: {  	[sflag:s23] =	ssyncset.done $0x0  }
0x171: {  	[sflag:s23] =	ssyncadd.s32 $0xFFFFE000  }
0x172: {  	_ =	swait.ge [sflag:s20], $0x2000  }
0x173: {  	[sflag:s20] =	ssyncset.done $0x0  }
0x174: {  	s11 =	sor.u32 $0x1780, s11;
	[sflag:s20] =	ssyncadd.s32 $0xFFFFE000  }
0x175: {  	[spmem:s1] =	stream.indirect.scatter.add.f32 [tilespmem:s15], [sflag:$0x4], $0x40, s11, s13, $0xb8;
	[tilespmem:$0x1A000] =	vst v63  }
0x176: {  	_ =	swait.ge [sflag:s23], $0x2000  }
0x177: {  	s25 =	sadd.s32 @!p1 $0x800, s25;
	[sflag:s23] =	ssyncset.done $0x0  }
0x178: {  	p2 =	sne.s32 @!p1 s25, $0x5000;
	s11 =	simm.s32 @!p1 $0x3;
	[sflag:s23] =	ssyncadd.s32 $0xFFFFE000  }
0x179: {  	p2 =	por p1, !p2;
	_ =	swait.ge @!p1 [sflag:s11], $0x800  }
.Ltmp6:
0x17a: {  	[sflag:s11] =	ssyncset.done @!p1 $0x0;
	(pc) =	sbr.rel @!p2 .LBB2_5-.Ltmp6, $4  }
0x17b: {  	[sflag:s11] =	ssyncadd.s32 @!p1 $0xFFFFF800  }
0x17c: {  	_ =	swait.ge @!p1 [sflag:s11], $0x800  }
0x17d: {  	[sflag:s11] =	ssyncset.done @!p1 $0x0  }
0x17e: {  	s8 =	sadd.s32 @!p1 $0x100, s8;
	s0 =	sadd.s32 @!p1 $0x100, s0;
	[sflag:s11] =	ssyncadd.s32 @!p1 $0xFFFFF800  }
0x17f: {  	[bflag:$0x0] =	sbarrier.arrive $0xFFFF  }
0x180: {  	s0 =	sshrl.u32 s12, $0x3;
	s8 =	rddreg [dreg:$0x5]  }
0x181: {  	[hbm:s8], [sflag:s21] =	dma.local [spmem:s0], $0x1400  }
.LBB2_10:
0x182: {  	_ =	swait.ge [sflag:s23], $0x1400  }
0x183: {  	[sflag:s23] =	ssyncset.done $0x0  }
0x184: {  	s8 =	simm.s32 $0x100;
	s0 =	simm.s32 $0x0;
	[sflag:s23] =	ssyncadd.s32 $0xFFFFEC00  }
.LBB2_11:
0x185: {  	p1 =	seq.s32 s8, $0x7F00;
	[tilespmem:s0+$0x2030] =	vst v0;
	s11 =	smov.u32 s8;
	s8 =	sadd.s32 $0x100, s8  }
.Ltmp7:
0x186: {  	[tilespmem:s0+$0x2020] =	vst v0;
	(pc) =	sbr.rel @!p1 .LBB2_11-.Ltmp7, $3  }
0x187: {  	[tilespmem:s0+$0x2000] =	vst v0  }
0x188: {  	[tilespmem:s0+$0x2010] =	vst v0;
	_ =	sdelay $0x1  }
0x189: {  	s0 =	sshra.s32 s11, $0x2  }
0x18a: {  	[tilespmem:s0+$0x2030] =	vst v0  }
0x18b: {  	[tilespmem:s0+$0x2020] =	vst v0  }
0x18c: {  	[tilespmem:s0+$0x2000] =	vst v0  }
0x18d: {  	[tilespmem:s0+$0x2010] =	vst v0  }
0x18e: {  	[spmem:s6] =	stream.linear.scatter [tilespmem:s19], [sflag:$0x4], $0x2000, $0x38;
	[tilespmem:$0x1A000] =	vst v63  }
0x18f: {  	_ =	swait.ge [sflag:s23], $0x2000  }
0x190: {  	[sflag:s23] =	ssyncset.done $0x0  }
0x191: {  	[sflag:s23] =	ssyncadd.s32 $0xFFFFE000  }
0x192: {  	[spmem:s28] =	stream.linear.scatter [tilespmem:s19], [sflag:$0x4], $0x2000, $0x38;
	[tilespmem:$0x1A000] =	vst v63  }
0x193: {  	_ =	swait.ge [sflag:s23], $0x2000  }
0x194: {  	[sflag:s23] =	ssyncset.done $0x0  }
0x195: {  	[sflag:s23] =	ssyncadd.s32 $0xFFFFE000  }
0x196: {  	[spmem:s29] =	stream.linear.scatter [tilespmem:s19], [sflag:$0x4], $0x2000, $0x38;
	[tilespmem:$0x1A000] =	vst v63  }
0x197: {  	_ =	swait.ge [sflag:s23], $0x2000  }
0x198: {  	[sflag:s23] =	ssyncset.done $0x0  }
0x199: {  	[sflag:s23] =	ssyncadd.s32 $0xFFFFE000  }
0x19a: {  	[spmem:s30] =	stream.linear.scatter [tilespmem:s19], [sflag:$0x4], $0x2000, $0x38;
	[tilespmem:$0x1A000] =	vst v63  }
0x19b: {  	_ =	swait.ge [sflag:s23], $0x2000  }
0x19c: {  	[sflag:s23] =	ssyncset.done $0x0  }
0x19d: {  	[sflag:s23] =	ssyncadd.s32 $0xFFFFE000  }
0x19e: {  	[spmem:s31] =	stream.linear.scatter [tilespmem:s19], [sflag:$0x4], $0x2000, $0x38;
	[tilespmem:$0x1A000] =	vst v63  }
.Ltmp8:
0x19f: {  	_ =	swait.ge [sflag:s23], $0x2000;
	(pc) =	sbr.rel @!p0 .LBB2_13-.Ltmp8, $3  }
0x1a0: {  	[sflag:s23] =	ssyncset.done $0x0  }
0x1a1: {  	[sflag:s23] =	ssyncadd.s32 $0xFFFFE000  }
0x1a2: {  	[bflag:$0x0] =	sbarrier.arrive $0xFFFF;
	_ =	sdelay $0x1  }
0x1a3: {  	[bflag:$0x0] =	sbarrier.arrive $0xFFFF  }
0x1a4: {  	s21 =	simm.s32 $0x0;
	s0 =	rddreg [dreg:$0x8]  }
0x1a5: {  	[tilespmem:s21], [sflag:$0x4] =	stream.linear.gather [hbm4b:s0+s21], $0x800, $0x38;
	[tilespmem:$0x1A000] =	vst v63  }
0x1a6: {  	_ =	swait.ge [sflag:s23], $0x800  }
0x1a7: {  	[sflag:s23] =	ssyncset.done $0x0  }
0x1a8: {  	s25 =	rddreg [dreg:$0x9];
	[sflag:s23] =	ssyncadd.s32 $0xFFFFF800  }
0x1a9: {  	[tilespmem:s26], [sflag:$0x4] =	stream.linear.gather [hbm4b:s25+s21], $0x800, $0x38;
	[tilespmem:$0x1A000] =	vst v63  }
0x1aa: {  	_ =	swait.ge [sflag:s23], $0x800  }
0x1ab: {  	[sflag:s23] =	ssyncset.done $0x0;
	s0 =	rddreg [dreg:$0x15]  }
0x1ac: {  	s8 =	rddreg [dreg:$0x14];
	[sflag:s23] =	ssyncadd.s32 $0xFFFFF800  }
.LBB2_17:
0x1ad: {  	p1 =	seq.s32 s21, $0x4800  }
0x1ae: {  	s11 =	sand.u32 @!p1 $0x800, s21  }
0x1af: {  	s17 =	simm.s32 @!p1 $0x0;
	s14 =	sxor.u32 @!p1 $0x800, s11  }
0x1b0: {  	[tilespmem:s14], [sflag:$0x3] =	stream.linear.gather @!p1 [hbm4b:s0+s17], $0x800, $0x38;
	[tilespmem:$0x1A000] =	vst v63  }
0x1b1: {  	s14 =	sor.u32 @!p1 $0x1000, s14  }
0x1b2: {  	[tilespmem:s14], [sflag:$0x3] =	stream.linear.gather @!p1 [hbm4b:s8+s17], $0x800, $0x38;
	[tilespmem:$0x1A000] =	vst v63  }
0x1b3: {  	s11 =	simm.s32 @p1 $0x800  }
0x1b4: {  	[tilespmem:s19], [sflag:$0x1] =	stream.indirect.gather [hbm4b:s22+s13], $0x40, s11, s13, $0xb8;
	[tilespmem:$0x1A000] =	vst v63  }
0x1b5: {  	s17 =	sor.u32 $0x80, s11  }
0x1b6: {  	[tilespmem:s15], [sflag:$0x2] =	stream.indirect.gather [hbm4b:s22+s13], $0x40, s17, s13, $0xb8;
	[tilespmem:$0x1A000] =	vst v63  }
0x1b7: {  	_ =	swait.ge [sflag:s16], $0x2000  }
0x1b8: {  	[sflag:s16] =	ssyncset.done $0x0  }
0x1b9: {  	s25 =	sor.u32 $0x1000, s11;
	[sflag:s16] =	ssyncadd.s32 $0xFFFFE000  }
0x1ba: {  	[spmem:s1] =	stream.indirect.scatter.add.f32 [tilespmem:s19], [sflag:$0x4], $0x40, s25, s13, $0xb8;
	[tilespmem:$0x1A000] =	vst v63  }
0x1bb: {  	_ =	swait.ge [sflag:s23], $0x2000  }
0x1bc: {  	[sflag:s23] =	ssyncset.done $0x0  }
0x1bd: {  	s17 =	sadd.s32 $0x100, s11;
	[sflag:s23] =	ssyncadd.s32 $0xFFFFE000  }
0x1be: {  	[tilespmem:s19], [sflag:$0x1] =	stream.indirect.gather [hbm4b:s22+s13], $0x40, s17, s13, $0xb8;
	[tilespmem:$0x1A000] =	vst v63  }
0x1bf: {  	_ =	swait.ge [sflag:s20], $0x2000  }
0x1c0: {  	[sflag:s20] =	ssyncset.done $0x0  }
0x1c1: {  	s25 =	sor.u32 $0x1080, s11;
	[sflag:s20] =	ssyncadd.s32 $0xFFFFE000  }
0x1c2: {  	[spmem:s1] =	stream.indirect.scatter.add.f32 [tilespmem:s15], [sflag:$0x4], $0x40, s25, s13, $0xb8;
	[tilespmem:$0x1A000] =	vst v63  }
0x1c3: {  	_ =	swait.ge [sflag:s23], $0x2000  }
0x1c4: {  	[sflag:s23] =	ssyncset.done $0x0  }
0x1c5: {  	s17 =	sor.u32 $0x180, s11;
	[sflag:s23] =	ssyncadd.s32 $0xFFFFE000  }
0x1c6: {  	[tilespmem:s15], [sflag:$0x2] =	stream.indirect.gather [hbm4b:s22+s13], $0x40, s17, s13, $0xb8;
	[tilespmem:$0x1A000] =	vst v63  }
0x1c7: {  	_ =	swait.ge [sflag:s16], $0x2000  }
0x1c8: {  	[sflag:s16] =	ssyncset.done $0x0  }
0x1c9: {  	s25 =	sadd.s32 $0x1100, s11;
	[sflag:s16] =	ssyncadd.s32 $0xFFFFE000  }
0x1ca: {  	[spmem:s1] =	stream.indirect.scatter.add.f32 [tilespmem:s19], [sflag:$0x4], $0x40, s25, s13, $0xb8;
	[tilespmem:$0x1A000] =	vst v63  }
0x1cb: {  	_ =	swait.ge [sflag:s23], $0x2000  }
0x1cc: {  	[sflag:s23] =	ssyncset.done $0x0  }
0x1cd: {  	s17 =	sadd.s32 $0x200, s11;
	[sflag:s23] =	ssyncadd.s32 $0xFFFFE000  }
0x1ce: {  	[tilespmem:s19], [sflag:$0x1] =	stream.indirect.gather [hbm4b:s22+s13], $0x40, s17, s13, $0xb8;
	[tilespmem:$0x1A000] =	vst v63  }
0x1cf: {  	_ =	swait.ge [sflag:s20], $0x2000  }
0x1d0: {  	[sflag:s20] =	ssyncset.done $0x0  }
0x1d1: {  	s25 =	sor.u32 $0x1180, s11;
	[sflag:s20] =	ssyncadd.s32 $0xFFFFE000  }
0x1d2: {  	[spmem:s1] =	stream.indirect.scatter.add.f32 [tilespmem:s15], [sflag:$0x4], $0x40, s25, s13, $0xb8;
	[tilespmem:$0x1A000] =	vst v63  }
0x1d3: {  	_ =	swait.ge [sflag:s23], $0x2000  }
0x1d4: {  	[sflag:s23] =	ssyncset.done $0x0  }
0x1d5: {  	s17 =	sor.u32 $0x280, s11;
	[sflag:s23] =	ssyncadd.s32 $0xFFFFE000  }
0x1d6: {  	[tilespmem:s15], [sflag:$0x2] =	stream.indirect.gather [hbm4b:s22+s13], $0x40, s17, s13, $0xb8;
	[tilespmem:$0x1A000] =	vst v63  }
0x1d7: {  	_ =	swait.ge [sflag:s16], $0x2000  }
0x1d8: {  	[sflag:s16] =	ssyncset.done $0x0  }
0x1d9: {  	s25 =	sadd.s32 $0x1200, s11;
	[sflag:s16] =	ssyncadd.s32 $0xFFFFE000  }
0x1da: {  	[spmem:s1] =	stream.indirect.scatter.add.f32 [tilespmem:s19], [sflag:$0x4], $0x40, s25, s13, $0xb8;
	[tilespmem:$0x1A000] =	vst v63  }
0x1db: {  	_ =	swait.ge [sflag:s23], $0x2000  }
0x1dc: {  	[sflag:s23] =	ssyncset.done $0x0  }
0x1dd: {  	s17 =	sadd.s32 $0x300, s11;
	[sflag:s23] =	ssyncadd.s32 $0xFFFFE000  }
0x1de: {  	[tilespmem:s19], [sflag:$0x1] =	stream.indirect.gather [hbm4b:s22+s13], $0x40, s17, s13, $0xb8;
	[tilespmem:$0x1A000] =	vst v63  }
0x1df: {  	_ =	swait.ge [sflag:s20], $0x2000  }
0x1e0: {  	[sflag:s20] =	ssyncset.done $0x0  }
0x1e1: {  	s25 =	sor.u32 $0x1280, s11;
	[sflag:s20] =	ssyncadd.s32 $0xFFFFE000  }
0x1e2: {  	[spmem:s1] =	stream.indirect.scatter.add.f32 [tilespmem:s15], [sflag:$0x4], $0x40, s25, s13, $0xb8;
	[tilespmem:$0x1A000] =	vst v63  }
0x1e3: {  	_ =	swait.ge [sflag:s23], $0x2000  }
0x1e4: {  	[sflag:s23] =	ssyncset.done $0x0  }
0x1e5: {  	s17 =	sor.u32 $0x380, s11;
	[sflag:s23] =	ssyncadd.s32 $0xFFFFE000  }
0x1e6: {  	[tilespmem:s15], [sflag:$0x2] =	stream.indirect.gather [hbm4b:s22+s13], $0x40, s17, s13, $0xb8;
	[tilespmem:$0x1A000] =	vst v63  }
0x1e7: {  	_ =	swait.ge [sflag:s16], $0x2000  }
0x1e8: {  	[sflag:s16] =	ssyncset.done $0x0  }
0x1e9: {  	s25 =	sadd.s32 $0x1300, s11;
	[sflag:s16] =	ssyncadd.s32 $0xFFFFE000  }
0x1ea: {  	[spmem:s1] =	stream.indirect.scatter.add.f32 [tilespmem:s19], [sflag:$0x4], $0x40, s25, s13, $0xb8;
	[tilespmem:$0x1A000] =	vst v63  }
0x1eb: {  	_ =	swait.ge [sflag:s23], $0x2000  }
0x1ec: {  	[sflag:s23] =	ssyncset.done $0x0  }
0x1ed: {  	s17 =	sadd.s32 $0x400, s11;
	[sflag:s23] =	ssyncadd.s32 $0xFFFFE000  }
0x1ee: {  	[tilespmem:s19], [sflag:$0x1] =	stream.indirect.gather [hbm4b:s22+s13], $0x40, s17, s13, $0xb8;
	[tilespmem:$0x1A000] =	vst v63  }
0x1ef: {  	_ =	swait.ge [sflag:s20], $0x2000  }
0x1f0: {  	[sflag:s20] =	ssyncset.done $0x0  }
0x1f1: {  	s25 =	sor.u32 $0x1380, s11;
	[sflag:s20] =	ssyncadd.s32 $0xFFFFE000  }
0x1f2: {  	[spmem:s1] =	stream.indirect.scatter.add.f32 [tilespmem:s15], [sflag:$0x4], $0x40, s25, s13, $0xb8;
	[tilespmem:$0x1A000] =	vst v63  }
0x1f3: {  	_ =	swait.ge [sflag:s23], $0x2000  }
0x1f4: {  	[sflag:s23] =	ssyncset.done $0x0  }
0x1f5: {  	s17 =	sor.u32 $0x480, s11;
	[sflag:s23] =	ssyncadd.s32 $0xFFFFE000  }
0x1f6: {  	[tilespmem:s15], [sflag:$0x2] =	stream.indirect.gather [hbm4b:s22+s13], $0x40, s17, s13, $0xb8;
	[tilespmem:$0x1A000] =	vst v63  }
0x1f7: {  	_ =	swait.ge [sflag:s16], $0x2000  }
0x1f8: {  	[sflag:s16] =	ssyncset.done $0x0  }
0x1f9: {  	s25 =	sadd.s32 $0x1400, s11;
	[sflag:s16] =	ssyncadd.s32 $0xFFFFE000  }
0x1fa: {  	[spmem:s1] =	stream.indirect.scatter.add.f32 [tilespmem:s19], [sflag:$0x4], $0x40, s25, s13, $0xb8;
	[tilespmem:$0x1A000] =	vst v63  }
0x1fb: {  	_ =	swait.ge [sflag:s23], $0x2000  }
0x1fc: {  	[sflag:s23] =	ssyncset.done $0x0  }
0x1fd: {  	s17 =	sadd.s32 $0x500, s11;
	[sflag:s23] =	ssyncadd.s32 $0xFFFFE000  }
0x1fe: {  	[tilespmem:s19], [sflag:$0x1] =	stream.indirect.gather [hbm4b:s22+s13], $0x40, s17, s13, $0xb8;
	[tilespmem:$0x1A000] =	vst v63  }
0x1ff: {  	_ =	swait.ge [sflag:s20], $0x2000  }
0x200: {  	[sflag:s20] =	ssyncset.done $0x0  }
0x201: {  	s25 =	sor.u32 $0x1480, s11;
	[sflag:s20] =	ssyncadd.s32 $0xFFFFE000  }
0x202: {  	[spmem:s1] =	stream.indirect.scatter.add.f32 [tilespmem:s15], [sflag:$0x4], $0x40, s25, s13, $0xb8;
	[tilespmem:$0x1A000] =	vst v63  }
0x203: {  	_ =	swait.ge [sflag:s23], $0x2000  }
0x204: {  	[sflag:s23] =	ssyncset.done $0x0  }
0x205: {  	s17 =	sor.u32 $0x580, s11;
	[sflag:s23] =	ssyncadd.s32 $0xFFFFE000  }
0x206: {  	[tilespmem:s15], [sflag:$0x2] =	stream.indirect.gather [hbm4b:s22+s13], $0x40, s17, s13, $0xb8;
	[tilespmem:$0x1A000] =	vst v63  }
0x207: {  	_ =	swait.ge [sflag:s16], $0x2000  }
0x208: {  	[sflag:s16] =	ssyncset.done $0x0  }
0x209: {  	s25 =	sadd.s32 $0x1500, s11;
	[sflag:s16] =	ssyncadd.s32 $0xFFFFE000  }
0x20a: {  	[spmem:s1] =	stream.indirect.scatter.add.f32 [tilespmem:s19], [sflag:$0x4], $0x40, s25, s13, $0xb8;
	[tilespmem:$0x1A000] =	vst v63  }
0x20b: {  	_ =	swait.ge [sflag:s23], $0x2000  }
0x20c: {  	[sflag:s23] =	ssyncset.done $0x0  }
0x20d: {  	s17 =	sadd.s32 $0x600, s11;
	[sflag:s23] =	ssyncadd.s32 $0xFFFFE000  }
0x20e: {  	[tilespmem:s19], [sflag:$0x1] =	stream.indirect.gather [hbm4b:s22+s13], $0x40, s17, s13, $0xb8;
	[tilespmem:$0x1A000] =	vst v63  }
0x20f: {  	_ =	swait.ge [sflag:s20], $0x2000  }
0x210: {  	[sflag:s20] =	ssyncset.done $0x0  }
0x211: {  	s25 =	sor.u32 $0x1580, s11;
	[sflag:s20] =	ssyncadd.s32 $0xFFFFE000  }
0x212: {  	[spmem:s1] =	stream.indirect.scatter.add.f32 [tilespmem:s15], [sflag:$0x4], $0x40, s25, s13, $0xb8;
	[tilespmem:$0x1A000] =	vst v63  }
0x213: {  	_ =	swait.ge [sflag:s23], $0x2000  }
0x214: {  	[sflag:s23] =	ssyncset.done $0x0  }
0x215: {  	s17 =	sor.u32 $0x680, s11;
	[sflag:s23] =	ssyncadd.s32 $0xFFFFE000  }
0x216: {  	[tilespmem:s15], [sflag:$0x2] =	stream.indirect.gather [hbm4b:s22+s13], $0x40, s17, s13, $0xb8;
	[tilespmem:$0x1A000] =	vst v63  }
0x217: {  	_ =	swait.ge [sflag:s16], $0x2000  }
0x218: {  	[sflag:s16] =	ssyncset.done $0x0  }
0x219: {  	s25 =	sadd.s32 $0x1600, s11;
	[sflag:s16] =	ssyncadd.s32 $0xFFFFE000  }
0x21a: {  	[spmem:s1] =	stream.indirect.scatter.add.f32 [tilespmem:s19], [sflag:$0x4], $0x40, s25, s13, $0xb8;
	[tilespmem:$0x1A000] =	vst v63  }
0x21b: {  	_ =	swait.ge [sflag:s23], $0x2000  }
0x21c: {  	[sflag:s23] =	ssyncset.done $0x0  }
0x21d: {  	s17 =	sadd.s32 $0x700, s11;
	[sflag:s23] =	ssyncadd.s32 $0xFFFFE000  }
0x21e: {  	[tilespmem:s19], [sflag:$0x1] =	stream.indirect.gather [hbm4b:s22+s13], $0x40, s17, s13, $0xb8;
	[tilespmem:$0x1A000] =	vst v63  }
0x21f: {  	_ =	swait.ge [sflag:s20], $0x2000  }
0x220: {  	[sflag:s20] =	ssyncset.done $0x0  }
0x221: {  	s25 =	sor.u32 $0x1680, s11;
	[sflag:s20] =	ssyncadd.s32 $0xFFFFE000  }
0x222: {  	[spmem:s1] =	stream.indirect.scatter.add.f32 [tilespmem:s15], [sflag:$0x4], $0x40, s25, s13, $0xb8;
	[tilespmem:$0x1A000] =	vst v63  }
0x223: {  	_ =	swait.ge [sflag:s23], $0x2000  }
0x224: {  	[sflag:s23] =	ssyncset.done $0x0  }
0x225: {  	s17 =	sor.u32 $0x780, s11;
	[sflag:s23] =	ssyncadd.s32 $0xFFFFE000  }
0x226: {  	[tilespmem:s15], [sflag:$0x2] =	stream.indirect.gather [hbm4b:s22+s13], $0x40, s17, s13, $0xb8;
	[tilespmem:$0x1A000] =	vst v63  }
0x227: {  	_ =	swait.ge [sflag:s16], $0x2000  }
0x228: {  	[sflag:s16] =	ssyncset.done $0x0  }
0x229: {  	s25 =	sadd.s32 $0x1700, s11;
	[sflag:s16] =	ssyncadd.s32 $0xFFFFE000  }
0x22a: {  	[spmem:s1] =	stream.indirect.scatter.add.f32 [tilespmem:s19], [sflag:$0x4], $0x40, s25, s13, $0xb8;
	[tilespmem:$0x1A000] =	vst v63  }
0x22b: {  	_ =	swait.ge [sflag:s23], $0x2000  }
0x22c: {  	[sflag:s23] =	ssyncset.done $0x0  }
0x22d: {  	[sflag:s23] =	ssyncadd.s32 $0xFFFFE000  }
0x22e: {  	_ =	swait.ge [sflag:s20], $0x2000  }
0x22f: {  	[sflag:s20] =	ssyncset.done $0x0  }
0x230: {  	s11 =	sor.u32 $0x1780, s11;
	[sflag:s20] =	ssyncadd.s32 $0xFFFFE000  }
0x231: {  	[spmem:s1] =	stream.indirect.scatter.add.f32 [tilespmem:s15], [sflag:$0x4], $0x40, s11, s13, $0xb8;
	[tilespmem:$0x1A000] =	vst v63  }
0x232: {  	_ =	swait.ge [sflag:s23], $0x2000  }
0x233: {  	s21 =	sadd.s32 @!p1 $0x800, s21;
	[sflag:s23] =	ssyncset.done $0x0  }
0x234: {  	p2 =	sne.s32 @!p1 s21, $0x5000;
	s11 =	simm.s32 @!p1 $0x3;
	[sflag:s23] =	ssyncadd.s32 $0xFFFFE000  }
0x235: {  	p2 =	por p1, !p2;
	_ =	swait.ge @!p1 [sflag:s11], $0x800  }
.Ltmp9:
0x236: {  	[sflag:s11] =	ssyncset.done @!p1 $0x0;
	(pc) =	sbr.rel @!p2 .LBB2_17-.Ltmp9, $4  }
0x237: {  	[sflag:s11] =	ssyncadd.s32 @!p1 $0xFFFFF800  }
0x238: {  	_ =	swait.ge @!p1 [sflag:s11], $0x800  }
0x239: {  	[sflag:s11] =	ssyncset.done @!p1 $0x0  }
0x23a: {  	s0 =	sadd.s32 @!p1 $0x100, s0;
	s8 =	sadd.s32 @!p1 $0x100, s8;
	[sflag:s11] =	ssyncadd.s32 @!p1 $0xFFFFF800  }
.Ltmp10:
0x23b: {  	(pc) =	sbr.rel .LBB2_19-.Ltmp10, $4  }
0x23c: {  	_ = 	snop  }
0x23d: {  	s0 =	sshll.u32 s4, $0x6;
	[bflag:$0x0] =	sbarrier.arrive $0xFFFF  }
0x23e: {  	s8 =	sshrl.u32 s12, $0x3;
	s0 =	sor.u32 $0x1C04, s0;
	s11 =	rddreg [dreg:$0xa]  }
0x23f: {  	[hbm:s11], [sflag:s0] =	dma.local [spmem:s8], $0x1400  }
.LBB2_13:
0x240: {  	s0 =	sshll.u32 s4, $0x6  }
0x241: {  	s11 =	sshrl.u32 s7, $0x3;
	s8 =	rddreg [dreg:$0x7];
	s21 =	sor.u32 $0x1C04, s0  }
0x242: {  	[spmem:s11], [sflag:s21] =	dma.local [hbm:s8], $0x1400  }
0x243: {  	_ =	swait.ge [sflag:s23], $0x1400  }
0x244: {  	[sflag:s23] =	ssyncset.done $0x0  }
0x245: {  	[sflag:s23] =	ssyncadd.s32 $0xFFFFEC00  }
0x246: {  	[bflag:$0x0] =	sbarrier.arrive $0xFFFF  }
0x247: {  	s25 =	simm.s32 $0x0;
	s14 =	rddreg [dreg:$0x8]  }
0x248: {  	[tilespmem:s25], [sflag:$0x4] =	stream.linear.gather [hbm4b:s14+s25], $0x800, $0x38;
	[tilespmem:$0x1A000] =	vst v63  }
0x249: {  	_ =	swait.ge [sflag:s23], $0x800  }
0x24a: {  	[sflag:s23] =	ssyncset.done $0x0  }
0x24b: {  	s17 =	rddreg [dreg:$0x9];
	[sflag:s23] =	ssyncadd.s32 $0xFFFFF800  }
0x24c: {  	[tilespmem:s26], [sflag:$0x4] =	stream.linear.gather [hbm4b:s17+s25], $0x800, $0x38;
	[tilespmem:$0x1A000] =	vst v63  }
0x24d: {  	_ =	swait.ge [sflag:s23], $0x800  }
0x24e: {  	[sflag:s23] =	ssyncset.done $0x0;
	s8 =	rddreg [dreg:$0x15]  }
0x24f: {  	s0 =	rddreg [dreg:$0x14];
	[sflag:s23] =	ssyncadd.s32 $0xFFFFF800  }
.LBB2_14:
0x250: {  	p1 =	seq.s32 s25, $0x4800  }
0x251: {  	s11 =	sand.u32 @!p1 $0x800, s25  }
0x252: {  	s17 =	simm.s32 @!p1 $0x0;
	s14 =	sxor.u32 @!p1 $0x800, s11  }
0x253: {  	[tilespmem:s14], [sflag:$0x3] =	stream.linear.gather @!p1 [hbm4b:s8+s17], $0x800, $0x38;
	[tilespmem:$0x1A000] =	vst v63  }
0x254: {  	s14 =	sor.u32 @!p1 $0x1000, s14  }
0x255: {  	[tilespmem:s14], [sflag:$0x3] =	stream.linear.gather @!p1 [hbm4b:s0+s17], $0x800, $0x38;
	[tilespmem:$0x1A000] =	vst v63  }
0x256: {  	s11 =	simm.s32 @p1 $0x800  }
0x257: {  	[tilespmem:s19], [sflag:$0x1] =	stream.indirect.gather [spmem:s2], $0x40, s11, s13, $0xb8;
	[tilespmem:$0x1A000] =	vst v63  }
0x258: {  	s17 =	sor.u32 $0x80, s11  }
0x259: {  	[tilespmem:s15], [sflag:$0x2] =	stream.indirect.gather [spmem:s2], $0x40, s17, s13, $0xb8;
	[tilespmem:$0x1A000] =	vst v63  }
0x25a: {  	_ =	swait.ge [sflag:s16], $0x2000  }
0x25b: {  	[sflag:s16] =	ssyncset.done $0x0  }
0x25c: {  	s17 =	sor.u32 $0x1000, s11;
	[sflag:s16] =	ssyncadd.s32 $0xFFFFE000  }
0x25d: {  	[spmem:s1] =	stream.indirect.scatter.add.f32 [tilespmem:s19], [sflag:$0x4], $0x40, s17, s13, $0xb8;
	[tilespmem:$0x1A000] =	vst v63  }
0x25e: {  	_ =	swait.ge [sflag:s23], $0x2000  }
0x25f: {  	[sflag:s23] =	ssyncset.done $0x0  }
0x260: {  	s17 =	sadd.s32 $0x100, s11;
	[sflag:s23] =	ssyncadd.s32 $0xFFFFE000  }
0x261: {  	[tilespmem:s19], [sflag:$0x1] =	stream.indirect.gather [spmem:s2], $0x40, s17, s13, $0xb8;
	[tilespmem:$0x1A000] =	vst v63  }
0x262: {  	_ =	swait.ge [sflag:s20], $0x2000  }
0x263: {  	[sflag:s20] =	ssyncset.done $0x0  }
0x264: {  	s17 =	sor.u32 $0x1080, s11;
	[sflag:s20] =	ssyncadd.s32 $0xFFFFE000  }
0x265: {  	[spmem:s1] =	stream.indirect.scatter.add.f32 [tilespmem:s15], [sflag:$0x4], $0x40, s17, s13, $0xb8;
	[tilespmem:$0x1A000] =	vst v63  }
0x266: {  	_ =	swait.ge [sflag:s23], $0x2000  }
0x267: {  	[sflag:s23] =	ssyncset.done $0x0  }
0x268: {  	s17 =	sor.u32 $0x180, s11;
	[sflag:s23] =	ssyncadd.s32 $0xFFFFE000  }
0x269: {  	[tilespmem:s15], [sflag:$0x2] =	stream.indirect.gather [spmem:s2], $0x40, s17, s13, $0xb8;
	[tilespmem:$0x1A000] =	vst v63  }
0x26a: {  	_ =	swait.ge [sflag:s16], $0x2000  }
0x26b: {  	[sflag:s16] =	ssyncset.done $0x0  }
0x26c: {  	s17 =	sadd.s32 $0x1100, s11;
	[sflag:s16] =	ssyncadd.s32 $0xFFFFE000  }
0x26d: {  	[spmem:s1] =	stream.indirect.scatter.add.f32 [tilespmem:s19], [sflag:$0x4], $0x40, s17, s13, $0xb8;
	[tilespmem:$0x1A000] =	vst v63  }
0x26e: {  	_ =	swait.ge [sflag:s23], $0x2000  }
0x26f: {  	[sflag:s23] =	ssyncset.done $0x0  }
0x270: {  	s17 =	sadd.s32 $0x200, s11;
	[sflag:s23] =	ssyncadd.s32 $0xFFFFE000  }
0x271: {  	[tilespmem:s19], [sflag:$0x1] =	stream.indirect.gather [spmem:s2], $0x40, s17, s13, $0xb8;
	[tilespmem:$0x1A000] =	vst v63  }
0x272: {  	_ =	swait.ge [sflag:s20], $0x2000  }
0x273: {  	[sflag:s20] =	ssyncset.done $0x0  }
0x274: {  	s17 =	sor.u32 $0x1180, s11;
	[sflag:s20] =	ssyncadd.s32 $0xFFFFE000  }
0x275: {  	[spmem:s1] =	stream.indirect.scatter.add.f32 [tilespmem:s15], [sflag:$0x4], $0x40, s17, s13, $0xb8;
	[tilespmem:$0x1A000] =	vst v63  }
0x276: {  	_ =	swait.ge [sflag:s23], $0x2000  }
0x277: {  	[sflag:s23] =	ssyncset.done $0x0  }
0x278: {  	s17 =	sor.u32 $0x280, s11;
	[sflag:s23] =	ssyncadd.s32 $0xFFFFE000  }
0x279: {  	[tilespmem:s15], [sflag:$0x2] =	stream.indirect.gather [spmem:s2], $0x40, s17, s13, $0xb8;
	[tilespmem:$0x1A000] =	vst v63  }
0x27a: {  	_ =	swait.ge [sflag:s16], $0x2000  }
0x27b: {  	[sflag:s16] =	ssyncset.done $0x0  }
0x27c: {  	s17 =	sadd.s32 $0x1200, s11;
	[sflag:s16] =	ssyncadd.s32 $0xFFFFE000  }
0x27d: {  	[spmem:s1] =	stream.indirect.scatter.add.f32 [tilespmem:s19], [sflag:$0x4], $0x40, s17, s13, $0xb8;
	[tilespmem:$0x1A000] =	vst v63  }
0x27e: {  	_ =	swait.ge [sflag:s23], $0x2000  }
0x27f: {  	[sflag:s23] =	ssyncset.done $0x0  }
0x280: {  	s17 =	sadd.s32 $0x300, s11;
	[sflag:s23] =	ssyncadd.s32 $0xFFFFE000  }
0x281: {  	[tilespmem:s19], [sflag:$0x1] =	stream.indirect.gather [spmem:s2], $0x40, s17, s13, $0xb8;
	[tilespmem:$0x1A000] =	vst v63  }
0x282: {  	_ =	swait.ge [sflag:s20], $0x2000  }
0x283: {  	[sflag:s20] =	ssyncset.done $0x0  }
0x284: {  	s17 =	sor.u32 $0x1280, s11;
	[sflag:s20] =	ssyncadd.s32 $0xFFFFE000  }
0x285: {  	[spmem:s1] =	stream.indirect.scatter.add.f32 [tilespmem:s15], [sflag:$0x4], $0x40, s17, s13, $0xb8;
	[tilespmem:$0x1A000] =	vst v63  }
0x286: {  	_ =	swait.ge [sflag:s23], $0x2000  }
0x287: {  	[sflag:s23] =	ssyncset.done $0x0  }
0x288: {  	s17 =	sor.u32 $0x380, s11;
	[sflag:s23] =	ssyncadd.s32 $0xFFFFE000  }
0x289: {  	[tilespmem:s15], [sflag:$0x2] =	stream.indirect.gather [spmem:s2], $0x40, s17, s13, $0xb8;
	[tilespmem:$0x1A000] =	vst v63  }
0x28a: {  	_ =	swait.ge [sflag:s16], $0x2000  }
0x28b: {  	[sflag:s16] =	ssyncset.done $0x0  }
0x28c: {  	s17 =	sadd.s32 $0x1300, s11;
	[sflag:s16] =	ssyncadd.s32 $0xFFFFE000  }
0x28d: {  	[spmem:s1] =	stream.indirect.scatter.add.f32 [tilespmem:s19], [sflag:$0x4], $0x40, s17, s13, $0xb8;
	[tilespmem:$0x1A000] =	vst v63  }
0x28e: {  	_ =	swait.ge [sflag:s23], $0x2000  }
0x28f: {  	[sflag:s23] =	ssyncset.done $0x0  }
0x290: {  	s17 =	sadd.s32 $0x400, s11;
	[sflag:s23] =	ssyncadd.s32 $0xFFFFE000  }
0x291: {  	[tilespmem:s19], [sflag:$0x1] =	stream.indirect.gather [spmem:s2], $0x40, s17, s13, $0xb8;
	[tilespmem:$0x1A000] =	vst v63  }
0x292: {  	_ =	swait.ge [sflag:s20], $0x2000  }
0x293: {  	[sflag:s20] =	ssyncset.done $0x0  }
0x294: {  	s17 =	sor.u32 $0x1380, s11;
	[sflag:s20] =	ssyncadd.s32 $0xFFFFE000  }
0x295: {  	[spmem:s1] =	stream.indirect.scatter.add.f32 [tilespmem:s15], [sflag:$0x4], $0x40, s17, s13, $0xb8;
	[tilespmem:$0x1A000] =	vst v63  }
0x296: {  	_ =	swait.ge [sflag:s23], $0x2000  }
0x297: {  	[sflag:s23] =	ssyncset.done $0x0  }
0x298: {  	s17 =	sor.u32 $0x480, s11;
	[sflag:s23] =	ssyncadd.s32 $0xFFFFE000  }
0x299: {  	[tilespmem:s15], [sflag:$0x2] =	stream.indirect.gather [spmem:s2], $0x40, s17, s13, $0xb8;
	[tilespmem:$0x1A000] =	vst v63  }
0x29a: {  	_ =	swait.ge [sflag:s16], $0x2000  }
0x29b: {  	[sflag:s16] =	ssyncset.done $0x0  }
0x29c: {  	s17 =	sadd.s32 $0x1400, s11;
	[sflag:s16] =	ssyncadd.s32 $0xFFFFE000  }
0x29d: {  	[spmem:s1] =	stream.indirect.scatter.add.f32 [tilespmem:s19], [sflag:$0x4], $0x40, s17, s13, $0xb8;
	[tilespmem:$0x1A000] =	vst v63  }
0x29e: {  	_ =	swait.ge [sflag:s23], $0x2000  }
0x29f: {  	[sflag:s23] =	ssyncset.done $0x0  }
0x2a0: {  	s17 =	sadd.s32 $0x500, s11;
	[sflag:s23] =	ssyncadd.s32 $0xFFFFE000  }
0x2a1: {  	[tilespmem:s19], [sflag:$0x1] =	stream.indirect.gather [spmem:s2], $0x40, s17, s13, $0xb8;
	[tilespmem:$0x1A000] =	vst v63  }
0x2a2: {  	_ =	swait.ge [sflag:s20], $0x2000  }
0x2a3: {  	[sflag:s20] =	ssyncset.done $0x0  }
0x2a4: {  	s17 =	sor.u32 $0x1480, s11;
	[sflag:s20] =	ssyncadd.s32 $0xFFFFE000  }
0x2a5: {  	[spmem:s1] =	stream.indirect.scatter.add.f32 [tilespmem:s15], [sflag:$0x4], $0x40, s17, s13, $0xb8;
	[tilespmem:$0x1A000] =	vst v63  }
0x2a6: {  	_ =	swait.ge [sflag:s23], $0x2000  }
0x2a7: {  	[sflag:s23] =	ssyncset.done $0x0  }
0x2a8: {  	s17 =	sor.u32 $0x580, s11;
	[sflag:s23] =	ssyncadd.s32 $0xFFFFE000  }
0x2a9: {  	[tilespmem:s15], [sflag:$0x2] =	stream.indirect.gather [spmem:s2], $0x40, s17, s13, $0xb8;
	[tilespmem:$0x1A000] =	vst v63  }
0x2aa: {  	_ =	swait.ge [sflag:s16], $0x2000  }
0x2ab: {  	[sflag:s16] =	ssyncset.done $0x0  }
0x2ac: {  	s17 =	sadd.s32 $0x1500, s11;
	[sflag:s16] =	ssyncadd.s32 $0xFFFFE000  }
0x2ad: {  	[spmem:s1] =	stream.indirect.scatter.add.f32 [tilespmem:s19], [sflag:$0x4], $0x40, s17, s13, $0xb8;
	[tilespmem:$0x1A000] =	vst v63  }
0x2ae: {  	_ =	swait.ge [sflag:s23], $0x2000  }
0x2af: {  	[sflag:s23] =	ssyncset.done $0x0  }
0x2b0: {  	s17 =	sadd.s32 $0x600, s11;
	[sflag:s23] =	ssyncadd.s32 $0xFFFFE000  }
0x2b1: {  	[tilespmem:s19], [sflag:$0x1] =	stream.indirect.gather [spmem:s2], $0x40, s17, s13, $0xb8;
	[tilespmem:$0x1A000] =	vst v63  }
0x2b2: {  	_ =	swait.ge [sflag:s20], $0x2000  }
0x2b3: {  	[sflag:s20] =	ssyncset.done $0x0  }
0x2b4: {  	s17 =	sor.u32 $0x1580, s11;
	[sflag:s20] =	ssyncadd.s32 $0xFFFFE000  }
0x2b5: {  	[spmem:s1] =	stream.indirect.scatter.add.f32 [tilespmem:s15], [sflag:$0x4], $0x40, s17, s13, $0xb8;
	[tilespmem:$0x1A000] =	vst v63  }
0x2b6: {  	_ =	swait.ge [sflag:s23], $0x2000  }
0x2b7: {  	[sflag:s23] =	ssyncset.done $0x0  }
0x2b8: {  	s17 =	sor.u32 $0x680, s11;
	[sflag:s23] =	ssyncadd.s32 $0xFFFFE000  }
0x2b9: {  	[tilespmem:s15], [sflag:$0x2] =	stream.indirect.gather [spmem:s2], $0x40, s17, s13, $0xb8;
	[tilespmem:$0x1A000] =	vst v63  }
0x2ba: {  	_ =	swait.ge [sflag:s16], $0x2000  }
0x2bb: {  	[sflag:s16] =	ssyncset.done $0x0  }
0x2bc: {  	s17 =	sadd.s32 $0x1600, s11;
	[sflag:s16] =	ssyncadd.s32 $0xFFFFE000  }
0x2bd: {  	[spmem:s1] =	stream.indirect.scatter.add.f32 [tilespmem:s19], [sflag:$0x4], $0x40, s17, s13, $0xb8;
	[tilespmem:$0x1A000] =	vst v63  }
0x2be: {  	_ =	swait.ge [sflag:s23], $0x2000  }
0x2bf: {  	[sflag:s23] =	ssyncset.done $0x0  }
0x2c0: {  	s17 =	sadd.s32 $0x700, s11;
	[sflag:s23] =	ssyncadd.s32 $0xFFFFE000  }
0x2c1: {  	[tilespmem:s19], [sflag:$0x1] =	stream.indirect.gather [spmem:s2], $0x40, s17, s13, $0xb8;
	[tilespmem:$0x1A000] =	vst v63  }
0x2c2: {  	_ =	swait.ge [sflag:s20], $0x2000  }
0x2c3: {  	[sflag:s20] =	ssyncset.done $0x0  }
0x2c4: {  	s17 =	sor.u32 $0x1680, s11;
	[sflag:s20] =	ssyncadd.s32 $0xFFFFE000  }
0x2c5: {  	[spmem:s1] =	stream.indirect.scatter.add.f32 [tilespmem:s15], [sflag:$0x4], $0x40, s17, s13, $0xb8;
	[tilespmem:$0x1A000] =	vst v63  }
0x2c6: {  	_ =	swait.ge [sflag:s23], $0x2000  }
0x2c7: {  	[sflag:s23] =	ssyncset.done $0x0  }
0x2c8: {  	s17 =	sor.u32 $0x780, s11;
	[sflag:s23] =	ssyncadd.s32 $0xFFFFE000  }
0x2c9: {  	[tilespmem:s15], [sflag:$0x2] =	stream.indirect.gather [spmem:s2], $0x40, s17, s13, $0xb8;
	[tilespmem:$0x1A000] =	vst v63  }
0x2ca: {  	_ =	swait.ge [sflag:s16], $0x2000  }
0x2cb: {  	[sflag:s16] =	ssyncset.done $0x0  }
0x2cc: {  	s17 =	sadd.s32 $0x1700, s11;
	[sflag:s16] =	ssyncadd.s32 $0xFFFFE000  }
0x2cd: {  	[spmem:s1] =	stream.indirect.scatter.add.f32 [tilespmem:s19], [sflag:$0x4], $0x40, s17, s13, $0xb8;
	[tilespmem:$0x1A000] =	vst v63  }
0x2ce: {  	_ =	swait.ge [sflag:s23], $0x2000  }
0x2cf: {  	[sflag:s23] =	ssyncset.done $0x0  }
0x2d0: {  	[sflag:s23] =	ssyncadd.s32 $0xFFFFE000  }
0x2d1: {  	_ =	swait.ge [sflag:s20], $0x2000  }
0x2d2: {  	[sflag:s20] =	ssyncset.done $0x0  }
0x2d3: {  	s11 =	sor.u32 $0x1780, s11;
	[sflag:s20] =	ssyncadd.s32 $0xFFFFE000  }
0x2d4: {  	[spmem:s1] =	stream.indirect.scatter.add.f32 [tilespmem:s15], [sflag:$0x4], $0x40, s11, s13, $0xb8;
	[tilespmem:$0x1A000] =	vst v63  }
0x2d5: {  	_ =	swait.ge [sflag:s23], $0x2000  }
0x2d6: {  	s25 =	sadd.s32 @!p1 $0x800, s25;
	[sflag:s23] =	ssyncset.done $0x0  }
0x2d7: {  	p2 =	sne.s32 @!p1 s25, $0x5000;
	s11 =	simm.s32 @!p1 $0x3;
	[sflag:s23] =	ssyncadd.s32 $0xFFFFE000  }
0x2d8: {  	p2 =	por p1, !p2;
	_ =	swait.ge @!p1 [sflag:s11], $0x800  }
.Ltmp11:
0x2d9: {  	[sflag:s11] =	ssyncset.done @!p1 $0x0;
	(pc) =	sbr.rel @!p2 .LBB2_14-.Ltmp11, $4  }
0x2da: {  	[sflag:s11] =	ssyncadd.s32 @!p1 $0xFFFFF800  }
0x2db: {  	_ =	swait.ge @!p1 [sflag:s11], $0x800  }
0x2dc: {  	[sflag:s11] =	ssyncset.done @!p1 $0x0  }
0x2dd: {  	s8 =	sadd.s32 @!p1 $0x100, s8;
	s0 =	sadd.s32 @!p1 $0x100, s0;
	[sflag:s11] =	ssyncadd.s32 @!p1 $0xFFFFF800  }
0x2de: {  	[bflag:$0x0] =	sbarrier.arrive $0xFFFF  }
0x2df: {  	s0 =	sshrl.u32 s12, $0x3;
	s8 =	rddreg [dreg:$0xc]  }
0x2e0: {  	[hbm:s8], [sflag:s21] =	dma.local [spmem:s0], $0x1400  }
.LBB2_19:
0x2e1: {  	_ =	swait.ge [sflag:s23], $0x1400  }
0x2e2: {  	[sflag:s23] =	ssyncset.done $0x0  }
0x2e3: {  	s8 =	simm.s32 $0x100;
	s0 =	simm.s32 $0x0;
	[sflag:s23] =	ssyncadd.s32 $0xFFFFEC00  }
.LBB2_20:
0x2e4: {  	p1 =	seq.s32 s8, $0x7F00;
	[tilespmem:s0+$0x2030] =	vst v0;
	s11 =	smov.u32 s8;
	s8 =	sadd.s32 $0x100, s8  }
.Ltmp12:
0x2e5: {  	[tilespmem:s0+$0x2020] =	vst v0;
	(pc) =	sbr.rel @!p1 .LBB2_20-.Ltmp12, $3  }
0x2e6: {  	[tilespmem:s0+$0x2000] =	vst v0  }
0x2e7: {  	[tilespmem:s0+$0x2010] =	vst v0;
	_ =	sdelay $0x1  }
0x2e8: {  	s0 =	sshra.s32 s11, $0x2  }
0x2e9: {  	[tilespmem:s0+$0x2030] =	vst v0  }
0x2ea: {  	[tilespmem:s0+$0x2020] =	vst v0  }
0x2eb: {  	[tilespmem:s0+$0x2000] =	vst v0  }
0x2ec: {  	[tilespmem:s0+$0x2010] =	vst v0  }
0x2ed: {  	[spmem:s6] =	stream.linear.scatter [tilespmem:s19], [sflag:$0x4], $0x2000, $0x38;
	[tilespmem:$0x1A000] =	vst v63  }
0x2ee: {  	_ =	swait.ge [sflag:s23], $0x2000  }
0x2ef: {  	[sflag:s23] =	ssyncset.done $0x0  }
0x2f0: {  	[sflag:s23] =	ssyncadd.s32 $0xFFFFE000  }
0x2f1: {  	[spmem:s28] =	stream.linear.scatter [tilespmem:s19], [sflag:$0x4], $0x2000, $0x38;
	[tilespmem:$0x1A000] =	vst v63  }
0x2f2: {  	_ =	swait.ge [sflag:s23], $0x2000  }
0x2f3: {  	[sflag:s23] =	ssyncset.done $0x0  }
0x2f4: {  	[sflag:s23] =	ssyncadd.s32 $0xFFFFE000  }
0x2f5: {  	[spmem:s29] =	stream.linear.scatter [tilespmem:s19], [sflag:$0x4], $0x2000, $0x38;
	[tilespmem:$0x1A000] =	vst v63  }
0x2f6: {  	_ =	swait.ge [sflag:s23], $0x2000  }
0x2f7: {  	[sflag:s23] =	ssyncset.done $0x0  }
0x2f8: {  	[sflag:s23] =	ssyncadd.s32 $0xFFFFE000  }
0x2f9: {  	[spmem:s30] =	stream.linear.scatter [tilespmem:s19], [sflag:$0x4], $0x2000, $0x38;
	[tilespmem:$0x1A000] =	vst v63  }
0x2fa: {  	_ =	swait.ge [sflag:s23], $0x2000  }
0x2fb: {  	[sflag:s23] =	ssyncset.done $0x0  }
0x2fc: {  	[sflag:s23] =	ssyncadd.s32 $0xFFFFE000  }
0x2fd: {  	[spmem:s31] =	stream.linear.scatter [tilespmem:s19], [sflag:$0x4], $0x2000, $0x38;
	[tilespmem:$0x1A000] =	vst v63  }
.Ltmp13:
0x2fe: {  	_ =	swait.ge [sflag:s23], $0x2000;
	(pc) =	sbr.rel @!p0 .LBB2_22-.Ltmp13, $3  }
0x2ff: {  	[sflag:s23] =	ssyncset.done $0x0  }
0x300: {  	[sflag:s23] =	ssyncadd.s32 $0xFFFFE000  }
0x301: {  	[bflag:$0x0] =	sbarrier.arrive $0xFFFF;
	_ =	sdelay $0x1  }
0x302: {  	[bflag:$0x0] =	sbarrier.arrive $0xFFFF  }
0x303: {  	s21 =	simm.s32 $0x0;
	s0 =	rddreg [dreg:$0xd]  }
0x304: {  	[tilespmem:s21], [sflag:$0x4] =	stream.linear.gather [hbm4b:s0+s21], $0x800, $0x38;
	[tilespmem:$0x1A000] =	vst v63  }
0x305: {  	_ =	swait.ge [sflag:s23], $0x800  }
0x306: {  	[sflag:s23] =	ssyncset.done $0x0  }
0x307: {  	s25 =	rddreg [dreg:$0xe];
	[sflag:s23] =	ssyncadd.s32 $0xFFFFF800  }
0x308: {  	[tilespmem:s26], [sflag:$0x4] =	stream.linear.gather [hbm4b:s25+s21], $0x800, $0x38;
	[tilespmem:$0x1A000] =	vst v63  }
0x309: {  	_ =	swait.ge [sflag:s23], $0x800  }
0x30a: {  	[sflag:s23] =	ssyncset.done $0x0  }
0x30b: {  	s0 =	smov.u32 s18;
	s8 =	rddreg [dreg:$0x16];
	[sflag:s23] =	ssyncadd.s32 $0xFFFFF800  }
.LBB2_26:
0x30c: {  	p1 =	seq.s32 s21, $0x4800  }
0x30d: {  	s11 =	sand.u32 @!p1 $0x800, s21  }
0x30e: {  	s17 =	simm.s32 @!p1 $0x0;
	s14 =	sxor.u32 @!p1 $0x800, s11  }
0x30f: {  	[tilespmem:s14], [sflag:$0x3] =	stream.linear.gather @!p1 [hbm4b:s0+s17], $0x800, $0x38;
	[tilespmem:$0x1A000] =	vst v63  }
0x310: {  	s14 =	sor.u32 @!p1 $0x1000, s14  }
0x311: {  	[tilespmem:s14], [sflag:$0x3] =	stream.linear.gather @!p1 [hbm4b:s8+s17], $0x800, $0x38;
	[tilespmem:$0x1A000] =	vst v63  }
0x312: {  	s11 =	simm.s32 @p1 $0x800  }
0x313: {  	[tilespmem:s19], [sflag:$0x1] =	stream.indirect.gather [hbm4b:s24+s13], $0x40, s11, s13, $0xb8;
	[tilespmem:$0x1A000] =	vst v63  }
0x314: {  	s17 =	sor.u32 $0x80, s11  }
0x315: {  	[tilespmem:s15], [sflag:$0x2] =	stream.indirect.gather [hbm4b:s24+s13], $0x40, s17, s13, $0xb8;
	[tilespmem:$0x1A000] =	vst v63  }
0x316: {  	_ =	swait.ge [sflag:s16], $0x2000  }
0x317: {  	[sflag:s16] =	ssyncset.done $0x0  }
0x318: {  	s25 =	sor.u32 $0x1000, s11;
	[sflag:s16] =	ssyncadd.s32 $0xFFFFE000  }
0x319: {  	[spmem:s1] =	stream.indirect.scatter.add.f32 [tilespmem:s19], [sflag:$0x4], $0x40, s25, s13, $0xb8;
	[tilespmem:$0x1A000] =	vst v63  }
0x31a: {  	_ =	swait.ge [sflag:s23], $0x2000  }
0x31b: {  	[sflag:s23] =	ssyncset.done $0x0  }
0x31c: {  	s17 =	sadd.s32 $0x100, s11;
	[sflag:s23] =	ssyncadd.s32 $0xFFFFE000  }
0x31d: {  	[tilespmem:s19], [sflag:$0x1] =	stream.indirect.gather [hbm4b:s24+s13], $0x40, s17, s13, $0xb8;
	[tilespmem:$0x1A000] =	vst v63  }
0x31e: {  	_ =	swait.ge [sflag:s20], $0x2000  }
0x31f: {  	[sflag:s20] =	ssyncset.done $0x0  }
0x320: {  	s25 =	sor.u32 $0x1080, s11;
	[sflag:s20] =	ssyncadd.s32 $0xFFFFE000  }
0x321: {  	[spmem:s1] =	stream.indirect.scatter.add.f32 [tilespmem:s15], [sflag:$0x4], $0x40, s25, s13, $0xb8;
	[tilespmem:$0x1A000] =	vst v63  }
0x322: {  	_ =	swait.ge [sflag:s23], $0x2000  }
0x323: {  	[sflag:s23] =	ssyncset.done $0x0  }
0x324: {  	s17 =	sor.u32 $0x180, s11;
	[sflag:s23] =	ssyncadd.s32 $0xFFFFE000  }
0x325: {  	[tilespmem:s15], [sflag:$0x2] =	stream.indirect.gather [hbm4b:s24+s13], $0x40, s17, s13, $0xb8;
	[tilespmem:$0x1A000] =	vst v63  }
0x326: {  	_ =	swait.ge [sflag:s16], $0x2000  }
0x327: {  	[sflag:s16] =	ssyncset.done $0x0  }
0x328: {  	s25 =	sadd.s32 $0x1100, s11;
	[sflag:s16] =	ssyncadd.s32 $0xFFFFE000  }
0x329: {  	[spmem:s1] =	stream.indirect.scatter.add.f32 [tilespmem:s19], [sflag:$0x4], $0x40, s25, s13, $0xb8;
	[tilespmem:$0x1A000] =	vst v63  }
0x32a: {  	_ =	swait.ge [sflag:s23], $0x2000  }
0x32b: {  	[sflag:s23] =	ssyncset.done $0x0  }
0x32c: {  	s17 =	sadd.s32 $0x200, s11;
	[sflag:s23] =	ssyncadd.s32 $0xFFFFE000  }
0x32d: {  	[tilespmem:s19], [sflag:$0x1] =	stream.indirect.gather [hbm4b:s24+s13], $0x40, s17, s13, $0xb8;
	[tilespmem:$0x1A000] =	vst v63  }
0x32e: {  	_ =	swait.ge [sflag:s20], $0x2000  }
0x32f: {  	[sflag:s20] =	ssyncset.done $0x0  }
0x330: {  	s25 =	sor.u32 $0x1180, s11;
	[sflag:s20] =	ssyncadd.s32 $0xFFFFE000  }
0x331: {  	[spmem:s1] =	stream.indirect.scatter.add.f32 [tilespmem:s15], [sflag:$0x4], $0x40, s25, s13, $0xb8;
	[tilespmem:$0x1A000] =	vst v63  }
0x332: {  	_ =	swait.ge [sflag:s23], $0x2000  }
0x333: {  	[sflag:s23] =	ssyncset.done $0x0  }
0x334: {  	s17 =	sor.u32 $0x280, s11;
	[sflag:s23] =	ssyncadd.s32 $0xFFFFE000  }
0x335: {  	[tilespmem:s15], [sflag:$0x2] =	stream.indirect.gather [hbm4b:s24+s13], $0x40, s17, s13, $0xb8;
	[tilespmem:$0x1A000] =	vst v63  }
0x336: {  	_ =	swait.ge [sflag:s16], $0x2000  }
0x337: {  	[sflag:s16] =	ssyncset.done $0x0  }
0x338: {  	s25 =	sadd.s32 $0x1200, s11;
	[sflag:s16] =	ssyncadd.s32 $0xFFFFE000  }
0x339: {  	[spmem:s1] =	stream.indirect.scatter.add.f32 [tilespmem:s19], [sflag:$0x4], $0x40, s25, s13, $0xb8;
	[tilespmem:$0x1A000] =	vst v63  }
0x33a: {  	_ =	swait.ge [sflag:s23], $0x2000  }
0x33b: {  	[sflag:s23] =	ssyncset.done $0x0  }
0x33c: {  	s17 =	sadd.s32 $0x300, s11;
	[sflag:s23] =	ssyncadd.s32 $0xFFFFE000  }
0x33d: {  	[tilespmem:s19], [sflag:$0x1] =	stream.indirect.gather [hbm4b:s24+s13], $0x40, s17, s13, $0xb8;
	[tilespmem:$0x1A000] =	vst v63  }
0x33e: {  	_ =	swait.ge [sflag:s20], $0x2000  }
0x33f: {  	[sflag:s20] =	ssyncset.done $0x0  }
0x340: {  	s25 =	sor.u32 $0x1280, s11;
	[sflag:s20] =	ssyncadd.s32 $0xFFFFE000  }
0x341: {  	[spmem:s1] =	stream.indirect.scatter.add.f32 [tilespmem:s15], [sflag:$0x4], $0x40, s25, s13, $0xb8;
	[tilespmem:$0x1A000] =	vst v63  }
0x342: {  	_ =	swait.ge [sflag:s23], $0x2000  }
0x343: {  	[sflag:s23] =	ssyncset.done $0x0  }
0x344: {  	s17 =	sor.u32 $0x380, s11;
	[sflag:s23] =	ssyncadd.s32 $0xFFFFE000  }
0x345: {  	[tilespmem:s15], [sflag:$0x2] =	stream.indirect.gather [hbm4b:s24+s13], $0x40, s17, s13, $0xb8;
	[tilespmem:$0x1A000] =	vst v63  }
0x346: {  	_ =	swait.ge [sflag:s16], $0x2000  }
0x347: {  	[sflag:s16] =	ssyncset.done $0x0  }
0x348: {  	s25 =	sadd.s32 $0x1300, s11;
	[sflag:s16] =	ssyncadd.s32 $0xFFFFE000  }
0x349: {  	[spmem:s1] =	stream.indirect.scatter.add.f32 [tilespmem:s19], [sflag:$0x4], $0x40, s25, s13, $0xb8;
	[tilespmem:$0x1A000] =	vst v63  }
0x34a: {  	_ =	swait.ge [sflag:s23], $0x2000  }
0x34b: {  	[sflag:s23] =	ssyncset.done $0x0  }
0x34c: {  	s17 =	sadd.s32 $0x400, s11;
	[sflag:s23] =	ssyncadd.s32 $0xFFFFE000  }
0x34d: {  	[tilespmem:s19], [sflag:$0x1] =	stream.indirect.gather [hbm4b:s24+s13], $0x40, s17, s13, $0xb8;
	[tilespmem:$0x1A000] =	vst v63  }
0x34e: {  	_ =	swait.ge [sflag:s20], $0x2000  }
0x34f: {  	[sflag:s20] =	ssyncset.done $0x0  }
0x350: {  	s25 =	sor.u32 $0x1380, s11;
	[sflag:s20] =	ssyncadd.s32 $0xFFFFE000  }
0x351: {  	[spmem:s1] =	stream.indirect.scatter.add.f32 [tilespmem:s15], [sflag:$0x4], $0x40, s25, s13, $0xb8;
	[tilespmem:$0x1A000] =	vst v63  }
0x352: {  	_ =	swait.ge [sflag:s23], $0x2000  }
0x353: {  	[sflag:s23] =	ssyncset.done $0x0  }
0x354: {  	s17 =	sor.u32 $0x480, s11;
	[sflag:s23] =	ssyncadd.s32 $0xFFFFE000  }
0x355: {  	[tilespmem:s15], [sflag:$0x2] =	stream.indirect.gather [hbm4b:s24+s13], $0x40, s17, s13, $0xb8;
	[tilespmem:$0x1A000] =	vst v63  }
0x356: {  	_ =	swait.ge [sflag:s16], $0x2000  }
0x357: {  	[sflag:s16] =	ssyncset.done $0x0  }
0x358: {  	s25 =	sadd.s32 $0x1400, s11;
	[sflag:s16] =	ssyncadd.s32 $0xFFFFE000  }
0x359: {  	[spmem:s1] =	stream.indirect.scatter.add.f32 [tilespmem:s19], [sflag:$0x4], $0x40, s25, s13, $0xb8;
	[tilespmem:$0x1A000] =	vst v63  }
0x35a: {  	_ =	swait.ge [sflag:s23], $0x2000  }
0x35b: {  	[sflag:s23] =	ssyncset.done $0x0  }
0x35c: {  	s17 =	sadd.s32 $0x500, s11;
	[sflag:s23] =	ssyncadd.s32 $0xFFFFE000  }
0x35d: {  	[tilespmem:s19], [sflag:$0x1] =	stream.indirect.gather [hbm4b:s24+s13], $0x40, s17, s13, $0xb8;
	[tilespmem:$0x1A000] =	vst v63  }
0x35e: {  	_ =	swait.ge [sflag:s20], $0x2000  }
0x35f: {  	[sflag:s20] =	ssyncset.done $0x0  }
0x360: {  	s25 =	sor.u32 $0x1480, s11;
	[sflag:s20] =	ssyncadd.s32 $0xFFFFE000  }
0x361: {  	[spmem:s1] =	stream.indirect.scatter.add.f32 [tilespmem:s15], [sflag:$0x4], $0x40, s25, s13, $0xb8;
	[tilespmem:$0x1A000] =	vst v63  }
0x362: {  	_ =	swait.ge [sflag:s23], $0x2000  }
0x363: {  	[sflag:s23] =	ssyncset.done $0x0  }
0x364: {  	s17 =	sor.u32 $0x580, s11;
	[sflag:s23] =	ssyncadd.s32 $0xFFFFE000  }
0x365: {  	[tilespmem:s15], [sflag:$0x2] =	stream.indirect.gather [hbm4b:s24+s13], $0x40, s17, s13, $0xb8;
	[tilespmem:$0x1A000] =	vst v63  }
0x366: {  	_ =	swait.ge [sflag:s16], $0x2000  }
0x367: {  	[sflag:s16] =	ssyncset.done $0x0  }
0x368: {  	s25 =	sadd.s32 $0x1500, s11;
	[sflag:s16] =	ssyncadd.s32 $0xFFFFE000  }
0x369: {  	[spmem:s1] =	stream.indirect.scatter.add.f32 [tilespmem:s19], [sflag:$0x4], $0x40, s25, s13, $0xb8;
	[tilespmem:$0x1A000] =	vst v63  }
0x36a: {  	_ =	swait.ge [sflag:s23], $0x2000  }
0x36b: {  	[sflag:s23] =	ssyncset.done $0x0  }
0x36c: {  	s17 =	sadd.s32 $0x600, s11;
	[sflag:s23] =	ssyncadd.s32 $0xFFFFE000  }
0x36d: {  	[tilespmem:s19], [sflag:$0x1] =	stream.indirect.gather [hbm4b:s24+s13], $0x40, s17, s13, $0xb8;
	[tilespmem:$0x1A000] =	vst v63  }
0x36e: {  	_ =	swait.ge [sflag:s20], $0x2000  }
0x36f: {  	[sflag:s20] =	ssyncset.done $0x0  }
0x370: {  	s25 =	sor.u32 $0x1580, s11;
	[sflag:s20] =	ssyncadd.s32 $0xFFFFE000  }
0x371: {  	[spmem:s1] =	stream.indirect.scatter.add.f32 [tilespmem:s15], [sflag:$0x4], $0x40, s25, s13, $0xb8;
	[tilespmem:$0x1A000] =	vst v63  }
0x372: {  	_ =	swait.ge [sflag:s23], $0x2000  }
0x373: {  	[sflag:s23] =	ssyncset.done $0x0  }
0x374: {  	s17 =	sor.u32 $0x680, s11;
	[sflag:s23] =	ssyncadd.s32 $0xFFFFE000  }
0x375: {  	[tilespmem:s15], [sflag:$0x2] =	stream.indirect.gather [hbm4b:s24+s13], $0x40, s17, s13, $0xb8;
	[tilespmem:$0x1A000] =	vst v63  }
0x376: {  	_ =	swait.ge [sflag:s16], $0x2000  }
0x377: {  	[sflag:s16] =	ssyncset.done $0x0  }
0x378: {  	s25 =	sadd.s32 $0x1600, s11;
	[sflag:s16] =	ssyncadd.s32 $0xFFFFE000  }
0x379: {  	[spmem:s1] =	stream.indirect.scatter.add.f32 [tilespmem:s19], [sflag:$0x4], $0x40, s25, s13, $0xb8;
	[tilespmem:$0x1A000] =	vst v63  }
0x37a: {  	_ =	swait.ge [sflag:s23], $0x2000  }
0x37b: {  	[sflag:s23] =	ssyncset.done $0x0  }
0x37c: {  	s17 =	sadd.s32 $0x700, s11;
	[sflag:s23] =	ssyncadd.s32 $0xFFFFE000  }
0x37d: {  	[tilespmem:s19], [sflag:$0x1] =	stream.indirect.gather [hbm4b:s24+s13], $0x40, s17, s13, $0xb8;
	[tilespmem:$0x1A000] =	vst v63  }
0x37e: {  	_ =	swait.ge [sflag:s20], $0x2000  }
0x37f: {  	[sflag:s20] =	ssyncset.done $0x0  }
0x380: {  	s25 =	sor.u32 $0x1680, s11;
	[sflag:s20] =	ssyncadd.s32 $0xFFFFE000  }
0x381: {  	[spmem:s1] =	stream.indirect.scatter.add.f32 [tilespmem:s15], [sflag:$0x4], $0x40, s25, s13, $0xb8;
	[tilespmem:$0x1A000] =	vst v63  }
0x382: {  	_ =	swait.ge [sflag:s23], $0x2000  }
0x383: {  	[sflag:s23] =	ssyncset.done $0x0  }
0x384: {  	s17 =	sor.u32 $0x780, s11;
	[sflag:s23] =	ssyncadd.s32 $0xFFFFE000  }
0x385: {  	[tilespmem:s15], [sflag:$0x2] =	stream.indirect.gather [hbm4b:s24+s13], $0x40, s17, s13, $0xb8;
	[tilespmem:$0x1A000] =	vst v63  }
0x386: {  	_ =	swait.ge [sflag:s16], $0x2000  }
0x387: {  	[sflag:s16] =	ssyncset.done $0x0  }
0x388: {  	s25 =	sadd.s32 $0x1700, s11;
	[sflag:s16] =	ssyncadd.s32 $0xFFFFE000  }
0x389: {  	[spmem:s1] =	stream.indirect.scatter.add.f32 [tilespmem:s19], [sflag:$0x4], $0x40, s25, s13, $0xb8;
	[tilespmem:$0x1A000] =	vst v63  }
0x38a: {  	_ =	swait.ge [sflag:s23], $0x2000  }
0x38b: {  	[sflag:s23] =	ssyncset.done $0x0  }
0x38c: {  	[sflag:s23] =	ssyncadd.s32 $0xFFFFE000  }
0x38d: {  	_ =	swait.ge [sflag:s20], $0x2000  }
0x38e: {  	[sflag:s20] =	ssyncset.done $0x0  }
0x38f: {  	s11 =	sor.u32 $0x1780, s11;
	[sflag:s20] =	ssyncadd.s32 $0xFFFFE000  }
0x390: {  	[spmem:s1] =	stream.indirect.scatter.add.f32 [tilespmem:s15], [sflag:$0x4], $0x40, s11, s13, $0xb8;
	[tilespmem:$0x1A000] =	vst v63  }
0x391: {  	_ =	swait.ge [sflag:s23], $0x2000  }
0x392: {  	s21 =	sadd.s32 @!p1 $0x800, s21;
	[sflag:s23] =	ssyncset.done $0x0  }
0x393: {  	p2 =	sne.s32 @!p1 s21, $0x5000;
	s11 =	simm.s32 @!p1 $0x3;
	[sflag:s23] =	ssyncadd.s32 $0xFFFFE000  }
0x394: {  	p2 =	por p1, !p2;
	_ =	swait.ge @!p1 [sflag:s11], $0x800  }
.Ltmp14:
0x395: {  	[sflag:s11] =	ssyncset.done @!p1 $0x0;
	(pc) =	sbr.rel @!p2 .LBB2_26-.Ltmp14, $4  }
0x396: {  	[sflag:s11] =	ssyncadd.s32 @!p1 $0xFFFFF800  }
0x397: {  	_ =	swait.ge @!p1 [sflag:s11], $0x800  }
0x398: {  	[sflag:s11] =	ssyncset.done @!p1 $0x0  }
0x399: {  	s0 =	sadd.s32 @!p1 $0x100, s0;
	s8 =	sadd.s32 @!p1 $0x100, s8;
	[sflag:s11] =	ssyncadd.s32 @!p1 $0xFFFFF800  }
.Ltmp15:
0x39a: {  	(pc) =	sbr.rel .LBB2_28-.Ltmp15, $4  }
0x39b: {  	_ = 	snop  }
0x39c: {  	s0 =	sshll.u32 s4, $0x6;
	[bflag:$0x0] =	sbarrier.arrive $0xFFFF  }
0x39d: {  	s8 =	sshrl.u32 s12, $0x3;
	s0 =	sor.u32 $0x1C04, s0;
	s11 =	rddreg [dreg:$0x11]  }
0x39e: {  	[hbm:s11], [sflag:s0] =	dma.local [spmem:s8], $0x1400  }
.LBB2_22:
0x39f: {  	s0 =	sshll.u32 s4, $0x6  }
0x3a0: {  	s11 =	sshrl.u32 s7, $0x3;
	s8 =	rddreg [dreg:$0xb];
	s21 =	sor.u32 $0x1C04, s0  }
0x3a1: {  	[spmem:s11], [sflag:s21] =	dma.local [hbm:s8], $0x1400  }
0x3a2: {  	_ =	swait.ge [sflag:s23], $0x1400  }
0x3a3: {  	[sflag:s23] =	ssyncset.done $0x0  }
0x3a4: {  	[sflag:s23] =	ssyncadd.s32 $0xFFFFEC00  }
0x3a5: {  	[bflag:$0x0] =	sbarrier.arrive $0xFFFF  }
0x3a6: {  	s25 =	simm.s32 $0x0;
	s14 =	rddreg [dreg:$0xd]  }
0x3a7: {  	[tilespmem:s25], [sflag:$0x4] =	stream.linear.gather [hbm4b:s14+s25], $0x800, $0x38;
	[tilespmem:$0x1A000] =	vst v63  }
0x3a8: {  	_ =	swait.ge [sflag:s23], $0x800  }
0x3a9: {  	[sflag:s23] =	ssyncset.done $0x0  }
0x3aa: {  	s17 =	rddreg [dreg:$0xe];
	[sflag:s23] =	ssyncadd.s32 $0xFFFFF800  }
0x3ab: {  	[tilespmem:s26], [sflag:$0x4] =	stream.linear.gather [hbm4b:s17+s25], $0x800, $0x38;
	[tilespmem:$0x1A000] =	vst v63  }
0x3ac: {  	_ =	swait.ge [sflag:s23], $0x800  }
0x3ad: {  	[sflag:s23] =	ssyncset.done $0x0  }
0x3ae: {  	s8 =	smov.u32 s18;
	s0 =	rddreg [dreg:$0x16];
	[sflag:s23] =	ssyncadd.s32 $0xFFFFF800  }
.LBB2_23:
0x3af: {  	p1 =	seq.s32 s25, $0x4800  }
0x3b0: {  	s11 =	sand.u32 @!p1 $0x800, s25  }
0x3b1: {  	s17 =	simm.s32 @!p1 $0x0;
	s14 =	sxor.u32 @!p1 $0x800, s11  }
0x3b2: {  	[tilespmem:s14], [sflag:$0x3] =	stream.linear.gather @!p1 [hbm4b:s8+s17], $0x800, $0x38;
	[tilespmem:$0x1A000] =	vst v63  }
0x3b3: {  	s14 =	sor.u32 @!p1 $0x1000, s14  }
0x3b4: {  	[tilespmem:s14], [sflag:$0x3] =	stream.linear.gather @!p1 [hbm4b:s0+s17], $0x800, $0x38;
	[tilespmem:$0x1A000] =	vst v63  }
0x3b5: {  	s11 =	simm.s32 @p1 $0x800  }
0x3b6: {  	[tilespmem:s19], [sflag:$0x1] =	stream.indirect.gather [spmem:s2], $0x40, s11, s13, $0xb8;
	[tilespmem:$0x1A000] =	vst v63  }
0x3b7: {  	s17 =	sor.u32 $0x80, s11  }
0x3b8: {  	[tilespmem:s15], [sflag:$0x2] =	stream.indirect.gather [spmem:s2], $0x40, s17, s13, $0xb8;
	[tilespmem:$0x1A000] =	vst v63  }
0x3b9: {  	_ =	swait.ge [sflag:s16], $0x2000  }
0x3ba: {  	[sflag:s16] =	ssyncset.done $0x0  }
0x3bb: {  	s17 =	sor.u32 $0x1000, s11;
	[sflag:s16] =	ssyncadd.s32 $0xFFFFE000  }
0x3bc: {  	[spmem:s1] =	stream.indirect.scatter.add.f32 [tilespmem:s19], [sflag:$0x4], $0x40, s17, s13, $0xb8;
	[tilespmem:$0x1A000] =	vst v63  }
0x3bd: {  	_ =	swait.ge [sflag:s23], $0x2000  }
0x3be: {  	[sflag:s23] =	ssyncset.done $0x0  }
0x3bf: {  	s17 =	sadd.s32 $0x100, s11;
	[sflag:s23] =	ssyncadd.s32 $0xFFFFE000  }
0x3c0: {  	[tilespmem:s19], [sflag:$0x1] =	stream.indirect.gather [spmem:s2], $0x40, s17, s13, $0xb8;
	[tilespmem:$0x1A000] =	vst v63  }
0x3c1: {  	_ =	swait.ge [sflag:s20], $0x2000  }
0x3c2: {  	[sflag:s20] =	ssyncset.done $0x0  }
0x3c3: {  	s17 =	sor.u32 $0x1080, s11;
	[sflag:s20] =	ssyncadd.s32 $0xFFFFE000  }
0x3c4: {  	[spmem:s1] =	stream.indirect.scatter.add.f32 [tilespmem:s15], [sflag:$0x4], $0x40, s17, s13, $0xb8;
	[tilespmem:$0x1A000] =	vst v63  }
0x3c5: {  	_ =	swait.ge [sflag:s23], $0x2000  }
0x3c6: {  	[sflag:s23] =	ssyncset.done $0x0  }
0x3c7: {  	s17 =	sor.u32 $0x180, s11;
	[sflag:s23] =	ssyncadd.s32 $0xFFFFE000  }
0x3c8: {  	[tilespmem:s15], [sflag:$0x2] =	stream.indirect.gather [spmem:s2], $0x40, s17, s13, $0xb8;
	[tilespmem:$0x1A000] =	vst v63  }
0x3c9: {  	_ =	swait.ge [sflag:s16], $0x2000  }
0x3ca: {  	[sflag:s16] =	ssyncset.done $0x0  }
0x3cb: {  	s17 =	sadd.s32 $0x1100, s11;
	[sflag:s16] =	ssyncadd.s32 $0xFFFFE000  }
0x3cc: {  	[spmem:s1] =	stream.indirect.scatter.add.f32 [tilespmem:s19], [sflag:$0x4], $0x40, s17, s13, $0xb8;
	[tilespmem:$0x1A000] =	vst v63  }
0x3cd: {  	_ =	swait.ge [sflag:s23], $0x2000  }
0x3ce: {  	[sflag:s23] =	ssyncset.done $0x0  }
0x3cf: {  	s17 =	sadd.s32 $0x200, s11;
	[sflag:s23] =	ssyncadd.s32 $0xFFFFE000  }
0x3d0: {  	[tilespmem:s19], [sflag:$0x1] =	stream.indirect.gather [spmem:s2], $0x40, s17, s13, $0xb8;
	[tilespmem:$0x1A000] =	vst v63  }
0x3d1: {  	_ =	swait.ge [sflag:s20], $0x2000  }
0x3d2: {  	[sflag:s20] =	ssyncset.done $0x0  }
0x3d3: {  	s17 =	sor.u32 $0x1180, s11;
	[sflag:s20] =	ssyncadd.s32 $0xFFFFE000  }
0x3d4: {  	[spmem:s1] =	stream.indirect.scatter.add.f32 [tilespmem:s15], [sflag:$0x4], $0x40, s17, s13, $0xb8;
	[tilespmem:$0x1A000] =	vst v63  }
0x3d5: {  	_ =	swait.ge [sflag:s23], $0x2000  }
0x3d6: {  	[sflag:s23] =	ssyncset.done $0x0  }
0x3d7: {  	s17 =	sor.u32 $0x280, s11;
	[sflag:s23] =	ssyncadd.s32 $0xFFFFE000  }
0x3d8: {  	[tilespmem:s15], [sflag:$0x2] =	stream.indirect.gather [spmem:s2], $0x40, s17, s13, $0xb8;
	[tilespmem:$0x1A000] =	vst v63  }
0x3d9: {  	_ =	swait.ge [sflag:s16], $0x2000  }
0x3da: {  	[sflag:s16] =	ssyncset.done $0x0  }
0x3db: {  	s17 =	sadd.s32 $0x1200, s11;
	[sflag:s16] =	ssyncadd.s32 $0xFFFFE000  }
0x3dc: {  	[spmem:s1] =	stream.indirect.scatter.add.f32 [tilespmem:s19], [sflag:$0x4], $0x40, s17, s13, $0xb8;
	[tilespmem:$0x1A000] =	vst v63  }
0x3dd: {  	_ =	swait.ge [sflag:s23], $0x2000  }
0x3de: {  	[sflag:s23] =	ssyncset.done $0x0  }
0x3df: {  	s17 =	sadd.s32 $0x300, s11;
	[sflag:s23] =	ssyncadd.s32 $0xFFFFE000  }
0x3e0: {  	[tilespmem:s19], [sflag:$0x1] =	stream.indirect.gather [spmem:s2], $0x40, s17, s13, $0xb8;
	[tilespmem:$0x1A000] =	vst v63  }
0x3e1: {  	_ =	swait.ge [sflag:s20], $0x2000  }
0x3e2: {  	[sflag:s20] =	ssyncset.done $0x0  }
0x3e3: {  	s17 =	sor.u32 $0x1280, s11;
	[sflag:s20] =	ssyncadd.s32 $0xFFFFE000  }
0x3e4: {  	[spmem:s1] =	stream.indirect.scatter.add.f32 [tilespmem:s15], [sflag:$0x4], $0x40, s17, s13, $0xb8;
	[tilespmem:$0x1A000] =	vst v63  }
0x3e5: {  	_ =	swait.ge [sflag:s23], $0x2000  }
0x3e6: {  	[sflag:s23] =	ssyncset.done $0x0  }
0x3e7: {  	s17 =	sor.u32 $0x380, s11;
	[sflag:s23] =	ssyncadd.s32 $0xFFFFE000  }
0x3e8: {  	[tilespmem:s15], [sflag:$0x2] =	stream.indirect.gather [spmem:s2], $0x40, s17, s13, $0xb8;
	[tilespmem:$0x1A000] =	vst v63  }
0x3e9: {  	_ =	swait.ge [sflag:s16], $0x2000  }
0x3ea: {  	[sflag:s16] =	ssyncset.done $0x0  }
0x3eb: {  	s17 =	sadd.s32 $0x1300, s11;
	[sflag:s16] =	ssyncadd.s32 $0xFFFFE000  }
0x3ec: {  	[spmem:s1] =	stream.indirect.scatter.add.f32 [tilespmem:s19], [sflag:$0x4], $0x40, s17, s13, $0xb8;
	[tilespmem:$0x1A000] =	vst v63  }
0x3ed: {  	_ =	swait.ge [sflag:s23], $0x2000  }
0x3ee: {  	[sflag:s23] =	ssyncset.done $0x0  }
0x3ef: {  	s17 =	sadd.s32 $0x400, s11;
	[sflag:s23] =	ssyncadd.s32 $0xFFFFE000  }
0x3f0: {  	[tilespmem:s19], [sflag:$0x1] =	stream.indirect.gather [spmem:s2], $0x40, s17, s13, $0xb8;
	[tilespmem:$0x1A000] =	vst v63  }
0x3f1: {  	_ =	swait.ge [sflag:s20], $0x2000  }
0x3f2: {  	[sflag:s20] =	ssyncset.done $0x0  }
0x3f3: {  	s17 =	sor.u32 $0x1380, s11;
	[sflag:s20] =	ssyncadd.s32 $0xFFFFE000  }
0x3f4: {  	[spmem:s1] =	stream.indirect.scatter.add.f32 [tilespmem:s15], [sflag:$0x4], $0x40, s17, s13, $0xb8;
	[tilespmem:$0x1A000] =	vst v63  }
0x3f5: {  	_ =	swait.ge [sflag:s23], $0x2000  }
0x3f6: {  	[sflag:s23] =	ssyncset.done $0x0  }
0x3f7: {  	s17 =	sor.u32 $0x480, s11;
	[sflag:s23] =	ssyncadd.s32 $0xFFFFE000  }
0x3f8: {  	[tilespmem:s15], [sflag:$0x2] =	stream.indirect.gather [spmem:s2], $0x40, s17, s13, $0xb8;
	[tilespmem:$0x1A000] =	vst v63  }
0x3f9: {  	_ =	swait.ge [sflag:s16], $0x2000  }
0x3fa: {  	[sflag:s16] =	ssyncset.done $0x0  }
0x3fb: {  	s17 =	sadd.s32 $0x1400, s11;
	[sflag:s16] =	ssyncadd.s32 $0xFFFFE000  }
0x3fc: {  	[spmem:s1] =	stream.indirect.scatter.add.f32 [tilespmem:s19], [sflag:$0x4], $0x40, s17, s13, $0xb8;
	[tilespmem:$0x1A000] =	vst v63  }
0x3fd: {  	_ =	swait.ge [sflag:s23], $0x2000  }
0x3fe: {  	[sflag:s23] =	ssyncset.done $0x0  }
0x3ff: {  	s17 =	sadd.s32 $0x500, s11;
	[sflag:s23] =	ssyncadd.s32 $0xFFFFE000  }
0x400: {  	[tilespmem:s19], [sflag:$0x1] =	stream.indirect.gather [spmem:s2], $0x40, s17, s13, $0xb8;
	[tilespmem:$0x1A000] =	vst v63  }
0x401: {  	_ =	swait.ge [sflag:s20], $0x2000  }
0x402: {  	[sflag:s20] =	ssyncset.done $0x0  }
0x403: {  	s17 =	sor.u32 $0x1480, s11;
	[sflag:s20] =	ssyncadd.s32 $0xFFFFE000  }
0x404: {  	[spmem:s1] =	stream.indirect.scatter.add.f32 [tilespmem:s15], [sflag:$0x4], $0x40, s17, s13, $0xb8;
	[tilespmem:$0x1A000] =	vst v63  }
0x405: {  	_ =	swait.ge [sflag:s23], $0x2000  }
0x406: {  	[sflag:s23] =	ssyncset.done $0x0  }
0x407: {  	s17 =	sor.u32 $0x580, s11;
	[sflag:s23] =	ssyncadd.s32 $0xFFFFE000  }
0x408: {  	[tilespmem:s15], [sflag:$0x2] =	stream.indirect.gather [spmem:s2], $0x40, s17, s13, $0xb8;
	[tilespmem:$0x1A000] =	vst v63  }
0x409: {  	_ =	swait.ge [sflag:s16], $0x2000  }
0x40a: {  	[sflag:s16] =	ssyncset.done $0x0  }
0x40b: {  	s17 =	sadd.s32 $0x1500, s11;
	[sflag:s16] =	ssyncadd.s32 $0xFFFFE000  }
0x40c: {  	[spmem:s1] =	stream.indirect.scatter.add.f32 [tilespmem:s19], [sflag:$0x4], $0x40, s17, s13, $0xb8;
	[tilespmem:$0x1A000] =	vst v63  }
0x40d: {  	_ =	swait.ge [sflag:s23], $0x2000  }
0x40e: {  	[sflag:s23] =	ssyncset.done $0x0  }
0x40f: {  	s17 =	sadd.s32 $0x600, s11;
	[sflag:s23] =	ssyncadd.s32 $0xFFFFE000  }
0x410: {  	[tilespmem:s19], [sflag:$0x1] =	stream.indirect.gather [spmem:s2], $0x40, s17, s13, $0xb8;
	[tilespmem:$0x1A000] =	vst v63  }
0x411: {  	_ =	swait.ge [sflag:s20], $0x2000  }
0x412: {  	[sflag:s20] =	ssyncset.done $0x0  }
0x413: {  	s17 =	sor.u32 $0x1580, s11;
	[sflag:s20] =	ssyncadd.s32 $0xFFFFE000  }
0x414: {  	[spmem:s1] =	stream.indirect.scatter.add.f32 [tilespmem:s15], [sflag:$0x4], $0x40, s17, s13, $0xb8;
	[tilespmem:$0x1A000] =	vst v63  }
0x415: {  	_ =	swait.ge [sflag:s23], $0x2000  }
0x416: {  	[sflag:s23] =	ssyncset.done $0x0  }
0x417: {  	s17 =	sor.u32 $0x680, s11;
	[sflag:s23] =	ssyncadd.s32 $0xFFFFE000  }
0x418: {  	[tilespmem:s15], [sflag:$0x2] =	stream.indirect.gather [spmem:s2], $0x40, s17, s13, $0xb8;
	[tilespmem:$0x1A000] =	vst v63  }
0x419: {  	_ =	swait.ge [sflag:s16], $0x2000  }
0x41a: {  	[sflag:s16] =	ssyncset.done $0x0  }
0x41b: {  	s17 =	sadd.s32 $0x1600, s11;
	[sflag:s16] =	ssyncadd.s32 $0xFFFFE000  }
0x41c: {  	[spmem:s1] =	stream.indirect.scatter.add.f32 [tilespmem:s19], [sflag:$0x4], $0x40, s17, s13, $0xb8;
	[tilespmem:$0x1A000] =	vst v63  }
0x41d: {  	_ =	swait.ge [sflag:s23], $0x2000  }
0x41e: {  	[sflag:s23] =	ssyncset.done $0x0  }
0x41f: {  	s17 =	sadd.s32 $0x700, s11;
	[sflag:s23] =	ssyncadd.s32 $0xFFFFE000  }
0x420: {  	[tilespmem:s19], [sflag:$0x1] =	stream.indirect.gather [spmem:s2], $0x40, s17, s13, $0xb8;
	[tilespmem:$0x1A000] =	vst v63  }
0x421: {  	_ =	swait.ge [sflag:s20], $0x2000  }
0x422: {  	[sflag:s20] =	ssyncset.done $0x0  }
0x423: {  	s17 =	sor.u32 $0x1680, s11;
	[sflag:s20] =	ssyncadd.s32 $0xFFFFE000  }
0x424: {  	[spmem:s1] =	stream.indirect.scatter.add.f32 [tilespmem:s15], [sflag:$0x4], $0x40, s17, s13, $0xb8;
	[tilespmem:$0x1A000] =	vst v63  }
0x425: {  	_ =	swait.ge [sflag:s23], $0x2000  }
0x426: {  	[sflag:s23] =	ssyncset.done $0x0  }
0x427: {  	s17 =	sor.u32 $0x780, s11;
	[sflag:s23] =	ssyncadd.s32 $0xFFFFE000  }
0x428: {  	[tilespmem:s15], [sflag:$0x2] =	stream.indirect.gather [spmem:s2], $0x40, s17, s13, $0xb8;
	[tilespmem:$0x1A000] =	vst v63  }
0x429: {  	_ =	swait.ge [sflag:s16], $0x2000  }
0x42a: {  	[sflag:s16] =	ssyncset.done $0x0  }
0x42b: {  	s17 =	sadd.s32 $0x1700, s11;
	[sflag:s16] =	ssyncadd.s32 $0xFFFFE000  }
0x42c: {  	[spmem:s1] =	stream.indirect.scatter.add.f32 [tilespmem:s19], [sflag:$0x4], $0x40, s17, s13, $0xb8;
	[tilespmem:$0x1A000] =	vst v63  }
0x42d: {  	_ =	swait.ge [sflag:s23], $0x2000  }
0x42e: {  	[sflag:s23] =	ssyncset.done $0x0  }
0x42f: {  	[sflag:s23] =	ssyncadd.s32 $0xFFFFE000  }
0x430: {  	_ =	swait.ge [sflag:s20], $0x2000  }
0x431: {  	[sflag:s20] =	ssyncset.done $0x0  }
0x432: {  	s11 =	sor.u32 $0x1780, s11;
	[sflag:s20] =	ssyncadd.s32 $0xFFFFE000  }
0x433: {  	[spmem:s1] =	stream.indirect.scatter.add.f32 [tilespmem:s15], [sflag:$0x4], $0x40, s11, s13, $0xb8;
	[tilespmem:$0x1A000] =	vst v63  }
0x434: {  	_ =	swait.ge [sflag:s23], $0x2000  }
0x435: {  	s25 =	sadd.s32 @!p1 $0x800, s25;
	[sflag:s23] =	ssyncset.done $0x0  }
0x436: {  	p2 =	sne.s32 @!p1 s25, $0x5000;
	s11 =	simm.s32 @!p1 $0x3;
	[sflag:s23] =	ssyncadd.s32 $0xFFFFE000  }
0x437: {  	p2 =	por p1, !p2;
	_ =	swait.ge @!p1 [sflag:s11], $0x800  }
.Ltmp16:
0x438: {  	[sflag:s11] =	ssyncset.done @!p1 $0x0;
	(pc) =	sbr.rel @!p2 .LBB2_23-.Ltmp16, $4  }
0x439: {  	[sflag:s11] =	ssyncadd.s32 @!p1 $0xFFFFF800  }
0x43a: {  	_ =	swait.ge @!p1 [sflag:s11], $0x800  }
0x43b: {  	[sflag:s11] =	ssyncset.done @!p1 $0x0  }
0x43c: {  	s8 =	sadd.s32 @!p1 $0x100, s8;
	s0 =	sadd.s32 @!p1 $0x100, s0;
	[sflag:s11] =	ssyncadd.s32 @!p1 $0xFFFFF800  }
.Ltmp17:
0x43d: {  	(pc) =	sbr.rel .LBB2_28-.Ltmp17, $4  }
0x43e: {  	_ = 	snop  }
0x43f: {  	[bflag:$0x0] =	sbarrier.arrive $0xFFFF  }
0x440: {  	s0 =	sshrl.u32 s12, $0x3;
	s8 =	rddreg [dreg:$0xf]  }
0x441: {  	[hbm:s8], [sflag:s21] =	dma.local [spmem:s0], $0x1400  }
.LBB2_29:
0x442: {  	_ =	sfence.sel $0x180000  }
0x443: {  	[bflag:$0x0] =	sbarrier.arrive $0xFFFF  }
0x444: {  	_ =	strace $0x9000004A  }
0x445: {  	[bflag:$0x2] =	sbarrier.arrive $0xFFFF  }
0x446: {  	p0 =	sne.s32 s4, $0x0;
	s0 =	rddreg [dreg:$0x3]  }
0x447: {  	s0 =	sadd.s32 @!p0 $0x100000, s0  }
0x448: {  	[sflag:s0] =	ssyncadd.tile.s32 @!p0 $0x1;
	_ =	shalt  }
.Lfunc_end2:
_tile_overlayer_lowered:
.L_overlay_start_2:
0x449: {  	(tag) =	ssettag $0x2  }
0x44a: {  	s0 =	rddreg [dreg:$0x0];
	s2 =	stileid.u32  }
0x44b: {  	s1 =	rddreg [dreg:$0x1];
	p0 =	sne.s32 s2, $0x0  }
0x44c: {  	s3 =	rddreg [dreg:$0x2];
	[bflag:$0x3] =	sbarrier.arrive $0xFFFF;
	s2 =	simm.s32 @!p0 $0x1C04  }
0x44d: {  	[timem:s3], [sflag:s2] =	dma.local @!p0 [hbm:s0], s1  }
0x44e: {  	s0 =	simm.s32 @!p0 $0x4  }
0x44f: {  	_ =	swait.ge @!p0 [sflag:s0], s1  }
0x450: {  	s1 =	ssub.s32 @!p0 $0x0, s1;
	[sflag:s0] =	ssyncset.done @!p0 $0x0  }
0x451: {  	[sflag:s0] =	ssyncadd.s32 @!p0 s1  }
0x452: {  	[bflag:$0x3] =	sbarrier.arrive $0xFFFF  }
0x453: {  	_ =	shalt  }

</sc_bundles>
